<compile_context>
chip_gen: v7x
topology: tpu7x:2x2x1
jax: 0.10.2.dev20260603
libtpu: 0.0.44.dev20260713+nightly
codegen_flags: <defaults>
</compile_context>

<pallas_src>
import functools

import jax
import jax.numpy as jnp
from jax import lax
from jax.experimental import pallas as pl
from jax.experimental.pallas import tpu as pltpu
from jax.experimental.pallas import tpu_sc as plsc

B = 16
N = 20000
FEAT = 224
W = 256
HROW = 225
ROWS_P = 232
ACC = ROWS_P * W
NC = 2
NS = 16
NPAD = 20480
NWBOX = NPAD // NC
CH = 256
NCHUNK = NWBOX // CH
SUB = 32
NSUB = CH // SUB
ZB = ACC // 8


def _sc_scatter_body(conf, codes, out, acc, cb_a, qb_a, cb_b, qb_b, ib_a,
                     vb_a, ib_b, vb_b, zb_a, zb_b, semi_a, semi_b, sems_a,
                     sems_b, sem_z, sem_o):
  c = lax.axis_index("c")
  s = lax.axis_index("s")
  soff = s * ACC
  base = s * NPAD + c * NWBOX
  m8 = jnp.int32(255)

  def _stage(t, cbr, qbr, sem):
    st = base + t * CH
    pltpu.async_copy(conf.at[pl.ds(st, CH)], cbr, sem)
    pltpu.async_copy(codes.at[pl.ds(st, CH)], qbr, sem)

  def _drain_stage(cbr, qbr, sem):
    pltpu.make_async_copy(conf.at[pl.ds(0, CH)], cbr, sem).wait()
    pltpu.make_async_copy(codes.at[pl.ds(0, CH)], qbr, sem).wait()

  def _fill(cbr, qbr, ibr, vbr):
    for j in range(NSUB):
      for g in range(SUB // 16):
        og = j * SUB + g * 16
        cf = cbr[pl.ds(og, 16)]
        q = qbr[pl.ds(og, 16)]
        xi1 = q & m8
        yi1 = (q >> 8) & m8
        xi2 = (q >> 16) & m8
        yi2 = (q >> 24) & m8
        r1 = soff + yi1 * W
        r2 = soff + yi2 * W
        off = g * 64
        ibr[j, pl.ds(off, 16)] = r1 + xi1
        ibr[j, pl.ds(off + 16, 16)] = r1 + xi2
        ibr[j, pl.ds(off + 32, 16)] = r2 + xi1
        ibr[j, pl.ds(off + 48, 16)] = r2 + xi2
        ncf = -cf
        vbr[j, pl.ds(off, 16)] = cf
        vbr[j, pl.ds(off + 16, 16)] = ncf
        vbr[j, pl.ds(off + 32, 16)] = ncf
        vbr[j, pl.ds(off + 48, 16)] = cf

  def _fire(ibr, vbr, sem):
    for j in range(NSUB):
      pltpu.async_copy(vbr.at[j], acc.at[ibr.at[j]], sem, add=True)

  def _drain_scat(vbr, sem):
    for j in range(NSUB):
      pltpu.make_async_copy(vbr.at[j], acc.at[pl.ds(0, 4 * SUB)], sem).wait()

  _stage(0, cb_a, qb_a, semi_a)

  def _zb(i, carry):
    zb_a[pl.ds(i * 16, 16)] = jnp.zeros((16,), jnp.float32)
    return carry

  lax.fori_loop(0, ZB // 16, _zb, 0)
  zds = [
      pltpu.async_copy(zb_a, acc.at[pl.ds(soff + k * ZB, ZB)], sem_z)
      for k in range(ACC // ZB)
  ]
  for d in zds:
    d.wait()

  def _pair(u, carry):
    _stage(2 * u + 1, cb_b, qb_b, semi_b)
    _drain_stage(cb_a, qb_a, semi_a)

    @pl.when(u > 0)
    def _():
      _drain_scat(vb_a, sems_a)

    _fill(cb_a, qb_a, ib_a, vb_a)
    _fire(ib_a, vb_a, sems_a)
    _drain_stage(cb_b, qb_b, semi_b)

    @pl.when(u > 0)
    def _():
      _drain_scat(vb_b, sems_b)

    _fill(cb_b, qb_b, ib_b, vb_b)
    _fire(ib_b, vb_b, sems_b)

    @pl.when(u + 1 < NCHUNK // 2)
    def _():
      _stage(2 * u + 2, cb_a, qb_a, semi_a)

    return carry

  lax.fori_loop(0, NCHUNK // 2, _pair, 0)
  _drain_scat(vb_a, sems_a)
  _drain_scat(vb_b, sems_b)

  obase = (c * B + s) * ACC
  nco = ACC // ZB
  zb = (zb_a, zb_b)
  dins = [None] * nco
  douts = [None] * nco
  dins[0] = pltpu.async_copy(acc.at[pl.ds(soff, ZB)], zb_a, sem_z)
  for k in range(nco):
    dins[k].wait()
    douts[k] = pltpu.async_copy(
        zb[k % 2], out.at[pl.ds(obase + k * ZB, ZB)], sem_o)
    if k + 1 < nco:
      if k >= 1:
        douts[k - 1].wait()
      dins[k + 1] = pltpu.async_copy(
          acc.at[pl.ds(soff + (k + 1) * ZB, ZB)], zb[(k + 1) % 2], sem_z)
  douts[nco - 2].wait()
  douts[nco - 1].wait()


_sc_scatter = functools.partial(
    pl.kernel,
    out_type=jax.ShapeDtypeStruct((NC * B * ACC,), jnp.float32),
    mesh=plsc.VectorSubcoreMesh(
        core_axis_name="c", subcore_axis_name="s", num_cores=NC,
        num_subcores=NS),
    scratch_types=[
        pltpu.VMEM_SHARED((B * ACC,), jnp.float32),
        pltpu.VMEM((CH,), jnp.float32),
        pltpu.VMEM((CH,), jnp.int32),
        pltpu.VMEM((CH,), jnp.float32),
        pltpu.VMEM((CH,), jnp.int32),
        pltpu.VMEM((NSUB, 4 * SUB), jnp.int32),
        pltpu.VMEM((NSUB, 4 * SUB), jnp.float32),
        pltpu.VMEM((NSUB, 4 * SUB), jnp.int32),
        pltpu.VMEM((NSUB, 4 * SUB), jnp.float32),
        pltpu.VMEM((ZB,), jnp.float32),
        pltpu.VMEM((ZB,), jnp.float32),
        pltpu.SemaphoreType.DMA,
        pltpu.SemaphoreType.DMA,
        pltpu.SemaphoreType.DMA,
        pltpu.SemaphoreType.DMA,
        pltpu.SemaphoreType.DMA,
        pltpu.SemaphoreType.DMA,
    ],
)(_sc_scatter_body)


def _tc_cumsum_body(p0_ref, p1_ref, o_ref):
  d = (p0_ref[...] + p1_ref[...]).reshape(ROWS_P, W)
  rows_i = lax.broadcasted_iota(jnp.int32, (FEAT, ROWS_P), 0)
  cols_i = lax.broadcasted_iota(jnp.int32, (FEAT, ROWS_P), 1)
  ltri = (rows_i >= cols_i).astype(jnp.float32)
  c1 = jnp.dot(ltri, d, preferred_element_type=jnp.float32)
  xs_i = lax.broadcasted_iota(jnp.int32, (W, FEAT), 0)
  js_i = lax.broadcasted_iota(jnp.int32, (W, FEAT), 1)
  utri = (xs_i <= js_i).astype(jnp.float32)
  c2 = jnp.dot(c1, utri, preferred_element_type=jnp.float32)
  o_ref[0] = 1.0 / (1.0 + jnp.exp(-c2))


def kernel(preds):
  bb = jnp.clip((preds[:, :, 3:7] * FEAT).astype(jnp.int32), 0, FEAT)
  x1i, y1i = bb[:, :, 0], bb[:, :, 1]
  x2i = jnp.maximum(bb[:, :, 2], x1i)
  y2i = jnp.maximum(bb[:, :, 3], y1i)
  codes = x1i + (y1i << 8) + (x2i << 16) + (y2i << 24)
  conf = preds[:, :, 0]
  conf = jnp.pad(conf, ((0, 0), (0, NPAD - N))).reshape(-1)
  codes = jnp.pad(codes, ((0, 0), (0, NPAD - N))).reshape(-1)
  parts = _sc_scatter(conf, codes)
  return pl.pallas_call(
      _tc_cumsum_body,
      grid=(B,),
      in_specs=[
          pl.BlockSpec((ACC,), lambda b: (b,)),
          pl.BlockSpec((ACC,), lambda b: (B + b,)),
      ],
      out_specs=pl.BlockSpec((1, FEAT, FEAT), lambda b: (b, 0, 0)),
      out_shape=jax.ShapeDtypeStruct((B, FEAT, FEAT), jnp.float32),
  )(parts, parts)

# --- scband reference (transcript-rebuilt; emitter-appended) ---
"""Pipeline reference for scband-track-net-75239237091989 (READ-ONLY COPY).

The authoritative reference and input builder live on the scoring server;
editing this copy changes nothing except your own understanding.
"""

import jax, jax.numpy as jnp
import numpy as np

B = 16
N = 20000
FEAT = 224

def setup_inputs(seed: int = 0) -> dict:
    key = jax.random.key(seed)
    # preds[b, i] = (time_dif, conf, cls, x1, y1, x2, y2) with box coords as fractions in [0, 1)
    preds = jax.random.uniform(key, (B, N, 7), dtype=jnp.float32)
    return {"preds": preds}

def reference(preds):
    # Faithful JAX translation of BboxSemanticAtt.forward for the default branch
    # (bbox_semantic_att_type not in {CSAM, TGAM, EMA, TEAM}).
    # Original per-box op: track_conf_map[y1:y2, x1:x2] += conf. We realize the
    # identical math with a corner-delta scatter-add followed by a 2D inclusive
    # cumsum (summed-area / integral-image identity). Empty torch slices (x2<=x1
    # or y2<=y1) contribute nothing, which we reproduce by clamping x2>=x1, y2>=y1.
    feat = FEAT
    confs = preds[:, :, 0]                                   # [B, N]
    bboxes = jnp.floor(preds[:, :, -4:] * feat).astype(jnp.int32)  # [B, N, 4]
    x1 = jnp.clip(bboxes[:, :, 0], 0, feat)
    y1 = jnp.clip(bboxes[:, :, 1], 0, feat)
    x2 = jnp.clip(bboxes[:, :, 2], 0, feat)
    y2 = jnp.clip(bboxes[:, :, 3], 0, feat)
    x2 = jnp.maximum(x2, x1)
    y2 = jnp.maximum(y2, y1)
    bidx = jnp.broadcast_to(jnp.arange(B, dtype=jnp.int32)[:, None], (B, N))
    delta = jnp.zeros((B, feat + 1, feat + 1), dtype=preds.dtype)
    delta = delta.at[bidx, y1, x1].add(confs)
    delta = delta.at[bidx, y1, x2].add(-confs)
    delta = delta.at[bidx, y2, x1].add(-confs)
    delta = delta.at[bidx, y2, x2].add(confs)
    track_conf_maps = jnp.cumsum(jnp.cumsum(delta, axis=1), axis=2)[:, :feat, :feat]
    # self.act1 = nn.Sigmoid()
    return jax.nn.sigmoid(track_conf_maps)

if __name__ == "__main__":
    import jax
    _d = setup_inputs()
    print(jax.jit(kernel)(*tuple(_d.values())))

</pallas_src>

<mosaic_0001>
#map = affine_map<(d0, d1) -> (0)>
module attributes {stable_mosaic.version = 14 : i64} {
  func.func @_sc_scatter_body(%arg0: i32, %arg1: i32, %arg2: memref<327680xf32, #tpu.memory_space<hbm>>, %arg3: memref<327680xi32, #tpu.memory_space<hbm>>, %arg4: memref<1900544xf32, #tpu.memory_space<hbm>>, %arg5: memref<950272xf32, #tpu.memory_space<vmem_shared>>, %arg6: memref<256xf32, #tpu.memory_space<vmem>>, %arg7: memref<256xi32, #tpu.memory_space<vmem>>, %arg8: memref<256xf32, #tpu.memory_space<vmem>>, %arg9: memref<256xi32, #tpu.memory_space<vmem>>, %arg10: memref<8x128xi32, #tpu.memory_space<vmem>>, %arg11: memref<8x128xf32, #tpu.memory_space<vmem>>, %arg12: memref<8x128xi32, #tpu.memory_space<vmem>>, %arg13: memref<8x128xf32, #tpu.memory_space<vmem>>, %arg14: memref<7424xf32, #tpu.memory_space<vmem>>, %arg15: memref<7424xf32, #tpu.memory_space<vmem>>, %arg16: memref<!tpu.dma_semaphore, #tpu.memory_space<semaphore_mem>>, %arg17: memref<!tpu.dma_semaphore, #tpu.memory_space<semaphore_mem>>, %arg18: memref<!tpu.dma_semaphore, #tpu.memory_space<semaphore_mem>>, %arg19: memref<!tpu.dma_semaphore, #tpu.memory_space<semaphore_mem>>, %arg20: memref<!tpu.dma_semaphore, #tpu.memory_space<semaphore_mem>>, %arg21: memref<!tpu.dma_semaphore, #tpu.memory_space<semaphore_mem>>) attributes {dimension_semantics = [#tpu.dimension_semantics<core_parallel>, #tpu.dimension_semantics<subcore_parallel>], iteration_bounds = array<i64: 2, 16>, scalar_prefetch = 0 : i64, scratch_operands = 17 : i64, tpu.core_type = #tpu.core_type<sc_vector_subcore>, window_params = [{transform_indices = #map}, {transform_indices = #map}, {transform_indices = #map}]} {
    %mul3A = arith.constant 59392 : i32
    %mul3A_0 = arith.muli %arg1, %mul3A : i32
    %mul3A_1 = arith.constant 20480 : i32
    %mul3A_2 = arith.muli %arg1, %mul3A_1 : i32
    %mul3A_3 = arith.constant 10240 : i32
    %mul3A_4 = arith.muli %arg0, %mul3A_3 : i32
    %add3A = arith.addi %mul3A_2, %mul3A_4 : i32
    %add3A_5 = arith.constant 0 : i32
    %add3A_6 = arith.addi %add3A, %add3A_5 : i32
    %dma_start3A = tpu.memref_slice %arg2[%add3A_6] : memref<327680xf32, #tpu.memory_space<hbm>> -> memref<256xf32, #tpu.memory_space<hbm>>
    %dma_start3A_7 = tpu.memref_slice %arg2[%add3A_6] : memref<327680xf32, #tpu.memory_space<hbm>> -> memref<256xf32, #tpu.memory_space<hbm>>
    tpu.enqueue_dma source(%dma_start3A_7 : memref<256xf32, #tpu.memory_space<hbm>>) target(%arg6 : memref<256xf32, #tpu.memory_space<vmem>>) target_semaphore(%arg16 : memref<!tpu.dma_semaphore, #tpu.memory_space<semaphore_mem>>)
    %dma_start3A_8 = tpu.memref_slice %arg3[%add3A_6] : memref<327680xi32, #tpu.memory_space<hbm>> -> memref<256xi32, #tpu.memory_space<hbm>>
    %dma_start3A_9 = tpu.memref_slice %arg3[%add3A_6] : memref<327680xi32, #tpu.memory_space<hbm>> -> memref<256xi32, #tpu.memory_space<hbm>>
    tpu.enqueue_dma source(%dma_start3A_9 : memref<256xi32, #tpu.memory_space<hbm>>) target(%arg7 : memref<256xi32, #tpu.memory_space<vmem>>) target_semaphore(%arg16 : memref<!tpu.dma_semaphore, #tpu.memory_space<semaphore_mem>>)
    %scan3A = arith.constant 0 : i32
    %scan3A_10 = arith.constant 0 : i32
    %scan3A_11 = arith.constant 464 : i32
    %scan3A_12 = arith.addi %scan3A_10, %scan3A_11 : i32
    %scan3A_13 = arith.constant 1 : i32
    scf.for %scan3A_344 = %scan3A_10 to %scan3A_12 step %scan3A_13  : i32 {
      %broadcast_in_dim3A = arith.constant 0.000000e+00 : f32
      %broadcast_in_dim3A_345 = vector.broadcast %broadcast_in_dim3A : f32 to vector<16xf32>
      %mul3A_346 = arith.constant 16 : i32
      %mul3A_347 = arith.muli %scan3A_344, %mul3A_346 : i32
      %swap3A = arith.index_cast %mul3A_347 : i32 to index
      %swap3A_348 = tpu.vector_load %arg14[%swap3A] {strides = array<i32>} : memref<7424xf32, #tpu.memory_space<vmem>>, vector<16xf32>,
      %swap3A_349 = vector.shape_cast %swap3A_348 : vector<16xf32> to vector<16xf32>
      %swap3A_350 = vector.shape_cast %broadcast_in_dim3A_345 : vector<16xf32> to vector<16xf32>
      tpu.vector_store %arg14[%swap3A], %swap3A_350 {strides = array<i32>} : memref<7424xf32, #tpu.memory_space<vmem>>, vector<16xf32>,
    }
    %scan3A_14 = arith.constant 464 : i32
    %add3A_15 = arith.constant 0 : i32
    %add3A_16 = arith.addi %mul3A_0, %add3A_15 : i32
    %dma_start3A_17 = tpu.memref_slice %arg5[%add3A_16] : memref<950272xf32, #tpu.memory_space<vmem_shared>> -> memref<7424xf32, #tpu.memory_space<vmem_shared>>
    %dma_start3A_18 = tpu.memref_slice %arg5[%add3A_16] : memref<950272xf32, #tpu.memory_space<vmem_shared>> -> memref<7424xf32, #tpu.memory_space<vmem_shared>>
    tpu.enqueue_dma source(%arg14 : memref<7424xf32, #tpu.memory_space<vmem>>) target(%dma_start3A_18 : memref<7424xf32, #tpu.memory_space<vmem_shared>>) target_semaphore(%arg20 : memref<!tpu.dma_semaphore, #tpu.memory_space<semaphore_mem>>)
    %add3A_19 = arith.constant 7424 : i32
    %add3A_20 = arith.addi %mul3A_0, %add3A_19 : i32
    %dma_start3A_21 = tpu.memref_slice %arg5[%add3A_20] : memref<950272xf32, #tpu.memory_space<vmem_shared>> -> memref<7424xf32, #tpu.memory_space<vmem_shared>>
    %dma_start3A_22 = tpu.memref_slice %arg5[%add3A_20] : memref<950272xf32, #tpu.memory_space<vmem_shared>> -> memref<7424xf32, #tpu.memory_space<vmem_shared>>
    tpu.enqueue_dma source(%arg14 : memref<7424xf32, #tpu.memory_space<vmem>>) target(%dma_start3A_22 : memref<7424xf32, #tpu.memory_space<vmem_shared>>) target_semaphore(%arg20 : memref<!tpu.dma_semaphore, #tpu.memory_space<semaphore_mem>>)
    %add3A_23 = arith.constant 14848 : i32
    %add3A_24 = arith.addi %mul3A_0, %add3A_23 : i32
    %dma_start3A_25 = tpu.memref_slice %arg5[%add3A_24] : memref<950272xf32, #tpu.memory_space<vmem_shared>> -> memref<7424xf32, #tpu.memory_space<vmem_shared>>
    %dma_start3A_26 = tpu.memref_slice %arg5[%add3A_24] : memref<950272xf32, #tpu.memory_space<vmem_shared>> -> memref<7424xf32, #tpu.memory_space<vmem_shared>>
    tpu.enqueue_dma source(%arg14 : memref<7424xf32, #tpu.memory_space<vmem>>) target(%dma_start3A_26 : memref<7424xf32, #tpu.memory_space<vmem_shared>>) target_semaphore(%arg20 : memref<!tpu.dma_semaphore, #tpu.memory_space<semaphore_mem>>)
    %add3A_27 = arith.constant 22272 : i32
    %add3A_28 = arith.addi %mul3A_0, %add3A_27 : i32
    %dma_start3A_29 = tpu.memref_slice %arg5[%add3A_28] : memref<950272xf32, #tpu.memory_space<vmem_shared>> -> memref<7424xf32, #tpu.memory_space<vmem_shared>>
    %dma_start3A_30 = tpu.memref_slice %arg5[%add3A_28] : memref<950272xf32, #tpu.memory_space<vmem_shared>> -> memref<7424xf32, #tpu.memory_space<vmem_shared>>
    tpu.enqueue_dma source(%arg14 : memref<7424xf32, #tpu.memory_space<vmem>>) target(%dma_start3A_30 : memref<7424xf32, #tpu.memory_space<vmem_shared>>) target_semaphore(%arg20 : memref<!tpu.dma_semaphore, #tpu.memory_space<semaphore_mem>>)
    %add3A_31 = arith.constant 29696 : i32
    %add3A_32 = arith.addi %mul3A_0, %add3A_31 : i32
    %dma_start3A_33 = tpu.memref_slice %arg5[%add3A_32] : memref<950272xf32, #tpu.memory_space<vmem_shared>> -> memref<7424xf32, #tpu.memory_space<vmem_shared>>
    %dma_start3A_34 = tpu.memref_slice %arg5[%add3A_32] : memref<950272xf32, #tpu.memory_space<vmem_shared>> -> memref<7424xf32, #tpu.memory_space<vmem_shared>>
    tpu.enqueue_dma source(%arg14 : memref<7424xf32, #tpu.memory_space<vmem>>) target(%dma_start3A_34 : memref<7424xf32, #tpu.memory_space<vmem_shared>>) target_semaphore(%arg20 : memref<!tpu.dma_semaphore, #tpu.memory_space<semaphore_mem>>)
    %add3A_35 = arith.constant 37120 : i32
    %add3A_36 = arith.addi %mul3A_0, %add3A_35 : i32
    %dma_start3A_37 = tpu.memref_slice %arg5[%add3A_36] : memref<950272xf32, #tpu.memory_space<vmem_shared>> -> memref<7424xf32, #tpu.memory_space<vmem_shared>>
    %dma_start3A_38 = tpu.memref_slice %arg5[%add3A_36] : memref<950272xf32, #tpu.memory_space<vmem_shared>> -> memref<7424xf32, #tpu.memory_space<vmem_shared>>
    tpu.enqueue_dma source(%arg14 : memref<7424xf32, #tpu.memory_space<vmem>>) target(%dma_start3A_38 : memref<7424xf32, #tpu.memory_space<vmem_shared>>) target_semaphore(%arg20 : memref<!tpu.dma_semaphore, #tpu.memory_space<semaphore_mem>>)
    %add3A_39 = arith.constant 44544 : i32
    %add3A_40 = arith.addi %mul3A_0, %add3A_39 : i32
    %dma_start3A_41 = tpu.memref_slice %arg5[%add3A_40] : memref<950272xf32, #tpu.memory_space<vmem_shared>> -> memref<7424xf32, #tpu.memory_space<vmem_shared>>
    %dma_start3A_42 = tpu.memref_slice %arg5[%add3A_40] : memref<950272xf32, #tpu.memory_space<vmem_shared>> -> memref<7424xf32, #tpu.memory_space<vmem_shared>>
    tpu.enqueue_dma source(%arg14 : memref<7424xf32, #tpu.memory_space<vmem>>) target(%dma_start3A_42 : memref<7424xf32, #tpu.memory_space<vmem_shared>>) target_semaphore(%arg20 : memref<!tpu.dma_semaphore, #tpu.memory_space<semaphore_mem>>)
    %add3A_43 = arith.constant 51968 : i32
    %add3A_44 = arith.addi %mul3A_0, %add3A_43 : i32
    %dma_start3A_45 = tpu.memref_slice %arg5[%add3A_44] : memref<950272xf32, #tpu.memory_space<vmem_shared>> -> memref<7424xf32, #tpu.memory_space<vmem_shared>>
    %dma_start3A_46 = tpu.memref_slice %arg5[%add3A_44] : memref<950272xf32, #tpu.memory_space<vmem_shared>> -> memref<7424xf32, #tpu.memory_space<vmem_shared>>
    tpu.enqueue_dma source(%arg14 : memref<7424xf32, #tpu.memory_space<vmem>>) target(%dma_start3A_46 : memref<7424xf32, #tpu.memory_space<vmem_shared>>) target_semaphore(%arg20 : memref<!tpu.dma_semaphore, #tpu.memory_space<semaphore_mem>>)
    %dma_wait3A = tpu.memref_slice %arg5[%add3A_16] : memref<950272xf32, #tpu.memory_space<vmem_shared>> -> memref<7424xf32, #tpu.memory_space<vmem_shared>>
    %dma_wait3A_47 = tpu.memref_slice %arg5[%add3A_16] : memref<950272xf32, #tpu.memory_space<vmem_shared>> -> memref<7424xf32, #tpu.memory_space<vmem_shared>>
    tpu.wait_dma2 semaphore(%arg20 : memref<!tpu.dma_semaphore, #tpu.memory_space<semaphore_mem>>) src(%arg14 : memref<7424xf32, #tpu.memory_space<vmem>>) dst(%dma_wait3A_47 : memref<7424xf32, #tpu.memory_space<vmem_shared>>)
    %dma_wait3A_48 = tpu.memref_slice %arg5[%add3A_20] : memref<950272xf32, #tpu.memory_space<vmem_shared>> -> memref<7424xf32, #tpu.memory_space<vmem_shared>>
    %dma_wait3A_49 = tpu.memref_slice %arg5[%add3A_20] : memref<950272xf32, #tpu.memory_space<vmem_shared>> -> memref<7424xf32, #tpu.memory_space<vmem_shared>>
    tpu.wait_dma2 semaphore(%arg20 : memref<!tpu.dma_semaphore, #tpu.memory_space<semaphore_mem>>) src(%arg14 : memref<7424xf32, #tpu.memory_space<vmem>>) dst(%dma_wait3A_49 : memref<7424xf32, #tpu.memory_space<vmem_shared>>)
    %dma_wait3A_50 = tpu.memref_slice %arg5[%add3A_24] : memref<950272xf32, #tpu.memory_space<vmem_shared>> -> memref<7424xf32, #tpu.memory_space<vmem_shared>>
    %dma_wait3A_51 = tpu.memref_slice %arg5[%add3A_24] : memref<950272xf32, #tpu.memory_space<vmem_shared>> -> memref<7424xf32, #tpu.memory_space<vmem_shared>>
    tpu.wait_dma2 semaphore(%arg20 : memref<!tpu.dma_semaphore, #tpu.memory_space<semaphore_mem>>) src(%arg14 : memref<7424xf32, #tpu.memory_space<vmem>>) dst(%dma_wait3A_51 : memref<7424xf32, #tpu.memory_space<vmem_shared>>)
    %dma_wait3A_52 = tpu.memref_slice %arg5[%add3A_28] : memref<950272xf32, #tpu.memory_space<vmem_shared>> -> memref<7424xf32, #tpu.memory_space<vmem_shared>>
    %dma_wait3A_53 = tpu.memref_slice %arg5[%add3A_28] : memref<950272xf32, #tpu.memory_space<vmem_shared>> -> memref<7424xf32, #tpu.memory_space<vmem_shared>>
    tpu.wait_dma2 semaphore(%arg20 : memref<!tpu.dma_semaphore, #tpu.memory_space<semaphore_mem>>) src(%arg14 : memref<7424xf32, #tpu.memory_space<vmem>>) dst(%dma_wait3A_53 : memref<7424xf32, #tpu.memory_space<vmem_shared>>)
    %dma_wait3A_54 = tpu.memref_slice %arg5[%add3A_32] : memref<950272xf32, #tpu.memory_space<vmem_shared>> -> memref<7424xf32, #tpu.memory_space<vmem_shared>>
    %dma_wait3A_55 = tpu.memref_slice %arg5[%add3A_32] : memref<950272xf32, #tpu.memory_space<vmem_shared>> -> memref<7424xf32, #tpu.memory_space<vmem_shared>>
    tpu.wait_dma2 semaphore(%arg20 : memref<!tpu.dma_semaphore, #tpu.memory_space<semaphore_mem>>) src(%arg14 : memref<7424xf32, #tpu.memory_space<vmem>>) dst(%dma_wait3A_55 : memref<7424xf32, #tpu.memory_space<vmem_shared>>)
    %dma_wait3A_56 = tpu.memref_slice %arg5[%add3A_36] : memref<950272xf32, #tpu.memory_space<vmem_shared>> -> memref<7424xf32, #tpu.memory_space<vmem_shared>>
    %dma_wait3A_57 = tpu.memref_slice %arg5[%add3A_36] : memref<950272xf32, #tpu.memory_space<vmem_shared>> -> memref<7424xf32, #tpu.memory_space<vmem_shared>>
    tpu.wait_dma2 semaphore(%arg20 : memref<!tpu.dma_semaphore, #tpu.memory_space<semaphore_mem>>) src(%arg14 : memref<7424xf32, #tpu.memory_space<vmem>>) dst(%dma_wait3A_57 : memref<7424xf32, #tpu.memory_space<vmem_shared>>)
    %dma_wait3A_58 = tpu.memref_slice %arg5[%add3A_40] : memref<950272xf32, #tpu.memory_space<vmem_shared>> -> memref<7424xf32, #tpu.memory_space<vmem_shared>>
    %dma_wait3A_59 = tpu.memref_slice %arg5[%add3A_40] : memref<950272xf32, #tpu.memory_space<vmem_shared>> -> memref<7424xf32, #tpu.memory_space<vmem_shared>>
    tpu.wait_dma2 semaphore(%arg20 : memref<!tpu.dma_semaphore, #tpu.memory_space<semaphore_mem>>) src(%arg14 : memref<7424xf32, #tpu.memory_space<vmem>>) dst(%dma_wait3A_59 : memref<7424xf32, #tpu.memory_space<vmem_shared>>)
    %dma_wait3A_60 = tpu.memref_slice %arg5[%add3A_44] : memref<950272xf32, #tpu.memory_space<vmem_shared>> -> memref<7424xf32, #tpu.memory_space<vmem_shared>>
    %dma_wait3A_61 = tpu.memref_slice %arg5[%add3A_44] : memref<950272xf32, #tpu.memory_space<vmem_shared>> -> memref<7424xf32, #tpu.memory_space<vmem_shared>>
    tpu.wait_dma2 semaphore(%arg20 : memref<!tpu.dma_semaphore, #tpu.memory_space<semaphore_mem>>) src(%arg14 : memref<7424xf32, #tpu.memory_space<vmem>>) dst(%dma_wait3A_61 : memref<7424xf32, #tpu.memory_space<vmem_shared>>)
    %scan3A_62 = arith.constant 0 : i32
    %scan3A_63 = arith.constant 255 : i32
    %scan3A_64 = arith.constant 0 : i32
    %scan3A_65 = arith.constant 20 : i32
    %scan3A_66 = arith.addi %scan3A_64, %scan3A_65 : i32
    %scan3A_67 = arith.constant 1 : i32
    scf.for %scan3A_344 = %scan3A_64 to %scan3A_66 step %scan3A_67  : i32 {
      %mul3A_345 = arith.constant 2 : i32
      %mul3A_346 = arith.muli %mul3A_345, %scan3A_344 : i32
      %add3A_347 = arith.constant 1 : i32
      %add3A_348 = arith.addi %mul3A_346, %add3A_347 : i32
      %mul3A_349 = arith.constant 256 : i32
      %mul3A_350 = arith.muli %add3A_348, %mul3A_349 : i32
      %add3A_351 = arith.addi %add3A, %mul3A_350 : i32
      %dma_start3A_352 = tpu.memref_slice %arg2[%add3A_351] : memref<327680xf32, #tpu.memory_space<hbm>> -> memref<256xf32, #tpu.memory_space<hbm>>
      %dma_start3A_353 = tpu.memref_slice %arg2[%add3A_351] : memref<327680xf32, #tpu.memory_space<hbm>> -> memref<256xf32, #tpu.memory_space<hbm>>
      tpu.enqueue_dma source(%dma_start3A_353 : memref<256xf32, #tpu.memory_space<hbm>>) target(%arg8 : memref<256xf32, #tpu.memory_space<vmem>>) target_semaphore(%arg17 : memref<!tpu.dma_semaphore, #tpu.memory_space<semaphore_mem>>)
      %dma_start3A_354 = tpu.memref_slice %arg3[%add3A_351] : memref<327680xi32, #tpu.memory_space<hbm>> -> memref<256xi32, #tpu.memory_space<hbm>>
      %dma_start3A_355 = tpu.memref_slice %arg3[%add3A_351] : memref<327680xi32, #tpu.memory_space<hbm>> -> memref<256xi32, #tpu.memory_space<hbm>>
      tpu.enqueue_dma source(%dma_start3A_355 : memref<256xi32, #tpu.memory_space<hbm>>) target(%arg9 : memref<256xi32, #tpu.memory_space<vmem>>) target_semaphore(%arg17 : memref<!tpu.dma_semaphore, #tpu.memory_space<semaphore_mem>>)
      %dma_wait3A_356 = arith.constant 0 : i32
      %dma_wait3A_357 = tpu.memref_slice %arg2[%dma_wait3A_356] : memref<327680xf32, #tpu.memory_space<hbm>> -> memref<256xf32, #tpu.memory_space<hbm>>
      %dma_wait3A_358 = arith.constant 0 : i32
      %dma_wait3A_359 = tpu.memref_slice %arg2[%dma_wait3A_358] : memref<327680xf32, #tpu.memory_space<hbm>> -> memref<256xf32, #tpu.memory_space<hbm>>
      tpu.wait_dma2 semaphore(%arg16 : memref<!tpu.dma_semaphore, #tpu.memory_space<semaphore_mem>>) src(%dma_wait3A_359 : memref<256xf32, #tpu.memory_space<hbm>>) dst(%arg6 : memref<256xf32, #tpu.memory_space<vmem>>)
      %dma_wait3A_360 = arith.constant 0 : i32
      %dma_wait3A_361 = tpu.memref_slice %arg3[%dma_wait3A_360] : memref<327680xi32, #tpu.memory_space<hbm>> -> memref<256xi32, #tpu.memory_space<hbm>>
      %dma_wait3A_362 = arith.constant 0 : i32
      %dma_wait3A_363 = tpu.memref_slice %arg3[%dma_wait3A_362] : memref<327680xi32, #tpu.memory_space<hbm>> -> memref<256xi32, #tpu.memory_space<hbm>>
      tpu.wait_dma2 semaphore(%arg16 : memref<!tpu.dma_semaphore, #tpu.memory_space<semaphore_mem>>) src(%dma_wait3A_363 : memref<256xi32, #tpu.memory_space<hbm>>) dst(%arg7 : memref<256xi32, #tpu.memory_space<vmem>>)
      %gt3A = arith.constant 0 : i32
      %gt3A_364 = arith.cmpi sgt, %scan3A_344, %gt3A : i32
      %convert_element_type3A = arith.extui %gt3A_364 : i1 to i32
      %cond3A = arith.constant 0 : i32
      %cond3A_365 = arith.cmpi ne, %convert_element_type3A, %cond3A : i32
      scf.if %cond3A_365 {
        %dma_wait3A_3356 = arith.constant 0 : i32
        %dma_wait3A_3357 = arith.constant 0 : i32
        %dma_wait3A_3358 = tpu.memref_slice %arg11[%dma_wait3A_3356, %dma_wait3A_3357] : memref<8x128xf32, #tpu.memory_space<vmem>> -> memref<1x128xf32, #tpu.memory_space<vmem>>
        %dma_wait3A_3359 = tpu.memref_squeeze %dma_wait3A_3358 : memref<1x128xf32, #tpu.memory_space<vmem>> -> memref<128xf32, #tpu.memory_space<vmem>>
        %dma_wait3A_3360 = arith.constant 0 : i32
        %dma_wait3A_3361 = tpu.memref_slice %arg5[%dma_wait3A_3360] : memref<950272xf32, #tpu.memory_space<vmem_shared>> -> memref<128xf32, #tpu.memory_space<vmem_shared>>
        %dma_wait3A_3362 = arith.constant 0 : i32
        %dma_wait3A_3363 = tpu.memref_slice %arg5[%dma_wait3A_3362] : memref<950272xf32, #tpu.memory_space<vmem_shared>> -> memref<128xf32, #tpu.memory_space<vmem_shared>>
        %dma_wait3A_3364 = arith.constant 0 : i32
        %dma_wait3A_3365 = tpu.memref_slice %arg11[%dma_wait3A_3356, %dma_wait3A_3364] : memref<8x128xf32, #tpu.memory_space<vmem>> -> memref<1x128xf32, #tpu.memory_space<vmem>>
        %dma_wait3A_3366 = tpu.memref_squeeze %dma_wait3A_3365 : memref<1x128xf32, #tpu.memory_space<vmem>> -> memref<128xf32, #tpu.memory_space<vmem>>
        tpu.wait_dma2 semaphore(%arg18 : memref<!tpu.dma_semaphore, #tpu.memory_space<semaphore_mem>>) src(%dma_wait3A_3366 : memref<128xf32, #tpu.memory_space<vmem>>) dst(%dma_wait3A_3363 : memref<128xf32, #tpu.memory_space<vmem_shared>>)
        %dma_wait3A_3367 = arith.constant 1 : i32
        %dma_wait3A_3368 = arith.constant 0 : i32
        %dma_wait3A_3369 = tpu.memref_slice %arg11[%dma_wait3A_3367, %dma_wait3A_3368] : memref<8x128xf32, #tpu.memory_space<vmem>> -> memref<1x128xf32, #tpu.memory_space<vmem>>
        %dma_wait3A_3370 = tpu.memref_squeeze %dma_wait3A_3369 : memref<1x128xf32, #tpu.memory_space<vmem>> -> memref<128xf32, #tpu.memory_space<vmem>>
        %dma_wait3A_3371 = arith.constant 0 : i32
        %dma_wait3A_3372 = tpu.memref_slice %arg5[%dma_wait3A_3371] : memref<950272xf32, #tpu.memory_space<vmem_shared>> -> memref<128xf32, #tpu.memory_space<vmem_shared>>
        %dma_wait3A_3373 = arith.constant 0 : i32
        %dma_wait3A_3374 = tpu.memref_slice %arg5[%dma_wait3A_3373] : memref<950272xf32, #tpu.memory_space<vmem_shared>> -> memref<128xf32, #tpu.memory_space<vmem_shared>>
        %dma_wait3A_3375 = arith.constant 0 : i32
        %dma_wait3A_3376 = tpu.memref_slice %arg11[%dma_wait3A_3367, %dma_wait3A_3375] : memref<8x128xf32, #tpu.memory_space<vmem>> -> memref<1x128xf32, #tpu.memory_space<vmem>>
        %dma_wait3A_3377 = tpu.memref_squeeze %dma_wait3A_3376 : memref<1x128xf32, #tpu.memory_space<vmem>> -> memref<128xf32, #tpu.memory_space<vmem>>
        tpu.wait_dma2 semaphore(%arg18 : memref<!tpu.dma_semaphore, #tpu.memory_space<semaphore_mem>>) src(%dma_wait3A_3377 : memref<128xf32, #tpu.memory_space<vmem>>) dst(%dma_wait3A_3374 : memref<128xf32, #tpu.memory_space<vmem_shared>>)
        %dma_wait3A_3378 = arith.constant 2 : i32
        %dma_wait3A_3379 = arith.constant 0 : i32
        %dma_wait3A_3380 = tpu.memref_slice %arg11[%dma_wait3A_3378, %dma_wait3A_3379] : memref<8x128xf32, #tpu.memory_space<vmem>> -> memref<1x128xf32, #tpu.memory_space<vmem>>
        %dma_wait3A_3381 = tpu.memref_squeeze %dma_wait3A_3380 : memref<1x128xf32, #tpu.memory_space<vmem>> -> memref<128xf32, #tpu.memory_space<vmem>>
        %dma_wait3A_3382 = arith.constant 0 : i32
        %dma_wait3A_3383 = tpu.memref_slice %arg5[%dma_wait3A_3382] : memref<950272xf32, #tpu.memory_space<vmem_shared>> -> memref<128xf32, #tpu.memory_space<vmem_shared>>
        %dma_wait3A_3384 = arith.constant 0 : i32
        %dma_wait3A_3385 = tpu.memref_slice %arg5[%dma_wait3A_3384] : memref<950272xf32, #tpu.memory_space<vmem_shared>> -> memref<128xf32, #tpu.memory_space<vmem_shared>>
        %dma_wait3A_3386 = arith.constant 0 : i32
        %dma_wait3A_3387 = tpu.memref_slice %arg11[%dma_wait3A_3378, %dma_wait3A_3386] : memref<8x128xf32, #tpu.memory_space<vmem>> -> memref<1x128xf32, #tpu.memory_space<vmem>>
        %dma_wait3A_3388 = tpu.memref_squeeze %dma_wait3A_3387 : memref<1x128xf32, #tpu.memory_space<vmem>> -> memref<128xf32, #tpu.memory_space<vmem>>
        tpu.wait_dma2 semaphore(%arg18 : memref<!tpu.dma_semaphore, #tpu.memory_space<semaphore_mem>>) src(%dma_wait3A_3388 : memref<128xf32, #tpu.memory_space<vmem>>) dst(%dma_wait3A_3385 : memref<128xf32, #tpu.memory_space<vmem_shared>>)
        %dma_wait3A_3389 = arith.constant 3 : i32
        %dma_wait3A_3390 = arith.constant 0 : i32
        %dma_wait3A_3391 = tpu.memref_slice %arg11[%dma_wait3A_3389, %dma_wait3A_3390] : memref<8x128xf32, #tpu.memory_space<vmem>> -> memref<1x128xf32, #tpu.memory_space<vmem>>
        %dma_wait3A_3392 = tpu.memref_squeeze %dma_wait3A_3391 : memref<1x128xf32, #tpu.memory_space<vmem>> -> memref<128xf32, #tpu.memory_space<vmem>>
        %dma_wait3A_3393 = arith.constant 0 : i32
        %dma_wait3A_3394 = tpu.memref_slice %arg5[%dma_wait3A_3393] : memref<950272xf32, #tpu.memory_space<vmem_shared>> -> memref<128xf32, #tpu.memory_space<vmem_shared>>
        %dma_wait3A_3395 = arith.constant 0 : i32
        %dma_wait3A_3396 = tpu.memref_slice %arg5[%dma_wait3A_3395] : memref<950272xf32, #tpu.memory_space<vmem_shared>> -> memref<128xf32, #tpu.memory_space<vmem_shared>>
        %dma_wait3A_3397 = arith.constant 0 : i32
        %dma_wait3A_3398 = tpu.memref_slice %arg11[%dma_wait3A_3389, %dma_wait3A_3397] : memref<8x128xf32, #tpu.memory_space<vmem>> -> memref<1x128xf32, #tpu.memory_space<vmem>>
        %dma_wait3A_3399 = tpu.memref_squeeze %dma_wait3A_3398 : memref<1x128xf32, #tpu.memory_space<vmem>> -> memref<128xf32, #tpu.memory_space<vmem>>
        tpu.wait_dma2 semaphore(%arg18 : memref<!tpu.dma_semaphore, #tpu.memory_space<semaphore_mem>>) src(%dma_wait3A_3399 : memref<128xf32, #tpu.memory_space<vmem>>) dst(%dma_wait3A_3396 : memref<128xf32, #tpu.memory_space<vmem_shared>>)
        %dma_wait3A_3400 = arith.constant 4 : i32
        %dma_wait3A_3401 = arith.constant 0 : i32
        %dma_wait3A_3402 = tpu.memref_slice %arg11[%dma_wait3A_3400, %dma_wait3A_3401] : memref<8x128xf32, #tpu.memory_space<vmem>> -> memref<1x128xf32, #tpu.memory_space<vmem>>
        %dma_wait3A_3403 = tpu.memref_squeeze %dma_wait3A_3402 : memref<1x128xf32, #tpu.memory_space<vmem>> -> memref<128xf32, #tpu.memory_space<vmem>>
        %dma_wait3A_3404 = arith.constant 0 : i32
        %dma_wait3A_3405 = tpu.memref_slice %arg5[%dma_wait3A_3404] : memref<950272xf32, #tpu.memory_space<vmem_shared>> -> memref<128xf32, #tpu.memory_space<vmem_shared>>
        %dma_wait3A_3406 = arith.constant 0 : i32
        %dma_wait3A_3407 = tpu.memref_slice %arg5[%dma_wait3A_3406] : memref<950272xf32, #tpu.memory_space<vmem_shared>> -> memref<128xf32, #tpu.memory_space<vmem_shared>>
        %dma_wait3A_3408 = arith.constant 0 : i32
        %dma_wait3A_3409 = tpu.memref_slice %arg11[%dma_wait3A_3400, %dma_wait3A_3408] : memref<8x128xf32, #tpu.memory_space<vmem>> -> memref<1x128xf32, #tpu.memory_space<vmem>>
        %dma_wait3A_3410 = tpu.memref_squeeze %dma_wait3A_3409 : memref<1x128xf32, #tpu.memory_space<vmem>> -> memref<128xf32, #tpu.memory_space<vmem>>
        tpu.wait_dma2 semaphore(%arg18 : memref<!tpu.dma_semaphore, #tpu.memory_space<semaphore_mem>>) src(%dma_wait3A_3410 : memref<128xf32, #tpu.memory_space<vmem>>) dst(%dma_wait3A_3407 : memref<128xf32, #tpu.memory_space<vmem_shared>>)
        %dma_wait3A_3411 = arith.constant 5 : i32
        %dma_wait3A_3412 = arith.constant 0 : i32
        %dma_wait3A_3413 = tpu.memref_slice %arg11[%dma_wait3A_3411, %dma_wait3A_3412] : memref<8x128xf32, #tpu.memory_space<vmem>> -> memref<1x128xf32, #tpu.memory_space<vmem>>
        %dma_wait3A_3414 = tpu.memref_squeeze %dma_wait3A_3413 : memref<1x128xf32, #tpu.memory_space<vmem>> -> memref<128xf32, #tpu.memory_space<vmem>>
        %dma_wait3A_3415 = arith.constant 0 : i32
        %dma_wait3A_3416 = tpu.memref_slice %arg5[%dma_wait3A_3415] : memref<950272xf32, #tpu.memory_space<vmem_shared>> -> memref<128xf32, #tpu.memory_space<vmem_shared>>
        %dma_wait3A_3417 = arith.constant 0 : i32
        %dma_wait3A_3418 = tpu.memref_slice %arg5[%dma_wait3A_3417] : memref<950272xf32, #tpu.memory_space<vmem_shared>> -> memref<128xf32, #tpu.memory_space<vmem_shared>>
        %dma_wait3A_3419 = arith.constant 0 : i32
        %dma_wait3A_3420 = tpu.memref_slice %arg11[%dma_wait3A_3411, %dma_wait3A_3419] : memref<8x128xf32, #tpu.memory_space<vmem>> -> memref<1x128xf32, #tpu.memory_space<vmem>>
        %dma_wait3A_3421 = tpu.memref_squeeze %dma_wait3A_3420 : memref<1x128xf32, #tpu.memory_space<vmem>> -> memref<128xf32, #tpu.memory_space<vmem>>
        tpu.wait_dma2 semaphore(%arg18 : memref<!tpu.dma_semaphore, #tpu.memory_space<semaphore_mem>>) src(%dma_wait3A_3421 : memref<128xf32, #tpu.memory_space<vmem>>) dst(%dma_wait3A_3418 : memref<128xf32, #tpu.memory_space<vmem_shared>>)
        %dma_wait3A_3422 = arith.constant 6 : i32
        %dma_wait3A_3423 = arith.constant 0 : i32
        %dma_wait3A_3424 = tpu.memref_slice %arg11[%dma_wait3A_3422, %dma_wait3A_3423] : memref<8x128xf32, #tpu.memory_space<vmem>> -> memref<1x128xf32, #tpu.memory_space<vmem>>
        %dma_wait3A_3425 = tpu.memref_squeeze %dma_wait3A_3424 : memref<1x128xf32, #tpu.memory_space<vmem>> -> memref<128xf32, #tpu.memory_space<vmem>>
        %dma_wait3A_3426 = arith.constant 0 : i32
        %dma_wait3A_3427 = tpu.memref_slice %arg5[%dma_wait3A_3426] : memref<950272xf32, #tpu.memory_space<vmem_shared>> -> memref<128xf32, #tpu.memory_space<vmem_shared>>
        %dma_wait3A_3428 = arith.constant 0 : i32
        %dma_wait3A_3429 = tpu.memref_slice %arg5[%dma_wait3A_3428] : memref<950272xf32, #tpu.memory_space<vmem_shared>> -> memref<128xf32, #tpu.memory_space<vmem_shared>>
        %dma_wait3A_3430 = arith.constant 0 : i32
        %dma_wait3A_3431 = tpu.memref_slice %arg11[%dma_wait3A_3422, %dma_wait3A_3430] : memref<8x128xf32, #tpu.memory_space<vmem>> -> memref<1x128xf32, #tpu.memory_space<vmem>>
        %dma_wait3A_3432 = tpu.memref_squeeze %dma_wait3A_3431 : memref<1x128xf32, #tpu.memory_space<vmem>> -> memref<128xf32, #tpu.memory_space<vmem>>
        tpu.wait_dma2 semaphore(%arg18 : memref<!tpu.dma_semaphore, #tpu.memory_space<semaphore_mem>>) src(%dma_wait3A_3432 : memref<128xf32, #tpu.memory_space<vmem>>) dst(%dma_wait3A_3429 : memref<128xf32, #tpu.memory_space<vmem_shared>>)
        %dma_wait3A_3433 = arith.constant 7 : i32
        %dma_wait3A_3434 = arith.constant 0 : i32
        %dma_wait3A_3435 = tpu.memref_slice %arg11[%dma_wait3A_3433, %dma_wait3A_3434] : memref<8x128xf32, #tpu.memory_space<vmem>> -> memref<1x128xf32, #tpu.memory_space<vmem>>
        %dma_wait3A_3436 = tpu.memref_squeeze %dma_wait3A_3435 : memref<1x128xf32, #tpu.memory_space<vmem>> -> memref<128xf32, #tpu.memory_space<vmem>>
        %dma_wait3A_3437 = arith.constant 0 : i32
        %dma_wait3A_3438 = tpu.memref_slice %arg5[%dma_wait3A_3437] : memref<950272xf32, #tpu.memory_space<vmem_shared>> -> memref<128xf32, #tpu.memory_space<vmem_shared>>
        %dma_wait3A_3439 = arith.constant 0 : i32
        %dma_wait3A_3440 = tpu.memref_slice %arg5[%dma_wait3A_3439] : memref<950272xf32, #tpu.memory_space<vmem_shared>> -> memref<128xf32, #tpu.memory_space<vmem_shared>>
        %dma_wait3A_3441 = arith.constant 0 : i32
        %dma_wait3A_3442 = tpu.memref_slice %arg11[%dma_wait3A_3433, %dma_wait3A_3441] : memref<8x128xf32, #tpu.memory_space<vmem>> -> memref<1x128xf32, #tpu.memory_space<vmem>>
        %dma_wait3A_3443 = tpu.memref_squeeze %dma_wait3A_3442 : memref<1x128xf32, #tpu.memory_space<vmem>> -> memref<128xf32, #tpu.memory_space<vmem>>
        tpu.wait_dma2 semaphore(%arg18 : memref<!tpu.dma_semaphore, #tpu.memory_space<semaphore_mem>>) src(%dma_wait3A_3443 : memref<128xf32, #tpu.memory_space<vmem>>) dst(%dma_wait3A_3440 : memref<128xf32, #tpu.memory_space<vmem_shared>>)
      } else {
      }
      %get3A = arith.constant 0 : index
      %get3A_366 = tpu.vector_load %arg6[%get3A] {strides = array<i32>} : memref<256xf32, #tpu.memory_space<vmem>>, vector<16xf32>,
      %get3A_367 = vector.shape_cast %get3A_366 : vector<16xf32> to vector<16xf32>
      %get3A_368 = arith.constant 0 : index
      %get3A_369 = tpu.vector_load %arg7[%get3A_368] {strides = array<i32>} : memref<256xi32, #tpu.memory_space<vmem>>, vector<16xi32>,
      %get3A_370 = vector.shape_cast %get3A_369 : vector<16xi32> to vector<16xi32>
      %and3A = vector.broadcast %scan3A_63 : i32 to vector<16xi32>
      %and3A_371 = arith.andi %get3A_370, %and3A : vector<16xi32>
      %shift_right_arithmetic3A = arith.constant 8 : i32
      %shift_right_arithmetic3A_372 = vector.broadcast %shift_right_arithmetic3A : i32 to vector<16xi32>
      %shift_right_arithmetic3A_373 = arith.shrsi %get3A_370, %shift_right_arithmetic3A_372 : vector<16xi32>
      %and3A_374 = vector.broadcast %scan3A_63 : i32 to vector<16xi32>
      %and3A_375 = arith.andi %shift_right_arithmetic3A_373, %and3A_374 : vector<16xi32>
      %shift_right_arithmetic3A_376 = arith.constant 16 : i32
      %shift_right_arithmetic3A_377 = vector.broadcast %shift_right_arithmetic3A_376 : i32 to vector<16xi32>
      %shift_right_arithmetic3A_378 = arith.shrsi %get3A_370, %shift_right_arithmetic3A_377 : vector<16xi32>
      %and3A_379 = vector.broadcast %scan3A_63 : i32 to vector<16xi32>
      %and3A_380 = arith.andi %shift_right_arithmetic3A_378, %and3A_379 : vector<16xi32>
      %shift_right_arithmetic3A_381 = arith.constant 24 : i32
      %shift_right_arithmetic3A_382 = vector.broadcast %shift_right_arithmetic3A_381 : i32 to vector<16xi32>
      %shift_right_arithmetic3A_383 = arith.shrsi %get3A_370, %shift_right_arithmetic3A_382 : vector<16xi32>
      %and3A_384 = vector.broadcast %scan3A_63 : i32 to vector<16xi32>
      %and3A_385 = arith.andi %shift_right_arithmetic3A_383, %and3A_384 : vector<16xi32>
      %mul3A_386 = arith.constant 256 : i32
      %mul3A_387 = vector.broadcast %mul3A_386 : i32 to vector<16xi32>
      %mul3A_388 = arith.muli %and3A_375, %mul3A_387 : vector<16xi32>
      %add3A_389 = vector.broadcast %mul3A_0 : i32 to vector<16xi32>
      %add3A_390 = arith.addi %add3A_389, %mul3A_388 : vector<16xi32>
      %mul3A_391 = arith.constant 256 : i32
      %mul3A_392 = vector.broadcast %mul3A_391 : i32 to vector<16xi32>
      %mul3A_393 = arith.muli %and3A_385, %mul3A_392 : vector<16xi32>
      %add3A_394 = vector.broadcast %mul3A_0 : i32 to vector<16xi32>
      %add3A_395 = arith.addi %add3A_394, %mul3A_393 : vector<16xi32>
      %add3A_396 = arith.addi %add3A_390, %and3A_371 : vector<16xi32>
      %swap3A = arith.constant 0 : i32
      %swap3A_397 = arith.index_cast %swap3A : i32 to index
      %swap3A_398 = arith.constant 0 : index
      %swap3A_399 = tpu.vector_load %arg10[%swap3A_397, %swap3A_398] {strides = array<i32>} : memref<8x128xi32, #tpu.memory_space<vmem>>, vector<1x16xi32>,
      %swap3A_400 = vector.shape_cast %swap3A_399 : vector<1x16xi32> to vector<16xi32>
      %swap3A_401 = vector.shape_cast %add3A_396 : vector<16xi32> to vector<1x16xi32>
      tpu.vector_store %arg10[%swap3A_397, %swap3A_398], %swap3A_401 {strides = array<i32>} : memref<8x128xi32, #tpu.memory_space<vmem>>, vector<1x16xi32>,
      %add3A_402 = arith.addi %add3A_390, %and3A_380 : vector<16xi32>
      %swap3A_403 = arith.constant 0 : i32
      %swap3A_404 = arith.index_cast %swap3A_403 : i32 to index
      %swap3A_405 = arith.constant 16 : index
      %swap3A_406 = tpu.vector_load %arg10[%swap3A_404, %swap3A_405] {strides = array<i32>} : memref<8x128xi32, #tpu.memory_space<vmem>>, vector<1x16xi32>,
      %swap3A_407 = vector.shape_cast %swap3A_406 : vector<1x16xi32> to vector<16xi32>
      %swap3A_408 = vector.shape_cast %add3A_402 : vector<16xi32> to vector<1x16xi32>
      tpu.vector_store %arg10[%swap3A_404, %swap3A_405], %swap3A_408 {strides = array<i32>} : memref<8x128xi32, #tpu.memory_space<vmem>>, vector<1x16xi32>,
      %add3A_409 = arith.addi %add3A_395, %and3A_371 : vector<16xi32>
      %swap3A_410 = arith.constant 0 : i32
      %swap3A_411 = arith.index_cast %swap3A_410 : i32 to index
      %swap3A_412 = arith.constant 32 : index
      %swap3A_413 = tpu.vector_load %arg10[%swap3A_411, %swap3A_412] {strides = array<i32>} : memref<8x128xi32, #tpu.memory_space<vmem>>, vector<1x16xi32>,
      %swap3A_414 = vector.shape_cast %swap3A_413 : vector<1x16xi32> to vector<16xi32>
      %swap3A_415 = vector.shape_cast %add3A_409 : vector<16xi32> to vector<1x16xi32>
      tpu.vector_store %arg10[%swap3A_411, %swap3A_412], %swap3A_415 {strides = array<i32>} : memref<8x128xi32, #tpu.memory_space<vmem>>, vector<1x16xi32>,
      %add3A_416 = arith.addi %add3A_395, %and3A_380 : vector<16xi32>
      %swap3A_417 = arith.constant 0 : i32
      %swap3A_418 = arith.index_cast %swap3A_417 : i32 to index
      %swap3A_419 = arith.constant 48 : index
      %swap3A_420 = tpu.vector_load %arg10[%swap3A_418, %swap3A_419] {strides = array<i32>} : memref<8x128xi32, #tpu.memory_space<vmem>>, vector<1x16xi32>,
      %swap3A_421 = vector.shape_cast %swap3A_420 : vector<1x16xi32> to vector<16xi32>
      %swap3A_422 = vector.shape_cast %add3A_416 : vector<16xi32> to vector<1x16xi32>
      tpu.vector_store %arg10[%swap3A_418, %swap3A_419], %swap3A_422 {strides = array<i32>} : memref<8x128xi32, #tpu.memory_space<vmem>>, vector<1x16xi32>,
      %neg3A = arith.constant 0.000000e+00 : f32
      %neg3A_423 = vector.broadcast %neg3A : f32 to vector<16xf32>
      %neg3A_424 = arith.subf %neg3A_423, %get3A_367 : vector<16xf32>
      %swap3A_425 = arith.constant 0 : i32
      %swap3A_426 = arith.index_cast %swap3A_425 : i32 to index
      %swap3A_427 = arith.constant 0 : index
      %swap3A_428 = tpu.vector_load %arg11[%swap3A_426, %swap3A_427] {strides = array<i32>} : memref<8x128xf32, #tpu.memory_space<vmem>>, vector<1x16xf32>,
      %swap3A_429 = vector.shape_cast %swap3A_428 : vector<1x16xf32> to vector<16xf32>
      %swap3A_430 = vector.shape_cast %get3A_367 : vector<16xf32> to vector<1x16xf32>
      tpu.vector_store %arg11[%swap3A_426, %swap3A_427], %swap3A_430 {strides = array<i32>} : memref<8x128xf32, #tpu.memory_space<vmem>>, vector<1x16xf32>,
      %swap3A_431 = arith.constant 0 : i32
      %swap3A_432 = arith.index_cast %swap3A_431 : i32 to index
      %swap3A_433 = arith.constant 16 : index
      %swap3A_434 = tpu.vector_load %arg11[%swap3A_432, %swap3A_433] {strides = array<i32>} : memref<8x128xf32, #tpu.memory_space<vmem>>, vector<1x16xf32>,
      %swap3A_435 = vector.shape_cast %swap3A_434 : vector<1x16xf32> to vector<16xf32>
      %swap3A_436 = vector.shape_cast %neg3A_424 : vector<16xf32> to vector<1x16xf32>
      tpu.vector_store %arg11[%swap3A_432, %swap3A_433], %swap3A_436 {strides = array<i32>} : memref<8x128xf32, #tpu.memory_space<vmem>>, vector<1x16xf32>,
      %swap3A_437 = arith.constant 0 : i32
      %swap3A_438 = arith.index_cast %swap3A_437 : i32 to index
      %swap3A_439 = arith.constant 32 : index
      %swap3A_440 = tpu.vector_load %arg11[%swap3A_438, %swap3A_439] {strides = array<i32>} : memref<8x128xf32, #tpu.memory_space<vmem>>, vector<1x16xf32>,
      %swap3A_441 = vector.shape_cast %swap3A_440 : vector<1x16xf32> to vector<16xf32>
      %swap3A_442 = vector.shape_cast %neg3A_424 : vector<16xf32> to vector<1x16xf32>
      tpu.vector_store %arg11[%swap3A_438, %swap3A_439], %swap3A_442 {strides = array<i32>} : memref<8x128xf32, #tpu.memory_space<vmem>>, vector<1x16xf32>,
      %swap3A_443 = arith.constant 0 : i32
      %swap3A_444 = arith.index_cast %swap3A_443 : i32 to index
      %swap3A_445 = arith.constant 48 : index
      %swap3A_446 = tpu.vector_load %arg11[%swap3A_444, %swap3A_445] {strides = array<i32>} : memref<8x128xf32, #tpu.memory_space<vmem>>, vector<1x16xf32>,
      %swap3A_447 = vector.shape_cast %swap3A_446 : vector<1x16xf32> to vector<16xf32>
      %swap3A_448 = vector.shape_cast %get3A_367 : vector<16xf32> to vector<1x16xf32>
      tpu.vector_store %arg11[%swap3A_444, %swap3A_445], %swap3A_448 {strides = array<i32>} : memref<8x128xf32, #tpu.memory_space<vmem>>, vector<1x16xf32>,
      %get3A_449 = arith.constant 16 : index
      %get3A_450 = tpu.vector_load %arg6[%get3A_449] {strides = array<i32>} : memref<256xf32, #tpu.memory_space<vmem>>, vector<16xf32>,
      %get3A_451 = vector.shape_cast %get3A_450 : vector<16xf32> to vector<16xf32>
      %get3A_452 = arith.constant 16 : index
      %get3A_453 = tpu.vector_load %arg7[%get3A_452] {strides = array<i32>} : memref<256xi32, #tpu.memory_space<vmem>>, vector<16xi32>,
      %get3A_454 = vector.shape_cast %get3A_453 : vector<16xi32> to vector<16xi32>
      %and3A_455 = vector.broadcast %scan3A_63 : i32 to vector<16xi32>
      %and3A_456 = arith.andi %get3A_454, %and3A_455 : vector<16xi32>
      %shift_right_arithmetic3A_457 = arith.constant 8 : i32
      %shift_right_arithmetic3A_458 = vector.broadcast %shift_right_arithmetic3A_457 : i32 to vector<16xi32>
      %shift_right_arithmetic3A_459 = arith.shrsi %get3A_454, %shift_right_arithmetic3A_458 : vector<16xi32>
      %and3A_460 = vector.broadcast %scan3A_63 : i32 to vector<16xi32>
      %and3A_461 = arith.andi %shift_right_arithmetic3A_459, %and3A_460 : vector<16xi32>
      %shift_right_arithmetic3A_462 = arith.constant 16 : i32
      %shift_right_arithmetic3A_463 = vector.broadcast %shift_right_arithmetic3A_462 : i32 to vector<16xi32>
      %shift_right_arithmetic3A_464 = arith.shrsi %get3A_454, %shift_right_arithmetic3A_463 : vector<16xi32>
      %and3A_465 = vector.broadcast %scan3A_63 : i32 to vector<16xi32>
      %and3A_466 = arith.andi %shift_right_arithmetic3A_464, %and3A_465 : vector<16xi32>
      %shift_right_arithmetic3A_467 = arith.constant 24 : i32
      %shift_right_arithmetic3A_468 = vector.broadcast %shift_right_arithmetic3A_467 : i32 to vector<16xi32>
      %shift_right_arithmetic3A_469 = arith.shrsi %get3A_454, %shift_right_arithmetic3A_468 : vector<16xi32>
      %and3A_470 = vector.broadcast %scan3A_63 : i32 to vector<16xi32>
      %and3A_471 = arith.andi %shift_right_arithmetic3A_469, %and3A_470 : vector<16xi32>
      %mul3A_472 = arith.constant 256 : i32
      %mul3A_473 = vector.broadcast %mul3A_472 : i32 to vector<16xi32>
      %mul3A_474 = arith.muli %and3A_461, %mul3A_473 : vector<16xi32>
      %add3A_475 = vector.broadcast %mul3A_0 : i32 to vector<16xi32>
      %add3A_476 = arith.addi %add3A_475, %mul3A_474 : vector<16xi32>
      %mul3A_477 = arith.constant 256 : i32
      %mul3A_478 = vector.broadcast %mul3A_477 : i32 to vector<16xi32>
      %mul3A_479 = arith.muli %and3A_471, %mul3A_478 : vector<16xi32>
      %add3A_480 = vector.broadcast %mul3A_0 : i32 to vector<16xi32>
      %add3A_481 = arith.addi %add3A_480, %mul3A_479 : vector<16xi32>
      %add3A_482 = arith.addi %add3A_476, %and3A_456 : vector<16xi32>
      %swap3A_483 = arith.constant 0 : i32
      %swap3A_484 = arith.index_cast %swap3A_483 : i32 to index
      %swap3A_485 = arith.constant 64 : index
      %swap3A_486 = tpu.vector_load %arg10[%swap3A_484, %swap3A_485] {strides = array<i32>} : memref<8x128xi32, #tpu.memory_space<vmem>>, vector<1x16xi32>,
      %swap3A_487 = vector.shape_cast %swap3A_486 : vector<1x16xi32> to vector<16xi32>
      %swap3A_488 = vector.shape_cast %add3A_482 : vector<16xi32> to vector<1x16xi32>
      tpu.vector_store %arg10[%swap3A_484, %swap3A_485], %swap3A_488 {strides = array<i32>} : memref<8x128xi32, #tpu.memory_space<vmem>>, vector<1x16xi32>,
      %add3A_489 = arith.addi %add3A_476, %and3A_466 : vector<16xi32>
      %swap3A_490 = arith.constant 0 : i32
      %swap3A_491 = arith.index_cast %swap3A_490 : i32 to index
      %swap3A_492 = arith.constant 80 : index
      %swap3A_493 = tpu.vector_load %arg10[%swap3A_491, %swap3A_492] {strides = array<i32>} : memref<8x128xi32, #tpu.memory_space<vmem>>, vector<1x16xi32>,
      %swap3A_494 = vector.shape_cast %swap3A_493 : vector<1x16xi32> to vector<16xi32>
      %swap3A_495 = vector.shape_cast %add3A_489 : vector<16xi32> to vector<1x16xi32>
      tpu.vector_store %arg10[%swap3A_491, %swap3A_492], %swap3A_495 {strides = array<i32>} : memref<8x128xi32, #tpu.memory_space<vmem>>, vector<1x16xi32>,
      %add3A_496 = arith.addi %add3A_481, %and3A_456 : vector<16xi32>
      %swap3A_497 = arith.constant 0 : i32
      %swap3A_498 = arith.index_cast %swap3A_497 : i32 to index
      %swap3A_499 = arith.constant 96 : index
      %swap3A_500 = tpu.vector_load %arg10[%swap3A_498, %swap3A_499] {strides = array<i32>} : memref<8x128xi32, #tpu.memory_space<vmem>>, vector<1x16xi32>,
      %swap3A_501 = vector.shape_cast %swap3A_500 : vector<1x16xi32> to vector<16xi32>
      %swap3A_502 = vector.shape_cast %add3A_496 : vector<16xi32> to vector<1x16xi32>
      tpu.vector_store %arg10[%swap3A_498, %swap3A_499], %swap3A_502 {strides = array<i32>} : memref<8x128xi32, #tpu.memory_space<vmem>>, vector<1x16xi32>,
      %add3A_503 = arith.addi %add3A_481, %and3A_466 : vector<16xi32>
      %swap3A_504 = arith.constant 0 : i32
      %swap3A_505 = arith.index_cast %swap3A_504 : i32 to index
      %swap3A_506 = arith.constant 112 : index
      %swap3A_507 = tpu.vector_load %arg10[%swap3A_505, %swap3A_506] {strides = array<i32>} : memref<8x128xi32, #tpu.memory_space<vmem>>, vector<1x16xi32>,
      %swap3A_508 = vector.shape_cast %swap3A_507 : vector<1x16xi32> to vector<16xi32>
      %swap3A_509 = vector.shape_cast %add3A_503 : vector<16xi32> to vector<1x16xi32>
      tpu.vector_store %arg10[%swap3A_505, %swap3A_506], %swap3A_509 {strides = array<i32>} : memref<8x128xi32, #tpu.memory_space<vmem>>, vector<1x16xi32>,
      %neg3A_510 = arith.constant 0.000000e+00 : f32
      %neg3A_511 = vector.broadcast %neg3A_510 : f32 to vector<16xf32>
      %neg3A_512 = arith.subf %neg3A_511, %get3A_451 : vector<16xf32>
      %swap3A_513 = arith.constant 0 : i32
      %swap3A_514 = arith.index_cast %swap3A_513 : i32 to index
      %swap3A_515 = arith.constant 64 : index
      %swap3A_516 = tpu.vector_load %arg11[%swap3A_514, %swap3A_515] {strides = array<i32>} : memref<8x128xf32, #tpu.memory_space<vmem>>, vector<1x16xf32>,
      %swap3A_517 = vector.shape_cast %swap3A_516 : vector<1x16xf32> to vector<16xf32>
      %swap3A_518 = vector.shape_cast %get3A_451 : vector<16xf32> to vector<1x16xf32>
      tpu.vector_store %arg11[%swap3A_514, %swap3A_515], %swap3A_518 {strides = array<i32>} : memref<8x128xf32, #tpu.memory_space<vmem>>, vector<1x16xf32>,
      %swap3A_519 = arith.constant 0 : i32
      %swap3A_520 = arith.index_cast %swap3A_519 : i32 to index
      %swap3A_521 = arith.constant 80 : index
      %swap3A_522 = tpu.vector_load %arg11[%swap3A_520, %swap3A_521] {strides = array<i32>} : memref<8x128xf32, #tpu.memory_space<vmem>>, vector<1x16xf32>,
      %swap3A_523 = vector.shape_cast %swap3A_522 : vector<1x16xf32> to vector<16xf32>
      %swap3A_524 = vector.shape_cast %neg3A_512 : vector<16xf32> to vector<1x16xf32>
      tpu.vector_store %arg11[%swap3A_520, %swap3A_521], %swap3A_524 {strides = array<i32>} : memref<8x128xf32, #tpu.memory_space<vmem>>, vector<1x16xf32>,
      %swap3A_525 = arith.constant 0 : i32
      %swap3A_526 = arith.index_cast %swap3A_525 : i32 to index
      %swap3A_527 = arith.constant 96 : index
      %swap3A_528 = tpu.vector_load %arg11[%swap3A_526, %swap3A_527] {strides = array<i32>} : memref<8x128xf32, #tpu.memory_space<vmem>>, vector<1x16xf32>,
      %swap3A_529 = vector.shape_cast %swap3A_528 : vector<1x16xf32> to vector<16xf32>
      %swap3A_530 = vector.shape_cast %neg3A_512 : vector<16xf32> to vector<1x16xf32>
      tpu.vector_store %arg11[%swap3A_526, %swap3A_527], %swap3A_530 {strides = array<i32>} : memref<8x128xf32, #tpu.memory_space<vmem>>, vector<1x16xf32>,
      %swap3A_531 = arith.constant 0 : i32
      %swap3A_532 = arith.index_cast %swap3A_531 : i32 to index
      %swap3A_533 = arith.constant 112 : index
      %swap3A_534 = tpu.vector_load %arg11[%swap3A_532, %swap3A_533] {strides = array<i32>} : memref<8x128xf32, #tpu.memory_space<vmem>>, vector<1x16xf32>,
      %swap3A_535 = vector.shape_cast %swap3A_534 : vector<1x16xf32> to vector<16xf32>
      %swap3A_536 = vector.shape_cast %get3A_451 : vector<16xf32> to vector<1x16xf32>
      tpu.vector_store %arg11[%swap3A_532, %swap3A_533], %swap3A_536 {strides = array<i32>} : memref<8x128xf32, #tpu.memory_space<vmem>>, vector<1x16xf32>,
      %get3A_537 = arith.constant 32 : index
      %get3A_538 = tpu.vector_load %arg6[%get3A_537] {strides = array<i32>} : memref<256xf32, #tpu.memory_space<vmem>>, vector<16xf32>,
      %get3A_539 = vector.shape_cast %get3A_538 : vector<16xf32> to vector<16xf32>
      %get3A_540 = arith.constant 32 : index
      %get3A_541 = tpu.vector_load %arg7[%get3A_540] {strides = array<i32>} : memref<256xi32, #tpu.memory_space<vmem>>, vector<16xi32>,
      %get3A_542 = vector.shape_cast %get3A_541 : vector<16xi32> to vector<16xi32>
      %and3A_543 = vector.broadcast %scan3A_63 : i32 to vector<16xi32>
      %and3A_544 = arith.andi %get3A_542, %and3A_543 : vector<16xi32>
      %shift_right_arithmetic3A_545 = arith.constant 8 : i32
      %shift_right_arithmetic3A_546 = vector.broadcast %shift_right_arithmetic3A_545 : i32 to vector<16xi32>
      %shift_right_arithmetic3A_547 = arith.shrsi %get3A_542, %shift_right_arithmetic3A_546 : vector<16xi32>
      %and3A_548 = vector.broadcast %scan3A_63 : i32 to vector<16xi32>
      %and3A_549 = arith.andi %shift_right_arithmetic3A_547, %and3A_548 : vector<16xi32>
      %shift_right_arithmetic3A_550 = arith.constant 16 : i32
      %shift_right_arithmetic3A_551 = vector.broadcast %shift_right_arithmetic3A_550 : i32 to vector<16xi32>
      %shift_right_arithmetic3A_552 = arith.shrsi %get3A_542, %shift_right_arithmetic3A_551 : vector<16xi32>
      %and3A_553 = vector.broadcast %scan3A_63 : i32 to vector<16xi32>
      %and3A_554 = arith.andi %shift_right_arithmetic3A_552, %and3A_553 : vector<16xi32>
      %shift_right_arithmetic3A_555 = arith.constant 24 : i32
      %shift_right_arithmetic3A_556 = vector.broadcast %shift_right_arithmetic3A_555 : i32 to vector<16xi32>
      %shift_right_arithmetic3A_557 = arith.shrsi %get3A_542, %shift_right_arithmetic3A_556 : vector<16xi32>
      %and3A_558 = vector.broadcast %scan3A_63 : i32 to vector<16xi32>
      %and3A_559 = arith.andi %shift_right_arithmetic3A_557, %and3A_558 : vector<16xi32>
      %mul3A_560 = arith.constant 256 : i32
      %mul3A_561 = vector.broadcast %mul3A_560 : i32 to vector<16xi32>
      %mul3A_562 = arith.muli %and3A_549, %mul3A_561 : vector<16xi32>
      %add3A_563 = vector.broadcast %mul3A_0 : i32 to vector<16xi32>
      %add3A_564 = arith.addi %add3A_563, %mul3A_562 : vector<16xi32>
      %mul3A_565 = arith.constant 256 : i32
      %mul3A_566 = vector.broadcast %mul3A_565 : i32 to vector<16xi32>
      %mul3A_567 = arith.muli %and3A_559, %mul3A_566 : vector<16xi32>
      %add3A_568 = vector.broadcast %mul3A_0 : i32 to vector<16xi32>
      %add3A_569 = arith.addi %add3A_568, %mul3A_567 : vector<16xi32>
      %add3A_570 = arith.addi %add3A_564, %and3A_544 : vector<16xi32>
      %swap3A_571 = arith.constant 1 : i32
      %swap3A_572 = arith.index_cast %swap3A_571 : i32 to index
      %swap3A_573 = arith.constant 0 : index
      %swap3A_574 = tpu.vector_load %arg10[%swap3A_572, %swap3A_573] {strides = array<i32>} : memref<8x128xi32, #tpu.memory_space<vmem>>, vector<1x16xi32>,
      %swap3A_575 = vector.shape_cast %swap3A_574 : vector<1x16xi32> to vector<16xi32>
      %swap3A_576 = vector.shape_cast %add3A_570 : vector<16xi32> to vector<1x16xi32>
      tpu.vector_store %arg10[%swap3A_572, %swap3A_573], %swap3A_576 {strides = array<i32>} : memref<8x128xi32, #tpu.memory_space<vmem>>, vector<1x16xi32>,
      %add3A_577 = arith.addi %add3A_564, %and3A_554 : vector<16xi32>
      %swap3A_578 = arith.constant 1 : i32
      %swap3A_579 = arith.index_cast %swap3A_578 : i32 to index
      %swap3A_580 = arith.constant 16 : index
      %swap3A_581 = tpu.vector_load %arg10[%swap3A_579, %swap3A_580] {strides = array<i32>} : memref<8x128xi32, #tpu.memory_space<vmem>>, vector<1x16xi32>,
      %swap3A_582 = vector.shape_cast %swap3A_581 : vector<1x16xi32> to vector<16xi32>
      %swap3A_583 = vector.shape_cast %add3A_577 : vector<16xi32> to vector<1x16xi32>
      tpu.vector_store %arg10[%swap3A_579, %swap3A_580], %swap3A_583 {strides = array<i32>} : memref<8x128xi32, #tpu.memory_space<vmem>>, vector<1x16xi32>,
      %add3A_584 = arith.addi %add3A_569, %and3A_544 : vector<16xi32>
      %swap3A_585 = arith.constant 1 : i32
      %swap3A_586 = arith.index_cast %swap3A_585 : i32 to index
      %swap3A_587 = arith.constant 32 : index
      %swap3A_588 = tpu.vector_load %arg10[%swap3A_586, %swap3A_587] {strides = array<i32>} : memref<8x128xi32, #tpu.memory_space<vmem>>, vector<1x16xi32>,
      %swap3A_589 = vector.shape_cast %swap3A_588 : vector<1x16xi32> to vector<16xi32>
      %swap3A_590 = vector.shape_cast %add3A_584 : vector<16xi32> to vector<1x16xi32>
      tpu.vector_store %arg10[%swap3A_586, %swap3A_587], %swap3A_590 {strides = array<i32>} : memref<8x128xi32, #tpu.memory_space<vmem>>, vector<1x16xi32>,
      %add3A_591 = arith.addi %add3A_569, %and3A_554 : vector<16xi32>
      %swap3A_592 = arith.constant 1 : i32
      %swap3A_593 = arith.index_cast %swap3A_592 : i32 to index
      %swap3A_594 = arith.constant 48 : index
      %swap3A_595 = tpu.vector_load %arg10[%swap3A_593, %swap3A_594] {strides = array<i32>} : memref<8x128xi32, #tpu.memory_space<vmem>>, vector<1x16xi32>,
      %swap3A_596 = vector.shape_cast %swap3A_595 : vector<1x16xi32> to vector<16xi32>
      %swap3A_597 = vector.shape_cast %add3A_591 : vector<16xi32> to vector<1x16xi32>
      tpu.vector_store %arg10[%swap3A_593, %swap3A_594], %swap3A_597 {strides = array<i32>} : memref<8x128xi32, #tpu.memory_space<vmem>>, vector<1x16xi32>,
      %neg3A_598 = arith.constant 0.000000e+00 : f32
      %neg3A_599 = vector.broadcast %neg3A_598 : f32 to vector<16xf32>
      %neg3A_600 = arith.subf %neg3A_599, %get3A_539 : vector<16xf32>
      %swap3A_601 = arith.constant 1 : i32
      %swap3A_602 = arith.index_cast %swap3A_601 : i32 to index
      %swap3A_603 = arith.constant 0 : index
      %swap3A_604 = tpu.vector_load %arg11[%swap3A_602, %swap3A_603] {strides = array<i32>} : memref<8x128xf32, #tpu.memory_space<vmem>>, vector<1x16xf32>,
      %swap3A_605 = vector.shape_cast %swap3A_604 : vector<1x16xf32> to vector<16xf32>
      %swap3A_606 = vector.shape_cast %get3A_539 : vector<16xf32> to vector<1x16xf32>
      tpu.vector_store %arg11[%swap3A_602, %swap3A_603], %swap3A_606 {strides = array<i32>} : memref<8x128xf32, #tpu.memory_space<vmem>>, vector<1x16xf32>,
      %swap3A_607 = arith.constant 1 : i32
      %swap3A_608 = arith.index_cast %swap3A_607 : i32 to index
      %swap3A_609 = arith.constant 16 : index
      %swap3A_610 = tpu.vector_load %arg11[%swap3A_608, %swap3A_609] {strides = array<i32>} : memref<8x128xf32, #tpu.memory_space<vmem>>, vector<1x16xf32>,
      %swap3A_611 = vector.shape_cast %swap3A_610 : vector<1x16xf32> to vector<16xf32>
      %swap3A_612 = vector.shape_cast %neg3A_600 : vector<16xf32> to vector<1x16xf32>
      tpu.vector_store %arg11[%swap3A_608, %swap3A_609], %swap3A_612 {strides = array<i32>} : memref<8x128xf32, #tpu.memory_space<vmem>>, vector<1x16xf32>,
      %swap3A_613 = arith.constant 1 : i32
      %swap3A_614 = arith.index_cast %swap3A_613 : i32 to index
      %swap3A_615 = arith.constant 32 : index
      %swap3A_616 = tpu.vector_load %arg11[%swap3A_614, %swap3A_615] {strides = array<i32>} : memref<8x128xf32, #tpu.memory_space<vmem>>, vector<1x16xf32>,
      %swap3A_617 = vector.shape_cast %swap3A_616 : vector<1x16xf32> to vector<16xf32>
      %swap3A_618 = vector.shape_cast %neg3A_600 : vector<16xf32> to vector<1x16xf32>
      tpu.vector_store %arg11[%swap3A_614, %swap3A_615], %swap3A_618 {strides = array<i32>} : memref<8x128xf32, #tpu.memory_space<vmem>>, vector<1x16xf32>,
      %swap3A_619 = arith.constant 1 : i32
      %swap3A_620 = arith.index_cast %swap3A_619 : i32 to index
      %swap3A_621 = arith.constant 48 : index
      %swap3A_622 = tpu.vector_load %arg11[%swap3A_620, %swap3A_621] {strides = array<i32>} : memref<8x128xf32, #tpu.memory_space<vmem>>, vector<1x16xf32>,
      %swap3A_623 = vector.shape_cast %swap3A_622 : vector<1x16xf32> to vector<16xf32>
      %swap3A_624 = vector.shape_cast %get3A_539 : vector<16xf32> to vector<1x16xf32>
      tpu.vector_store %arg11[%swap3A_620, %swap3A_621], %swap3A_624 {strides = array<i32>} : memref<8x128xf32, #tpu.memory_space<vmem>>, vector<1x16xf32>,
      %get3A_625 = arith.constant 48 : index
      %get3A_626 = tpu.vector_load %arg6[%get3A_625] {strides = array<i32>} : memref<256xf32, #tpu.memory_space<vmem>>, vector<16xf32>,
      %get3A_627 = vector.shape_cast %get3A_626 : vector<16xf32> to vector<16xf32>
      %get3A_628 = arith.constant 48 : index
      %get3A_629 = tpu.vector_load %arg7[%get3A_628] {strides = array<i32>} : memref<256xi32, #tpu.memory_space<vmem>>, vector<16xi32>,
      %get3A_630 = vector.shape_cast %get3A_629 : vector<16xi32> to vector<16xi32>
      %and3A_631 = vector.broadcast %scan3A_63 : i32 to vector<16xi32>
      %and3A_632 = arith.andi %get3A_630, %and3A_631 : vector<16xi32>
      %shift_right_arithmetic3A_633 = arith.constant 8 : i32
      %shift_right_arithmetic3A_634 = vector.broadcast %shift_right_arithmetic3A_633 : i32 to vector<16xi32>
      %shift_right_arithmetic3A_635 = arith.shrsi %get3A_630, %shift_right_arithmetic3A_634 : vector<16xi32>
      %and3A_636 = vector.broadcast %scan3A_63 : i32 to vector<16xi32>
      %and3A_637 = arith.andi %shift_right_arithmetic3A_635, %and3A_636 : vector<16xi32>
      %shift_right_arithmetic3A_638 = arith.constant 16 : i32
      %shift_right_arithmetic3A_639 = vector.broadcast %shift_right_arithmetic3A_638 : i32 to vector<16xi32>
      %shift_right_arithmetic3A_640 = arith.shrsi %get3A_630, %shift_right_arithmetic3A_639 : vector<16xi32>
      %and3A_641 = vector.broadcast %scan3A_63 : i32 to vector<16xi32>
      %and3A_642 = arith.andi %shift_right_arithmetic3A_640, %and3A_641 : vector<16xi32>
      %shift_right_arithmetic3A_643 = arith.constant 24 : i32
      %shift_right_arithmetic3A_644 = vector.broadcast %shift_right_arithmetic3A_643 : i32 to vector<16xi32>
      %shift_right_arithmetic3A_645 = arith.shrsi %get3A_630, %shift_right_arithmetic3A_644 : vector<16xi32>
      %and3A_646 = vector.broadcast %scan3A_63 : i32 to vector<16xi32>
      %and3A_647 = arith.andi %shift_right_arithmetic3A_645, %and3A_646 : vector<16xi32>
      %mul3A_648 = arith.constant 256 : i32
      %mul3A_649 = vector.broadcast %mul3A_648 : i32 to vector<16xi32>
      %mul3A_650 = arith.muli %and3A_637, %mul3A_649 : vector<16xi32>
      %add3A_651 = vector.broadcast %mul3A_0 : i32 to vector<16xi32>
      %add3A_652 = arith.addi %add3A_651, %mul3A_650 : vector<16xi32>
      %mul3A_653 = arith.constant 256 : i32
      %mul3A_654 = vector.broadcast %mul3A_653 : i32 to vector<16xi32>
      %mul3A_655 = arith.muli %and3A_647, %mul3A_654 : vector<16xi32>
      %add3A_656 = vector.broadcast %mul3A_0 : i32 to vector<16xi32>
      %add3A_657 = arith.addi %add3A_656, %mul3A_655 : vector<16xi32>
      %add3A_658 = arith.addi %add3A_652, %and3A_632 : vector<16xi32>
      %swap3A_659 = arith.constant 1 : i32
      %swap3A_660 = arith.index_cast %swap3A_659 : i32 to index
      %swap3A_661 = arith.constant 64 : index
      %swap3A_662 = tpu.vector_load %arg10[%swap3A_660, %swap3A_661] {strides = array<i32>} : memref<8x128xi32, #tpu.memory_space<vmem>>, vector<1x16xi32>,
      %swap3A_663 = vector.shape_cast %swap3A_662 : vector<1x16xi32> to vector<16xi32>
      %swap3A_664 = vector.shape_cast %add3A_658 : vector<16xi32> to vector<1x16xi32>
      tpu.vector_store %arg10[%swap3A_660, %swap3A_661], %swap3A_664 {strides = array<i32>} : memref<8x128xi32, #tpu.memory_space<vmem>>, vector<1x16xi32>,
      %add3A_665 = arith.addi %add3A_652, %and3A_642 : vector<16xi32>
      %swap3A_666 = arith.constant 1 : i32
      %swap3A_667 = arith.index_cast %swap3A_666 : i32 to index
      %swap3A_668 = arith.constant 80 : index
      %swap3A_669 = tpu.vector_load %arg10[%swap3A_667, %swap3A_668] {strides = array<i32>} : memref<8x128xi32, #tpu.memory_space<vmem>>, vector<1x16xi32>,
      %swap3A_670 = vector.shape_cast %swap3A_669 : vector<1x16xi32> to vector<16xi32>
      %swap3A_671 = vector.shape_cast %add3A_665 : vector<16xi32> to vector<1x16xi32>
      tpu.vector_store %arg10[%swap3A_667, %swap3A_668], %swap3A_671 {strides = array<i32>} : memref<8x128xi32, #tpu.memory_space<vmem>>, vector<1x16xi32>,
      %add3A_672 = arith.addi %add3A_657, %and3A_632 : vector<16xi32>
      %swap3A_673 = arith.constant 1 : i32
      %swap3A_674 = arith.index_cast %swap3A_673 : i32 to index
      %swap3A_675 = arith.constant 96 : index
      %swap3A_676 = tpu.vector_load %arg10[%swap3A_674, %swap3A_675] {strides = array<i32>} : memref<8x128xi32, #tpu.memory_space<vmem>>, vector<1x16xi32>,
      %swap3A_677 = vector.shape_cast %swap3A_676 : vector<1x16xi32> to vector<16xi32>
      %swap3A_678 = vector.shape_cast %add3A_672 : vector<16xi32> to vector<1x16xi32>
      tpu.vector_store %arg10[%swap3A_674, %swap3A_675], %swap3A_678 {strides = array<i32>} : memref<8x128xi32, #tpu.memory_space<vmem>>, vector<1x16xi32>,
      %add3A_679 = arith.addi %add3A_657, %and3A_642 : vector<16xi32>
      %swap3A_680 = arith.constant 1 : i32
      %swap3A_681 = arith.index_cast %swap3A_680 : i32 to index
      %swap3A_682 = arith.constant 112 : index
      %swap3A_683 = tpu.vector_load %arg10[%swap3A_681, %swap3A_682] {strides = array<i32>} : memref<8x128xi32, #tpu.memory_space<vmem>>, vector<1x16xi32>,
      %swap3A_684 = vector.shape_cast %swap3A_683 : vector<1x16xi32> to vector<16xi32>
      %swap3A_685 = vector.shape_cast %add3A_679 : vector<16xi32> to vector<1x16xi32>
      tpu.vector_store %arg10[%swap3A_681, %swap3A_682], %swap3A_685 {strides = array<i32>} : memref<8x128xi32, #tpu.memory_space<vmem>>, vector<1x16xi32>,
      %neg3A_686 = arith.constant 0.000000e+00 : f32
      %neg3A_687 = vector.broadcast %neg3A_686 : f32 to vector<16xf32>
      %neg3A_688 = arith.subf %neg3A_687, %get3A_627 : vector<16xf32>
      %swap3A_689 = arith.constant 1 : i32
      %swap3A_690 = arith.index_cast %swap3A_689 : i32 to index
      %swap3A_691 = arith.constant 64 : index
      %swap3A_692 = tpu.vector_load %arg11[%swap3A_690, %swap3A_691] {strides = array<i32>} : memref<8x128xf32, #tpu.memory_space<vmem>>, vector<1x16xf32>,
      %swap3A_693 = vector.shape_cast %swap3A_692 : vector<1x16xf32> to vector<16xf32>
      %swap3A_694 = vector.shape_cast %get3A_627 : vector<16xf32> to vector<1x16xf32>
      tpu.vector_store %arg11[%swap3A_690, %swap3A_691], %swap3A_694 {strides = array<i32>} : memref<8x128xf32, #tpu.memory_space<vmem>>, vector<1x16xf32>,
      %swap3A_695 = arith.constant 1 : i32
      %swap3A_696 = arith.index_cast %swap3A_695 : i32 to index
      %swap3A_697 = arith.constant 80 : index
      %swap3A_698 = tpu.vector_load %arg11[%swap3A_696, %swap3A_697] {strides = array<i32>} : memref<8x128xf32, #tpu.memory_space<vmem>>, vector<1x16xf32>,
      %swap3A_699 = vector.shape_cast %swap3A_698 : vector<1x16xf32> to vector<16xf32>
      %swap3A_700 = vector.shape_cast %neg3A_688 : vector<16xf32> to vector<1x16xf32>
      tpu.vector_store %arg11[%swap3A_696, %swap3A_697], %swap3A_700 {strides = array<i32>} : memref<8x128xf32, #tpu.memory_space<vmem>>, vector<1x16xf32>,
      %swap3A_701 = arith.constant 1 : i32
      %swap3A_702 = arith.index_cast %swap3A_701 : i32 to index
      %swap3A_703 = arith.constant 96 : index
      %swap3A_704 = tpu.vector_load %arg11[%swap3A_702, %swap3A_703] {strides = array<i32>} : memref<8x128xf32, #tpu.memory_space<vmem>>, vector<1x16xf32>,
      %swap3A_705 = vector.shape_cast %swap3A_704 : vector<1x16xf32> to vector<16xf32>
      %swap3A_706 = vector.shape_cast %neg3A_688 : vector<16xf32> to vector<1x16xf32>
      tpu.vector_store %arg11[%swap3A_702, %swap3A_703], %swap3A_706 {strides = array<i32>} : memref<8x128xf32, #tpu.memory_space<vmem>>, vector<1x16xf32>,
      %swap3A_707 = arith.constant 1 : i32
      %swap3A_708 = arith.index_cast %swap3A_707 : i32 to index
      %swap3A_709 = arith.constant 112 : index
      %swap3A_710 = tpu.vector_load %arg11[%swap3A_708, %swap3A_709] {strides = array<i32>} : memref<8x128xf32, #tpu.memory_space<vmem>>, vector<1x16xf32>,
      %swap3A_711 = vector.shape_cast %swap3A_710 : vector<1x16xf32> to vector<16xf32>
      %swap3A_712 = vector.shape_cast %get3A_627 : vector<16xf32> to vector<1x16xf32>
      tpu.vector_store %arg11[%swap3A_708, %swap3A_709], %swap3A_712 {strides = array<i32>} : memref<8x128xf32, #tpu.memory_space<vmem>>, vector<1x16xf32>,
      %get3A_713 = arith.constant 64 : index
      %get3A_714 = tpu.vector_load %arg6[%get3A_713] {strides = array<i32>} : memref<256xf32, #tpu.memory_space<vmem>>, vector<16xf32>,
      %get3A_715 = vector.shape_cast %get3A_714 : vector<16xf32> to vector<16xf32>
      %get3A_716 = arith.constant 64 : index
      %get3A_717 = tpu.vector_load %arg7[%get3A_716] {strides = array<i32>} : memref<256xi32, #tpu.memory_space<vmem>>, vector<16xi32>,
      %get3A_718 = vector.shape_cast %get3A_717 : vector<16xi32> to vector<16xi32>
      %and3A_719 = vector.broadcast %scan3A_63 : i32 to vector<16xi32>
      %and3A_720 = arith.andi %get3A_718, %and3A_719 : vector<16xi32>
      %shift_right_arithmetic3A_721 = arith.constant 8 : i32
      %shift_right_arithmetic3A_722 = vector.broadcast %shift_right_arithmetic3A_721 : i32 to vector<16xi32>
      %shift_right_arithmetic3A_723 = arith.shrsi %get3A_718, %shift_right_arithmetic3A_722 : vector<16xi32>
      %and3A_724 = vector.broadcast %scan3A_63 : i32 to vector<16xi32>
      %and3A_725 = arith.andi %shift_right_arithmetic3A_723, %and3A_724 : vector<16xi32>
      %shift_right_arithmetic3A_726 = arith.constant 16 : i32
      %shift_right_arithmetic3A_727 = vector.broadcast %shift_right_arithmetic3A_726 : i32 to vector<16xi32>
      %shift_right_arithmetic3A_728 = arith.shrsi %get3A_718, %shift_right_arithmetic3A_727 : vector<16xi32>
      %and3A_729 = vector.broadcast %scan3A_63 : i32 to vector<16xi32>
      %and3A_730 = arith.andi %shift_right_arithmetic3A_728, %and3A_729 : vector<16xi32>
      %shift_right_arithmetic3A_731 = arith.constant 24 : i32
      %shift_right_arithmetic3A_732 = vector.broadcast %shift_right_arithmetic3A_731 : i32 to vector<16xi32>
      %shift_right_arithmetic3A_733 = arith.shrsi %get3A_718, %shift_right_arithmetic3A_732 : vector<16xi32>
      %and3A_734 = vector.broadcast %scan3A_63 : i32 to vector<16xi32>
      %and3A_735 = arith.andi %shift_right_arithmetic3A_733, %and3A_734 : vector<16xi32>
      %mul3A_736 = arith.constant 256 : i32
      %mul3A_737 = vector.broadcast %mul3A_736 : i32 to vector<16xi32>
      %mul3A_738 = arith.muli %and3A_725, %mul3A_737 : vector<16xi32>
      %add3A_739 = vector.broadcast %mul3A_0 : i32 to vector<16xi32>
      %add3A_740 = arith.addi %add3A_739, %mul3A_738 : vector<16xi32>
      %mul3A_741 = arith.constant 256 : i32
      %mul3A_742 = vector.broadcast %mul3A_741 : i32 to vector<16xi32>
      %mul3A_743 = arith.muli %and3A_735, %mul3A_742 : vector<16xi32>
      %add3A_744 = vector.broadcast %mul3A_0 : i32 to vector<16xi32>
      %add3A_745 = arith.addi %add3A_744, %mul3A_743 : vector<16xi32>
      %add3A_746 = arith.addi %add3A_740, %and3A_720 : vector<16xi32>
      %swap3A_747 = arith.constant 2 : i32
      %swap3A_748 = arith.index_cast %swap3A_747 : i32 to index
      %swap3A_749 = arith.constant 0 : index
      %swap3A_750 = tpu.vector_load %arg10[%swap3A_748, %swap3A_749] {strides = array<i32>} : memref<8x128xi32, #tpu.memory_space<vmem>>, vector<1x16xi32>,
      %swap3A_751 = vector.shape_cast %swap3A_750 : vector<1x16xi32> to vector<16xi32>
      %swap3A_752 = vector.shape_cast %add3A_746 : vector<16xi32> to vector<1x16xi32>
      tpu.vector_store %arg10[%swap3A_748, %swap3A_749], %swap3A_752 {strides = array<i32>} : memref<8x128xi32, #tpu.memory_space<vmem>>, vector<1x16xi32>,
      %add3A_753 = arith.addi %add3A_740, %and3A_730 : vector<16xi32>
      %swap3A_754 = arith.constant 2 : i32
      %swap3A_755 = arith.index_cast %swap3A_754 : i32 to index
      %swap3A_756 = arith.constant 16 : index
      %swap3A_757 = tpu.vector_load %arg10[%swap3A_755, %swap3A_756] {strides = array<i32>} : memref<8x128xi32, #tpu.memory_space<vmem>>, vector<1x16xi32>,
      %swap3A_758 = vector.shape_cast %swap3A_757 : vector<1x16xi32> to vector<16xi32>
      %swap3A_759 = vector.shape_cast %add3A_753 : vector<16xi32> to vector<1x16xi32>
      tpu.vector_store %arg10[%swap3A_755, %swap3A_756], %swap3A_759 {strides = array<i32>} : memref<8x128xi32, #tpu.memory_space<vmem>>, vector<1x16xi32>,
      %add3A_760 = arith.addi %add3A_745, %and3A_720 : vector<16xi32>
      %swap3A_761 = arith.constant 2 : i32
      %swap3A_762 = arith.index_cast %swap3A_761 : i32 to index
      %swap3A_763 = arith.constant 32 : index
      %swap3A_764 = tpu.vector_load %arg10[%swap3A_762, %swap3A_763] {strides = array<i32>} : memref<8x128xi32, #tpu.memory_space<vmem>>, vector<1x16xi32>,
      %swap3A_765 = vector.shape_cast %swap3A_764 : vector<1x16xi32> to vector<16xi32>
      %swap3A_766 = vector.shape_cast %add3A_760 : vector<16xi32> to vector<1x16xi32>
      tpu.vector_store %arg10[%swap3A_762, %swap3A_763], %swap3A_766 {strides = array<i32>} : memref<8x128xi32, #tpu.memory_space<vmem>>, vector<1x16xi32>,
      %add3A_767 = arith.addi %add3A_745, %and3A_730 : vector<16xi32>
      %swap3A_768 = arith.constant 2 : i32
      %swap3A_769 = arith.index_cast %swap3A_768 : i32 to index
      %swap3A_770 = arith.constant 48 : index
      %swap3A_771 = tpu.vector_load %arg10[%swap3A_769, %swap3A_770] {strides = array<i32>} : memref<8x128xi32, #tpu.memory_space<vmem>>, vector<1x16xi32>,
      %swap3A_772 = vector.shape_cast %swap3A_771 : vector<1x16xi32> to vector<16xi32>
      %swap3A_773 = vector.shape_cast %add3A_767 : vector<16xi32> to vector<1x16xi32>
      tpu.vector_store %arg10[%swap3A_769, %swap3A_770], %swap3A_773 {strides = array<i32>} : memref<8x128xi32, #tpu.memory_space<vmem>>, vector<1x16xi32>,
      %neg3A_774 = arith.constant 0.000000e+00 : f32
      %neg3A_775 = vector.broadcast %neg3A_774 : f32 to vector<16xf32>
      %neg3A_776 = arith.subf %neg3A_775, %get3A_715 : vector<16xf32>
      %swap3A_777 = arith.constant 2 : i32
      %swap3A_778 = arith.index_cast %swap3A_777 : i32 to index
      %swap3A_779 = arith.constant 0 : index
      %swap3A_780 = tpu.vector_load %arg11[%swap3A_778, %swap3A_779] {strides = array<i32>} : memref<8x128xf32, #tpu.memory_space<vmem>>, vector<1x16xf32>,
      %swap3A_781 = vector.shape_cast %swap3A_780 : vector<1x16xf32> to vector<16xf32>
      %swap3A_782 = vector.shape_cast %get3A_715 : vector<16xf32> to vector<1x16xf32>
      tpu.vector_store %arg11[%swap3A_778, %swap3A_779], %swap3A_782 {strides = array<i32>} : memref<8x128xf32, #tpu.memory_space<vmem>>, vector<1x16xf32>,
      %swap3A_783 = arith.constant 2 : i32
      %swap3A_784 = arith.index_cast %swap3A_783 : i32 to index
      %swap3A_785 = arith.constant 16 : index
      %swap3A_786 = tpu.vector_load %arg11[%swap3A_784, %swap3A_785] {strides = array<i32>} : memref<8x128xf32, #tpu.memory_space<vmem>>, vector<1x16xf32>,
      %swap3A_787 = vector.shape_cast %swap3A_786 : vector<1x16xf32> to vector<16xf32>
      %swap3A_788 = vector.shape_cast %neg3A_776 : vector<16xf32> to vector<1x16xf32>
      tpu.vector_store %arg11[%swap3A_784, %swap3A_785], %swap3A_788 {strides = array<i32>} : memref<8x128xf32, #tpu.memory_space<vmem>>, vector<1x16xf32>,
      %swap3A_789 = arith.constant 2 : i32
      %swap3A_790 = arith.index_cast %swap3A_789 : i32 to index
      %swap3A_791 = arith.constant 32 : index
      %swap3A_792 = tpu.vector_load %arg11[%swap3A_790, %swap3A_791] {strides = array<i32>} : memref<8x128xf32, #tpu.memory_space<vmem>>, vector<1x16xf32>,
      %swap3A_793 = vector.shape_cast %swap3A_792 : vector<1x16xf32> to vector<16xf32>
      %swap3A_794 = vector.shape_cast %neg3A_776 : vector<16xf32> to vector<1x16xf32>
      tpu.vector_store %arg11[%swap3A_790, %swap3A_791], %swap3A_794 {strides = array<i32>} : memref<8x128xf32, #tpu.memory_space<vmem>>, vector<1x16xf32>,
      %swap3A_795 = arith.constant 2 : i32
      %swap3A_796 = arith.index_cast %swap3A_795 : i32 to index
      %swap3A_797 = arith.constant 48 : index
      %swap3A_798 = tpu.vector_load %arg11[%swap3A_796, %swap3A_797] {strides = array<i32>} : memref<8x128xf32, #tpu.memory_space<vmem>>, vector<1x16xf32>,
      %swap3A_799 = vector.shape_cast %swap3A_798 : vector<1x16xf32> to vector<16xf32>
      %swap3A_800 = vector.shape_cast %get3A_715 : vector<16xf32> to vector<1x16xf32>
      tpu.vector_store %arg11[%swap3A_796, %swap3A_797], %swap3A_800 {strides = array<i32>} : memref<8x128xf32, #tpu.memory_space<vmem>>, vector<1x16xf32>,
      %get3A_801 = arith.constant 80 : index
      %get3A_802 = tpu.vector_load %arg6[%get3A_801] {strides = array<i32>} : memref<256xf32, #tpu.memory_space<vmem>>, vector<16xf32>,
      %get3A_803 = vector.shape_cast %get3A_802 : vector<16xf32> to vector<16xf32>
      %get3A_804 = arith.constant 80 : index
      %get3A_805 = tpu.vector_load %arg7[%get3A_804] {strides = array<i32>} : memref<256xi32, #tpu.memory_space<vmem>>, vector<16xi32>,
      %get3A_806 = vector.shape_cast %get3A_805 : vector<16xi32> to vector<16xi32>
      %and3A_807 = vector.broadcast %scan3A_63 : i32 to vector<16xi32>
      %and3A_808 = arith.andi %get3A_806, %and3A_807 : vector<16xi32>
      %shift_right_arithmetic3A_809 = arith.constant 8 : i32
      %shift_right_arithmetic3A_810 = vector.broadcast %shift_right_arithmetic3A_809 : i32 to vector<16xi32>
      %shift_right_arithmetic3A_811 = arith.shrsi %get3A_806, %shift_right_arithmetic3A_810 : vector<16xi32>
      %and3A_812 = vector.broadcast %scan3A_63 : i32 to vector<16xi32>
      %and3A_813 = arith.andi %shift_right_arithmetic3A_811, %and3A_812 : vector<16xi32>
      %shift_right_arithmetic3A_814 = arith.constant 16 : i32
      %shift_right_arithmetic3A_815 = vector.broadcast %shift_right_arithmetic3A_814 : i32 to vector<16xi32>
      %shift_right_arithmetic3A_816 = arith.shrsi %get3A_806, %shift_right_arithmetic3A_815 : vector<16xi32>
      %and3A_817 = vector.broadcast %scan3A_63 : i32 to vector<16xi32>
      %and3A_818 = arith.andi %shift_right_arithmetic3A_816, %and3A_817 : vector<16xi32>
      %shift_right_arithmetic3A_819 = arith.constant 24 : i32
      %shift_right_arithmetic3A_820 = vector.broadcast %shift_right_arithmetic3A_819 : i32 to vector<16xi32>
      %shift_right_arithmetic3A_821 = arith.shrsi %get3A_806, %shift_right_arithmetic3A_820 : vector<16xi32>
      %and3A_822 = vector.broadcast %scan3A_63 : i32 to vector<16xi32>
      %and3A_823 = arith.andi %shift_right_arithmetic3A_821, %and3A_822 : vector<16xi32>
      %mul3A_824 = arith.constant 256 : i32
      %mul3A_825 = vector.broadcast %mul3A_824 : i32 to vector<16xi32>
      %mul3A_826 = arith.muli %and3A_813, %mul3A_825 : vector<16xi32>
      %add3A_827 = vector.broadcast %mul3A_0 : i32 to vector<16xi32>
      %add3A_828 = arith.addi %add3A_827, %mul3A_826 : vector<16xi32>
      %mul3A_829 = arith.constant 256 : i32
      %mul3A_830 = vector.broadcast %mul3A_829 : i32 to vector<16xi32>
      %mul3A_831 = arith.muli %and3A_823, %mul3A_830 : vector<16xi32>
      %add3A_832 = vector.broadcast %mul3A_0 : i32 to vector<16xi32>
      %add3A_833 = arith.addi %add3A_832, %mul3A_831 : vector<16xi32>
      %add3A_834 = arith.addi %add3A_828, %and3A_808 : vector<16xi32>
      %swap3A_835 = arith.constant 2 : i32
      %swap3A_836 = arith.index_cast %swap3A_835 : i32 to index
      %swap3A_837 = arith.constant 64 : index
      %swap3A_838 = tpu.vector_load %arg10[%swap3A_836, %swap3A_837] {strides = array<i32>} : memref<8x128xi32, #tpu.memory_space<vmem>>, vector<1x16xi32>,
      %swap3A_839 = vector.shape_cast %swap3A_838 : vector<1x16xi32> to vector<16xi32>
      %swap3A_840 = vector.shape_cast %add3A_834 : vector<16xi32> to vector<1x16xi32>
      tpu.vector_store %arg10[%swap3A_836, %swap3A_837], %swap3A_840 {strides = array<i32>} : memref<8x128xi32, #tpu.memory_space<vmem>>, vector<1x16xi32>,
      %add3A_841 = arith.addi %add3A_828, %and3A_818 : vector<16xi32>
      %swap3A_842 = arith.constant 2 : i32
      %swap3A_843 = arith.index_cast %swap3A_842 : i32 to index
      %swap3A_844 = arith.constant 80 : index
      %swap3A_845 = tpu.vector_load %arg10[%swap3A_843, %swap3A_844] {strides = array<i32>} : memref<8x128xi32, #tpu.memory_space<vmem>>, vector<1x16xi32>,
      %swap3A_846 = vector.shape_cast %swap3A_845 : vector<1x16xi32> to vector<16xi32>
      %swap3A_847 = vector.shape_cast %add3A_841 : vector<16xi32> to vector<1x16xi32>
      tpu.vector_store %arg10[%swap3A_843, %swap3A_844], %swap3A_847 {strides = array<i32>} : memref<8x128xi32, #tpu.memory_space<vmem>>, vector<1x16xi32>,
      %add3A_848 = arith.addi %add3A_833, %and3A_808 : vector<16xi32>
      %swap3A_849 = arith.constant 2 : i32
      %swap3A_850 = arith.index_cast %swap3A_849 : i32 to index
      %swap3A_851 = arith.constant 96 : index
      %swap3A_852 = tpu.vector_load %arg10[%swap3A_850, %swap3A_851] {strides = array<i32>} : memref<8x128xi32, #tpu.memory_space<vmem>>, vector<1x16xi32>,
      %swap3A_853 = vector.shape_cast %swap3A_852 : vector<1x16xi32> to vector<16xi32>
      %swap3A_854 = vector.shape_cast %add3A_848 : vector<16xi32> to vector<1x16xi32>
      tpu.vector_store %arg10[%swap3A_850, %swap3A_851], %swap3A_854 {strides = array<i32>} : memref<8x128xi32, #tpu.memory_space<vmem>>, vector<1x16xi32>,
      %add3A_855 = arith.addi %add3A_833, %and3A_818 : vector<16xi32>
      %swap3A_856 = arith.constant 2 : i32
      %swap3A_857 = arith.index_cast %swap3A_856 : i32 to index
      %swap3A_858 = arith.constant 112 : index
      %swap3A_859 = tpu.vector_load %arg10[%swap3A_857, %swap3A_858] {strides = array<i32>} : memref<8x128xi32, #tpu.memory_space<vmem>>, vector<1x16xi32>,
      %swap3A_860 = vector.shape_cast %swap3A_859 : vector<1x16xi32> to vector<16xi32>
      %swap3A_861 = vector.shape_cast %add3A_855 : vector<16xi32> to vector<1x16xi32>
      tpu.vector_store %arg10[%swap3A_857, %swap3A_858], %swap3A_861 {strides = array<i32>} : memref<8x128xi32, #tpu.memory_space<vmem>>, vector<1x16xi32>,
      %neg3A_862 = arith.constant 0.000000e+00 : f32
      %neg3A_863 = vector.broadcast %neg3A_862 : f32 to vector<16xf32>
      %neg3A_864 = arith.subf %neg3A_863, %get3A_803 : vector<16xf32>
      %swap3A_865 = arith.constant 2 : i32
      %swap3A_866 = arith.index_cast %swap3A_865 : i32 to index
      %swap3A_867 = arith.constant 64 : index
      %swap3A_868 = tpu.vector_load %arg11[%swap3A_866, %swap3A_867] {strides = array<i32>} : memref<8x128xf32, #tpu.memory_space<vmem>>, vector<1x16xf32>,
      %swap3A_869 = vector.shape_cast %swap3A_868 : vector<1x16xf32> to vector<16xf32>
      %swap3A_870 = vector.shape_cast %get3A_803 : vector<16xf32> to vector<1x16xf32>
      tpu.vector_store %arg11[%swap3A_866, %swap3A_867], %swap3A_870 {strides = array<i32>} : memref<8x128xf32, #tpu.memory_space<vmem>>, vector<1x16xf32>,
      %swap3A_871 = arith.constant 2 : i32
      %swap3A_872 = arith.index_cast %swap3A_871 : i32 to index
      %swap3A_873 = arith.constant 80 : index
      %swap3A_874 = tpu.vector_load %arg11[%swap3A_872, %swap3A_873] {strides = array<i32>} : memref<8x128xf32, #tpu.memory_space<vmem>>, vector<1x16xf32>,
      %swap3A_875 = vector.shape_cast %swap3A_874 : vector<1x16xf32> to vector<16xf32>
      %swap3A_876 = vector.shape_cast %neg3A_864 : vector<16xf32> to vector<1x16xf32>
      tpu.vector_store %arg11[%swap3A_872, %swap3A_873], %swap3A_876 {strides = array<i32>} : memref<8x128xf32, #tpu.memory_space<vmem>>, vector<1x16xf32>,
      %swap3A_877 = arith.constant 2 : i32
      %swap3A_878 = arith.index_cast %swap3A_877 : i32 to index
      %swap3A_879 = arith.constant 96 : index
      %swap3A_880 = tpu.vector_load %arg11[%swap3A_878, %swap3A_879] {strides = array<i32>} : memref<8x128xf32, #tpu.memory_space<vmem>>, vector<1x16xf32>,
      %swap3A_881 = vector.shape_cast %swap3A_880 : vector<1x16xf32> to vector<16xf32>
      %swap3A_882 = vector.shape_cast %neg3A_864 : vector<16xf32> to vector<1x16xf32>
      tpu.vector_store %arg11[%swap3A_878, %swap3A_879], %swap3A_882 {strides = array<i32>} : memref<8x128xf32, #tpu.memory_space<vmem>>, vector<1x16xf32>,
      %swap3A_883 = arith.constant 2 : i32
      %swap3A_884 = arith.index_cast %swap3A_883 : i32 to index
      %swap3A_885 = arith.constant 112 : index
      %swap3A_886 = tpu.vector_load %arg11[%swap3A_884, %swap3A_885] {strides = array<i32>} : memref<8x128xf32, #tpu.memory_space<vmem>>, vector<1x16xf32>,
      %swap3A_887 = vector.shape_cast %swap3A_886 : vector<1x16xf32> to vector<16xf32>
      %swap3A_888 = vector.shape_cast %get3A_803 : vector<16xf32> to vector<1x16xf32>
      tpu.vector_store %arg11[%swap3A_884, %swap3A_885], %swap3A_888 {strides = array<i32>} : memref<8x128xf32, #tpu.memory_space<vmem>>, vector<1x16xf32>,
      %get3A_889 = arith.constant 96 : index
      %get3A_890 = tpu.vector_load %arg6[%get3A_889] {strides = array<i32>} : memref<256xf32, #tpu.memory_space<vmem>>, vector<16xf32>,
      %get3A_891 = vector.shape_cast %get3A_890 : vector<16xf32> to vector<16xf32>
      %get3A_892 = arith.constant 96 : index
      %get3A_893 = tpu.vector_load %arg7[%get3A_892] {strides = array<i32>} : memref<256xi32, #tpu.memory_space<vmem>>, vector<16xi32>,
      %get3A_894 = vector.shape_cast %get3A_893 : vector<16xi32> to vector<16xi32>
      %and3A_895 = vector.broadcast %scan3A_63 : i32 to vector<16xi32>
      %and3A_896 = arith.andi %get3A_894, %and3A_895 : vector<16xi32>
      %shift_right_arithmetic3A_897 = arith.constant 8 : i32
      %shift_right_arithmetic3A_898 = vector.broadcast %shift_right_arithmetic3A_897 : i32 to vector<16xi32>
      %shift_right_arithmetic3A_899 = arith.shrsi %get3A_894, %shift_right_arithmetic3A_898 : vector<16xi32>
      %and3A_900 = vector.broadcast %scan3A_63 : i32 to vector<16xi32>
      %and3A_901 = arith.andi %shift_right_arithmetic3A_899, %and3A_900 : vector<16xi32>
      %shift_right_arithmetic3A_902 = arith.constant 16 : i32
      %shift_right_arithmetic3A_903 = vector.broadcast %shift_right_arithmetic3A_902 : i32 to vector<16xi32>
      %shift_right_arithmetic3A_904 = arith.shrsi %get3A_894, %shift_right_arithmetic3A_903 : vector<16xi32>
      %and3A_905 = vector.broadcast %scan3A_63 : i32 to vector<16xi32>
      %and3A_906 = arith.andi %shift_right_arithmetic3A_904, %and3A_905 : vector<16xi32>
      %shift_right_arithmetic3A_907 = arith.constant 24 : i32
      %shift_right_arithmetic3A_908 = vector.broadcast %shift_right_arithmetic3A_907 : i32 to vector<16xi32>
      %shift_right_arithmetic3A_909 = arith.shrsi %get3A_894, %shift_right_arithmetic3A_908 : vector<16xi32>
      %and3A_910 = vector.broadcast %scan3A_63 : i32 to vector<16xi32>
      %and3A_911 = arith.andi %shift_right_arithmetic3A_909, %and3A_910 : vector<16xi32>
      %mul3A_912 = arith.constant 256 : i32
      %mul3A_913 = vector.broadcast %mul3A_912 : i32 to vector<16xi32>
      %mul3A_914 = arith.muli %and3A_901, %mul3A_913 : vector<16xi32>
      %add3A_915 = vector.broadcast %mul3A_0 : i32 to vector<16xi32>
      %add3A_916 = arith.addi %add3A_915, %mul3A_914 : vector<16xi32>
      %mul3A_917 = arith.constant 256 : i32
      %mul3A_918 = vector.broadcast %mul3A_917 : i32 to vector<16xi32>
      %mul3A_919 = arith.muli %and3A_911, %mul3A_918 : vector<16xi32>
      %add3A_920 = vector.broadcast %mul3A_0 : i32 to vector<16xi32>
      %add3A_921 = arith.addi %add3A_920, %mul3A_919 : vector<16xi32>
      %add3A_922 = arith.addi %add3A_916, %and3A_896 : vector<16xi32>
      %swap3A_923 = arith.constant 3 : i32
      %swap3A_924 = arith.index_cast %swap3A_923 : i32 to index
      %swap3A_925 = arith.constant 0 : index
      %swap3A_926 = tpu.vector_load %arg10[%swap3A_924, %swap3A_925] {strides = array<i32>} : memref<8x128xi32, #tpu.memory_space<vmem>>, vector<1x16xi32>,
      %swap3A_927 = vector.shape_cast %swap3A_926 : vector<1x16xi32> to vector<16xi32>
      %swap3A_928 = vector.shape_cast %add3A_922 : vector<16xi32> to vector<1x16xi32>
      tpu.vector_store %arg10[%swap3A_924, %swap3A_925], %swap3A_928 {strides = array<i32>} : memref<8x128xi32, #tpu.memory_space<vmem>>, vector<1x16xi32>,
      %add3A_929 = arith.addi %add3A_916, %and3A_906 : vector<16xi32>
      %swap3A_930 = arith.constant 3 : i32
      %swap3A_931 = arith.index_cast %swap3A_930 : i32 to index
      %swap3A_932 = arith.constant 16 : index
      %swap3A_933 = tpu.vector_load %arg10[%swap3A_931, %swap3A_932] {strides = array<i32>} : memref<8x128xi32, #tpu.memory_space<vmem>>, vector<1x16xi32>,
      %swap3A_934 = vector.shape_cast %swap3A_933 : vector<1x16xi32> to vector<16xi32>
      %swap3A_935 = vector.shape_cast %add3A_929 : vector<16xi32> to vector<1x16xi32>
      tpu.vector_store %arg10[%swap3A_931, %swap3A_932], %swap3A_935 {strides = array<i32>} : memref<8x128xi32, #tpu.memory_space<vmem>>, vector<1x16xi32>,
      %add3A_936 = arith.addi %add3A_921, %and3A_896 : vector<16xi32>
      %swap3A_937 = arith.constant 3 : i32
      %swap3A_938 = arith.index_cast %swap3A_937 : i32 to index
      %swap3A_939 = arith.constant 32 : index
      %swap3A_940 = tpu.vector_load %arg10[%swap3A_938, %swap3A_939] {strides = array<i32>} : memref<8x128xi32, #tpu.memory_space<vmem>>, vector<1x16xi32>,
      %swap3A_941 = vector.shape_cast %swap3A_940 : vector<1x16xi32> to vector<16xi32>
      %swap3A_942 = vector.shape_cast %add3A_936 : vector<16xi32> to vector<1x16xi32>
      tpu.vector_store %arg10[%swap3A_938, %swap3A_939], %swap3A_942 {strides = array<i32>} : memref<8x128xi32, #tpu.memory_space<vmem>>, vector<1x16xi32>,
      %add3A_943 = arith.addi %add3A_921, %and3A_906 : vector<16xi32>
      %swap3A_944 = arith.constant 3 : i32
      %swap3A_945 = arith.index_cast %swap3A_944 : i32 to index
      %swap3A_946 = arith.constant 48 : index
      %swap3A_947 = tpu.vector_load %arg10[%swap3A_945, %swap3A_946] {strides = array<i32>} : memref<8x128xi32, #tpu.memory_space<vmem>>, vector<1x16xi32>,
      %swap3A_948 = vector.shape_cast %swap3A_947 : vector<1x16xi32> to vector<16xi32>
      %swap3A_949 = vector.shape_cast %add3A_943 : vector<16xi32> to vector<1x16xi32>
      tpu.vector_store %arg10[%swap3A_945, %swap3A_946], %swap3A_949 {strides = array<i32>} : memref<8x128xi32, #tpu.memory_space<vmem>>, vector<1x16xi32>,
      %neg3A_950 = arith.constant 0.000000e+00 : f32
      %neg3A_951 = vector.broadcast %neg3A_950 : f32 to vector<16xf32>
      %neg3A_952 = arith.subf %neg3A_951, %get3A_891 : vector<16xf32>
      %swap3A_953 = arith.constant 3 : i32
      %swap3A_954 = arith.index_cast %swap3A_953 : i32 to index
      %swap3A_955 = arith.constant 0 : index
      %swap3A_956 = tpu.vector_load %arg11[%swap3A_954, %swap3A_955] {strides = array<i32>} : memref<8x128xf32, #tpu.memory_space<vmem>>, vector<1x16xf32>,
      %swap3A_957 = vector.shape_cast %swap3A_956 : vector<1x16xf32> to vector<16xf32>
      %swap3A_958 = vector.shape_cast %get3A_891 : vector<16xf32> to vector<1x16xf32>
      tpu.vector_store %arg11[%swap3A_954, %swap3A_955], %swap3A_958 {strides = array<i32>} : memref<8x128xf32, #tpu.memory_space<vmem>>, vector<1x16xf32>,
      %swap3A_959 = arith.constant 3 : i32
      %swap3A_960 = arith.index_cast %swap3A_959 : i32 to index
      %swap3A_961 = arith.constant 16 : index
      %swap3A_962 = tpu.vector_load %arg11[%swap3A_960, %swap3A_961] {strides = array<i32>} : memref<8x128xf32, #tpu.memory_space<vmem>>, vector<1x16xf32>,
      %swap3A_963 = vector.shape_cast %swap3A_962 : vector<1x16xf32> to vector<16xf32>
      %swap3A_964 = vector.shape_cast %neg3A_952 : vector<16xf32> to vector<1x16xf32>
      tpu.vector_store %arg11[%swap3A_960, %swap3A_961], %swap3A_964 {strides = array<i32>} : memref<8x128xf32, #tpu.memory_space<vmem>>, vector<1x16xf32>,
      %swap3A_965 = arith.constant 3 : i32
      %swap3A_966 = arith.index_cast %swap3A_965 : i32 to index
      %swap3A_967 = arith.constant 32 : index
      %swap3A_968 = tpu.vector_load %arg11[%swap3A_966, %swap3A_967] {strides = array<i32>} : memref<8x128xf32, #tpu.memory_space<vmem>>, vector<1x16xf32>,
      %swap3A_969 = vector.shape_cast %swap3A_968 : vector<1x16xf32> to vector<16xf32>
      %swap3A_970 = vector.shape_cast %neg3A_952 : vector<16xf32> to vector<1x16xf32>
      tpu.vector_store %arg11[%swap3A_966, %swap3A_967], %swap3A_970 {strides = array<i32>} : memref<8x128xf32, #tpu.memory_space<vmem>>, vector<1x16xf32>,
      %swap3A_971 = arith.constant 3 : i32
      %swap3A_972 = arith.index_cast %swap3A_971 : i32 to index
      %swap3A_973 = arith.constant 48 : index
      %swap3A_974 = tpu.vector_load %arg11[%swap3A_972, %swap3A_973] {strides = array<i32>} : memref<8x128xf32, #tpu.memory_space<vmem>>, vector<1x16xf32>,
      %swap3A_975 = vector.shape_cast %swap3A_974 : vector<1x16xf32> to vector<16xf32>
      %swap3A_976 = vector.shape_cast %get3A_891 : vector<16xf32> to vector<1x16xf32>
      tpu.vector_store %arg11[%swap3A_972, %swap3A_973], %swap3A_976 {strides = array<i32>} : memref<8x128xf32, #tpu.memory_space<vmem>>, vector<1x16xf32>,
      %get3A_977 = arith.constant 112 : index
      %get3A_978 = tpu.vector_load %arg6[%get3A_977] {strides = array<i32>} : memref<256xf32, #tpu.memory_space<vmem>>, vector<16xf32>,
      %get3A_979 = vector.shape_cast %get3A_978 : vector<16xf32> to vector<16xf32>
      %get3A_980 = arith.constant 112 : index
      %get3A_981 = tpu.vector_load %arg7[%get3A_980] {strides = array<i32>} : memref<256xi32, #tpu.memory_space<vmem>>, vector<16xi32>,
      %get3A_982 = vector.shape_cast %get3A_981 : vector<16xi32> to vector<16xi32>
      %and3A_983 = vector.broadcast %scan3A_63 : i32 to vector<16xi32>
      %and3A_984 = arith.andi %get3A_982, %and3A_983 : vector<16xi32>
      %shift_right_arithmetic3A_985 = arith.constant 8 : i32
      %shift_right_arithmetic3A_986 = vector.broadcast %shift_right_arithmetic3A_985 : i32 to vector<16xi32>
      %shift_right_arithmetic3A_987 = arith.shrsi %get3A_982, %shift_right_arithmetic3A_986 : vector<16xi32>
      %and3A_988 = vector.broadcast %scan3A_63 : i32 to vector<16xi32>
      %and3A_989 = arith.andi %shift_right_arithmetic3A_987, %and3A_988 : vector<16xi32>
      %shift_right_arithmetic3A_990 = arith.constant 16 : i32
      %shift_right_arithmetic3A_991 = vector.broadcast %shift_right_arithmetic3A_990 : i32 to vector<16xi32>
      %shift_right_arithmetic3A_992 = arith.shrsi %get3A_982, %shift_right_arithmetic3A_991 : vector<16xi32>
      %and3A_993 = vector.broadcast %scan3A_63 : i32 to vector<16xi32>
      %and3A_994 = arith.andi %shift_right_arithmetic3A_992, %and3A_993 : vector<16xi32>
      %shift_right_arithmetic3A_995 = arith.constant 24 : i32
      %shift_right_arithmetic3A_996 = vector.broadcast %shift_right_arithmetic3A_995 : i32 to vector<16xi32>
      %shift_right_arithmetic3A_997 = arith.shrsi %get3A_982, %shift_right_arithmetic3A_996 : vector<16xi32>
      %and3A_998 = vector.broadcast %scan3A_63 : i32 to vector<16xi32>
      %and3A_999 = arith.andi %shift_right_arithmetic3A_997, %and3A_998 : vector<16xi32>
      %mul3A_1000 = arith.constant 256 : i32
      %mul3A_1001 = vector.broadcast %mul3A_1000 : i32 to vector<16xi32>
      %mul3A_1002 = arith.muli %and3A_989, %mul3A_1001 : vector<16xi32>
      %add3A_1003 = vector.broadcast %mul3A_0 : i32 to vector<16xi32>
      %add3A_1004 = arith.addi %add3A_1003, %mul3A_1002 : vector<16xi32>
      %mul3A_1005 = arith.constant 256 : i32
      %mul3A_1006 = vector.broadcast %mul3A_1005 : i32 to vector<16xi32>
      %mul3A_1007 = arith.muli %and3A_999, %mul3A_1006 : vector<16xi32>
      %add3A_1008 = vector.broadcast %mul3A_0 : i32 to vector<16xi32>
      %add3A_1009 = arith.addi %add3A_1008, %mul3A_1007 : vector<16xi32>
      %add3A_1010 = arith.addi %add3A_1004, %and3A_984 : vector<16xi32>
      %swap3A_1011 = arith.constant 3 : i32
      %swap3A_1012 = arith.index_cast %swap3A_1011 : i32 to index
      %swap3A_1013 = arith.constant 64 : index
      %swap3A_1014 = tpu.vector_load %arg10[%swap3A_1012, %swap3A_1013] {strides = array<i32>} : memref<8x128xi32, #tpu.memory_space<vmem>>, vector<1x16xi32>,
      %swap3A_1015 = vector.shape_cast %swap3A_1014 : vector<1x16xi32> to vector<16xi32>
      %swap3A_1016 = vector.shape_cast %add3A_1010 : vector<16xi32> to vector<1x16xi32>
      tpu.vector_store %arg10[%swap3A_1012, %swap3A_1013], %swap3A_1016 {strides = array<i32>} : memref<8x128xi32, #tpu.memory_space<vmem>>, vector<1x16xi32>,
      %add3A_1017 = arith.addi %add3A_1004, %and3A_994 : vector<16xi32>
      %swap3A_1018 = arith.constant 3 : i32
      %swap3A_1019 = arith.index_cast %swap3A_1018 : i32 to index
      %swap3A_1020 = arith.constant 80 : index
      %swap3A_1021 = tpu.vector_load %arg10[%swap3A_1019, %swap3A_1020] {strides = array<i32>} : memref<8x128xi32, #tpu.memory_space<vmem>>, vector<1x16xi32>,
      %swap3A_1022 = vector.shape_cast %swap3A_1021 : vector<1x16xi32> to vector<16xi32>
      %swap3A_1023 = vector.shape_cast %add3A_1017 : vector<16xi32> to vector<1x16xi32>
      tpu.vector_store %arg10[%swap3A_1019, %swap3A_1020], %swap3A_1023 {strides = array<i32>} : memref<8x128xi32, #tpu.memory_space<vmem>>, vector<1x16xi32>,
      %add3A_1024 = arith.addi %add3A_1009, %and3A_984 : vector<16xi32>
      %swap3A_1025 = arith.constant 3 : i32
      %swap3A_1026 = arith.index_cast %swap3A_1025 : i32 to index
      %swap3A_1027 = arith.constant 96 : index
      %swap3A_1028 = tpu.vector_load %arg10[%swap3A_1026, %swap3A_1027] {strides = array<i32>} : memref<8x128xi32, #tpu.memory_space<vmem>>, vector<1x16xi32>,
      %swap3A_1029 = vector.shape_cast %swap3A_1028 : vector<1x16xi32> to vector<16xi32>
      %swap3A_1030 = vector.shape_cast %add3A_1024 : vector<16xi32> to vector<1x16xi32>
      tpu.vector_store %arg10[%swap3A_1026, %swap3A_1027], %swap3A_1030 {strides = array<i32>} : memref<8x128xi32, #tpu.memory_space<vmem>>, vector<1x16xi32>,
      %add3A_1031 = arith.addi %add3A_1009, %and3A_994 : vector<16xi32>
      %swap3A_1032 = arith.constant 3 : i32
      %swap3A_1033 = arith.index_cast %swap3A_1032 : i32 to index
      %swap3A_1034 = arith.constant 112 : index
      %swap3A_1035 = tpu.vector_load %arg10[%swap3A_1033, %swap3A_1034] {strides = array<i32>} : memref<8x128xi32, #tpu.memory_space<vmem>>, vector<1x16xi32>,
      %swap3A_1036 = vector.shape_cast %swap3A_1035 : vector<1x16xi32> to vector<16xi32>
      %swap3A_1037 = vector.shape_cast %add3A_1031 : vector<16xi32> to vector<1x16xi32>
      tpu.vector_store %arg10[%swap3A_1033, %swap3A_1034], %swap3A_1037 {strides = array<i32>} : memref<8x128xi32, #tpu.memory_space<vmem>>, vector<1x16xi32>,
      %neg3A_1038 = arith.constant 0.000000e+00 : f32
      %neg3A_1039 = vector.broadcast %neg3A_1038 : f32 to vector<16xf32>
      %neg3A_1040 = arith.subf %neg3A_1039, %get3A_979 : vector<16xf32>
      %swap3A_1041 = arith.constant 3 : i32
      %swap3A_1042 = arith.index_cast %swap3A_1041 : i32 to index
      %swap3A_1043 = arith.constant 64 : index
      %swap3A_1044 = tpu.vector_load %arg11[%swap3A_1042, %swap3A_1043] {strides = array<i32>} : memref<8x128xf32, #tpu.memory_space<vmem>>, vector<1x16xf32>,
      %swap3A_1045 = vector.shape_cast %swap3A_1044 : vector<1x16xf32> to vector<16xf32>
      %swap3A_1046 = vector.shape_cast %get3A_979 : vector<16xf32> to vector<1x16xf32>
      tpu.vector_store %arg11[%swap3A_1042, %swap3A_1043], %swap3A_1046 {strides = array<i32>} : memref<8x128xf32, #tpu.memory_space<vmem>>, vector<1x16xf32>,
      %swap3A_1047 = arith.constant 3 : i32
      %swap3A_1048 = arith.index_cast %swap3A_1047 : i32 to index
      %swap3A_1049 = arith.constant 80 : index
      %swap3A_1050 = tpu.vector_load %arg11[%swap3A_1048, %swap3A_1049] {strides = array<i32>} : memref<8x128xf32, #tpu.memory_space<vmem>>, vector<1x16xf32>,
      %swap3A_1051 = vector.shape_cast %swap3A_1050 : vector<1x16xf32> to vector<16xf32>
      %swap3A_1052 = vector.shape_cast %neg3A_1040 : vector<16xf32> to vector<1x16xf32>
      tpu.vector_store %arg11[%swap3A_1048, %swap3A_1049], %swap3A_1052 {strides = array<i32>} : memref<8x128xf32, #tpu.memory_space<vmem>>, vector<1x16xf32>,
      %swap3A_1053 = arith.constant 3 : i32
      %swap3A_1054 = arith.index_cast %swap3A_1053 : i32 to index
      %swap3A_1055 = arith.constant 96 : index
      %swap3A_1056 = tpu.vector_load %arg11[%swap3A_1054, %swap3A_1055] {strides = array<i32>} : memref<8x128xf32, #tpu.memory_space<vmem>>, vector<1x16xf32>,
      %swap3A_1057 = vector.shape_cast %swap3A_1056 : vector<1x16xf32> to vector<16xf32>
      %swap3A_1058 = vector.shape_cast %neg3A_1040 : vector<16xf32> to vector<1x16xf32>
      tpu.vector_store %arg11[%swap3A_1054, %swap3A_1055], %swap3A_1058 {strides = array<i32>} : memref<8x128xf32, #tpu.memory_space<vmem>>, vector<1x16xf32>,
      %swap3A_1059 = arith.constant 3 : i32
      %swap3A_1060 = arith.index_cast %swap3A_1059 : i32 to index
      %swap3A_1061 = arith.constant 112 : index
      %swap3A_1062 = tpu.vector_load %arg11[%swap3A_1060, %swap3A_1061] {strides = array<i32>} : memref<8x128xf32, #tpu.memory_space<vmem>>, vector<1x16xf32>,
      %swap3A_1063 = vector.shape_cast %swap3A_1062 : vector<1x16xf32> to vector<16xf32>
      %swap3A_1064 = vector.shape_cast %get3A_979 : vector<16xf32> to vector<1x16xf32>
      tpu.vector_store %arg11[%swap3A_1060, %swap3A_1061], %swap3A_1064 {strides = array<i32>} : memref<8x128xf32, #tpu.memory_space<vmem>>, vector<1x16xf32>,
      %get3A_1065 = arith.constant 128 : index
      %get3A_1066 = tpu.vector_load %arg6[%get3A_1065] {strides = array<i32>} : memref<256xf32, #tpu.memory_space<vmem>>, vector<16xf32>,
      %get3A_1067 = vector.shape_cast %get3A_1066 : vector<16xf32> to vector<16xf32>
      %get3A_1068 = arith.constant 128 : index
      %get3A_1069 = tpu.vector_load %arg7[%get3A_1068] {strides = array<i32>} : memref<256xi32, #tpu.memory_space<vmem>>, vector<16xi32>,
      %get3A_1070 = vector.shape_cast %get3A_1069 : vector<16xi32> to vector<16xi32>
      %and3A_1071 = vector.broadcast %scan3A_63 : i32 to vector<16xi32>
      %and3A_1072 = arith.andi %get3A_1070, %and3A_1071 : vector<16xi32>
      %shift_right_arithmetic3A_1073 = arith.constant 8 : i32
      %shift_right_arithmetic3A_1074 = vector.broadcast %shift_right_arithmetic3A_1073 : i32 to vector<16xi32>
      %shift_right_arithmetic3A_1075 = arith.shrsi %get3A_1070, %shift_right_arithmetic3A_1074 : vector<16xi32>
      %and3A_1076 = vector.broadcast %scan3A_63 : i32 to vector<16xi32>
      %and3A_1077 = arith.andi %shift_right_arithmetic3A_1075, %and3A_1076 : vector<16xi32>
      %shift_right_arithmetic3A_1078 = arith.constant 16 : i32
      %shift_right_arithmetic3A_1079 = vector.broadcast %shift_right_arithmetic3A_1078 : i32 to vector<16xi32>
      %shift_right_arithmetic3A_1080 = arith.shrsi %get3A_1070, %shift_right_arithmetic3A_1079 : vector<16xi32>
      %and3A_1081 = vector.broadcast %scan3A_63 : i32 to vector<16xi32>
      %and3A_1082 = arith.andi %shift_right_arithmetic3A_1080, %and3A_1081 : vector<16xi32>
      %shift_right_arithmetic3A_1083 = arith.constant 24 : i32
      %shift_right_arithmetic3A_1084 = vector.broadcast %shift_right_arithmetic3A_1083 : i32 to vector<16xi32>
      %shift_right_arithmetic3A_1085 = arith.shrsi %get3A_1070, %shift_right_arithmetic3A_1084 : vector<16xi32>
      %and3A_1086 = vector.broadcast %scan3A_63 : i32 to vector<16xi32>
      %and3A_1087 = arith.andi %shift_right_arithmetic3A_1085, %and3A_1086 : vector<16xi32>
      %mul3A_1088 = arith.constant 256 : i32
      %mul3A_1089 = vector.broadcast %mul3A_1088 : i32 to vector<16xi32>
      %mul3A_1090 = arith.muli %and3A_1077, %mul3A_1089 : vector<16xi32>
      %add3A_1091 = vector.broadcast %mul3A_0 : i32 to vector<16xi32>
      %add3A_1092 = arith.addi %add3A_1091, %mul3A_1090 : vector<16xi32>
      %mul3A_1093 = arith.constant 256 : i32
      %mul3A_1094 = vector.broadcast %mul3A_1093 : i32 to vector<16xi32>
      %mul3A_1095 = arith.muli %and3A_1087, %mul3A_1094 : vector<16xi32>
      %add3A_1096 = vector.broadcast %mul3A_0 : i32 to vector<16xi32>
      %add3A_1097 = arith.addi %add3A_1096, %mul3A_1095 : vector<16xi32>
      %add3A_1098 = arith.addi %add3A_1092, %and3A_1072 : vector<16xi32>
      %swap3A_1099 = arith.constant 4 : i32
      %swap3A_1100 = arith.index_cast %swap3A_1099 : i32 to index
      %swap3A_1101 = arith.constant 0 : index
      %swap3A_1102 = tpu.vector_load %arg10[%swap3A_1100, %swap3A_1101] {strides = array<i32>} : memref<8x128xi32, #tpu.memory_space<vmem>>, vector<1x16xi32>,
      %swap3A_1103 = vector.shape_cast %swap3A_1102 : vector<1x16xi32> to vector<16xi32>
      %swap3A_1104 = vector.shape_cast %add3A_1098 : vector<16xi32> to vector<1x16xi32>
      tpu.vector_store %arg10[%swap3A_1100, %swap3A_1101], %swap3A_1104 {strides = array<i32>} : memref<8x128xi32, #tpu.memory_space<vmem>>, vector<1x16xi32>,
      %add3A_1105 = arith.addi %add3A_1092, %and3A_1082 : vector<16xi32>
      %swap3A_1106 = arith.constant 4 : i32
      %swap3A_1107 = arith.index_cast %swap3A_1106 : i32 to index
      %swap3A_1108 = arith.constant 16 : index
      %swap3A_1109 = tpu.vector_load %arg10[%swap3A_1107, %swap3A_1108] {strides = array<i32>} : memref<8x128xi32, #tpu.memory_space<vmem>>, vector<1x16xi32>,
      %swap3A_1110 = vector.shape_cast %swap3A_1109 : vector<1x16xi32> to vector<16xi32>
      %swap3A_1111 = vector.shape_cast %add3A_1105 : vector<16xi32> to vector<1x16xi32>
      tpu.vector_store %arg10[%swap3A_1107, %swap3A_1108], %swap3A_1111 {strides = array<i32>} : memref<8x128xi32, #tpu.memory_space<vmem>>, vector<1x16xi32>,
      %add3A_1112 = arith.addi %add3A_1097, %and3A_1072 : vector<16xi32>
      %swap3A_1113 = arith.constant 4 : i32
      %swap3A_1114 = arith.index_cast %swap3A_1113 : i32 to index
      %swap3A_1115 = arith.constant 32 : index
      %swap3A_1116 = tpu.vector_load %arg10[%swap3A_1114, %swap3A_1115] {strides = array<i32>} : memref<8x128xi32, #tpu.memory_space<vmem>>, vector<1x16xi32>,
      %swap3A_1117 = vector.shape_cast %swap3A_1116 : vector<1x16xi32> to vector<16xi32>
      %swap3A_1118 = vector.shape_cast %add3A_1112 : vector<16xi32> to vector<1x16xi32>
      tpu.vector_store %arg10[%swap3A_1114, %swap3A_1115], %swap3A_1118 {strides = array<i32>} : memref<8x128xi32, #tpu.memory_space<vmem>>, vector<1x16xi32>,
      %add3A_1119 = arith.addi %add3A_1097, %and3A_1082 : vector<16xi32>
      %swap3A_1120 = arith.constant 4 : i32
      %swap3A_1121 = arith.index_cast %swap3A_1120 : i32 to index
      %swap3A_1122 = arith.constant 48 : index
      %swap3A_1123 = tpu.vector_load %arg10[%swap3A_1121, %swap3A_1122] {strides = array<i32>} : memref<8x128xi32, #tpu.memory_space<vmem>>, vector<1x16xi32>,
      %swap3A_1124 = vector.shape_cast %swap3A_1123 : vector<1x16xi32> to vector<16xi32>
      %swap3A_1125 = vector.shape_cast %add3A_1119 : vector<16xi32> to vector<1x16xi32>
      tpu.vector_store %arg10[%swap3A_1121, %swap3A_1122], %swap3A_1125 {strides = array<i32>} : memref<8x128xi32, #tpu.memory_space<vmem>>, vector<1x16xi32>,
      %neg3A_1126 = arith.constant 0.000000e+00 : f32
      %neg3A_1127 = vector.broadcast %neg3A_1126 : f32 to vector<16xf32>
      %neg3A_1128 = arith.subf %neg3A_1127, %get3A_1067 : vector<16xf32>
      %swap3A_1129 = arith.constant 4 : i32
      %swap3A_1130 = arith.index_cast %swap3A_1129 : i32 to index
      %swap3A_1131 = arith.constant 0 : index
      %swap3A_1132 = tpu.vector_load %arg11[%swap3A_1130, %swap3A_1131] {strides = array<i32>} : memref<8x128xf32, #tpu.memory_space<vmem>>, vector<1x16xf32>,
      %swap3A_1133 = vector.shape_cast %swap3A_1132 : vector<1x16xf32> to vector<16xf32>
      %swap3A_1134 = vector.shape_cast %get3A_1067 : vector<16xf32> to vector<1x16xf32>
      tpu.vector_store %arg11[%swap3A_1130, %swap3A_1131], %swap3A_1134 {strides = array<i32>} : memref<8x128xf32, #tpu.memory_space<vmem>>, vector<1x16xf32>,
      %swap3A_1135 = arith.constant 4 : i32
      %swap3A_1136 = arith.index_cast %swap3A_1135 : i32 to index
      %swap3A_1137 = arith.constant 16 : index
      %swap3A_1138 = tpu.vector_load %arg11[%swap3A_1136, %swap3A_1137] {strides = array<i32>} : memref<8x128xf32, #tpu.memory_space<vmem>>, vector<1x16xf32>,
      %swap3A_1139 = vector.shape_cast %swap3A_1138 : vector<1x16xf32> to vector<16xf32>
      %swap3A_1140 = vector.shape_cast %neg3A_1128 : vector<16xf32> to vector<1x16xf32>
      tpu.vector_store %arg11[%swap3A_1136, %swap3A_1137], %swap3A_1140 {strides = array<i32>} : memref<8x128xf32, #tpu.memory_space<vmem>>, vector<1x16xf32>,
      %swap3A_1141 = arith.constant 4 : i32
      %swap3A_1142 = arith.index_cast %swap3A_1141 : i32 to index
      %swap3A_1143 = arith.constant 32 : index
      %swap3A_1144 = tpu.vector_load %arg11[%swap3A_1142, %swap3A_1143] {strides = array<i32>} : memref<8x128xf32, #tpu.memory_space<vmem>>, vector<1x16xf32>,
      %swap3A_1145 = vector.shape_cast %swap3A_1144 : vector<1x16xf32> to vector<16xf32>
      %swap3A_1146 = vector.shape_cast %neg3A_1128 : vector<16xf32> to vector<1x16xf32>
      tpu.vector_store %arg11[%swap3A_1142, %swap3A_1143], %swap3A_1146 {strides = array<i32>} : memref<8x128xf32, #tpu.memory_space<vmem>>, vector<1x16xf32>,
      %swap3A_1147 = arith.constant 4 : i32
      %swap3A_1148 = arith.index_cast %swap3A_1147 : i32 to index
      %swap3A_1149 = arith.constant 48 : index
      %swap3A_1150 = tpu.vector_load %arg11[%swap3A_1148, %swap3A_1149] {strides = array<i32>} : memref<8x128xf32, #tpu.memory_space<vmem>>, vector<1x16xf32>,
      %swap3A_1151 = vector.shape_cast %swap3A_1150 : vector<1x16xf32> to vector<16xf32>
      %swap3A_1152 = vector.shape_cast %get3A_1067 : vector<16xf32> to vector<1x16xf32>
      tpu.vector_store %arg11[%swap3A_1148, %swap3A_1149], %swap3A_1152 {strides = array<i32>} : memref<8x128xf32, #tpu.memory_space<vmem>>, vector<1x16xf32>,
      %get3A_1153 = arith.constant 144 : index
      %get3A_1154 = tpu.vector_load %arg6[%get3A_1153] {strides = array<i32>} : memref<256xf32, #tpu.memory_space<vmem>>, vector<16xf32>,
      %get3A_1155 = vector.shape_cast %get3A_1154 : vector<16xf32> to vector<16xf32>
      %get3A_1156 = arith.constant 144 : index
      %get3A_1157 = tpu.vector_load %arg7[%get3A_1156] {strides = array<i32>} : memref<256xi32, #tpu.memory_space<vmem>>, vector<16xi32>,
      %get3A_1158 = vector.shape_cast %get3A_1157 : vector<16xi32> to vector<16xi32>
      %and3A_1159 = vector.broadcast %scan3A_63 : i32 to vector<16xi32>
      %and3A_1160 = arith.andi %get3A_1158, %and3A_1159 : vector<16xi32>
      %shift_right_arithmetic3A_1161 = arith.constant 8 : i32
      %shift_right_arithmetic3A_1162 = vector.broadcast %shift_right_arithmetic3A_1161 : i32 to vector<16xi32>
      %shift_right_arithmetic3A_1163 = arith.shrsi %get3A_1158, %shift_right_arithmetic3A_1162 : vector<16xi32>
      %and3A_1164 = vector.broadcast %scan3A_63 : i32 to vector<16xi32>
      %and3A_1165 = arith.andi %shift_right_arithmetic3A_1163, %and3A_1164 : vector<16xi32>
      %shift_right_arithmetic3A_1166 = arith.constant 16 : i32
      %shift_right_arithmetic3A_1167 = vector.broadcast %shift_right_arithmetic3A_1166 : i32 to vector<16xi32>
      %shift_right_arithmetic3A_1168 = arith.shrsi %get3A_1158, %shift_right_arithmetic3A_1167 : vector<16xi32>
      %and3A_1169 = vector.broadcast %scan3A_63 : i32 to vector<16xi32>
      %and3A_1170 = arith.andi %shift_right_arithmetic3A_1168, %and3A_1169 : vector<16xi32>
      %shift_right_arithmetic3A_1171 = arith.constant 24 : i32
      %shift_right_arithmetic3A_1172 = vector.broadcast %shift_right_arithmetic3A_1171 : i32 to vector<16xi32>
      %shift_right_arithmetic3A_1173 = arith.shrsi %get3A_1158, %shift_right_arithmetic3A_1172 : vector<16xi32>
      %and3A_1174 = vector.broadcast %scan3A_63 : i32 to vector<16xi32>
      %and3A_1175 = arith.andi %shift_right_arithmetic3A_1173, %and3A_1174 : vector<16xi32>
      %mul3A_1176 = arith.constant 256 : i32
      %mul3A_1177 = vector.broadcast %mul3A_1176 : i32 to vector<16xi32>
      %mul3A_1178 = arith.muli %and3A_1165, %mul3A_1177 : vector<16xi32>
      %add3A_1179 = vector.broadcast %mul3A_0 : i32 to vector<16xi32>
      %add3A_1180 = arith.addi %add3A_1179, %mul3A_1178 : vector<16xi32>
      %mul3A_1181 = arith.constant 256 : i32
      %mul3A_1182 = vector.broadcast %mul3A_1181 : i32 to vector<16xi32>
      %mul3A_1183 = arith.muli %and3A_1175, %mul3A_1182 : vector<16xi32>
      %add3A_1184 = vector.broadcast %mul3A_0 : i32 to vector<16xi32>
      %add3A_1185 = arith.addi %add3A_1184, %mul3A_1183 : vector<16xi32>
      %add3A_1186 = arith.addi %add3A_1180, %and3A_1160 : vector<16xi32>
      %swap3A_1187 = arith.constant 4 : i32
      %swap3A_1188 = arith.index_cast %swap3A_1187 : i32 to index
      %swap3A_1189 = arith.constant 64 : index
      %swap3A_1190 = tpu.vector_load %arg10[%swap3A_1188, %swap3A_1189] {strides = array<i32>} : memref<8x128xi32, #tpu.memory_space<vmem>>, vector<1x16xi32>,
      %swap3A_1191 = vector.shape_cast %swap3A_1190 : vector<1x16xi32> to vector<16xi32>
      %swap3A_1192 = vector.shape_cast %add3A_1186 : vector<16xi32> to vector<1x16xi32>
      tpu.vector_store %arg10[%swap3A_1188, %swap3A_1189], %swap3A_1192 {strides = array<i32>} : memref<8x128xi32, #tpu.memory_space<vmem>>, vector<1x16xi32>,
      %add3A_1193 = arith.addi %add3A_1180, %and3A_1170 : vector<16xi32>
      %swap3A_1194 = arith.constant 4 : i32
      %swap3A_1195 = arith.index_cast %swap3A_1194 : i32 to index
      %swap3A_1196 = arith.constant 80 : index
      %swap3A_1197 = tpu.vector_load %arg10[%swap3A_1195, %swap3A_1196] {strides = array<i32>} : memref<8x128xi32, #tpu.memory_space<vmem>>, vector<1x16xi32>,
      %swap3A_1198 = vector.shape_cast %swap3A_1197 : vector<1x16xi32> to vector<16xi32>
      %swap3A_1199 = vector.shape_cast %add3A_1193 : vector<16xi32> to vector<1x16xi32>
      tpu.vector_store %arg10[%swap3A_1195, %swap3A_1196], %swap3A_1199 {strides = array<i32>} : memref<8x128xi32, #tpu.memory_space<vmem>>, vector<1x16xi32>,
      %add3A_1200 = arith.addi %add3A_1185, %and3A_1160 : vector<16xi32>
      %swap3A_1201 = arith.constant 4 : i32
      %swap3A_1202 = arith.index_cast %swap3A_1201 : i32 to index
      %swap3A_1203 = arith.constant 96 : index
      %swap3A_1204 = tpu.vector_load %arg10[%swap3A_1202, %swap3A_1203] {strides = array<i32>} : memref<8x128xi32, #tpu.memory_space<vmem>>, vector<1x16xi32>,
      %swap3A_1205 = vector.shape_cast %swap3A_1204 : vector<1x16xi32> to vector<16xi32>
      %swap3A_1206 = vector.shape_cast %add3A_1200 : vector<16xi32> to vector<1x16xi32>
      tpu.vector_store %arg10[%swap3A_1202, %swap3A_1203], %swap3A_1206 {strides = array<i32>} : memref<8x128xi32, #tpu.memory_space<vmem>>, vector<1x16xi32>,
      %add3A_1207 = arith.addi %add3A_1185, %and3A_1170 : vector<16xi32>
      %swap3A_1208 = arith.constant 4 : i32
      %swap3A_1209 = arith.index_cast %swap3A_1208 : i32 to index
      %swap3A_1210 = arith.constant 112 : index
      %swap3A_1211 = tpu.vector_load %arg10[%swap3A_1209, %swap3A_1210] {strides = array<i32>} : memref<8x128xi32, #tpu.memory_space<vmem>>, vector<1x16xi32>,
      %swap3A_1212 = vector.shape_cast %swap3A_1211 : vector<1x16xi32> to vector<16xi32>
      %swap3A_1213 = vector.shape_cast %add3A_1207 : vector<16xi32> to vector<1x16xi32>
      tpu.vector_store %arg10[%swap3A_1209, %swap3A_1210], %swap3A_1213 {strides = array<i32>} : memref<8x128xi32, #tpu.memory_space<vmem>>, vector<1x16xi32>,
      %neg3A_1214 = arith.constant 0.000000e+00 : f32
      %neg3A_1215 = vector.broadcast %neg3A_1214 : f32 to vector<16xf32>
      %neg3A_1216 = arith.subf %neg3A_1215, %get3A_1155 : vector<16xf32>
      %swap3A_1217 = arith.constant 4 : i32
      %swap3A_1218 = arith.index_cast %swap3A_1217 : i32 to index
      %swap3A_1219 = arith.constant 64 : index
      %swap3A_1220 = tpu.vector_load %arg11[%swap3A_1218, %swap3A_1219] {strides = array<i32>} : memref<8x128xf32, #tpu.memory_space<vmem>>, vector<1x16xf32>,
      %swap3A_1221 = vector.shape_cast %swap3A_1220 : vector<1x16xf32> to vector<16xf32>
      %swap3A_1222 = vector.shape_cast %get3A_1155 : vector<16xf32> to vector<1x16xf32>
      tpu.vector_store %arg11[%swap3A_1218, %swap3A_1219], %swap3A_1222 {strides = array<i32>} : memref<8x128xf32, #tpu.memory_space<vmem>>, vector<1x16xf32>,
      %swap3A_1223 = arith.constant 4 : i32
      %swap3A_1224 = arith.index_cast %swap3A_1223 : i32 to index
      %swap3A_1225 = arith.constant 80 : index
      %swap3A_1226 = tpu.vector_load %arg11[%swap3A_1224, %swap3A_1225] {strides = array<i32>} : memref<8x128xf32, #tpu.memory_space<vmem>>, vector<1x16xf32>,
      %swap3A_1227 = vector.shape_cast %swap3A_1226 : vector<1x16xf32> to vector<16xf32>
      %swap3A_1228 = vector.shape_cast %neg3A_1216 : vector<16xf32> to vector<1x16xf32>
      tpu.vector_store %arg11[%swap3A_1224, %swap3A_1225], %swap3A_1228 {strides = array<i32>} : memref<8x128xf32, #tpu.memory_space<vmem>>, vector<1x16xf32>,
      %swap3A_1229 = arith.constant 4 : i32
      %swap3A_1230 = arith.index_cast %swap3A_1229 : i32 to index
      %swap3A_1231 = arith.constant 96 : index
      %swap3A_1232 = tpu.vector_load %arg11[%swap3A_1230, %swap3A_1231] {strides = array<i32>} : memref<8x128xf32, #tpu.memory_space<vmem>>, vector<1x16xf32>,
      %swap3A_1233 = vector.shape_cast %swap3A_1232 : vector<1x16xf32> to vector<16xf32>
      %swap3A_1234 = vector.shape_cast %neg3A_1216 : vector<16xf32> to vector<1x16xf32>
      tpu.vector_store %arg11[%swap3A_1230, %swap3A_1231], %swap3A_1234 {strides = array<i32>} : memref<8x128xf32, #tpu.memory_space<vmem>>, vector<1x16xf32>,
      %swap3A_1235 = arith.constant 4 : i32
      %swap3A_1236 = arith.index_cast %swap3A_1235 : i32 to index
      %swap3A_1237 = arith.constant 112 : index
      %swap3A_1238 = tpu.vector_load %arg11[%swap3A_1236, %swap3A_1237] {strides = array<i32>} : memref<8x128xf32, #tpu.memory_space<vmem>>, vector<1x16xf32>,
      %swap3A_1239 = vector.shape_cast %swap3A_1238 : vector<1x16xf32> to vector<16xf32>
      %swap3A_1240 = vector.shape_cast %get3A_1155 : vector<16xf32> to vector<1x16xf32>
      tpu.vector_store %arg11[%swap3A_1236, %swap3A_1237], %swap3A_1240 {strides = array<i32>} : memref<8x128xf32, #tpu.memory_space<vmem>>, vector<1x16xf32>,
      %get3A_1241 = arith.constant 160 : index
      %get3A_1242 = tpu.vector_load %arg6[%get3A_1241] {strides = array<i32>} : memref<256xf32, #tpu.memory_space<vmem>>, vector<16xf32>,
      %get3A_1243 = vector.shape_cast %get3A_1242 : vector<16xf32> to vector<16xf32>
      %get3A_1244 = arith.constant 160 : index
      %get3A_1245 = tpu.vector_load %arg7[%get3A_1244] {strides = array<i32>} : memref<256xi32, #tpu.memory_space<vmem>>, vector<16xi32>,
      %get3A_1246 = vector.shape_cast %get3A_1245 : vector<16xi32> to vector<16xi32>
      %and3A_1247 = vector.broadcast %scan3A_63 : i32 to vector<16xi32>
      %and3A_1248 = arith.andi %get3A_1246, %and3A_1247 : vector<16xi32>
      %shift_right_arithmetic3A_1249 = arith.constant 8 : i32
      %shift_right_arithmetic3A_1250 = vector.broadcast %shift_right_arithmetic3A_1249 : i32 to vector<16xi32>
      %shift_right_arithmetic3A_1251 = arith.shrsi %get3A_1246, %shift_right_arithmetic3A_1250 : vector<16xi32>
      %and3A_1252 = vector.broadcast %scan3A_63 : i32 to vector<16xi32>
      %and3A_1253 = arith.andi %shift_right_arithmetic3A_1251, %and3A_1252 : vector<16xi32>
      %shift_right_arithmetic3A_1254 = arith.constant 16 : i32
      %shift_right_arithmetic3A_1255 = vector.broadcast %shift_right_arithmetic3A_1254 : i32 to vector<16xi32>
      %shift_right_arithmetic3A_1256 = arith.shrsi %get3A_1246, %shift_right_arithmetic3A_1255 : vector<16xi32>
      %and3A_1257 = vector.broadcast %scan3A_63 : i32 to vector<16xi32>
      %and3A_1258 = arith.andi %shift_right_arithmetic3A_1256, %and3A_1257 : vector<16xi32>
      %shift_right_arithmetic3A_1259 = arith.constant 24 : i32
      %shift_right_arithmetic3A_1260 = vector.broadcast %shift_right_arithmetic3A_1259 : i32 to vector<16xi32>
      %shift_right_arithmetic3A_1261 = arith.shrsi %get3A_1246, %shift_right_arithmetic3A_1260 : vector<16xi32>
      %and3A_1262 = vector.broadcast %scan3A_63 : i32 to vector<16xi32>
      %and3A_1263 = arith.andi %shift_right_arithmetic3A_1261, %and3A_1262 : vector<16xi32>
      %mul3A_1264 = arith.constant 256 : i32
      %mul3A_1265 = vector.broadcast %mul3A_1264 : i32 to vector<16xi32>
      %mul3A_1266 = arith.muli %and3A_1253, %mul3A_1265 : vector<16xi32>
      %add3A_1267 = vector.broadcast %mul3A_0 : i32 to vector<16xi32>
      %add3A_1268 = arith.addi %add3A_1267, %mul3A_1266 : vector<16xi32>
      %mul3A_1269 = arith.constant 256 : i32
      %mul3A_1270 = vector.broadcast %mul3A_1269 : i32 to vector<16xi32>
      %mul3A_1271 = arith.muli %and3A_1263, %mul3A_1270 : vector<16xi32>
      %add3A_1272 = vector.broadcast %mul3A_0 : i32 to vector<16xi32>
      %add3A_1273 = arith.addi %add3A_1272, %mul3A_1271 : vector<16xi32>
      %add3A_1274 = arith.addi %add3A_1268, %and3A_1248 : vector<16xi32>
      %swap3A_1275 = arith.constant 5 : i32
      %swap3A_1276 = arith.index_cast %swap3A_1275 : i32 to index
      %swap3A_1277 = arith.constant 0 : index
      %swap3A_1278 = tpu.vector_load %arg10[%swap3A_1276, %swap3A_1277] {strides = array<i32>} : memref<8x128xi32, #tpu.memory_space<vmem>>, vector<1x16xi32>,
      %swap3A_1279 = vector.shape_cast %swap3A_1278 : vector<1x16xi32> to vector<16xi32>
      %swap3A_1280 = vector.shape_cast %add3A_1274 : vector<16xi32> to vector<1x16xi32>
      tpu.vector_store %arg10[%swap3A_1276, %swap3A_1277], %swap3A_1280 {strides = array<i32>} : memref<8x128xi32, #tpu.memory_space<vmem>>, vector<1x16xi32>,
      %add3A_1281 = arith.addi %add3A_1268, %and3A_1258 : vector<16xi32>
      %swap3A_1282 = arith.constant 5 : i32
      %swap3A_1283 = arith.index_cast %swap3A_1282 : i32 to index
      %swap3A_1284 = arith.constant 16 : index
      %swap3A_1285 = tpu.vector_load %arg10[%swap3A_1283, %swap3A_1284] {strides = array<i32>} : memref<8x128xi32, #tpu.memory_space<vmem>>, vector<1x16xi32>,
      %swap3A_1286 = vector.shape_cast %swap3A_1285 : vector<1x16xi32> to vector<16xi32>
      %swap3A_1287 = vector.shape_cast %add3A_1281 : vector<16xi32> to vector<1x16xi32>
      tpu.vector_store %arg10[%swap3A_1283, %swap3A_1284], %swap3A_1287 {strides = array<i32>} : memref<8x128xi32, #tpu.memory_space<vmem>>, vector<1x16xi32>,
      %add3A_1288 = arith.addi %add3A_1273, %and3A_1248 : vector<16xi32>
      %swap3A_1289 = arith.constant 5 : i32
      %swap3A_1290 = arith.index_cast %swap3A_1289 : i32 to index
      %swap3A_1291 = arith.constant 32 : index
      %swap3A_1292 = tpu.vector_load %arg10[%swap3A_1290, %swap3A_1291] {strides = array<i32>} : memref<8x128xi32, #tpu.memory_space<vmem>>, vector<1x16xi32>,
      %swap3A_1293 = vector.shape_cast %swap3A_1292 : vector<1x16xi32> to vector<16xi32>
      %swap3A_1294 = vector.shape_cast %add3A_1288 : vector<16xi32> to vector<1x16xi32>
      tpu.vector_store %arg10[%swap3A_1290, %swap3A_1291], %swap3A_1294 {strides = array<i32>} : memref<8x128xi32, #tpu.memory_space<vmem>>, vector<1x16xi32>,
      %add3A_1295 = arith.addi %add3A_1273, %and3A_1258 : vector<16xi32>
      %swap3A_1296 = arith.constant 5 : i32
      %swap3A_1297 = arith.index_cast %swap3A_1296 : i32 to index
      %swap3A_1298 = arith.constant 48 : index
      %swap3A_1299 = tpu.vector_load %arg10[%swap3A_1297, %swap3A_1298] {strides = array<i32>} : memref<8x128xi32, #tpu.memory_space<vmem>>, vector<1x16xi32>,
      %swap3A_1300 = vector.shape_cast %swap3A_1299 : vector<1x16xi32> to vector<16xi32>
      %swap3A_1301 = vector.shape_cast %add3A_1295 : vector<16xi32> to vector<1x16xi32>
      tpu.vector_store %arg10[%swap3A_1297, %swap3A_1298], %swap3A_1301 {strides = array<i32>} : memref<8x128xi32, #tpu.memory_space<vmem>>, vector<1x16xi32>,
      %neg3A_1302 = arith.constant 0.000000e+00 : f32
      %neg3A_1303 = vector.broadcast %neg3A_1302 : f32 to vector<16xf32>
      %neg3A_1304 = arith.subf %neg3A_1303, %get3A_1243 : vector<16xf32>
      %swap3A_1305 = arith.constant 5 : i32
      %swap3A_1306 = arith.index_cast %swap3A_1305 : i32 to index
      %swap3A_1307 = arith.constant 0 : index
      %swap3A_1308 = tpu.vector_load %arg11[%swap3A_1306, %swap3A_1307] {strides = array<i32>} : memref<8x128xf32, #tpu.memory_space<vmem>>, vector<1x16xf32>,
      %swap3A_1309 = vector.shape_cast %swap3A_1308 : vector<1x16xf32> to vector<16xf32>
      %swap3A_1310 = vector.shape_cast %get3A_1243 : vector<16xf32> to vector<1x16xf32>
      tpu.vector_store %arg11[%swap3A_1306, %swap3A_1307], %swap3A_1310 {strides = array<i32>} : memref<8x128xf32, #tpu.memory_space<vmem>>, vector<1x16xf32>,
      %swap3A_1311 = arith.constant 5 : i32
      %swap3A_1312 = arith.index_cast %swap3A_1311 : i32 to index
      %swap3A_1313 = arith.constant 16 : index
      %swap3A_1314 = tpu.vector_load %arg11[%swap3A_1312, %swap3A_1313] {strides = array<i32>} : memref<8x128xf32, #tpu.memory_space<vmem>>, vector<1x16xf32>,
      %swap3A_1315 = vector.shape_cast %swap3A_1314 : vector<1x16xf32> to vector<16xf32>
      %swap3A_1316 = vector.shape_cast %neg3A_1304 : vector<16xf32> to vector<1x16xf32>
      tpu.vector_store %arg11[%swap3A_1312, %swap3A_1313], %swap3A_1316 {strides = array<i32>} : memref<8x128xf32, #tpu.memory_space<vmem>>, vector<1x16xf32>,
      %swap3A_1317 = arith.constant 5 : i32
      %swap3A_1318 = arith.index_cast %swap3A_1317 : i32 to index
      %swap3A_1319 = arith.constant 32 : index
      %swap3A_1320 = tpu.vector_load %arg11[%swap3A_1318, %swap3A_1319] {strides = array<i32>} : memref<8x128xf32, #tpu.memory_space<vmem>>, vector<1x16xf32>,
      %swap3A_1321 = vector.shape_cast %swap3A_1320 : vector<1x16xf32> to vector<16xf32>
      %swap3A_1322 = vector.shape_cast %neg3A_1304 : vector<16xf32> to vector<1x16xf32>
      tpu.vector_store %arg11[%swap3A_1318, %swap3A_1319], %swap3A_1322 {strides = array<i32>} : memref<8x128xf32, #tpu.memory_space<vmem>>, vector<1x16xf32>,
      %swap3A_1323 = arith.constant 5 : i32
      %swap3A_1324 = arith.index_cast %swap3A_1323 : i32 to index
      %swap3A_1325 = arith.constant 48 : index
      %swap3A_1326 = tpu.vector_load %arg11[%swap3A_1324, %swap3A_1325] {strides = array<i32>} : memref<8x128xf32, #tpu.memory_space<vmem>>, vector<1x16xf32>,
      %swap3A_1327 = vector.shape_cast %swap3A_1326 : vector<1x16xf32> to vector<16xf32>
      %swap3A_1328 = vector.shape_cast %get3A_1243 : vector<16xf32> to vector<1x16xf32>
      tpu.vector_store %arg11[%swap3A_1324, %swap3A_1325], %swap3A_1328 {strides = array<i32>} : memref<8x128xf32, #tpu.memory_space<vmem>>, vector<1x16xf32>,
      %get3A_1329 = arith.constant 176 : index
      %get3A_1330 = tpu.vector_load %arg6[%get3A_1329] {strides = array<i32>} : memref<256xf32, #tpu.memory_space<vmem>>, vector<16xf32>,
      %get3A_1331 = vector.shape_cast %get3A_1330 : vector<16xf32> to vector<16xf32>
      %get3A_1332 = arith.constant 176 : index
      %get3A_1333 = tpu.vector_load %arg7[%get3A_1332] {strides = array<i32>} : memref<256xi32, #tpu.memory_space<vmem>>, vector<16xi32>,
      %get3A_1334 = vector.shape_cast %get3A_1333 : vector<16xi32> to vector<16xi32>
      %and3A_1335 = vector.broadcast %scan3A_63 : i32 to vector<16xi32>
      %and3A_1336 = arith.andi %get3A_1334, %and3A_1335 : vector<16xi32>
      %shift_right_arithmetic3A_1337 = arith.constant 8 : i32
      %shift_right_arithmetic3A_1338 = vector.broadcast %shift_right_arithmetic3A_1337 : i32 to vector<16xi32>
      %shift_right_arithmetic3A_1339 = arith.shrsi %get3A_1334, %shift_right_arithmetic3A_1338 : vector<16xi32>
      %and3A_1340 = vector.broadcast %scan3A_63 : i32 to vector<16xi32>
      %and3A_1341 = arith.andi %shift_right_arithmetic3A_1339, %and3A_1340 : vector<16xi32>
      %shift_right_arithmetic3A_1342 = arith.constant 16 : i32
      %shift_right_arithmetic3A_1343 = vector.broadcast %shift_right_arithmetic3A_1342 : i32 to vector<16xi32>
      %shift_right_arithmetic3A_1344 = arith.shrsi %get3A_1334, %shift_right_arithmetic3A_1343 : vector<16xi32>
      %and3A_1345 = vector.broadcast %scan3A_63 : i32 to vector<16xi32>
      %and3A_1346 = arith.andi %shift_right_arithmetic3A_1344, %and3A_1345 : vector<16xi32>
      %shift_right_arithmetic3A_1347 = arith.constant 24 : i32
      %shift_right_arithmetic3A_1348 = vector.broadcast %shift_right_arithmetic3A_1347 : i32 to vector<16xi32>
      %shift_right_arithmetic3A_1349 = arith.shrsi %get3A_1334, %shift_right_arithmetic3A_1348 : vector<16xi32>
      %and3A_1350 = vector.broadcast %scan3A_63 : i32 to vector<16xi32>
      %and3A_1351 = arith.andi %shift_right_arithmetic3A_1349, %and3A_1350 : vector<16xi32>
      %mul3A_1352 = arith.constant 256 : i32
      %mul3A_1353 = vector.broadcast %mul3A_1352 : i32 to vector<16xi32>
      %mul3A_1354 = arith.muli %and3A_1341, %mul3A_1353 : vector<16xi32>
      %add3A_1355 = vector.broadcast %mul3A_0 : i32 to vector<16xi32>
      %add3A_1356 = arith.addi %add3A_1355, %mul3A_1354 : vector<16xi32>
      %mul3A_1357 = arith.constant 256 : i32
      %mul3A_1358 = vector.broadcast %mul3A_1357 : i32 to vector<16xi32>
      %mul3A_1359 = arith.muli %and3A_1351, %mul3A_1358 : vector<16xi32>
      %add3A_1360 = vector.broadcast %mul3A_0 : i32 to vector<16xi32>
      %add3A_1361 = arith.addi %add3A_1360, %mul3A_1359 : vector<16xi32>
      %add3A_1362 = arith.addi %add3A_1356, %and3A_1336 : vector<16xi32>
      %swap3A_1363 = arith.constant 5 : i32
      %swap3A_1364 = arith.index_cast %swap3A_1363 : i32 to index
      %swap3A_1365 = arith.constant 64 : index
      %swap3A_1366 = tpu.vector_load %arg10[%swap3A_1364, %swap3A_1365] {strides = array<i32>} : memref<8x128xi32, #tpu.memory_space<vmem>>, vector<1x16xi32>,
      %swap3A_1367 = vector.shape_cast %swap3A_1366 : vector<1x16xi32> to vector<16xi32>
      %swap3A_1368 = vector.shape_cast %add3A_1362 : vector<16xi32> to vector<1x16xi32>
      tpu.vector_store %arg10[%swap3A_1364, %swap3A_1365], %swap3A_1368 {strides = array<i32>} : memref<8x128xi32, #tpu.memory_space<vmem>>, vector<1x16xi32>,
      %add3A_1369 = arith.addi %add3A_1356, %and3A_1346 : vector<16xi32>
      %swap3A_1370 = arith.constant 5 : i32
      %swap3A_1371 = arith.index_cast %swap3A_1370 : i32 to index
      %swap3A_1372 = arith.constant 80 : index
      %swap3A_1373 = tpu.vector_load %arg10[%swap3A_1371, %swap3A_1372] {strides = array<i32>} : memref<8x128xi32, #tpu.memory_space<vmem>>, vector<1x16xi32>,
      %swap3A_1374 = vector.shape_cast %swap3A_1373 : vector<1x16xi32> to vector<16xi32>
      %swap3A_1375 = vector.shape_cast %add3A_1369 : vector<16xi32> to vector<1x16xi32>
      tpu.vector_store %arg10[%swap3A_1371, %swap3A_1372], %swap3A_1375 {strides = array<i32>} : memref<8x128xi32, #tpu.memory_space<vmem>>, vector<1x16xi32>,
      %add3A_1376 = arith.addi %add3A_1361, %and3A_1336 : vector<16xi32>
      %swap3A_1377 = arith.constant 5 : i32
      %swap3A_1378 = arith.index_cast %swap3A_1377 : i32 to index
      %swap3A_1379 = arith.constant 96 : index
      %swap3A_1380 = tpu.vector_load %arg10[%swap3A_1378, %swap3A_1379] {strides = array<i32>} : memref<8x128xi32, #tpu.memory_space<vmem>>, vector<1x16xi32>,
      %swap3A_1381 = vector.shape_cast %swap3A_1380 : vector<1x16xi32> to vector<16xi32>
      %swap3A_1382 = vector.shape_cast %add3A_1376 : vector<16xi32> to vector<1x16xi32>
      tpu.vector_store %arg10[%swap3A_1378, %swap3A_1379], %swap3A_1382 {strides = array<i32>} : memref<8x128xi32, #tpu.memory_space<vmem>>, vector<1x16xi32>,
      %add3A_1383 = arith.addi %add3A_1361, %and3A_1346 : vector<16xi32>
      %swap3A_1384 = arith.constant 5 : i32
      %swap3A_1385 = arith.index_cast %swap3A_1384 : i32 to index
      %swap3A_1386 = arith.constant 112 : index
      %swap3A_1387 = tpu.vector_load %arg10[%swap3A_1385, %swap3A_1386] {strides = array<i32>} : memref<8x128xi32, #tpu.memory_space<vmem>>, vector<1x16xi32>,
      %swap3A_1388 = vector.shape_cast %swap3A_1387 : vector<1x16xi32> to vector<16xi32>
      %swap3A_1389 = vector.shape_cast %add3A_1383 : vector<16xi32> to vector<1x16xi32>
      tpu.vector_store %arg10[%swap3A_1385, %swap3A_1386], %swap3A_1389 {strides = array<i32>} : memref<8x128xi32, #tpu.memory_space<vmem>>, vector<1x16xi32>,
      %neg3A_1390 = arith.constant 0.000000e+00 : f32
      %neg3A_1391 = vector.broadcast %neg3A_1390 : f32 to vector<16xf32>
      %neg3A_1392 = arith.subf %neg3A_1391, %get3A_1331 : vector<16xf32>
      %swap3A_1393 = arith.constant 5 : i32
      %swap3A_1394 = arith.index_cast %swap3A_1393 : i32 to index
      %swap3A_1395 = arith.constant 64 : index
      %swap3A_1396 = tpu.vector_load %arg11[%swap3A_1394, %swap3A_1395] {strides = array<i32>} : memref<8x128xf32, #tpu.memory_space<vmem>>, vector<1x16xf32>,
      %swap3A_1397 = vector.shape_cast %swap3A_1396 : vector<1x16xf32> to vector<16xf32>
      %swap3A_1398 = vector.shape_cast %get3A_1331 : vector<16xf32> to vector<1x16xf32>
      tpu.vector_store %arg11[%swap3A_1394, %swap3A_1395], %swap3A_1398 {strides = array<i32>} : memref<8x128xf32, #tpu.memory_space<vmem>>, vector<1x16xf32>,
      %swap3A_1399 = arith.constant 5 : i32
      %swap3A_1400 = arith.index_cast %swap3A_1399 : i32 to index
      %swap3A_1401 = arith.constant 80 : index
      %swap3A_1402 = tpu.vector_load %arg11[%swap3A_1400, %swap3A_1401] {strides = array<i32>} : memref<8x128xf32, #tpu.memory_space<vmem>>, vector<1x16xf32>,
      %swap3A_1403 = vector.shape_cast %swap3A_1402 : vector<1x16xf32> to vector<16xf32>
      %swap3A_1404 = vector.shape_cast %neg3A_1392 : vector<16xf32> to vector<1x16xf32>
      tpu.vector_store %arg11[%swap3A_1400, %swap3A_1401], %swap3A_1404 {strides = array<i32>} : memref<8x128xf32, #tpu.memory_space<vmem>>, vector<1x16xf32>,
      %swap3A_1405 = arith.constant 5 : i32
      %swap3A_1406 = arith.index_cast %swap3A_1405 : i32 to index
      %swap3A_1407 = arith.constant 96 : index
      %swap3A_1408 = tpu.vector_load %arg11[%swap3A_1406, %swap3A_1407] {strides = array<i32>} : memref<8x128xf32, #tpu.memory_space<vmem>>, vector<1x16xf32>,
      %swap3A_1409 = vector.shape_cast %swap3A_1408 : vector<1x16xf32> to vector<16xf32>
      %swap3A_1410 = vector.shape_cast %neg3A_1392 : vector<16xf32> to vector<1x16xf32>
      tpu.vector_store %arg11[%swap3A_1406, %swap3A_1407], %swap3A_1410 {strides = array<i32>} : memref<8x128xf32, #tpu.memory_space<vmem>>, vector<1x16xf32>,
      %swap3A_1411 = arith.constant 5 : i32
      %swap3A_1412 = arith.index_cast %swap3A_1411 : i32 to index
      %swap3A_1413 = arith.constant 112 : index
      %swap3A_1414 = tpu.vector_load %arg11[%swap3A_1412, %swap3A_1413] {strides = array<i32>} : memref<8x128xf32, #tpu.memory_space<vmem>>, vector<1x16xf32>,
      %swap3A_1415 = vector.shape_cast %swap3A_1414 : vector<1x16xf32> to vector<16xf32>
      %swap3A_1416 = vector.shape_cast %get3A_1331 : vector<16xf32> to vector<1x16xf32>
      tpu.vector_store %arg11[%swap3A_1412, %swap3A_1413], %swap3A_1416 {strides = array<i32>} : memref<8x128xf32, #tpu.memory_space<vmem>>, vector<1x16xf32>,
      %get3A_1417 = arith.constant 192 : index
      %get3A_1418 = tpu.vector_load %arg6[%get3A_1417] {strides = array<i32>} : memref<256xf32, #tpu.memory_space<vmem>>, vector<16xf32>,
      %get3A_1419 = vector.shape_cast %get3A_1418 : vector<16xf32> to vector<16xf32>
      %get3A_1420 = arith.constant 192 : index
      %get3A_1421 = tpu.vector_load %arg7[%get3A_1420] {strides = array<i32>} : memref<256xi32, #tpu.memory_space<vmem>>, vector<16xi32>,
      %get3A_1422 = vector.shape_cast %get3A_1421 : vector<16xi32> to vector<16xi32>
      %and3A_1423 = vector.broadcast %scan3A_63 : i32 to vector<16xi32>
      %and3A_1424 = arith.andi %get3A_1422, %and3A_1423 : vector<16xi32>
      %shift_right_arithmetic3A_1425 = arith.constant 8 : i32
      %shift_right_arithmetic3A_1426 = vector.broadcast %shift_right_arithmetic3A_1425 : i32 to vector<16xi32>
      %shift_right_arithmetic3A_1427 = arith.shrsi %get3A_1422, %shift_right_arithmetic3A_1426 : vector<16xi32>
      %and3A_1428 = vector.broadcast %scan3A_63 : i32 to vector<16xi32>
      %and3A_1429 = arith.andi %shift_right_arithmetic3A_1427, %and3A_1428 : vector<16xi32>
      %shift_right_arithmetic3A_1430 = arith.constant 16 : i32
      %shift_right_arithmetic3A_1431 = vector.broadcast %shift_right_arithmetic3A_1430 : i32 to vector<16xi32>
      %shift_right_arithmetic3A_1432 = arith.shrsi %get3A_1422, %shift_right_arithmetic3A_1431 : vector<16xi32>
      %and3A_1433 = vector.broadcast %scan3A_63 : i32 to vector<16xi32>
      %and3A_1434 = arith.andi %shift_right_arithmetic3A_1432, %and3A_1433 : vector<16xi32>
      %shift_right_arithmetic3A_1435 = arith.constant 24 : i32
      %shift_right_arithmetic3A_1436 = vector.broadcast %shift_right_arithmetic3A_1435 : i32 to vector<16xi32>
      %shift_right_arithmetic3A_1437 = arith.shrsi %get3A_1422, %shift_right_arithmetic3A_1436 : vector<16xi32>
      %and3A_1438 = vector.broadcast %scan3A_63 : i32 to vector<16xi32>
      %and3A_1439 = arith.andi %shift_right_arithmetic3A_1437, %and3A_1438 : vector<16xi32>
      %mul3A_1440 = arith.constant 256 : i32
      %mul3A_1441 = vector.broadcast %mul3A_1440 : i32 to vector<16xi32>
      %mul3A_1442 = arith.muli %and3A_1429, %mul3A_1441 : vector<16xi32>
      %add3A_1443 = vector.broadcast %mul3A_0 : i32 to vector<16xi32>
      %add3A_1444 = arith.addi %add3A_1443, %mul3A_1442 : vector<16xi32>
      %mul3A_1445 = arith.constant 256 : i32
      %mul3A_1446 = vector.broadcast %mul3A_1445 : i32 to vector<16xi32>
      %mul3A_1447 = arith.muli %and3A_1439, %mul3A_1446 : vector<16xi32>
      %add3A_1448 = vector.broadcast %mul3A_0 : i32 to vector<16xi32>
      %add3A_1449 = arith.addi %add3A_1448, %mul3A_1447 : vector<16xi32>
      %add3A_1450 = arith.addi %add3A_1444, %and3A_1424 : vector<16xi32>
      %swap3A_1451 = arith.constant 6 : i32
      %swap3A_1452 = arith.index_cast %swap3A_1451 : i32 to index
      %swap3A_1453 = arith.constant 0 : index
      %swap3A_1454 = tpu.vector_load %arg10[%swap3A_1452, %swap3A_1453] {strides = array<i32>} : memref<8x128xi32, #tpu.memory_space<vmem>>, vector<1x16xi32>,
      %swap3A_1455 = vector.shape_cast %swap3A_1454 : vector<1x16xi32> to vector<16xi32>
      %swap3A_1456 = vector.shape_cast %add3A_1450 : vector<16xi32> to vector<1x16xi32>
      tpu.vector_store %arg10[%swap3A_1452, %swap3A_1453], %swap3A_1456 {strides = array<i32>} : memref<8x128xi32, #tpu.memory_space<vmem>>, vector<1x16xi32>,
      %add3A_1457 = arith.addi %add3A_1444, %and3A_1434 : vector<16xi32>
      %swap3A_1458 = arith.constant 6 : i32
      %swap3A_1459 = arith.index_cast %swap3A_1458 : i32 to index
      %swap3A_1460 = arith.constant 16 : index
      %swap3A_1461 = tpu.vector_load %arg10[%swap3A_1459, %swap3A_1460] {strides = array<i32>} : memref<8x128xi32, #tpu.memory_space<vmem>>, vector<1x16xi32>,
      %swap3A_1462 = vector.shape_cast %swap3A_1461 : vector<1x16xi32> to vector<16xi32>
      %swap3A_1463 = vector.shape_cast %add3A_1457 : vector<16xi32> to vector<1x16xi32>
      tpu.vector_store %arg10[%swap3A_1459, %swap3A_1460], %swap3A_1463 {strides = array<i32>} : memref<8x128xi32, #tpu.memory_space<vmem>>, vector<1x16xi32>,
      %add3A_1464 = arith.addi %add3A_1449, %and3A_1424 : vector<16xi32>
      %swap3A_1465 = arith.constant 6 : i32
      %swap3A_1466 = arith.index_cast %swap3A_1465 : i32 to index
      %swap3A_1467 = arith.constant 32 : index
      %swap3A_1468 = tpu.vector_load %arg10[%swap3A_1466, %swap3A_1467] {strides = array<i32>} : memref<8x128xi32, #tpu.memory_space<vmem>>, vector<1x16xi32>,
      %swap3A_1469 = vector.shape_cast %swap3A_1468 : vector<1x16xi32> to vector<16xi32>
      %swap3A_1470 = vector.shape_cast %add3A_1464 : vector<16xi32> to vector<1x16xi32>
      tpu.vector_store %arg10[%swap3A_1466, %swap3A_1467], %swap3A_1470 {strides = array<i32>} : memref<8x128xi32, #tpu.memory_space<vmem>>, vector<1x16xi32>,
      %add3A_1471 = arith.addi %add3A_1449, %and3A_1434 : vector<16xi32>
      %swap3A_1472 = arith.constant 6 : i32
      %swap3A_1473 = arith.index_cast %swap3A_1472 : i32 to index
      %swap3A_1474 = arith.constant 48 : index
      %swap3A_1475 = tpu.vector_load %arg10[%swap3A_1473, %swap3A_1474] {strides = array<i32>} : memref<8x128xi32, #tpu.memory_space<vmem>>, vector<1x16xi32>,
      %swap3A_1476 = vector.shape_cast %swap3A_1475 : vector<1x16xi32> to vector<16xi32>
      %swap3A_1477 = vector.shape_cast %add3A_1471 : vector<16xi32> to vector<1x16xi32>
      tpu.vector_store %arg10[%swap3A_1473, %swap3A_1474], %swap3A_1477 {strides = array<i32>} : memref<8x128xi32, #tpu.memory_space<vmem>>, vector<1x16xi32>,
      %neg3A_1478 = arith.constant 0.000000e+00 : f32
      %neg3A_1479 = vector.broadcast %neg3A_1478 : f32 to vector<16xf32>
      %neg3A_1480 = arith.subf %neg3A_1479, %get3A_1419 : vector<16xf32>
      %swap3A_1481 = arith.constant 6 : i32
      %swap3A_1482 = arith.index_cast %swap3A_1481 : i32 to index
      %swap3A_1483 = arith.constant 0 : index
      %swap3A_1484 = tpu.vector_load %arg11[%swap3A_1482, %swap3A_1483] {strides = array<i32>} : memref<8x128xf32, #tpu.memory_space<vmem>>, vector<1x16xf32>,
      %swap3A_1485 = vector.shape_cast %swap3A_1484 : vector<1x16xf32> to vector<16xf32>
      %swap3A_1486 = vector.shape_cast %get3A_1419 : vector<16xf32> to vector<1x16xf32>
      tpu.vector_store %arg11[%swap3A_1482, %swap3A_1483], %swap3A_1486 {strides = array<i32>} : memref<8x128xf32, #tpu.memory_space<vmem>>, vector<1x16xf32>,
      %swap3A_1487 = arith.constant 6 : i32
      %swap3A_1488 = arith.index_cast %swap3A_1487 : i32 to index
      %swap3A_1489 = arith.constant 16 : index
      %swap3A_1490 = tpu.vector_load %arg11[%swap3A_1488, %swap3A_1489] {strides = array<i32>} : memref<8x128xf32, #tpu.memory_space<vmem>>, vector<1x16xf32>,
      %swap3A_1491 = vector.shape_cast %swap3A_1490 : vector<1x16xf32> to vector<16xf32>
      %swap3A_1492 = vector.shape_cast %neg3A_1480 : vector<16xf32> to vector<1x16xf32>
      tpu.vector_store %arg11[%swap3A_1488, %swap3A_1489], %swap3A_1492 {strides = array<i32>} : memref<8x128xf32, #tpu.memory_space<vmem>>, vector<1x16xf32>,
      %swap3A_1493 = arith.constant 6 : i32
      %swap3A_1494 = arith.index_cast %swap3A_1493 : i32 to index
      %swap3A_1495 = arith.constant 32 : index
      %swap3A_1496 = tpu.vector_load %arg11[%swap3A_1494, %swap3A_1495] {strides = array<i32>} : memref<8x128xf32, #tpu.memory_space<vmem>>, vector<1x16xf32>,
      %swap3A_1497 = vector.shape_cast %swap3A_1496 : vector<1x16xf32> to vector<16xf32>
      %swap3A_1498 = vector.shape_cast %neg3A_1480 : vector<16xf32> to vector<1x16xf32>
      tpu.vector_store %arg11[%swap3A_1494, %swap3A_1495], %swap3A_1498 {strides = array<i32>} : memref<8x128xf32, #tpu.memory_space<vmem>>, vector<1x16xf32>,
      %swap3A_1499 = arith.constant 6 : i32
      %swap3A_1500 = arith.index_cast %swap3A_1499 : i32 to index
      %swap3A_1501 = arith.constant 48 : index
      %swap3A_1502 = tpu.vector_load %arg11[%swap3A_1500, %swap3A_1501] {strides = array<i32>} : memref<8x128xf32, #tpu.memory_space<vmem>>, vector<1x16xf32>,
      %swap3A_1503 = vector.shape_cast %swap3A_1502 : vector<1x16xf32> to vector<16xf32>
      %swap3A_1504 = vector.shape_cast %get3A_1419 : vector<16xf32> to vector<1x16xf32>
      tpu.vector_store %arg11[%swap3A_1500, %swap3A_1501], %swap3A_1504 {strides = array<i32>} : memref<8x128xf32, #tpu.memory_space<vmem>>, vector<1x16xf32>,
      %get3A_1505 = arith.constant 208 : index
      %get3A_1506 = tpu.vector_load %arg6[%get3A_1505] {strides = array<i32>} : memref<256xf32, #tpu.memory_space<vmem>>, vector<16xf32>,
      %get3A_1507 = vector.shape_cast %get3A_1506 : vector<16xf32> to vector<16xf32>
      %get3A_1508 = arith.constant 208 : index
      %get3A_1509 = tpu.vector_load %arg7[%get3A_1508] {strides = array<i32>} : memref<256xi32, #tpu.memory_space<vmem>>, vector<16xi32>,
      %get3A_1510 = vector.shape_cast %get3A_1509 : vector<16xi32> to vector<16xi32>
      %and3A_1511 = vector.broadcast %scan3A_63 : i32 to vector<16xi32>
      %and3A_1512 = arith.andi %get3A_1510, %and3A_1511 : vector<16xi32>
      %shift_right_arithmetic3A_1513 = arith.constant 8 : i32
      %shift_right_arithmetic3A_1514 = vector.broadcast %shift_right_arithmetic3A_1513 : i32 to vector<16xi32>
      %shift_right_arithmetic3A_1515 = arith.shrsi %get3A_1510, %shift_right_arithmetic3A_1514 : vector<16xi32>
      %and3A_1516 = vector.broadcast %scan3A_63 : i32 to vector<16xi32>
      %and3A_1517 = arith.andi %shift_right_arithmetic3A_1515, %and3A_1516 : vector<16xi32>
      %shift_right_arithmetic3A_1518 = arith.constant 16 : i32
      %shift_right_arithmetic3A_1519 = vector.broadcast %shift_right_arithmetic3A_1518 : i32 to vector<16xi32>
      %shift_right_arithmetic3A_1520 = arith.shrsi %get3A_1510, %shift_right_arithmetic3A_1519 : vector<16xi32>
      %and3A_1521 = vector.broadcast %scan3A_63 : i32 to vector<16xi32>
      %and3A_1522 = arith.andi %shift_right_arithmetic3A_1520, %and3A_1521 : vector<16xi32>
      %shift_right_arithmetic3A_1523 = arith.constant 24 : i32
      %shift_right_arithmetic3A_1524 = vector.broadcast %shift_right_arithmetic3A_1523 : i32 to vector<16xi32>
      %shift_right_arithmetic3A_1525 = arith.shrsi %get3A_1510, %shift_right_arithmetic3A_1524 : vector<16xi32>
      %and3A_1526 = vector.broadcast %scan3A_63 : i32 to vector<16xi32>
      %and3A_1527 = arith.andi %shift_right_arithmetic3A_1525, %and3A_1526 : vector<16xi32>
      %mul3A_1528 = arith.constant 256 : i32
      %mul3A_1529 = vector.broadcast %mul3A_1528 : i32 to vector<16xi32>
      %mul3A_1530 = arith.muli %and3A_1517, %mul3A_1529 : vector<16xi32>
      %add3A_1531 = vector.broadcast %mul3A_0 : i32 to vector<16xi32>
      %add3A_1532 = arith.addi %add3A_1531, %mul3A_1530 : vector<16xi32>
      %mul3A_1533 = arith.constant 256 : i32
      %mul3A_1534 = vector.broadcast %mul3A_1533 : i32 to vector<16xi32>
      %mul3A_1535 = arith.muli %and3A_1527, %mul3A_1534 : vector<16xi32>
      %add3A_1536 = vector.broadcast %mul3A_0 : i32 to vector<16xi32>
      %add3A_1537 = arith.addi %add3A_1536, %mul3A_1535 : vector<16xi32>
      %add3A_1538 = arith.addi %add3A_1532, %and3A_1512 : vector<16xi32>
      %swap3A_1539 = arith.constant 6 : i32
      %swap3A_1540 = arith.index_cast %swap3A_1539 : i32 to index
      %swap3A_1541 = arith.constant 64 : index
      %swap3A_1542 = tpu.vector_load %arg10[%swap3A_1540, %swap3A_1541] {strides = array<i32>} : memref<8x128xi32, #tpu.memory_space<vmem>>, vector<1x16xi32>,
      %swap3A_1543 = vector.shape_cast %swap3A_1542 : vector<1x16xi32> to vector<16xi32>
      %swap3A_1544 = vector.shape_cast %add3A_1538 : vector<16xi32> to vector<1x16xi32>
      tpu.vector_store %arg10[%swap3A_1540, %swap3A_1541], %swap3A_1544 {strides = array<i32>} : memref<8x128xi32, #tpu.memory_space<vmem>>, vector<1x16xi32>,
      %add3A_1545 = arith.addi %add3A_1532, %and3A_1522 : vector<16xi32>
      %swap3A_1546 = arith.constant 6 : i32
      %swap3A_1547 = arith.index_cast %swap3A_1546 : i32 to index
      %swap3A_1548 = arith.constant 80 : index
      %swap3A_1549 = tpu.vector_load %arg10[%swap3A_1547, %swap3A_1548] {strides = array<i32>} : memref<8x128xi32, #tpu.memory_space<vmem>>, vector<1x16xi32>,
      %swap3A_1550 = vector.shape_cast %swap3A_1549 : vector<1x16xi32> to vector<16xi32>
      %swap3A_1551 = vector.shape_cast %add3A_1545 : vector<16xi32> to vector<1x16xi32>
      tpu.vector_store %arg10[%swap3A_1547, %swap3A_1548], %swap3A_1551 {strides = array<i32>} : memref<8x128xi32, #tpu.memory_space<vmem>>, vector<1x16xi32>,
      %add3A_1552 = arith.addi %add3A_1537, %and3A_1512 : vector<16xi32>
      %swap3A_1553 = arith.constant 6 : i32
      %swap3A_1554 = arith.index_cast %swap3A_1553 : i32 to index
      %swap3A_1555 = arith.constant 96 : index
      %swap3A_1556 = tpu.vector_load %arg10[%swap3A_1554, %swap3A_1555] {strides = array<i32>} : memref<8x128xi32, #tpu.memory_space<vmem>>, vector<1x16xi32>,
      %swap3A_1557 = vector.shape_cast %swap3A_1556 : vector<1x16xi32> to vector<16xi32>
      %swap3A_1558 = vector.shape_cast %add3A_1552 : vector<16xi32> to vector<1x16xi32>
      tpu.vector_store %arg10[%swap3A_1554, %swap3A_1555], %swap3A_1558 {strides = array<i32>} : memref<8x128xi32, #tpu.memory_space<vmem>>, vector<1x16xi32>,
      %add3A_1559 = arith.addi %add3A_1537, %and3A_1522 : vector<16xi32>
      %swap3A_1560 = arith.constant 6 : i32
      %swap3A_1561 = arith.index_cast %swap3A_1560 : i32 to index
      %swap3A_1562 = arith.constant 112 : index
      %swap3A_1563 = tpu.vector_load %arg10[%swap3A_1561, %swap3A_1562] {strides = array<i32>} : memref<8x128xi32, #tpu.memory_space<vmem>>, vector<1x16xi32>,
      %swap3A_1564 = vector.shape_cast %swap3A_1563 : vector<1x16xi32> to vector<16xi32>
      %swap3A_1565 = vector.shape_cast %add3A_1559 : vector<16xi32> to vector<1x16xi32>
      tpu.vector_store %arg10[%swap3A_1561, %swap3A_1562], %swap3A_1565 {strides = array<i32>} : memref<8x128xi32, #tpu.memory_space<vmem>>, vector<1x16xi32>,
      %neg3A_1566 = arith.constant 0.000000e+00 : f32
      %neg3A_1567 = vector.broadcast %neg3A_1566 : f32 to vector<16xf32>
      %neg3A_1568 = arith.subf %neg3A_1567, %get3A_1507 : vector<16xf32>
      %swap3A_1569 = arith.constant 6 : i32
      %swap3A_1570 = arith.index_cast %swap3A_1569 : i32 to index
      %swap3A_1571 = arith.constant 64 : index
      %swap3A_1572 = tpu.vector_load %arg11[%swap3A_1570, %swap3A_1571] {strides = array<i32>} : memref<8x128xf32, #tpu.memory_space<vmem>>, vector<1x16xf32>,
      %swap3A_1573 = vector.shape_cast %swap3A_1572 : vector<1x16xf32> to vector<16xf32>
      %swap3A_1574 = vector.shape_cast %get3A_1507 : vector<16xf32> to vector<1x16xf32>
      tpu.vector_store %arg11[%swap3A_1570, %swap3A_1571], %swap3A_1574 {strides = array<i32>} : memref<8x128xf32, #tpu.memory_space<vmem>>, vector<1x16xf32>,
      %swap3A_1575 = arith.constant 6 : i32
      %swap3A_1576 = arith.index_cast %swap3A_1575 : i32 to index
      %swap3A_1577 = arith.constant 80 : index
      %swap3A_1578 = tpu.vector_load %arg11[%swap3A_1576, %swap3A_1577] {strides = array<i32>} : memref<8x128xf32, #tpu.memory_space<vmem>>, vector<1x16xf32>,
      %swap3A_1579 = vector.shape_cast %swap3A_1578 : vector<1x16xf32> to vector<16xf32>
      %swap3A_1580 = vector.shape_cast %neg3A_1568 : vector<16xf32> to vector<1x16xf32>
      tpu.vector_store %arg11[%swap3A_1576, %swap3A_1577], %swap3A_1580 {strides = array<i32>} : memref<8x128xf32, #tpu.memory_space<vmem>>, vector<1x16xf32>,
      %swap3A_1581 = arith.constant 6 : i32
      %swap3A_1582 = arith.index_cast %swap3A_1581 : i32 to index
      %swap3A_1583 = arith.constant 96 : index
      %swap3A_1584 = tpu.vector_load %arg11[%swap3A_1582, %swap3A_1583] {strides = array<i32>} : memref<8x128xf32, #tpu.memory_space<vmem>>, vector<1x16xf32>,
      %swap3A_1585 = vector.shape_cast %swap3A_1584 : vector<1x16xf32> to vector<16xf32>
      %swap3A_1586 = vector.shape_cast %neg3A_1568 : vector<16xf32> to vector<1x16xf32>
      tpu.vector_store %arg11[%swap3A_1582, %swap3A_1583], %swap3A_1586 {strides = array<i32>} : memref<8x128xf32, #tpu.memory_space<vmem>>, vector<1x16xf32>,
      %swap3A_1587 = arith.constant 6 : i32
      %swap3A_1588 = arith.index_cast %swap3A_1587 : i32 to index
      %swap3A_1589 = arith.constant 112 : index
      %swap3A_1590 = tpu.vector_load %arg11[%swap3A_1588, %swap3A_1589] {strides = array<i32>} : memref<8x128xf32, #tpu.memory_space<vmem>>, vector<1x16xf32>,
      %swap3A_1591 = vector.shape_cast %swap3A_1590 : vector<1x16xf32> to vector<16xf32>
      %swap3A_1592 = vector.shape_cast %get3A_1507 : vector<16xf32> to vector<1x16xf32>
      tpu.vector_store %arg11[%swap3A_1588, %swap3A_1589], %swap3A_1592 {strides = array<i32>} : memref<8x128xf32, #tpu.memory_space<vmem>>, vector<1x16xf32>,
      %get3A_1593 = arith.constant 224 : index
      %get3A_1594 = tpu.vector_load %arg6[%get3A_1593] {strides = array<i32>} : memref<256xf32, #tpu.memory_space<vmem>>, vector<16xf32>,
      %get3A_1595 = vector.shape_cast %get3A_1594 : vector<16xf32> to vector<16xf32>
      %get3A_1596 = arith.constant 224 : index
      %get3A_1597 = tpu.vector_load %arg7[%get3A_1596] {strides = array<i32>} : memref<256xi32, #tpu.memory_space<vmem>>, vector<16xi32>,
      %get3A_1598 = vector.shape_cast %get3A_1597 : vector<16xi32> to vector<16xi32>
      %and3A_1599 = vector.broadcast %scan3A_63 : i32 to vector<16xi32>
      %and3A_1600 = arith.andi %get3A_1598, %and3A_1599 : vector<16xi32>
      %shift_right_arithmetic3A_1601 = arith.constant 8 : i32
      %shift_right_arithmetic3A_1602 = vector.broadcast %shift_right_arithmetic3A_1601 : i32 to vector<16xi32>
      %shift_right_arithmetic3A_1603 = arith.shrsi %get3A_1598, %shift_right_arithmetic3A_1602 : vector<16xi32>
      %and3A_1604 = vector.broadcast %scan3A_63 : i32 to vector<16xi32>
      %and3A_1605 = arith.andi %shift_right_arithmetic3A_1603, %and3A_1604 : vector<16xi32>
      %shift_right_arithmetic3A_1606 = arith.constant 16 : i32
      %shift_right_arithmetic3A_1607 = vector.broadcast %shift_right_arithmetic3A_1606 : i32 to vector<16xi32>
      %shift_right_arithmetic3A_1608 = arith.shrsi %get3A_1598, %shift_right_arithmetic3A_1607 : vector<16xi32>
      %and3A_1609 = vector.broadcast %scan3A_63 : i32 to vector<16xi32>
      %and3A_1610 = arith.andi %shift_right_arithmetic3A_1608, %and3A_1609 : vector<16xi32>
      %shift_right_arithmetic3A_1611 = arith.constant 24 : i32
      %shift_right_arithmetic3A_1612 = vector.broadcast %shift_right_arithmetic3A_1611 : i32 to vector<16xi32>
      %shift_right_arithmetic3A_1613 = arith.shrsi %get3A_1598, %shift_right_arithmetic3A_1612 : vector<16xi32>
      %and3A_1614 = vector.broadcast %scan3A_63 : i32 to vector<16xi32>
      %and3A_1615 = arith.andi %shift_right_arithmetic3A_1613, %and3A_1614 : vector<16xi32>
      %mul3A_1616 = arith.constant 256 : i32
      %mul3A_1617 = vector.broadcast %mul3A_1616 : i32 to vector<16xi32>
      %mul3A_1618 = arith.muli %and3A_1605, %mul3A_1617 : vector<16xi32>
      %add3A_1619 = vector.broadcast %mul3A_0 : i32 to vector<16xi32>
      %add3A_1620 = arith.addi %add3A_1619, %mul3A_1618 : vector<16xi32>
      %mul3A_1621 = arith.constant 256 : i32
      %mul3A_1622 = vector.broadcast %mul3A_1621 : i32 to vector<16xi32>
      %mul3A_1623 = arith.muli %and3A_1615, %mul3A_1622 : vector<16xi32>
      %add3A_1624 = vector.broadcast %mul3A_0 : i32 to vector<16xi32>
      %add3A_1625 = arith.addi %add3A_1624, %mul3A_1623 : vector<16xi32>
      %add3A_1626 = arith.addi %add3A_1620, %and3A_1600 : vector<16xi32>
      %swap3A_1627 = arith.constant 7 : i32
      %swap3A_1628 = arith.index_cast %swap3A_1627 : i32 to index
      %swap3A_1629 = arith.constant 0 : index
      %swap3A_1630 = tpu.vector_load %arg10[%swap3A_1628, %swap3A_1629] {strides = array<i32>} : memref<8x128xi32, #tpu.memory_space<vmem>>, vector<1x16xi32>,
      %swap3A_1631 = vector.shape_cast %swap3A_1630 : vector<1x16xi32> to vector<16xi32>
      %swap3A_1632 = vector.shape_cast %add3A_1626 : vector<16xi32> to vector<1x16xi32>
      tpu.vector_store %arg10[%swap3A_1628, %swap3A_1629], %swap3A_1632 {strides = array<i32>} : memref<8x128xi32, #tpu.memory_space<vmem>>, vector<1x16xi32>,
      %add3A_1633 = arith.addi %add3A_1620, %and3A_1610 : vector<16xi32>
      %swap3A_1634 = arith.constant 7 : i32
      %swap3A_1635 = arith.index_cast %swap3A_1634 : i32 to index
      %swap3A_1636 = arith.constant 16 : index
      %swap3A_1637 = tpu.vector_load %arg10[%swap3A_1635, %swap3A_1636] {strides = array<i32>} : memref<8x128xi32, #tpu.memory_space<vmem>>, vector<1x16xi32>,
      %swap3A_1638 = vector.shape_cast %swap3A_1637 : vector<1x16xi32> to vector<16xi32>
      %swap3A_1639 = vector.shape_cast %add3A_1633 : vector<16xi32> to vector<1x16xi32>
      tpu.vector_store %arg10[%swap3A_1635, %swap3A_1636], %swap3A_1639 {strides = array<i32>} : memref<8x128xi32, #tpu.memory_space<vmem>>, vector<1x16xi32>,
      %add3A_1640 = arith.addi %add3A_1625, %and3A_1600 : vector<16xi32>
      %swap3A_1641 = arith.constant 7 : i32
      %swap3A_1642 = arith.index_cast %swap3A_1641 : i32 to index
      %swap3A_1643 = arith.constant 32 : index
      %swap3A_1644 = tpu.vector_load %arg10[%swap3A_1642, %swap3A_1643] {strides = array<i32>} : memref<8x128xi32, #tpu.memory_space<vmem>>, vector<1x16xi32>,
      %swap3A_1645 = vector.shape_cast %swap3A_1644 : vector<1x16xi32> to vector<16xi32>
      %swap3A_1646 = vector.shape_cast %add3A_1640 : vector<16xi32> to vector<1x16xi32>
      tpu.vector_store %arg10[%swap3A_1642, %swap3A_1643], %swap3A_1646 {strides = array<i32>} : memref<8x128xi32, #tpu.memory_space<vmem>>, vector<1x16xi32>,
      %add3A_1647 = arith.addi %add3A_1625, %and3A_1610 : vector<16xi32>
      %swap3A_1648 = arith.constant 7 : i32
      %swap3A_1649 = arith.index_cast %swap3A_1648 : i32 to index
      %swap3A_1650 = arith.constant 48 : index
      %swap3A_1651 = tpu.vector_load %arg10[%swap3A_1649, %swap3A_1650] {strides = array<i32>} : memref<8x128xi32, #tpu.memory_space<vmem>>, vector<1x16xi32>,
      %swap3A_1652 = vector.shape_cast %swap3A_1651 : vector<1x16xi32> to vector<16xi32>
      %swap3A_1653 = vector.shape_cast %add3A_1647 : vector<16xi32> to vector<1x16xi32>
      tpu.vector_store %arg10[%swap3A_1649, %swap3A_1650], %swap3A_1653 {strides = array<i32>} : memref<8x128xi32, #tpu.memory_space<vmem>>, vector<1x16xi32>,
      %neg3A_1654 = arith.constant 0.000000e+00 : f32
      %neg3A_1655 = vector.broadcast %neg3A_1654 : f32 to vector<16xf32>
      %neg3A_1656 = arith.subf %neg3A_1655, %get3A_1595 : vector<16xf32>
      %swap3A_1657 = arith.constant 7 : i32
      %swap3A_1658 = arith.index_cast %swap3A_1657 : i32 to index
      %swap3A_1659 = arith.constant 0 : index
      %swap3A_1660 = tpu.vector_load %arg11[%swap3A_1658, %swap3A_1659] {strides = array<i32>} : memref<8x128xf32, #tpu.memory_space<vmem>>, vector<1x16xf32>,
      %swap3A_1661 = vector.shape_cast %swap3A_1660 : vector<1x16xf32> to vector<16xf32>
      %swap3A_1662 = vector.shape_cast %get3A_1595 : vector<16xf32> to vector<1x16xf32>
      tpu.vector_store %arg11[%swap3A_1658, %swap3A_1659], %swap3A_1662 {strides = array<i32>} : memref<8x128xf32, #tpu.memory_space<vmem>>, vector<1x16xf32>,
      %swap3A_1663 = arith.constant 7 : i32
      %swap3A_1664 = arith.index_cast %swap3A_1663 : i32 to index
      %swap3A_1665 = arith.constant 16 : index
      %swap3A_1666 = tpu.vector_load %arg11[%swap3A_1664, %swap3A_1665] {strides = array<i32>} : memref<8x128xf32, #tpu.memory_space<vmem>>, vector<1x16xf32>,
      %swap3A_1667 = vector.shape_cast %swap3A_1666 : vector<1x16xf32> to vector<16xf32>
      %swap3A_1668 = vector.shape_cast %neg3A_1656 : vector<16xf32> to vector<1x16xf32>
      tpu.vector_store %arg11[%swap3A_1664, %swap3A_1665], %swap3A_1668 {strides = array<i32>} : memref<8x128xf32, #tpu.memory_space<vmem>>, vector<1x16xf32>,
      %swap3A_1669 = arith.constant 7 : i32
      %swap3A_1670 = arith.index_cast %swap3A_1669 : i32 to index
      %swap3A_1671 = arith.constant 32 : index
      %swap3A_1672 = tpu.vector_load %arg11[%swap3A_1670, %swap3A_1671] {strides = array<i32>} : memref<8x128xf32, #tpu.memory_space<vmem>>, vector<1x16xf32>,
      %swap3A_1673 = vector.shape_cast %swap3A_1672 : vector<1x16xf32> to vector<16xf32>
      %swap3A_1674 = vector.shape_cast %neg3A_1656 : vector<16xf32> to vector<1x16xf32>
      tpu.vector_store %arg11[%swap3A_1670, %swap3A_1671], %swap3A_1674 {strides = array<i32>} : memref<8x128xf32, #tpu.memory_space<vmem>>, vector<1x16xf32>,
      %swap3A_1675 = arith.constant 7 : i32
      %swap3A_1676 = arith.index_cast %swap3A_1675 : i32 to index
      %swap3A_1677 = arith.constant 48 : index
      %swap3A_1678 = tpu.vector_load %arg11[%swap3A_1676, %swap3A_1677] {strides = array<i32>} : memref<8x128xf32, #tpu.memory_space<vmem>>, vector<1x16xf32>,
      %swap3A_1679 = vector.shape_cast %swap3A_1678 : vector<1x16xf32> to vector<16xf32>
      %swap3A_1680 = vector.shape_cast %get3A_1595 : vector<16xf32> to vector<1x16xf32>
      tpu.vector_store %arg11[%swap3A_1676, %swap3A_1677], %swap3A_1680 {strides = array<i32>} : memref<8x128xf32, #tpu.memory_space<vmem>>, vector<1x16xf32>,
      %get3A_1681 = arith.constant 240 : index
      %get3A_1682 = tpu.vector_load %arg6[%get3A_1681] {strides = array<i32>} : memref<256xf32, #tpu.memory_space<vmem>>, vector<16xf32>,
      %get3A_1683 = vector.shape_cast %get3A_1682 : vector<16xf32> to vector<16xf32>
      %get3A_1684 = arith.constant 240 : index
      %get3A_1685 = tpu.vector_load %arg7[%get3A_1684] {strides = array<i32>} : memref<256xi32, #tpu.memory_space<vmem>>, vector<16xi32>,
      %get3A_1686 = vector.shape_cast %get3A_1685 : vector<16xi32> to vector<16xi32>
      %and3A_1687 = vector.broadcast %scan3A_63 : i32 to vector<16xi32>
      %and3A_1688 = arith.andi %get3A_1686, %and3A_1687 : vector<16xi32>
      %shift_right_arithmetic3A_1689 = arith.constant 8 : i32
      %shift_right_arithmetic3A_1690 = vector.broadcast %shift_right_arithmetic3A_1689 : i32 to vector<16xi32>
      %shift_right_arithmetic3A_1691 = arith.shrsi %get3A_1686, %shift_right_arithmetic3A_1690 : vector<16xi32>
      %and3A_1692 = vector.broadcast %scan3A_63 : i32 to vector<16xi32>
      %and3A_1693 = arith.andi %shift_right_arithmetic3A_1691, %and3A_1692 : vector<16xi32>
      %shift_right_arithmetic3A_1694 = arith.constant 16 : i32
      %shift_right_arithmetic3A_1695 = vector.broadcast %shift_right_arithmetic3A_1694 : i32 to vector<16xi32>
      %shift_right_arithmetic3A_1696 = arith.shrsi %get3A_1686, %shift_right_arithmetic3A_1695 : vector<16xi32>
      %and3A_1697 = vector.broadcast %scan3A_63 : i32 to vector<16xi32>
      %and3A_1698 = arith.andi %shift_right_arithmetic3A_1696, %and3A_1697 : vector<16xi32>
      %shift_right_arithmetic3A_1699 = arith.constant 24 : i32
      %shift_right_arithmetic3A_1700 = vector.broadcast %shift_right_arithmetic3A_1699 : i32 to vector<16xi32>
      %shift_right_arithmetic3A_1701 = arith.shrsi %get3A_1686, %shift_right_arithmetic3A_1700 : vector<16xi32>
      %and3A_1702 = vector.broadcast %scan3A_63 : i32 to vector<16xi32>
      %and3A_1703 = arith.andi %shift_right_arithmetic3A_1701, %and3A_1702 : vector<16xi32>
      %mul3A_1704 = arith.constant 256 : i32
      %mul3A_1705 = vector.broadcast %mul3A_1704 : i32 to vector<16xi32>
      %mul3A_1706 = arith.muli %and3A_1693, %mul3A_1705 : vector<16xi32>
      %add3A_1707 = vector.broadcast %mul3A_0 : i32 to vector<16xi32>
      %add3A_1708 = arith.addi %add3A_1707, %mul3A_1706 : vector<16xi32>
      %mul3A_1709 = arith.constant 256 : i32
      %mul3A_1710 = vector.broadcast %mul3A_1709 : i32 to vector<16xi32>
      %mul3A_1711 = arith.muli %and3A_1703, %mul3A_1710 : vector<16xi32>
      %add3A_1712 = vector.broadcast %mul3A_0 : i32 to vector<16xi32>
      %add3A_1713 = arith.addi %add3A_1712, %mul3A_1711 : vector<16xi32>
      %add3A_1714 = arith.addi %add3A_1708, %and3A_1688 : vector<16xi32>
      %swap3A_1715 = arith.constant 7 : i32
      %swap3A_1716 = arith.index_cast %swap3A_1715 : i32 to index
      %swap3A_1717 = arith.constant 64 : index
      %swap3A_1718 = tpu.vector_load %arg10[%swap3A_1716, %swap3A_1717] {strides = array<i32>} : memref<8x128xi32, #tpu.memory_space<vmem>>, vector<1x16xi32>,
      %swap3A_1719 = vector.shape_cast %swap3A_1718 : vector<1x16xi32> to vector<16xi32>
      %swap3A_1720 = vector.shape_cast %add3A_1714 : vector<16xi32> to vector<1x16xi32>
      tpu.vector_store %arg10[%swap3A_1716, %swap3A_1717], %swap3A_1720 {strides = array<i32>} : memref<8x128xi32, #tpu.memory_space<vmem>>, vector<1x16xi32>,
      %add3A_1721 = arith.addi %add3A_1708, %and3A_1698 : vector<16xi32>
      %swap3A_1722 = arith.constant 7 : i32
      %swap3A_1723 = arith.index_cast %swap3A_1722 : i32 to index
      %swap3A_1724 = arith.constant 80 : index
      %swap3A_1725 = tpu.vector_load %arg10[%swap3A_1723, %swap3A_1724] {strides = array<i32>} : memref<8x128xi32, #tpu.memory_space<vmem>>, vector<1x16xi32>,
      %swap3A_1726 = vector.shape_cast %swap3A_1725 : vector<1x16xi32> to vector<16xi32>
      %swap3A_1727 = vector.shape_cast %add3A_1721 : vector<16xi32> to vector<1x16xi32>
      tpu.vector_store %arg10[%swap3A_1723, %swap3A_1724], %swap3A_1727 {strides = array<i32>} : memref<8x128xi32, #tpu.memory_space<vmem>>, vector<1x16xi32>,
      %add3A_1728 = arith.addi %add3A_1713, %and3A_1688 : vector<16xi32>
      %swap3A_1729 = arith.constant 7 : i32
      %swap3A_1730 = arith.index_cast %swap3A_1729 : i32 to index
      %swap3A_1731 = arith.constant 96 : index
      %swap3A_1732 = tpu.vector_load %arg10[%swap3A_1730, %swap3A_1731] {strides = array<i32>} : memref<8x128xi32, #tpu.memory_space<vmem>>, vector<1x16xi32>,
      %swap3A_1733 = vector.shape_cast %swap3A_1732 : vector<1x16xi32> to vector<16xi32>
      %swap3A_1734 = vector.shape_cast %add3A_1728 : vector<16xi32> to vector<1x16xi32>
      tpu.vector_store %arg10[%swap3A_1730, %swap3A_1731], %swap3A_1734 {strides = array<i32>} : memref<8x128xi32, #tpu.memory_space<vmem>>, vector<1x16xi32>,
      %add3A_1735 = arith.addi %add3A_1713, %and3A_1698 : vector<16xi32>
      %swap3A_1736 = arith.constant 7 : i32
      %swap3A_1737 = arith.index_cast %swap3A_1736 : i32 to index
      %swap3A_1738 = arith.constant 112 : index
      %swap3A_1739 = tpu.vector_load %arg10[%swap3A_1737, %swap3A_1738] {strides = array<i32>} : memref<8x128xi32, #tpu.memory_space<vmem>>, vector<1x16xi32>,
      %swap3A_1740 = vector.shape_cast %swap3A_1739 : vector<1x16xi32> to vector<16xi32>
      %swap3A_1741 = vector.shape_cast %add3A_1735 : vector<16xi32> to vector<1x16xi32>
      tpu.vector_store %arg10[%swap3A_1737, %swap3A_1738], %swap3A_1741 {strides = array<i32>} : memref<8x128xi32, #tpu.memory_space<vmem>>, vector<1x16xi32>,
      %neg3A_1742 = arith.constant 0.000000e+00 : f32
      %neg3A_1743 = vector.broadcast %neg3A_1742 : f32 to vector<16xf32>
      %neg3A_1744 = arith.subf %neg3A_1743, %get3A_1683 : vector<16xf32>
      %swap3A_1745 = arith.constant 7 : i32
      %swap3A_1746 = arith.index_cast %swap3A_1745 : i32 to index
      %swap3A_1747 = arith.constant 64 : index
      %swap3A_1748 = tpu.vector_load %arg11[%swap3A_1746, %swap3A_1747] {strides = array<i32>} : memref<8x128xf32, #tpu.memory_space<vmem>>, vector<1x16xf32>,
      %swap3A_1749 = vector.shape_cast %swap3A_1748 : vector<1x16xf32> to vector<16xf32>
      %swap3A_1750 = vector.shape_cast %get3A_1683 : vector<16xf32> to vector<1x16xf32>
      tpu.vector_store %arg11[%swap3A_1746, %swap3A_1747], %swap3A_1750 {strides = array<i32>} : memref<8x128xf32, #tpu.memory_space<vmem>>, vector<1x16xf32>,
      %swap3A_1751 = arith.constant 7 : i32
      %swap3A_1752 = arith.index_cast %swap3A_1751 : i32 to index
      %swap3A_1753 = arith.constant 80 : index
      %swap3A_1754 = tpu.vector_load %arg11[%swap3A_1752, %swap3A_1753] {strides = array<i32>} : memref<8x128xf32, #tpu.memory_space<vmem>>, vector<1x16xf32>,
      %swap3A_1755 = vector.shape_cast %swap3A_1754 : vector<1x16xf32> to vector<16xf32>
      %swap3A_1756 = vector.shape_cast %neg3A_1744 : vector<16xf32> to vector<1x16xf32>
      tpu.vector_store %arg11[%swap3A_1752, %swap3A_1753], %swap3A_1756 {strides = array<i32>} : memref<8x128xf32, #tpu.memory_space<vmem>>, vector<1x16xf32>,
      %swap3A_1757 = arith.constant 7 : i32
      %swap3A_1758 = arith.index_cast %swap3A_1757 : i32 to index
      %swap3A_1759 = arith.constant 96 : index
      %swap3A_1760 = tpu.vector_load %arg11[%swap3A_1758, %swap3A_1759] {strides = array<i32>} : memref<8x128xf32, #tpu.memory_space<vmem>>, vector<1x16xf32>,
      %swap3A_1761 = vector.shape_cast %swap3A_1760 : vector<1x16xf32> to vector<16xf32>
      %swap3A_1762 = vector.shape_cast %neg3A_1744 : vector<16xf32> to vector<1x16xf32>
      tpu.vector_store %arg11[%swap3A_1758, %swap3A_1759], %swap3A_1762 {strides = array<i32>} : memref<8x128xf32, #tpu.memory_space<vmem>>, vector<1x16xf32>,
      %swap3A_1763 = arith.constant 7 : i32
      %swap3A_1764 = arith.index_cast %swap3A_1763 : i32 to index
      %swap3A_1765 = arith.constant 112 : index
      %swap3A_1766 = tpu.vector_load %arg11[%swap3A_1764, %swap3A_1765] {strides = array<i32>} : memref<8x128xf32, #tpu.memory_space<vmem>>, vector<1x16xf32>,
      %swap3A_1767 = vector.shape_cast %swap3A_1766 : vector<1x16xf32> to vector<16xf32>
      %swap3A_1768 = vector.shape_cast %get3A_1683 : vector<16xf32> to vector<1x16xf32>
      tpu.vector_store %arg11[%swap3A_1764, %swap3A_1765], %swap3A_1768 {strides = array<i32>} : memref<8x128xf32, #tpu.memory_space<vmem>>, vector<1x16xf32>,
      %dma_start3A_1769 = arith.constant 0 : i32
      %dma_start3A_1770 = arith.constant 0 : i32
      %dma_start3A_1771 = arith.constant 0 : i32
      %dma_start3A_1772 = tpu.memref_slice %arg11[%dma_start3A_1769, %dma_start3A_1771] : memref<8x128xf32, #tpu.memory_space<vmem>> -> memref<1x128xf32, #tpu.memory_space<vmem>>
      %dma_start3A_1773 = tpu.memref_squeeze %dma_start3A_1772 : memref<1x128xf32, #tpu.memory_space<vmem>> -> memref<128xf32, #tpu.memory_space<vmem>>
      %dma_start3A_1774 = arith.constant 0 : i32
      %dma_start3A_1775 = tpu.memref_slice %arg10[%dma_start3A_1770, %dma_start3A_1774] : memref<8x128xi32, #tpu.memory_space<vmem>> -> memref<1x128xi32, #tpu.memory_space<vmem>>
      %dma_start3A_1776 = tpu.memref_squeeze %dma_start3A_1775 : memref<1x128xi32, #tpu.memory_space<vmem>> -> memref<128xi32, #tpu.memory_space<vmem>>
      %dma_start3A_1777 = arith.constant 0 : i32
      %dma_start3A_1778 = tpu.memref_slice %arg5[%dma_start3A_1777] : memref<950272xf32, #tpu.memory_space<vmem_shared>> -> memref<950272xf32, #tpu.memory_space<vmem_shared>>
      tpu.enqueue_indirect_dma source(%dma_start3A_1773 : memref<128xf32, #tpu.memory_space<vmem>>) target(%dma_start3A_1778 : memref<950272xf32, #tpu.memory_space<vmem_shared>>) offsets(%dma_start3A_1776 : memref<128xi32, #tpu.memory_space<vmem>>) semaphore(%arg18 : memref<!tpu.dma_semaphore, #tpu.memory_space<semaphore_mem>>) {add = true}
      %dma_start3A_1779 = arith.constant 1 : i32
      %dma_start3A_1780 = arith.constant 1 : i32
      %dma_start3A_1781 = arith.constant 0 : i32
      %dma_start3A_1782 = tpu.memref_slice %arg11[%dma_start3A_1779, %dma_start3A_1781] : memref<8x128xf32, #tpu.memory_space<vmem>> -> memref<1x128xf32, #tpu.memory_space<vmem>>
      %dma_start3A_1783 = tpu.memref_squeeze %dma_start3A_1782 : memref<1x128xf32, #tpu.memory_space<vmem>> -> memref<128xf32, #tpu.memory_space<vmem>>
      %dma_start3A_1784 = arith.constant 0 : i32
      %dma_start3A_1785 = tpu.memref_slice %arg10[%dma_start3A_1780, %dma_start3A_1784] : memref<8x128xi32, #tpu.memory_space<vmem>> -> memref<1x128xi32, #tpu.memory_space<vmem>>
      %dma_start3A_1786 = tpu.memref_squeeze %dma_start3A_1785 : memref<1x128xi32, #tpu.memory_space<vmem>> -> memref<128xi32, #tpu.memory_space<vmem>>
      %dma_start3A_1787 = arith.constant 0 : i32
      %dma_start3A_1788 = tpu.memref_slice %arg5[%dma_start3A_1787] : memref<950272xf32, #tpu.memory_space<vmem_shared>> -> memref<950272xf32, #tpu.memory_space<vmem_shared>>
      tpu.enqueue_indirect_dma source(%dma_start3A_1783 : memref<128xf32, #tpu.memory_space<vmem>>) target(%dma_start3A_1788 : memref<950272xf32, #tpu.memory_space<vmem_shared>>) offsets(%dma_start3A_1786 : memref<128xi32, #tpu.memory_space<vmem>>) semaphore(%arg18 : memref<!tpu.dma_semaphore, #tpu.memory_space<semaphore_mem>>) {add = true}
      %dma_start3A_1789 = arith.constant 2 : i32
      %dma_start3A_1790 = arith.constant 2 : i32
      %dma_start3A_1791 = arith.constant 0 : i32
      %dma_start3A_1792 = tpu.memref_slice %arg11[%dma_start3A_1789, %dma_start3A_1791] : memref<8x128xf32, #tpu.memory_space<vmem>> -> memref<1x128xf32, #tpu.memory_space<vmem>>
      %dma_start3A_1793 = tpu.memref_squeeze %dma_start3A_1792 : memref<1x128xf32, #tpu.memory_space<vmem>> -> memref<128xf32, #tpu.memory_space<vmem>>
      %dma_start3A_1794 = arith.constant 0 : i32
      %dma_start3A_1795 = tpu.memref_slice %arg10[%dma_start3A_1790, %dma_start3A_1794] : memref<8x128xi32, #tpu.memory_space<vmem>> -> memref<1x128xi32, #tpu.memory_space<vmem>>
      %dma_start3A_1796 = tpu.memref_squeeze %dma_start3A_1795 : memref<1x128xi32, #tpu.memory_space<vmem>> -> memref<128xi32, #tpu.memory_space<vmem>>
      %dma_start3A_1797 = arith.constant 0 : i32
      %dma_start3A_1798 = tpu.memref_slice %arg5[%dma_start3A_1797] : memref<950272xf32, #tpu.memory_space<vmem_shared>> -> memref<950272xf32, #tpu.memory_space<vmem_shared>>
      tpu.enqueue_indirect_dma source(%dma_start3A_1793 : memref<128xf32, #tpu.memory_space<vmem>>) target(%dma_start3A_1798 : memref<950272xf32, #tpu.memory_space<vmem_shared>>) offsets(%dma_start3A_1796 : memref<128xi32, #tpu.memory_space<vmem>>) semaphore(%arg18 : memref<!tpu.dma_semaphore, #tpu.memory_space<semaphore_mem>>) {add = true}
      %dma_start3A_1799 = arith.constant 3 : i32
      %dma_start3A_1800 = arith.constant 3 : i32
      %dma_start3A_1801 = arith.constant 0 : i32
      %dma_start3A_1802 = tpu.memref_slice %arg11[%dma_start3A_1799, %dma_start3A_1801] : memref<8x128xf32, #tpu.memory_space<vmem>> -> memref<1x128xf32, #tpu.memory_space<vmem>>
      %dma_start3A_1803 = tpu.memref_squeeze %dma_start3A_1802 : memref<1x128xf32, #tpu.memory_space<vmem>> -> memref<128xf32, #tpu.memory_space<vmem>>
      %dma_start3A_1804 = arith.constant 0 : i32
      %dma_start3A_1805 = tpu.memref_slice %arg10[%dma_start3A_1800, %dma_start3A_1804] : memref<8x128xi32, #tpu.memory_space<vmem>> -> memref<1x128xi32, #tpu.memory_space<vmem>>
      %dma_start3A_1806 = tpu.memref_squeeze %dma_start3A_1805 : memref<1x128xi32, #tpu.memory_space<vmem>> -> memref<128xi32, #tpu.memory_space<vmem>>
      %dma_start3A_1807 = arith.constant 0 : i32
      %dma_start3A_1808 = tpu.memref_slice %arg5[%dma_start3A_1807] : memref<950272xf32, #tpu.memory_space<vmem_shared>> -> memref<950272xf32, #tpu.memory_space<vmem_shared>>
      tpu.enqueue_indirect_dma source(%dma_start3A_1803 : memref<128xf32, #tpu.memory_space<vmem>>) target(%dma_start3A_1808 : memref<950272xf32, #tpu.memory_space<vmem_shared>>) offsets(%dma_start3A_1806 : memref<128xi32, #tpu.memory_space<vmem>>) semaphore(%arg18 : memref<!tpu.dma_semaphore, #tpu.memory_space<semaphore_mem>>) {add = true}
      %dma_start3A_1809 = arith.constant 4 : i32
      %dma_start3A_1810 = arith.constant 4 : i32
      %dma_start3A_1811 = arith.constant 0 : i32
      %dma_start3A_1812 = tpu.memref_slice %arg11[%dma_start3A_1809, %dma_start3A_1811] : memref<8x128xf32, #tpu.memory_space<vmem>> -> memref<1x128xf32, #tpu.memory_space<vmem>>
      %dma_start3A_1813 = tpu.memref_squeeze %dma_start3A_1812 : memref<1x128xf32, #tpu.memory_space<vmem>> -> memref<128xf32, #tpu.memory_space<vmem>>
      %dma_start3A_1814 = arith.constant 0 : i32
      %dma_start3A_1815 = tpu.memref_slice %arg10[%dma_start3A_1810, %dma_start3A_1814] : memref<8x128xi32, #tpu.memory_space<vmem>> -> memref<1x128xi32, #tpu.memory_space<vmem>>
      %dma_start3A_1816 = tpu.memref_squeeze %dma_start3A_1815 : memref<1x128xi32, #tpu.memory_space<vmem>> -> memref<128xi32, #tpu.memory_space<vmem>>
      %dma_start3A_1817 = arith.constant 0 : i32
      %dma_start3A_1818 = tpu.memref_slice %arg5[%dma_start3A_1817] : memref<950272xf32, #tpu.memory_space<vmem_shared>> -> memref<950272xf32, #tpu.memory_space<vmem_shared>>
      tpu.enqueue_indirect_dma source(%dma_start3A_1813 : memref<128xf32, #tpu.memory_space<vmem>>) target(%dma_start3A_1818 : memref<950272xf32, #tpu.memory_space<vmem_shared>>) offsets(%dma_start3A_1816 : memref<128xi32, #tpu.memory_space<vmem>>) semaphore(%arg18 : memref<!tpu.dma_semaphore, #tpu.memory_space<semaphore_mem>>) {add = true}
      %dma_start3A_1819 = arith.constant 5 : i32
      %dma_start3A_1820 = arith.constant 5 : i32
      %dma_start3A_1821 = arith.constant 0 : i32
      %dma_start3A_1822 = tpu.memref_slice %arg11[%dma_start3A_1819, %dma_start3A_1821] : memref<8x128xf32, #tpu.memory_space<vmem>> -> memref<1x128xf32, #tpu.memory_space<vmem>>
      %dma_start3A_1823 = tpu.memref_squeeze %dma_start3A_1822 : memref<1x128xf32, #tpu.memory_space<vmem>> -> memref<128xf32, #tpu.memory_space<vmem>>
      %dma_start3A_1824 = arith.constant 0 : i32
      %dma_start3A_1825 = tpu.memref_slice %arg10[%dma_start3A_1820, %dma_start3A_1824] : memref<8x128xi32, #tpu.memory_space<vmem>> -> memref<1x128xi32, #tpu.memory_space<vmem>>
      %dma_start3A_1826 = tpu.memref_squeeze %dma_start3A_1825 : memref<1x128xi32, #tpu.memory_space<vmem>> -> memref<128xi32, #tpu.memory_space<vmem>>
      %dma_start3A_1827 = arith.constant 0 : i32
      %dma_start3A_1828 = tpu.memref_slice %arg5[%dma_start3A_1827] : memref<950272xf32, #tpu.memory_space<vmem_shared>> -> memref<950272xf32, #tpu.memory_space<vmem_shared>>
      tpu.enqueue_indirect_dma source(%dma_start3A_1823 : memref<128xf32, #tpu.memory_space<vmem>>) target(%dma_start3A_1828 : memref<950272xf32, #tpu.memory_space<vmem_shared>>) offsets(%dma_start3A_1826 : memref<128xi32, #tpu.memory_space<vmem>>) semaphore(%arg18 : memref<!tpu.dma_semaphore, #tpu.memory_space<semaphore_mem>>) {add = true}
      %dma_start3A_1829 = arith.constant 6 : i32
      %dma_start3A_1830 = arith.constant 6 : i32
      %dma_start3A_1831 = arith.constant 0 : i32
      %dma_start3A_1832 = tpu.memref_slice %arg11[%dma_start3A_1829, %dma_start3A_1831] : memref<8x128xf32, #tpu.memory_space<vmem>> -> memref<1x128xf32, #tpu.memory_space<vmem>>
      %dma_start3A_1833 = tpu.memref_squeeze %dma_start3A_1832 : memref<1x128xf32, #tpu.memory_space<vmem>> -> memref<128xf32, #tpu.memory_space<vmem>>
      %dma_start3A_1834 = arith.constant 0 : i32
      %dma_start3A_1835 = tpu.memref_slice %arg10[%dma_start3A_1830, %dma_start3A_1834] : memref<8x128xi32, #tpu.memory_space<vmem>> -> memref<1x128xi32, #tpu.memory_space<vmem>>
      %dma_start3A_1836 = tpu.memref_squeeze %dma_start3A_1835 : memref<1x128xi32, #tpu.memory_space<vmem>> -> memref<128xi32, #tpu.memory_space<vmem>>
      %dma_start3A_1837 = arith.constant 0 : i32
      %dma_start3A_1838 = tpu.memref_slice %arg5[%dma_start3A_1837] : memref<950272xf32, #tpu.memory_space<vmem_shared>> -> memref<950272xf32, #tpu.memory_space<vmem_shared>>
      tpu.enqueue_indirect_dma source(%dma_start3A_1833 : memref<128xf32, #tpu.memory_space<vmem>>) target(%dma_start3A_1838 : memref<950272xf32, #tpu.memory_space<vmem_shared>>) offsets(%dma_start3A_1836 : memref<128xi32, #tpu.memory_space<vmem>>) semaphore(%arg18 : memref<!tpu.dma_semaphore, #tpu.memory_space<semaphore_mem>>) {add = true}
      %dma_start3A_1839 = arith.constant 7 : i32
      %dma_start3A_1840 = arith.constant 7 : i32
      %dma_start3A_1841 = arith.constant 0 : i32
      %dma_start3A_1842 = tpu.memref_slice %arg11[%dma_start3A_1839, %dma_start3A_1841] : memref<8x128xf32, #tpu.memory_space<vmem>> -> memref<1x128xf32, #tpu.memory_space<vmem>>
      %dma_start3A_1843 = tpu.memref_squeeze %dma_start3A_1842 : memref<1x128xf32, #tpu.memory_space<vmem>> -> memref<128xf32, #tpu.memory_space<vmem>>
      %dma_start3A_1844 = arith.constant 0 : i32
      %dma_start3A_1845 = tpu.memref_slice %arg10[%dma_start3A_1840, %dma_start3A_1844] : memref<8x128xi32, #tpu.memory_space<vmem>> -> memref<1x128xi32, #tpu.memory_space<vmem>>
      %dma_start3A_1846 = tpu.memref_squeeze %dma_start3A_1845 : memref<1x128xi32, #tpu.memory_space<vmem>> -> memref<128xi32, #tpu.memory_space<vmem>>
      %dma_start3A_1847 = arith.constant 0 : i32
      %dma_start3A_1848 = tpu.memref_slice %arg5[%dma_start3A_1847] : memref<950272xf32, #tpu.memory_space<vmem_shared>> -> memref<950272xf32, #tpu.memory_space<vmem_shared>>
      tpu.enqueue_indirect_dma source(%dma_start3A_1843 : memref<128xf32, #tpu.memory_space<vmem>>) target(%dma_start3A_1848 : memref<950272xf32, #tpu.memory_space<vmem_shared>>) offsets(%dma_start3A_1846 : memref<128xi32, #tpu.memory_space<vmem>>) semaphore(%arg18 : memref<!tpu.dma_semaphore, #tpu.memory_space<semaphore_mem>>) {add = true}
      %dma_wait3A_1849 = arith.constant 0 : i32
      %dma_wait3A_1850 = tpu.memref_slice %arg2[%dma_wait3A_1849] : memref<327680xf32, #tpu.memory_space<hbm>> -> memref<256xf32, #tpu.memory_space<hbm>>
      %dma_wait3A_1851 = arith.constant 0 : i32
      %dma_wait3A_1852 = tpu.memref_slice %arg2[%dma_wait3A_1851] : memref<327680xf32, #tpu.memory_space<hbm>> -> memref<256xf32, #tpu.memory_space<hbm>>
      tpu.wait_dma2 semaphore(%arg17 : memref<!tpu.dma_semaphore, #tpu.memory_space<semaphore_mem>>) src(%dma_wait3A_1852 : memref<256xf32, #tpu.memory_space<hbm>>) dst(%arg8 : memref<256xf32, #tpu.memory_space<vmem>>)
      %dma_wait3A_1853 = arith.constant 0 : i32
      %dma_wait3A_1854 = tpu.memref_slice %arg3[%dma_wait3A_1853] : memref<327680xi32, #tpu.memory_space<hbm>> -> memref<256xi32, #tpu.memory_space<hbm>>
      %dma_wait3A_1855 = arith.constant 0 : i32
      %dma_wait3A_1856 = tpu.memref_slice %arg3[%dma_wait3A_1855] : memref<327680xi32, #tpu.memory_space<hbm>> -> memref<256xi32, #tpu.memory_space<hbm>>
      tpu.wait_dma2 semaphore(%arg17 : memref<!tpu.dma_semaphore, #tpu.memory_space<semaphore_mem>>) src(%dma_wait3A_1856 : memref<256xi32, #tpu.memory_space<hbm>>) dst(%arg9 : memref<256xi32, #tpu.memory_space<vmem>>)
      %gt3A_1857 = arith.constant 0 : i32
      %gt3A_1858 = arith.cmpi sgt, %scan3A_344, %gt3A_1857 : i32
      %convert_element_type3A_1859 = arith.extui %gt3A_1858 : i1 to i32
      %cond3A_1860 = arith.constant 0 : i32
      %cond3A_1861 = arith.cmpi ne, %convert_element_type3A_1859, %cond3A_1860 : i32
      scf.if %cond3A_1861 {
        %dma_wait3A_3356 = arith.constant 0 : i32
        %dma_wait3A_3357 = arith.constant 0 : i32
        %dma_wait3A_3358 = tpu.memref_slice %arg13[%dma_wait3A_3356, %dma_wait3A_3357] : memref<8x128xf32, #tpu.memory_space<vmem>> -> memref<1x128xf32, #tpu.memory_space<vmem>>
        %dma_wait3A_3359 = tpu.memref_squeeze %dma_wait3A_3358 : memref<1x128xf32, #tpu.memory_space<vmem>> -> memref<128xf32, #tpu.memory_space<vmem>>
        %dma_wait3A_3360 = arith.constant 0 : i32
        %dma_wait3A_3361 = tpu.memref_slice %arg5[%dma_wait3A_3360] : memref<950272xf32, #tpu.memory_space<vmem_shared>> -> memref<128xf32, #tpu.memory_space<vmem_shared>>
        %dma_wait3A_3362 = arith.constant 0 : i32
        %dma_wait3A_3363 = tpu.memref_slice %arg5[%dma_wait3A_3362] : memref<950272xf32, #tpu.memory_space<vmem_shared>> -> memref<128xf32, #tpu.memory_space<vmem_shared>>
        %dma_wait3A_3364 = arith.constant 0 : i32
        %dma_wait3A_3365 = tpu.memref_slice %arg13[%dma_wait3A_3356, %dma_wait3A_3364] : memref<8x128xf32, #tpu.memory_space<vmem>> -> memref<1x128xf32, #tpu.memory_space<vmem>>
        %dma_wait3A_3366 = tpu.memref_squeeze %dma_wait3A_3365 : memref<1x128xf32, #tpu.memory_space<vmem>> -> memref<128xf32, #tpu.memory_space<vmem>>
        tpu.wait_dma2 semaphore(%arg19 : memref<!tpu.dma_semaphore, #tpu.memory_space<semaphore_mem>>) src(%dma_wait3A_3366 : memref<128xf32, #tpu.memory_space<vmem>>) dst(%dma_wait3A_3363 : memref<128xf32, #tpu.memory_space<vmem_shared>>)
        %dma_wait3A_3367 = arith.constant 1 : i32
        %dma_wait3A_3368 = arith.constant 0 : i32
        %dma_wait3A_3369 = tpu.memref_slice %arg13[%dma_wait3A_3367, %dma_wait3A_3368] : memref<8x128xf32, #tpu.memory_space<vmem>> -> memref<1x128xf32, #tpu.memory_space<vmem>>
        %dma_wait3A_3370 = tpu.memref_squeeze %dma_wait3A_3369 : memref<1x128xf32, #tpu.memory_space<vmem>> -> memref<128xf32, #tpu.memory_space<vmem>>
        %dma_wait3A_3371 = arith.constant 0 : i32
        %dma_wait3A_3372 = tpu.memref_slice %arg5[%dma_wait3A_3371] : memref<950272xf32, #tpu.memory_space<vmem_shared>> -> memref<128xf32, #tpu.memory_space<vmem_shared>>
        %dma_wait3A_3373 = arith.constant 0 : i32
        %dma_wait3A_3374 = tpu.memref_slice %arg5[%dma_wait3A_3373] : memref<950272xf32, #tpu.memory_space<vmem_shared>> -> memref<128xf32, #tpu.memory_space<vmem_shared>>
        %dma_wait3A_3375 = arith.constant 0 : i32
        %dma_wait3A_3376 = tpu.memref_slice %arg13[%dma_wait3A_3367, %dma_wait3A_3375] : memref<8x128xf32, #tpu.memory_space<vmem>> -> memref<1x128xf32, #tpu.memory_space<vmem>>
        %dma_wait3A_3377 = tpu.memref_squeeze %dma_wait3A_3376 : memref<1x128xf32, #tpu.memory_space<vmem>> -> memref<128xf32, #tpu.memory_space<vmem>>
        tpu.wait_dma2 semaphore(%arg19 : memref<!tpu.dma_semaphore, #tpu.memory_space<semaphore_mem>>) src(%dma_wait3A_3377 : memref<128xf32, #tpu.memory_space<vmem>>) dst(%dma_wait3A_3374 : memref<128xf32, #tpu.memory_space<vmem_shared>>)
        %dma_wait3A_3378 = arith.constant 2 : i32
        %dma_wait3A_3379 = arith.constant 0 : i32
        %dma_wait3A_3380 = tpu.memref_slice %arg13[%dma_wait3A_3378, %dma_wait3A_3379] : memref<8x128xf32, #tpu.memory_space<vmem>> -> memref<1x128xf32, #tpu.memory_space<vmem>>
        %dma_wait3A_3381 = tpu.memref_squeeze %dma_wait3A_3380 : memref<1x128xf32, #tpu.memory_space<vmem>> -> memref<128xf32, #tpu.memory_space<vmem>>
        %dma_wait3A_3382 = arith.constant 0 : i32
        %dma_wait3A_3383 = tpu.memref_slice %arg5[%dma_wait3A_3382] : memref<950272xf32, #tpu.memory_space<vmem_shared>> -> memref<128xf32, #tpu.memory_space<vmem_shared>>
        %dma_wait3A_3384 = arith.constant 0 : i32
        %dma_wait3A_3385 = tpu.memref_slice %arg5[%dma_wait3A_3384] : memref<950272xf32, #tpu.memory_space<vmem_shared>> -> memref<128xf32, #tpu.memory_space<vmem_shared>>
        %dma_wait3A_3386 = arith.constant 0 : i32
        %dma_wait3A_3387 = tpu.memref_slice %arg13[%dma_wait3A_3378, %dma_wait3A_3386] : memref<8x128xf32, #tpu.memory_space<vmem>> -> memref<1x128xf32, #tpu.memory_space<vmem>>
        %dma_wait3A_3388 = tpu.memref_squeeze %dma_wait3A_3387 : memref<1x128xf32, #tpu.memory_space<vmem>> -> memref<128xf32, #tpu.memory_space<vmem>>
        tpu.wait_dma2 semaphore(%arg19 : memref<!tpu.dma_semaphore, #tpu.memory_space<semaphore_mem>>) src(%dma_wait3A_3388 : memref<128xf32, #tpu.memory_space<vmem>>) dst(%dma_wait3A_3385 : memref<128xf32, #tpu.memory_space<vmem_shared>>)
        %dma_wait3A_3389 = arith.constant 3 : i32
        %dma_wait3A_3390 = arith.constant 0 : i32
        %dma_wait3A_3391 = tpu.memref_slice %arg13[%dma_wait3A_3389, %dma_wait3A_3390] : memref<8x128xf32, #tpu.memory_space<vmem>> -> memref<1x128xf32, #tpu.memory_space<vmem>>
        %dma_wait3A_3392 = tpu.memref_squeeze %dma_wait3A_3391 : memref<1x128xf32, #tpu.memory_space<vmem>> -> memref<128xf32, #tpu.memory_space<vmem>>
        %dma_wait3A_3393 = arith.constant 0 : i32
        %dma_wait3A_3394 = tpu.memref_slice %arg5[%dma_wait3A_3393] : memref<950272xf32, #tpu.memory_space<vmem_shared>> -> memref<128xf32, #tpu.memory_space<vmem_shared>>
        %dma_wait3A_3395 = arith.constant 0 : i32
        %dma_wait3A_3396 = tpu.memref_slice %arg5[%dma_wait3A_3395] : memref<950272xf32, #tpu.memory_space<vmem_shared>> -> memref<128xf32, #tpu.memory_space<vmem_shared>>
        %dma_wait3A_3397 = arith.constant 0 : i32
        %dma_wait3A_3398 = tpu.memref_slice %arg13[%dma_wait3A_3389, %dma_wait3A_3397] : memref<8x128xf32, #tpu.memory_space<vmem>> -> memref<1x128xf32, #tpu.memory_space<vmem>>
        %dma_wait3A_3399 = tpu.memref_squeeze %dma_wait3A_3398 : memref<1x128xf32, #tpu.memory_space<vmem>> -> memref<128xf32, #tpu.memory_space<vmem>>
        tpu.wait_dma2 semaphore(%arg19 : memref<!tpu.dma_semaphore, #tpu.memory_space<semaphore_mem>>) src(%dma_wait3A_3399 : memref<128xf32, #tpu.memory_space<vmem>>) dst(%dma_wait3A_3396 : memref<128xf32, #tpu.memory_space<vmem_shared>>)
        %dma_wait3A_3400 = arith.constant 4 : i32
        %dma_wait3A_3401 = arith.constant 0 : i32
        %dma_wait3A_3402 = tpu.memref_slice %arg13[%dma_wait3A_3400, %dma_wait3A_3401] : memref<8x128xf32, #tpu.memory_space<vmem>> -> memref<1x128xf32, #tpu.memory_space<vmem>>
        %dma_wait3A_3403 = tpu.memref_squeeze %dma_wait3A_3402 : memref<1x128xf32, #tpu.memory_space<vmem>> -> memref<128xf32, #tpu.memory_space<vmem>>
        %dma_wait3A_3404 = arith.constant 0 : i32
        %dma_wait3A_3405 = tpu.memref_slice %arg5[%dma_wait3A_3404] : memref<950272xf32, #tpu.memory_space<vmem_shared>> -> memref<128xf32, #tpu.memory_space<vmem_shared>>
        %dma_wait3A_3406 = arith.constant 0 : i32
        %dma_wait3A_3407 = tpu.memref_slice %arg5[%dma_wait3A_3406] : memref<950272xf32, #tpu.memory_space<vmem_shared>> -> memref<128xf32, #tpu.memory_space<vmem_shared>>
        %dma_wait3A_3408 = arith.constant 0 : i32
        %dma_wait3A_3409 = tpu.memref_slice %arg13[%dma_wait3A_3400, %dma_wait3A_3408] : memref<8x128xf32, #tpu.memory_space<vmem>> -> memref<1x128xf32, #tpu.memory_space<vmem>>
        %dma_wait3A_3410 = tpu.memref_squeeze %dma_wait3A_3409 : memref<1x128xf32, #tpu.memory_space<vmem>> -> memref<128xf32, #tpu.memory_space<vmem>>
        tpu.wait_dma2 semaphore(%arg19 : memref<!tpu.dma_semaphore, #tpu.memory_space<semaphore_mem>>) src(%dma_wait3A_3410 : memref<128xf32, #tpu.memory_space<vmem>>) dst(%dma_wait3A_3407 : memref<128xf32, #tpu.memory_space<vmem_shared>>)
        %dma_wait3A_3411 = arith.constant 5 : i32
        %dma_wait3A_3412 = arith.constant 0 : i32
        %dma_wait3A_3413 = tpu.memref_slice %arg13[%dma_wait3A_3411, %dma_wait3A_3412] : memref<8x128xf32, #tpu.memory_space<vmem>> -> memref<1x128xf32, #tpu.memory_space<vmem>>
        %dma_wait3A_3414 = tpu.memref_squeeze %dma_wait3A_3413 : memref<1x128xf32, #tpu.memory_space<vmem>> -> memref<128xf32, #tpu.memory_space<vmem>>
        %dma_wait3A_3415 = arith.constant 0 : i32
        %dma_wait3A_3416 = tpu.memref_slice %arg5[%dma_wait3A_3415] : memref<950272xf32, #tpu.memory_space<vmem_shared>> -> memref<128xf32, #tpu.memory_space<vmem_shared>>
        %dma_wait3A_3417 = arith.constant 0 : i32
        %dma_wait3A_3418 = tpu.memref_slice %arg5[%dma_wait3A_3417] : memref<950272xf32, #tpu.memory_space<vmem_shared>> -> memref<128xf32, #tpu.memory_space<vmem_shared>>
        %dma_wait3A_3419 = arith.constant 0 : i32
        %dma_wait3A_3420 = tpu.memref_slice %arg13[%dma_wait3A_3411, %dma_wait3A_3419] : memref<8x128xf32, #tpu.memory_space<vmem>> -> memref<1x128xf32, #tpu.memory_space<vmem>>
        %dma_wait3A_3421 = tpu.memref_squeeze %dma_wait3A_3420 : memref<1x128xf32, #tpu.memory_space<vmem>> -> memref<128xf32, #tpu.memory_space<vmem>>
        tpu.wait_dma2 semaphore(%arg19 : memref<!tpu.dma_semaphore, #tpu.memory_space<semaphore_mem>>) src(%dma_wait3A_3421 : memref<128xf32, #tpu.memory_space<vmem>>) dst(%dma_wait3A_3418 : memref<128xf32, #tpu.memory_space<vmem_shared>>)
        %dma_wait3A_3422 = arith.constant 6 : i32
        %dma_wait3A_3423 = arith.constant 0 : i32
        %dma_wait3A_3424 = tpu.memref_slice %arg13[%dma_wait3A_3422, %dma_wait3A_3423] : memref<8x128xf32, #tpu.memory_space<vmem>> -> memref<1x128xf32, #tpu.memory_space<vmem>>
        %dma_wait3A_3425 = tpu.memref_squeeze %dma_wait3A_3424 : memref<1x128xf32, #tpu.memory_space<vmem>> -> memref<128xf32, #tpu.memory_space<vmem>>
        %dma_wait3A_3426 = arith.constant 0 : i32
        %dma_wait3A_3427 = tpu.memref_slice %arg5[%dma_wait3A_3426] : memref<950272xf32, #tpu.memory_space<vmem_shared>> -> memref<128xf32, #tpu.memory_space<vmem_shared>>
        %dma_wait3A_3428 = arith.constant 0 : i32
        %dma_wait3A_3429 = tpu.memref_slice %arg5[%dma_wait3A_3428] : memref<950272xf32, #tpu.memory_space<vmem_shared>> -> memref<128xf32, #tpu.memory_space<vmem_shared>>
        %dma_wait3A_3430 = arith.constant 0 : i32
        %dma_wait3A_3431 = tpu.memref_slice %arg13[%dma_wait3A_3422, %dma_wait3A_3430] : memref<8x128xf32, #tpu.memory_space<vmem>> -> memref<1x128xf32, #tpu.memory_space<vmem>>
        %dma_wait3A_3432 = tpu.memref_squeeze %dma_wait3A_3431 : memref<1x128xf32, #tpu.memory_space<vmem>> -> memref<128xf32, #tpu.memory_space<vmem>>
        tpu.wait_dma2 semaphore(%arg19 : memref<!tpu.dma_semaphore, #tpu.memory_space<semaphore_mem>>) src(%dma_wait3A_3432 : memref<128xf32, #tpu.memory_space<vmem>>) dst(%dma_wait3A_3429 : memref<128xf32, #tpu.memory_space<vmem_shared>>)
        %dma_wait3A_3433 = arith.constant 7 : i32
        %dma_wait3A_3434 = arith.constant 0 : i32
        %dma_wait3A_3435 = tpu.memref_slice %arg13[%dma_wait3A_3433, %dma_wait3A_3434] : memref<8x128xf32, #tpu.memory_space<vmem>> -> memref<1x128xf32, #tpu.memory_space<vmem>>
        %dma_wait3A_3436 = tpu.memref_squeeze %dma_wait3A_3435 : memref<1x128xf32, #tpu.memory_space<vmem>> -> memref<128xf32, #tpu.memory_space<vmem>>
        %dma_wait3A_3437 = arith.constant 0 : i32
        %dma_wait3A_3438 = tpu.memref_slice %arg5[%dma_wait3A_3437] : memref<950272xf32, #tpu.memory_space<vmem_shared>> -> memref<128xf32, #tpu.memory_space<vmem_shared>>
        %dma_wait3A_3439 = arith.constant 0 : i32
        %dma_wait3A_3440 = tpu.memref_slice %arg5[%dma_wait3A_3439] : memref<950272xf32, #tpu.memory_space<vmem_shared>> -> memref<128xf32, #tpu.memory_space<vmem_shared>>
        %dma_wait3A_3441 = arith.constant 0 : i32
        %dma_wait3A_3442 = tpu.memref_slice %arg13[%dma_wait3A_3433, %dma_wait3A_3441] : memref<8x128xf32, #tpu.memory_space<vmem>> -> memref<1x128xf32, #tpu.memory_space<vmem>>
        %dma_wait3A_3443 = tpu.memref_squeeze %dma_wait3A_3442 : memref<1x128xf32, #tpu.memory_space<vmem>> -> memref<128xf32, #tpu.memory_space<vmem>>
        tpu.wait_dma2 semaphore(%arg19 : memref<!tpu.dma_semaphore, #tpu.memory_space<semaphore_mem>>) src(%dma_wait3A_3443 : memref<128xf32, #tpu.memory_space<vmem>>) dst(%dma_wait3A_3440 : memref<128xf32, #tpu.memory_space<vmem_shared>>)
      } else {
      }
      %get3A_1862 = arith.constant 0 : index
      %get3A_1863 = tpu.vector_load %arg8[%get3A_1862] {strides = array<i32>} : memref<256xf32, #tpu.memory_space<vmem>>, vector<16xf32>,
      %get3A_1864 = vector.shape_cast %get3A_1863 : vector<16xf32> to vector<16xf32>
      %get3A_1865 = arith.constant 0 : index
      %get3A_1866 = tpu.vector_load %arg9[%get3A_1865] {strides = array<i32>} : memref<256xi32, #tpu.memory_space<vmem>>, vector<16xi32>,
      %get3A_1867 = vector.shape_cast %get3A_1866 : vector<16xi32> to vector<16xi32>
      %and3A_1868 = vector.broadcast %scan3A_63 : i32 to vector<16xi32>
      %and3A_1869 = arith.andi %get3A_1867, %and3A_1868 : vector<16xi32>
      %shift_right_arithmetic3A_1870 = arith.constant 8 : i32
      %shift_right_arithmetic3A_1871 = vector.broadcast %shift_right_arithmetic3A_1870 : i32 to vector<16xi32>
      %shift_right_arithmetic3A_1872 = arith.shrsi %get3A_1867, %shift_right_arithmetic3A_1871 : vector<16xi32>
      %and3A_1873 = vector.broadcast %scan3A_63 : i32 to vector<16xi32>
      %and3A_1874 = arith.andi %shift_right_arithmetic3A_1872, %and3A_1873 : vector<16xi32>
      %shift_right_arithmetic3A_1875 = arith.constant 16 : i32
      %shift_right_arithmetic3A_1876 = vector.broadcast %shift_right_arithmetic3A_1875 : i32 to vector<16xi32>
      %shift_right_arithmetic3A_1877 = arith.shrsi %get3A_1867, %shift_right_arithmetic3A_1876 : vector<16xi32>
      %and3A_1878 = vector.broadcast %scan3A_63 : i32 to vector<16xi32>
      %and3A_1879 = arith.andi %shift_right_arithmetic3A_1877, %and3A_1878 : vector<16xi32>
      %shift_right_arithmetic3A_1880 = arith.constant 24 : i32
      %shift_right_arithmetic3A_1881 = vector.broadcast %shift_right_arithmetic3A_1880 : i32 to vector<16xi32>
      %shift_right_arithmetic3A_1882 = arith.shrsi %get3A_1867, %shift_right_arithmetic3A_1881 : vector<16xi32>
      %and3A_1883 = vector.broadcast %scan3A_63 : i32 to vector<16xi32>
      %and3A_1884 = arith.andi %shift_right_arithmetic3A_1882, %and3A_1883 : vector<16xi32>
      %mul3A_1885 = arith.constant 256 : i32
      %mul3A_1886 = vector.broadcast %mul3A_1885 : i32 to vector<16xi32>
      %mul3A_1887 = arith.muli %and3A_1874, %mul3A_1886 : vector<16xi32>
      %add3A_1888 = vector.broadcast %mul3A_0 : i32 to vector<16xi32>
      %add3A_1889 = arith.addi %add3A_1888, %mul3A_1887 : vector<16xi32>
      %mul3A_1890 = arith.constant 256 : i32
      %mul3A_1891 = vector.broadcast %mul3A_1890 : i32 to vector<16xi32>
      %mul3A_1892 = arith.muli %and3A_1884, %mul3A_1891 : vector<16xi32>
      %add3A_1893 = vector.broadcast %mul3A_0 : i32 to vector<16xi32>
      %add3A_1894 = arith.addi %add3A_1893, %mul3A_1892 : vector<16xi32>
      %add3A_1895 = arith.addi %add3A_1889, %and3A_1869 : vector<16xi32>
      %swap3A_1896 = arith.constant 0 : i32
      %swap3A_1897 = arith.index_cast %swap3A_1896 : i32 to index
      %swap3A_1898 = arith.constant 0 : index
      %swap3A_1899 = tpu.vector_load %arg12[%swap3A_1897, %swap3A_1898] {strides = array<i32>} : memref<8x128xi32, #tpu.memory_space<vmem>>, vector<1x16xi32>,
      %swap3A_1900 = vector.shape_cast %swap3A_1899 : vector<1x16xi32> to vector<16xi32>
      %swap3A_1901 = vector.shape_cast %add3A_1895 : vector<16xi32> to vector<1x16xi32>
      tpu.vector_store %arg12[%swap3A_1897, %swap3A_1898], %swap3A_1901 {strides = array<i32>} : memref<8x128xi32, #tpu.memory_space<vmem>>, vector<1x16xi32>,
      %add3A_1902 = arith.addi %add3A_1889, %and3A_1879 : vector<16xi32>
      %swap3A_1903 = arith.constant 0 : i32
      %swap3A_1904 = arith.index_cast %swap3A_1903 : i32 to index
      %swap3A_1905 = arith.constant 16 : index
      %swap3A_1906 = tpu.vector_load %arg12[%swap3A_1904, %swap3A_1905] {strides = array<i32>} : memref<8x128xi32, #tpu.memory_space<vmem>>, vector<1x16xi32>,
      %swap3A_1907 = vector.shape_cast %swap3A_1906 : vector<1x16xi32> to vector<16xi32>
      %swap3A_1908 = vector.shape_cast %add3A_1902 : vector<16xi32> to vector<1x16xi32>
      tpu.vector_store %arg12[%swap3A_1904, %swap3A_1905], %swap3A_1908 {strides = array<i32>} : memref<8x128xi32, #tpu.memory_space<vmem>>, vector<1x16xi32>,
      %add3A_1909 = arith.addi %add3A_1894, %and3A_1869 : vector<16xi32>
      %swap3A_1910 = arith.constant 0 : i32
      %swap3A_1911 = arith.index_cast %swap3A_1910 : i32 to index
      %swap3A_1912 = arith.constant 32 : index
      %swap3A_1913 = tpu.vector_load %arg12[%swap3A_1911, %swap3A_1912] {strides = array<i32>} : memref<8x128xi32, #tpu.memory_space<vmem>>, vector<1x16xi32>,
      %swap3A_1914 = vector.shape_cast %swap3A_1913 : vector<1x16xi32> to vector<16xi32>
      %swap3A_1915 = vector.shape_cast %add3A_1909 : vector<16xi32> to vector<1x16xi32>
      tpu.vector_store %arg12[%swap3A_1911, %swap3A_1912], %swap3A_1915 {strides = array<i32>} : memref<8x128xi32, #tpu.memory_space<vmem>>, vector<1x16xi32>,
      %add3A_1916 = arith.addi %add3A_1894, %and3A_1879 : vector<16xi32>
      %swap3A_1917 = arith.constant 0 : i32
      %swap3A_1918 = arith.index_cast %swap3A_1917 : i32 to index
      %swap3A_1919 = arith.constant 48 : index
      %swap3A_1920 = tpu.vector_load %arg12[%swap3A_1918, %swap3A_1919] {strides = array<i32>} : memref<8x128xi32, #tpu.memory_space<vmem>>, vector<1x16xi32>,
      %swap3A_1921 = vector.shape_cast %swap3A_1920 : vector<1x16xi32> to vector<16xi32>
      %swap3A_1922 = vector.shape_cast %add3A_1916 : vector<16xi32> to vector<1x16xi32>
      tpu.vector_store %arg12[%swap3A_1918, %swap3A_1919], %swap3A_1922 {strides = array<i32>} : memref<8x128xi32, #tpu.memory_space<vmem>>, vector<1x16xi32>,
      %neg3A_1923 = arith.constant 0.000000e+00 : f32
      %neg3A_1924 = vector.broadcast %neg3A_1923 : f32 to vector<16xf32>
      %neg3A_1925 = arith.subf %neg3A_1924, %get3A_1864 : vector<16xf32>
      %swap3A_1926 = arith.constant 0 : i32
      %swap3A_1927 = arith.index_cast %swap3A_1926 : i32 to index
      %swap3A_1928 = arith.constant 0 : index
      %swap3A_1929 = tpu.vector_load %arg13[%swap3A_1927, %swap3A_1928] {strides = array<i32>} : memref<8x128xf32, #tpu.memory_space<vmem>>, vector<1x16xf32>,
      %swap3A_1930 = vector.shape_cast %swap3A_1929 : vector<1x16xf32> to vector<16xf32>
      %swap3A_1931 = vector.shape_cast %get3A_1864 : vector<16xf32> to vector<1x16xf32>
      tpu.vector_store %arg13[%swap3A_1927, %swap3A_1928], %swap3A_1931 {strides = array<i32>} : memref<8x128xf32, #tpu.memory_space<vmem>>, vector<1x16xf32>,
      %swap3A_1932 = arith.constant 0 : i32
      %swap3A_1933 = arith.index_cast %swap3A_1932 : i32 to index
      %swap3A_1934 = arith.constant 16 : index
      %swap3A_1935 = tpu.vector_load %arg13[%swap3A_1933, %swap3A_1934] {strides = array<i32>} : memref<8x128xf32, #tpu.memory_space<vmem>>, vector<1x16xf32>,
      %swap3A_1936 = vector.shape_cast %swap3A_1935 : vector<1x16xf32> to vector<16xf32>
      %swap3A_1937 = vector.shape_cast %neg3A_1925 : vector<16xf32> to vector<1x16xf32>
      tpu.vector_store %arg13[%swap3A_1933, %swap3A_1934], %swap3A_1937 {strides = array<i32>} : memref<8x128xf32, #tpu.memory_space<vmem>>, vector<1x16xf32>,
      %swap3A_1938 = arith.constant 0 : i32
      %swap3A_1939 = arith.index_cast %swap3A_1938 : i32 to index
      %swap3A_1940 = arith.constant 32 : index
      %swap3A_1941 = tpu.vector_load %arg13[%swap3A_1939, %swap3A_1940] {strides = array<i32>} : memref<8x128xf32, #tpu.memory_space<vmem>>, vector<1x16xf32>,
      %swap3A_1942 = vector.shape_cast %swap3A_1941 : vector<1x16xf32> to vector<16xf32>
      %swap3A_1943 = vector.shape_cast %neg3A_1925 : vector<16xf32> to vector<1x16xf32>
      tpu.vector_store %arg13[%swap3A_1939, %swap3A_1940], %swap3A_1943 {strides = array<i32>} : memref<8x128xf32, #tpu.memory_space<vmem>>, vector<1x16xf32>,
      %swap3A_1944 = arith.constant 0 : i32
      %swap3A_1945 = arith.index_cast %swap3A_1944 : i32 to index
      %swap3A_1946 = arith.constant 48 : index
      %swap3A_1947 = tpu.vector_load %arg13[%swap3A_1945, %swap3A_1946] {strides = array<i32>} : memref<8x128xf32, #tpu.memory_space<vmem>>, vector<1x16xf32>,
      %swap3A_1948 = vector.shape_cast %swap3A_1947 : vector<1x16xf32> to vector<16xf32>
      %swap3A_1949 = vector.shape_cast %get3A_1864 : vector<16xf32> to vector<1x16xf32>
      tpu.vector_store %arg13[%swap3A_1945, %swap3A_1946], %swap3A_1949 {strides = array<i32>} : memref<8x128xf32, #tpu.memory_space<vmem>>, vector<1x16xf32>,
      %get3A_1950 = arith.constant 16 : index
      %get3A_1951 = tpu.vector_load %arg8[%get3A_1950] {strides = array<i32>} : memref<256xf32, #tpu.memory_space<vmem>>, vector<16xf32>,
      %get3A_1952 = vector.shape_cast %get3A_1951 : vector<16xf32> to vector<16xf32>
      %get3A_1953 = arith.constant 16 : index
      %get3A_1954 = tpu.vector_load %arg9[%get3A_1953] {strides = array<i32>} : memref<256xi32, #tpu.memory_space<vmem>>, vector<16xi32>,
      %get3A_1955 = vector.shape_cast %get3A_1954 : vector<16xi32> to vector<16xi32>
      %and3A_1956 = vector.broadcast %scan3A_63 : i32 to vector<16xi32>
      %and3A_1957 = arith.andi %get3A_1955, %and3A_1956 : vector<16xi32>
      %shift_right_arithmetic3A_1958 = arith.constant 8 : i32
      %shift_right_arithmetic3A_1959 = vector.broadcast %shift_right_arithmetic3A_1958 : i32 to vector<16xi32>
      %shift_right_arithmetic3A_1960 = arith.shrsi %get3A_1955, %shift_right_arithmetic3A_1959 : vector<16xi32>
      %and3A_1961 = vector.broadcast %scan3A_63 : i32 to vector<16xi32>
      %and3A_1962 = arith.andi %shift_right_arithmetic3A_1960, %and3A_1961 : vector<16xi32>
      %shift_right_arithmetic3A_1963 = arith.constant 16 : i32
      %shift_right_arithmetic3A_1964 = vector.broadcast %shift_right_arithmetic3A_1963 : i32 to vector<16xi32>
      %shift_right_arithmetic3A_1965 = arith.shrsi %get3A_1955, %shift_right_arithmetic3A_1964 : vector<16xi32>
      %and3A_1966 = vector.broadcast %scan3A_63 : i32 to vector<16xi32>
      %and3A_1967 = arith.andi %shift_right_arithmetic3A_1965, %and3A_1966 : vector<16xi32>
      %shift_right_arithmetic3A_1968 = arith.constant 24 : i32
      %shift_right_arithmetic3A_1969 = vector.broadcast %shift_right_arithmetic3A_1968 : i32 to vector<16xi32>
      %shift_right_arithmetic3A_1970 = arith.shrsi %get3A_1955, %shift_right_arithmetic3A_1969 : vector<16xi32>
      %and3A_1971 = vector.broadcast %scan3A_63 : i32 to vector<16xi32>
      %and3A_1972 = arith.andi %shift_right_arithmetic3A_1970, %and3A_1971 : vector<16xi32>
      %mul3A_1973 = arith.constant 256 : i32
      %mul3A_1974 = vector.broadcast %mul3A_1973 : i32 to vector<16xi32>
      %mul3A_1975 = arith.muli %and3A_1962, %mul3A_1974 : vector<16xi32>
      %add3A_1976 = vector.broadcast %mul3A_0 : i32 to vector<16xi32>
      %add3A_1977 = arith.addi %add3A_1976, %mul3A_1975 : vector<16xi32>
      %mul3A_1978 = arith.constant 256 : i32
      %mul3A_1979 = vector.broadcast %mul3A_1978 : i32 to vector<16xi32>
      %mul3A_1980 = arith.muli %and3A_1972, %mul3A_1979 : vector<16xi32>
      %add3A_1981 = vector.broadcast %mul3A_0 : i32 to vector<16xi32>
      %add3A_1982 = arith.addi %add3A_1981, %mul3A_1980 : vector<16xi32>
      %add3A_1983 = arith.addi %add3A_1977, %and3A_1957 : vector<16xi32>
      %swap3A_1984 = arith.constant 0 : i32
      %swap3A_1985 = arith.index_cast %swap3A_1984 : i32 to index
      %swap3A_1986 = arith.constant 64 : index
      %swap3A_1987 = tpu.vector_load %arg12[%swap3A_1985, %swap3A_1986] {strides = array<i32>} : memref<8x128xi32, #tpu.memory_space<vmem>>, vector<1x16xi32>,
      %swap3A_1988 = vector.shape_cast %swap3A_1987 : vector<1x16xi32> to vector<16xi32>
      %swap3A_1989 = vector.shape_cast %add3A_1983 : vector<16xi32> to vector<1x16xi32>
      tpu.vector_store %arg12[%swap3A_1985, %swap3A_1986], %swap3A_1989 {strides = array<i32>} : memref<8x128xi32, #tpu.memory_space<vmem>>, vector<1x16xi32>,
      %add3A_1990 = arith.addi %add3A_1977, %and3A_1967 : vector<16xi32>
      %swap3A_1991 = arith.constant 0 : i32
      %swap3A_1992 = arith.index_cast %swap3A_1991 : i32 to index
      %swap3A_1993 = arith.constant 80 : index
      %swap3A_1994 = tpu.vector_load %arg12[%swap3A_1992, %swap3A_1993] {strides = array<i32>} : memref<8x128xi32, #tpu.memory_space<vmem>>, vector<1x16xi32>,
      %swap3A_1995 = vector.shape_cast %swap3A_1994 : vector<1x16xi32> to vector<16xi32>
      %swap3A_1996 = vector.shape_cast %add3A_1990 : vector<16xi32> to vector<1x16xi32>
      tpu.vector_store %arg12[%swap3A_1992, %swap3A_1993], %swap3A_1996 {strides = array<i32>} : memref<8x128xi32, #tpu.memory_space<vmem>>, vector<1x16xi32>,
      %add3A_1997 = arith.addi %add3A_1982, %and3A_1957 : vector<16xi32>
      %swap3A_1998 = arith.constant 0 : i32
      %swap3A_1999 = arith.index_cast %swap3A_1998 : i32 to index
      %swap3A_2000 = arith.constant 96 : index
      %swap3A_2001 = tpu.vector_load %arg12[%swap3A_1999, %swap3A_2000] {strides = array<i32>} : memref<8x128xi32, #tpu.memory_space<vmem>>, vector<1x16xi32>,
      %swap3A_2002 = vector.shape_cast %swap3A_2001 : vector<1x16xi32> to vector<16xi32>
      %swap3A_2003 = vector.shape_cast %add3A_1997 : vector<16xi32> to vector<1x16xi32>
      tpu.vector_store %arg12[%swap3A_1999, %swap3A_2000], %swap3A_2003 {strides = array<i32>} : memref<8x128xi32, #tpu.memory_space<vmem>>, vector<1x16xi32>,
      %add3A_2004 = arith.addi %add3A_1982, %and3A_1967 : vector<16xi32>
      %swap3A_2005 = arith.constant 0 : i32
      %swap3A_2006 = arith.index_cast %swap3A_2005 : i32 to index
      %swap3A_2007 = arith.constant 112 : index
      %swap3A_2008 = tpu.vector_load %arg12[%swap3A_2006, %swap3A_2007] {strides = array<i32>} : memref<8x128xi32, #tpu.memory_space<vmem>>, vector<1x16xi32>,
      %swap3A_2009 = vector.shape_cast %swap3A_2008 : vector<1x16xi32> to vector<16xi32>
      %swap3A_2010 = vector.shape_cast %add3A_2004 : vector<16xi32> to vector<1x16xi32>
      tpu.vector_store %arg12[%swap3A_2006, %swap3A_2007], %swap3A_2010 {strides = array<i32>} : memref<8x128xi32, #tpu.memory_space<vmem>>, vector<1x16xi32>,
      %neg3A_2011 = arith.constant 0.000000e+00 : f32
      %neg3A_2012 = vector.broadcast %neg3A_2011 : f32 to vector<16xf32>
      %neg3A_2013 = arith.subf %neg3A_2012, %get3A_1952 : vector<16xf32>
      %swap3A_2014 = arith.constant 0 : i32
      %swap3A_2015 = arith.index_cast %swap3A_2014 : i32 to index
      %swap3A_2016 = arith.constant 64 : index
      %swap3A_2017 = tpu.vector_load %arg13[%swap3A_2015, %swap3A_2016] {strides = array<i32>} : memref<8x128xf32, #tpu.memory_space<vmem>>, vector<1x16xf32>,
      %swap3A_2018 = vector.shape_cast %swap3A_2017 : vector<1x16xf32> to vector<16xf32>
      %swap3A_2019 = vector.shape_cast %get3A_1952 : vector<16xf32> to vector<1x16xf32>
      tpu.vector_store %arg13[%swap3A_2015, %swap3A_2016], %swap3A_2019 {strides = array<i32>} : memref<8x128xf32, #tpu.memory_space<vmem>>, vector<1x16xf32>,
      %swap3A_2020 = arith.constant 0 : i32
      %swap3A_2021 = arith.index_cast %swap3A_2020 : i32 to index
      %swap3A_2022 = arith.constant 80 : index
      %swap3A_2023 = tpu.vector_load %arg13[%swap3A_2021, %swap3A_2022] {strides = array<i32>} : memref<8x128xf32, #tpu.memory_space<vmem>>, vector<1x16xf32>,
      %swap3A_2024 = vector.shape_cast %swap3A_2023 : vector<1x16xf32> to vector<16xf32>
      %swap3A_2025 = vector.shape_cast %neg3A_2013 : vector<16xf32> to vector<1x16xf32>
      tpu.vector_store %arg13[%swap3A_2021, %swap3A_2022], %swap3A_2025 {strides = array<i32>} : memref<8x128xf32, #tpu.memory_space<vmem>>, vector<1x16xf32>,
      %swap3A_2026 = arith.constant 0 : i32
      %swap3A_2027 = arith.index_cast %swap3A_2026 : i32 to index
      %swap3A_2028 = arith.constant 96 : index
      %swap3A_2029 = tpu.vector_load %arg13[%swap3A_2027, %swap3A_2028] {strides = array<i32>} : memref<8x128xf32, #tpu.memory_space<vmem>>, vector<1x16xf32>,
      %swap3A_2030 = vector.shape_cast %swap3A_2029 : vector<1x16xf32> to vector<16xf32>
      %swap3A_2031 = vector.shape_cast %neg3A_2013 : vector<16xf32> to vector<1x16xf32>
      tpu.vector_store %arg13[%swap3A_2027, %swap3A_2028], %swap3A_2031 {strides = array<i32>} : memref<8x128xf32, #tpu.memory_space<vmem>>, vector<1x16xf32>,
      %swap3A_2032 = arith.constant 0 : i32
      %swap3A_2033 = arith.index_cast %swap3A_2032 : i32 to index
      %swap3A_2034 = arith.constant 112 : index
      %swap3A_2035 = tpu.vector_load %arg13[%swap3A_2033, %swap3A_2034] {strides = array<i32>} : memref<8x128xf32, #tpu.memory_space<vmem>>, vector<1x16xf32>,
      %swap3A_2036 = vector.shape_cast %swap3A_2035 : vector<1x16xf32> to vector<16xf32>
      %swap3A_2037 = vector.shape_cast %get3A_1952 : vector<16xf32> to vector<1x16xf32>
      tpu.vector_store %arg13[%swap3A_2033, %swap3A_2034], %swap3A_2037 {strides = array<i32>} : memref<8x128xf32, #tpu.memory_space<vmem>>, vector<1x16xf32>,
      %get3A_2038 = arith.constant 32 : index
      %get3A_2039 = tpu.vector_load %arg8[%get3A_2038] {strides = array<i32>} : memref<256xf32, #tpu.memory_space<vmem>>, vector<16xf32>,
      %get3A_2040 = vector.shape_cast %get3A_2039 : vector<16xf32> to vector<16xf32>
      %get3A_2041 = arith.constant 32 : index
      %get3A_2042 = tpu.vector_load %arg9[%get3A_2041] {strides = array<i32>} : memref<256xi32, #tpu.memory_space<vmem>>, vector<16xi32>,
      %get3A_2043 = vector.shape_cast %get3A_2042 : vector<16xi32> to vector<16xi32>
      %and3A_2044 = vector.broadcast %scan3A_63 : i32 to vector<16xi32>
      %and3A_2045 = arith.andi %get3A_2043, %and3A_2044 : vector<16xi32>
      %shift_right_arithmetic3A_2046 = arith.constant 8 : i32
      %shift_right_arithmetic3A_2047 = vector.broadcast %shift_right_arithmetic3A_2046 : i32 to vector<16xi32>
      %shift_right_arithmetic3A_2048 = arith.shrsi %get3A_2043, %shift_right_arithmetic3A_2047 : vector<16xi32>
      %and3A_2049 = vector.broadcast %scan3A_63 : i32 to vector<16xi32>
      %and3A_2050 = arith.andi %shift_right_arithmetic3A_2048, %and3A_2049 : vector<16xi32>
      %shift_right_arithmetic3A_2051 = arith.constant 16 : i32
      %shift_right_arithmetic3A_2052 = vector.broadcast %shift_right_arithmetic3A_2051 : i32 to vector<16xi32>
      %shift_right_arithmetic3A_2053 = arith.shrsi %get3A_2043, %shift_right_arithmetic3A_2052 : vector<16xi32>
      %and3A_2054 = vector.broadcast %scan3A_63 : i32 to vector<16xi32>
      %and3A_2055 = arith.andi %shift_right_arithmetic3A_2053, %and3A_2054 : vector<16xi32>
      %shift_right_arithmetic3A_2056 = arith.constant 24 : i32
      %shift_right_arithmetic3A_2057 = vector.broadcast %shift_right_arithmetic3A_2056 : i32 to vector<16xi32>
      %shift_right_arithmetic3A_2058 = arith.shrsi %get3A_2043, %shift_right_arithmetic3A_2057 : vector<16xi32>
      %and3A_2059 = vector.broadcast %scan3A_63 : i32 to vector<16xi32>
      %and3A_2060 = arith.andi %shift_right_arithmetic3A_2058, %and3A_2059 : vector<16xi32>
      %mul3A_2061 = arith.constant 256 : i32
      %mul3A_2062 = vector.broadcast %mul3A_2061 : i32 to vector<16xi32>
      %mul3A_2063 = arith.muli %and3A_2050, %mul3A_2062 : vector<16xi32>
      %add3A_2064 = vector.broadcast %mul3A_0 : i32 to vector<16xi32>
      %add3A_2065 = arith.addi %add3A_2064, %mul3A_2063 : vector<16xi32>
      %mul3A_2066 = arith.constant 256 : i32
      %mul3A_2067 = vector.broadcast %mul3A_2066 : i32 to vector<16xi32>
      %mul3A_2068 = arith.muli %and3A_2060, %mul3A_2067 : vector<16xi32>
      %add3A_2069 = vector.broadcast %mul3A_0 : i32 to vector<16xi32>
      %add3A_2070 = arith.addi %add3A_2069, %mul3A_2068 : vector<16xi32>
      %add3A_2071 = arith.addi %add3A_2065, %and3A_2045 : vector<16xi32>
      %swap3A_2072 = arith.constant 1 : i32
      %swap3A_2073 = arith.index_cast %swap3A_2072 : i32 to index
      %swap3A_2074 = arith.constant 0 : index
      %swap3A_2075 = tpu.vector_load %arg12[%swap3A_2073, %swap3A_2074] {strides = array<i32>} : memref<8x128xi32, #tpu.memory_space<vmem>>, vector<1x16xi32>,
      %swap3A_2076 = vector.shape_cast %swap3A_2075 : vector<1x16xi32> to vector<16xi32>
      %swap3A_2077 = vector.shape_cast %add3A_2071 : vector<16xi32> to vector<1x16xi32>
      tpu.vector_store %arg12[%swap3A_2073, %swap3A_2074], %swap3A_2077 {strides = array<i32>} : memref<8x128xi32, #tpu.memory_space<vmem>>, vector<1x16xi32>,
      %add3A_2078 = arith.addi %add3A_2065, %and3A_2055 : vector<16xi32>
      %swap3A_2079 = arith.constant 1 : i32
      %swap3A_2080 = arith.index_cast %swap3A_2079 : i32 to index
      %swap3A_2081 = arith.constant 16 : index
      %swap3A_2082 = tpu.vector_load %arg12[%swap3A_2080, %swap3A_2081] {strides = array<i32>} : memref<8x128xi32, #tpu.memory_space<vmem>>, vector<1x16xi32>,
      %swap3A_2083 = vector.shape_cast %swap3A_2082 : vector<1x16xi32> to vector<16xi32>
      %swap3A_2084 = vector.shape_cast %add3A_2078 : vector<16xi32> to vector<1x16xi32>
      tpu.vector_store %arg12[%swap3A_2080, %swap3A_2081], %swap3A_2084 {strides = array<i32>} : memref<8x128xi32, #tpu.memory_space<vmem>>, vector<1x16xi32>,
      %add3A_2085 = arith.addi %add3A_2070, %and3A_2045 : vector<16xi32>
      %swap3A_2086 = arith.constant 1 : i32
      %swap3A_2087 = arith.index_cast %swap3A_2086 : i32 to index
      %swap3A_2088 = arith.constant 32 : index
      %swap3A_2089 = tpu.vector_load %arg12[%swap3A_2087, %swap3A_2088] {strides = array<i32>} : memref<8x128xi32, #tpu.memory_space<vmem>>, vector<1x16xi32>,
      %swap3A_2090 = vector.shape_cast %swap3A_2089 : vector<1x16xi32> to vector<16xi32>
      %swap3A_2091 = vector.shape_cast %add3A_2085 : vector<16xi32> to vector<1x16xi32>
      tpu.vector_store %arg12[%swap3A_2087, %swap3A_2088], %swap3A_2091 {strides = array<i32>} : memref<8x128xi32, #tpu.memory_space<vmem>>, vector<1x16xi32>,
      %add3A_2092 = arith.addi %add3A_2070, %and3A_2055 : vector<16xi32>
      %swap3A_2093 = arith.constant 1 : i32
      %swap3A_2094 = arith.index_cast %swap3A_2093 : i32 to index
      %swap3A_2095 = arith.constant 48 : index
      %swap3A_2096 = tpu.vector_load %arg12[%swap3A_2094, %swap3A_2095] {strides = array<i32>} : memref<8x128xi32, #tpu.memory_space<vmem>>, vector<1x16xi32>,
      %swap3A_2097 = vector.shape_cast %swap3A_2096 : vector<1x16xi32> to vector<16xi32>
      %swap3A_2098 = vector.shape_cast %add3A_2092 : vector<16xi32> to vector<1x16xi32>
      tpu.vector_store %arg12[%swap3A_2094, %swap3A_2095], %swap3A_2098 {strides = array<i32>} : memref<8x128xi32, #tpu.memory_space<vmem>>, vector<1x16xi32>,
      %neg3A_2099 = arith.constant 0.000000e+00 : f32
      %neg3A_2100 = vector.broadcast %neg3A_2099 : f32 to vector<16xf32>
      %neg3A_2101 = arith.subf %neg3A_2100, %get3A_2040 : vector<16xf32>
      %swap3A_2102 = arith.constant 1 : i32
      %swap3A_2103 = arith.index_cast %swap3A_2102 : i32 to index
      %swap3A_2104 = arith.constant 0 : index
      %swap3A_2105 = tpu.vector_load %arg13[%swap3A_2103, %swap3A_2104] {strides = array<i32>} : memref<8x128xf32, #tpu.memory_space<vmem>>, vector<1x16xf32>,
      %swap3A_2106 = vector.shape_cast %swap3A_2105 : vector<1x16xf32> to vector<16xf32>
      %swap3A_2107 = vector.shape_cast %get3A_2040 : vector<16xf32> to vector<1x16xf32>
      tpu.vector_store %arg13[%swap3A_2103, %swap3A_2104], %swap3A_2107 {strides = array<i32>} : memref<8x128xf32, #tpu.memory_space<vmem>>, vector<1x16xf32>,
      %swap3A_2108 = arith.constant 1 : i32
      %swap3A_2109 = arith.index_cast %swap3A_2108 : i32 to index
      %swap3A_2110 = arith.constant 16 : index
      %swap3A_2111 = tpu.vector_load %arg13[%swap3A_2109, %swap3A_2110] {strides = array<i32>} : memref<8x128xf32, #tpu.memory_space<vmem>>, vector<1x16xf32>,
      %swap3A_2112 = vector.shape_cast %swap3A_2111 : vector<1x16xf32> to vector<16xf32>
      %swap3A_2113 = vector.shape_cast %neg3A_2101 : vector<16xf32> to vector<1x16xf32>
      tpu.vector_store %arg13[%swap3A_2109, %swap3A_2110], %swap3A_2113 {strides = array<i32>} : memref<8x128xf32, #tpu.memory_space<vmem>>, vector<1x16xf32>,
      %swap3A_2114 = arith.constant 1 : i32
      %swap3A_2115 = arith.index_cast %swap3A_2114 : i32 to index
      %swap3A_2116 = arith.constant 32 : index
      %swap3A_2117 = tpu.vector_load %arg13[%swap3A_2115, %swap3A_2116] {strides = array<i32>} : memref<8x128xf32, #tpu.memory_space<vmem>>, vector<1x16xf32>,
      %swap3A_2118 = vector.shape_cast %swap3A_2117 : vector<1x16xf32> to vector<16xf32>
      %swap3A_2119 = vector.shape_cast %neg3A_2101 : vector<16xf32> to vector<1x16xf32>
      tpu.vector_store %arg13[%swap3A_2115, %swap3A_2116], %swap3A_2119 {strides = array<i32>} : memref<8x128xf32, #tpu.memory_space<vmem>>, vector<1x16xf32>,
      %swap3A_2120 = arith.constant 1 : i32
      %swap3A_2121 = arith.index_cast %swap3A_2120 : i32 to index
      %swap3A_2122 = arith.constant 48 : index
      %swap3A_2123 = tpu.vector_load %arg13[%swap3A_2121, %swap3A_2122] {strides = array<i32>} : memref<8x128xf32, #tpu.memory_space<vmem>>, vector<1x16xf32>,
      %swap3A_2124 = vector.shape_cast %swap3A_2123 : vector<1x16xf32> to vector<16xf32>
      %swap3A_2125 = vector.shape_cast %get3A_2040 : vector<16xf32> to vector<1x16xf32>
      tpu.vector_store %arg13[%swap3A_2121, %swap3A_2122], %swap3A_2125 {strides = array<i32>} : memref<8x128xf32, #tpu.memory_space<vmem>>, vector<1x16xf32>,
      %get3A_2126 = arith.constant 48 : index
      %get3A_2127 = tpu.vector_load %arg8[%get3A_2126] {strides = array<i32>} : memref<256xf32, #tpu.memory_space<vmem>>, vector<16xf32>,
      %get3A_2128 = vector.shape_cast %get3A_2127 : vector<16xf32> to vector<16xf32>
      %get3A_2129 = arith.constant 48 : index
      %get3A_2130 = tpu.vector_load %arg9[%get3A_2129] {strides = array<i32>} : memref<256xi32, #tpu.memory_space<vmem>>, vector<16xi32>,
      %get3A_2131 = vector.shape_cast %get3A_2130 : vector<16xi32> to vector<16xi32>
      %and3A_2132 = vector.broadcast %scan3A_63 : i32 to vector<16xi32>
      %and3A_2133 = arith.andi %get3A_2131, %and3A_2132 : vector<16xi32>
      %shift_right_arithmetic3A_2134 = arith.constant 8 : i32
      %shift_right_arithmetic3A_2135 = vector.broadcast %shift_right_arithmetic3A_2134 : i32 to vector<16xi32>
      %shift_right_arithmetic3A_2136 = arith.shrsi %get3A_2131, %shift_right_arithmetic3A_2135 : vector<16xi32>
      %and3A_2137 = vector.broadcast %scan3A_63 : i32 to vector<16xi32>
      %and3A_2138 = arith.andi %shift_right_arithmetic3A_2136, %and3A_2137 : vector<16xi32>
      %shift_right_arithmetic3A_2139 = arith.constant 16 : i32
      %shift_right_arithmetic3A_2140 = vector.broadcast %shift_right_arithmetic3A_2139 : i32 to vector<16xi32>
      %shift_right_arithmetic3A_2141 = arith.shrsi %get3A_2131, %shift_right_arithmetic3A_2140 : vector<16xi32>
      %and3A_2142 = vector.broadcast %scan3A_63 : i32 to vector<16xi32>
      %and3A_2143 = arith.andi %shift_right_arithmetic3A_2141, %and3A_2142 : vector<16xi32>
      %shift_right_arithmetic3A_2144 = arith.constant 24 : i32
      %shift_right_arithmetic3A_2145 = vector.broadcast %shift_right_arithmetic3A_2144 : i32 to vector<16xi32>
      %shift_right_arithmetic3A_2146 = arith.shrsi %get3A_2131, %shift_right_arithmetic3A_2145 : vector<16xi32>
      %and3A_2147 = vector.broadcast %scan3A_63 : i32 to vector<16xi32>
      %and3A_2148 = arith.andi %shift_right_arithmetic3A_2146, %and3A_2147 : vector<16xi32>
      %mul3A_2149 = arith.constant 256 : i32
      %mul3A_2150 = vector.broadcast %mul3A_2149 : i32 to vector<16xi32>
      %mul3A_2151 = arith.muli %and3A_2138, %mul3A_2150 : vector<16xi32>
      %add3A_2152 = vector.broadcast %mul3A_0 : i32 to vector<16xi32>
      %add3A_2153 = arith.addi %add3A_2152, %mul3A_2151 : vector<16xi32>
      %mul3A_2154 = arith.constant 256 : i32
      %mul3A_2155 = vector.broadcast %mul3A_2154 : i32 to vector<16xi32>
      %mul3A_2156 = arith.muli %and3A_2148, %mul3A_2155 : vector<16xi32>
      %add3A_2157 = vector.broadcast %mul3A_0 : i32 to vector<16xi32>
      %add3A_2158 = arith.addi %add3A_2157, %mul3A_2156 : vector<16xi32>
      %add3A_2159 = arith.addi %add3A_2153, %and3A_2133 : vector<16xi32>
      %swap3A_2160 = arith.constant 1 : i32
      %swap3A_2161 = arith.index_cast %swap3A_2160 : i32 to index
      %swap3A_2162 = arith.constant 64 : index
      %swap3A_2163 = tpu.vector_load %arg12[%swap3A_2161, %swap3A_2162] {strides = array<i32>} : memref<8x128xi32, #tpu.memory_space<vmem>>, vector<1x16xi32>,
      %swap3A_2164 = vector.shape_cast %swap3A_2163 : vector<1x16xi32> to vector<16xi32>
      %swap3A_2165 = vector.shape_cast %add3A_2159 : vector<16xi32> to vector<1x16xi32>
      tpu.vector_store %arg12[%swap3A_2161, %swap3A_2162], %swap3A_2165 {strides = array<i32>} : memref<8x128xi32, #tpu.memory_space<vmem>>, vector<1x16xi32>,
      %add3A_2166 = arith.addi %add3A_2153, %and3A_2143 : vector<16xi32>
      %swap3A_2167 = arith.constant 1 : i32
      %swap3A_2168 = arith.index_cast %swap3A_2167 : i32 to index
      %swap3A_2169 = arith.constant 80 : index
      %swap3A_2170 = tpu.vector_load %arg12[%swap3A_2168, %swap3A_2169] {strides = array<i32>} : memref<8x128xi32, #tpu.memory_space<vmem>>, vector<1x16xi32>,
      %swap3A_2171 = vector.shape_cast %swap3A_2170 : vector<1x16xi32> to vector<16xi32>
      %swap3A_2172 = vector.shape_cast %add3A_2166 : vector<16xi32> to vector<1x16xi32>
      tpu.vector_store %arg12[%swap3A_2168, %swap3A_2169], %swap3A_2172 {strides = array<i32>} : memref<8x128xi32, #tpu.memory_space<vmem>>, vector<1x16xi32>,
      %add3A_2173 = arith.addi %add3A_2158, %and3A_2133 : vector<16xi32>
      %swap3A_2174 = arith.constant 1 : i32
      %swap3A_2175 = arith.index_cast %swap3A_2174 : i32 to index
      %swap3A_2176 = arith.constant 96 : index
      %swap3A_2177 = tpu.vector_load %arg12[%swap3A_2175, %swap3A_2176] {strides = array<i32>} : memref<8x128xi32, #tpu.memory_space<vmem>>, vector<1x16xi32>,
      %swap3A_2178 = vector.shape_cast %swap3A_2177 : vector<1x16xi32> to vector<16xi32>
      %swap3A_2179 = vector.shape_cast %add3A_2173 : vector<16xi32> to vector<1x16xi32>
      tpu.vector_store %arg12[%swap3A_2175, %swap3A_2176], %swap3A_2179 {strides = array<i32>} : memref<8x128xi32, #tpu.memory_space<vmem>>, vector<1x16xi32>,
      %add3A_2180 = arith.addi %add3A_2158, %and3A_2143 : vector<16xi32>
      %swap3A_2181 = arith.constant 1 : i32
      %swap3A_2182 = arith.index_cast %swap3A_2181 : i32 to index
      %swap3A_2183 = arith.constant 112 : index
      %swap3A_2184 = tpu.vector_load %arg12[%swap3A_2182, %swap3A_2183] {strides = array<i32>} : memref<8x128xi32, #tpu.memory_space<vmem>>, vector<1x16xi32>,
      %swap3A_2185 = vector.shape_cast %swap3A_2184 : vector<1x16xi32> to vector<16xi32>
      %swap3A_2186 = vector.shape_cast %add3A_2180 : vector<16xi32> to vector<1x16xi32>
      tpu.vector_store %arg12[%swap3A_2182, %swap3A_2183], %swap3A_2186 {strides = array<i32>} : memref<8x128xi32, #tpu.memory_space<vmem>>, vector<1x16xi32>,
      %neg3A_2187 = arith.constant 0.000000e+00 : f32
      %neg3A_2188 = vector.broadcast %neg3A_2187 : f32 to vector<16xf32>
      %neg3A_2189 = arith.subf %neg3A_2188, %get3A_2128 : vector<16xf32>
      %swap3A_2190 = arith.constant 1 : i32
      %swap3A_2191 = arith.index_cast %swap3A_2190 : i32 to index
      %swap3A_2192 = arith.constant 64 : index
      %swap3A_2193 = tpu.vector_load %arg13[%swap3A_2191, %swap3A_2192] {strides = array<i32>} : memref<8x128xf32, #tpu.memory_space<vmem>>, vector<1x16xf32>,
      %swap3A_2194 = vector.shape_cast %swap3A_2193 : vector<1x16xf32> to vector<16xf32>
      %swap3A_2195 = vector.shape_cast %get3A_2128 : vector<16xf32> to vector<1x16xf32>
      tpu.vector_store %arg13[%swap3A_2191, %swap3A_2192], %swap3A_2195 {strides = array<i32>} : memref<8x128xf32, #tpu.memory_space<vmem>>, vector<1x16xf32>,
      %swap3A_2196 = arith.constant 1 : i32
      %swap3A_2197 = arith.index_cast %swap3A_2196 : i32 to index
      %swap3A_2198 = arith.constant 80 : index
      %swap3A_2199 = tpu.vector_load %arg13[%swap3A_2197, %swap3A_2198] {strides = array<i32>} : memref<8x128xf32, #tpu.memory_space<vmem>>, vector<1x16xf32>,
      %swap3A_2200 = vector.shape_cast %swap3A_2199 : vector<1x16xf32> to vector<16xf32>
      %swap3A_2201 = vector.shape_cast %neg3A_2189 : vector<16xf32> to vector<1x16xf32>
      tpu.vector_store %arg13[%swap3A_2197, %swap3A_2198], %swap3A_2201 {strides = array<i32>} : memref<8x128xf32, #tpu.memory_space<vmem>>, vector<1x16xf32>,
      %swap3A_2202 = arith.constant 1 : i32
      %swap3A_2203 = arith.index_cast %swap3A_2202 : i32 to index
      %swap3A_2204 = arith.constant 96 : index
      %swap3A_2205 = tpu.vector_load %arg13[%swap3A_2203, %swap3A_2204] {strides = array<i32>} : memref<8x128xf32, #tpu.memory_space<vmem>>, vector<1x16xf32>,
      %swap3A_2206 = vector.shape_cast %swap3A_2205 : vector<1x16xf32> to vector<16xf32>
      %swap3A_2207 = vector.shape_cast %neg3A_2189 : vector<16xf32> to vector<1x16xf32>
      tpu.vector_store %arg13[%swap3A_2203, %swap3A_2204], %swap3A_2207 {strides = array<i32>} : memref<8x128xf32, #tpu.memory_space<vmem>>, vector<1x16xf32>,
      %swap3A_2208 = arith.constant 1 : i32
      %swap3A_2209 = arith.index_cast %swap3A_2208 : i32 to index
      %swap3A_2210 = arith.constant 112 : index
      %swap3A_2211 = tpu.vector_load %arg13[%swap3A_2209, %swap3A_2210] {strides = array<i32>} : memref<8x128xf32, #tpu.memory_space<vmem>>, vector<1x16xf32>,
      %swap3A_2212 = vector.shape_cast %swap3A_2211 : vector<1x16xf32> to vector<16xf32>
      %swap3A_2213 = vector.shape_cast %get3A_2128 : vector<16xf32> to vector<1x16xf32>
      tpu.vector_store %arg13[%swap3A_2209, %swap3A_2210], %swap3A_2213 {strides = array<i32>} : memref<8x128xf32, #tpu.memory_space<vmem>>, vector<1x16xf32>,
      %get3A_2214 = arith.constant 64 : index
      %get3A_2215 = tpu.vector_load %arg8[%get3A_2214] {strides = array<i32>} : memref<256xf32, #tpu.memory_space<vmem>>, vector<16xf32>,
      %get3A_2216 = vector.shape_cast %get3A_2215 : vector<16xf32> to vector<16xf32>
      %get3A_2217 = arith.constant 64 : index
      %get3A_2218 = tpu.vector_load %arg9[%get3A_2217] {strides = array<i32>} : memref<256xi32, #tpu.memory_space<vmem>>, vector<16xi32>,
      %get3A_2219 = vector.shape_cast %get3A_2218 : vector<16xi32> to vector<16xi32>
      %and3A_2220 = vector.broadcast %scan3A_63 : i32 to vector<16xi32>
      %and3A_2221 = arith.andi %get3A_2219, %and3A_2220 : vector<16xi32>
      %shift_right_arithmetic3A_2222 = arith.constant 8 : i32
      %shift_right_arithmetic3A_2223 = vector.broadcast %shift_right_arithmetic3A_2222 : i32 to vector<16xi32>
      %shift_right_arithmetic3A_2224 = arith.shrsi %get3A_2219, %shift_right_arithmetic3A_2223 : vector<16xi32>
      %and3A_2225 = vector.broadcast %scan3A_63 : i32 to vector<16xi32>
      %and3A_2226 = arith.andi %shift_right_arithmetic3A_2224, %and3A_2225 : vector<16xi32>
      %shift_right_arithmetic3A_2227 = arith.constant 16 : i32
      %shift_right_arithmetic3A_2228 = vector.broadcast %shift_right_arithmetic3A_2227 : i32 to vector<16xi32>
      %shift_right_arithmetic3A_2229 = arith.shrsi %get3A_2219, %shift_right_arithmetic3A_2228 : vector<16xi32>
      %and3A_2230 = vector.broadcast %scan3A_63 : i32 to vector<16xi32>
      %and3A_2231 = arith.andi %shift_right_arithmetic3A_2229, %and3A_2230 : vector<16xi32>
      %shift_right_arithmetic3A_2232 = arith.constant 24 : i32
      %shift_right_arithmetic3A_2233 = vector.broadcast %shift_right_arithmetic3A_2232 : i32 to vector<16xi32>
      %shift_right_arithmetic3A_2234 = arith.shrsi %get3A_2219, %shift_right_arithmetic3A_2233 : vector<16xi32>
      %and3A_2235 = vector.broadcast %scan3A_63 : i32 to vector<16xi32>
      %and3A_2236 = arith.andi %shift_right_arithmetic3A_2234, %and3A_2235 : vector<16xi32>
      %mul3A_2237 = arith.constant 256 : i32
      %mul3A_2238 = vector.broadcast %mul3A_2237 : i32 to vector<16xi32>
      %mul3A_2239 = arith.muli %and3A_2226, %mul3A_2238 : vector<16xi32>
      %add3A_2240 = vector.broadcast %mul3A_0 : i32 to vector<16xi32>
      %add3A_2241 = arith.addi %add3A_2240, %mul3A_2239 : vector<16xi32>
      %mul3A_2242 = arith.constant 256 : i32
      %mul3A_2243 = vector.broadcast %mul3A_2242 : i32 to vector<16xi32>
      %mul3A_2244 = arith.muli %and3A_2236, %mul3A_2243 : vector<16xi32>
      %add3A_2245 = vector.broadcast %mul3A_0 : i32 to vector<16xi32>
      %add3A_2246 = arith.addi %add3A_2245, %mul3A_2244 : vector<16xi32>
      %add3A_2247 = arith.addi %add3A_2241, %and3A_2221 : vector<16xi32>
      %swap3A_2248 = arith.constant 2 : i32
      %swap3A_2249 = arith.index_cast %swap3A_2248 : i32 to index
      %swap3A_2250 = arith.constant 0 : index
      %swap3A_2251 = tpu.vector_load %arg12[%swap3A_2249, %swap3A_2250] {strides = array<i32>} : memref<8x128xi32, #tpu.memory_space<vmem>>, vector<1x16xi32>,
      %swap3A_2252 = vector.shape_cast %swap3A_2251 : vector<1x16xi32> to vector<16xi32>
      %swap3A_2253 = vector.shape_cast %add3A_2247 : vector<16xi32> to vector<1x16xi32>
      tpu.vector_store %arg12[%swap3A_2249, %swap3A_2250], %swap3A_2253 {strides = array<i32>} : memref<8x128xi32, #tpu.memory_space<vmem>>, vector<1x16xi32>,
      %add3A_2254 = arith.addi %add3A_2241, %and3A_2231 : vector<16xi32>
      %swap3A_2255 = arith.constant 2 : i32
      %swap3A_2256 = arith.index_cast %swap3A_2255 : i32 to index
      %swap3A_2257 = arith.constant 16 : index
      %swap3A_2258 = tpu.vector_load %arg12[%swap3A_2256, %swap3A_2257] {strides = array<i32>} : memref<8x128xi32, #tpu.memory_space<vmem>>, vector<1x16xi32>,
      %swap3A_2259 = vector.shape_cast %swap3A_2258 : vector<1x16xi32> to vector<16xi32>
      %swap3A_2260 = vector.shape_cast %add3A_2254 : vector<16xi32> to vector<1x16xi32>
      tpu.vector_store %arg12[%swap3A_2256, %swap3A_2257], %swap3A_2260 {strides = array<i32>} : memref<8x128xi32, #tpu.memory_space<vmem>>, vector<1x16xi32>,
      %add3A_2261 = arith.addi %add3A_2246, %and3A_2221 : vector<16xi32>
      %swap3A_2262 = arith.constant 2 : i32
      %swap3A_2263 = arith.index_cast %swap3A_2262 : i32 to index
      %swap3A_2264 = arith.constant 32 : index
      %swap3A_2265 = tpu.vector_load %arg12[%swap3A_2263, %swap3A_2264] {strides = array<i32>} : memref<8x128xi32, #tpu.memory_space<vmem>>, vector<1x16xi32>,
      %swap3A_2266 = vector.shape_cast %swap3A_2265 : vector<1x16xi32> to vector<16xi32>
      %swap3A_2267 = vector.shape_cast %add3A_2261 : vector<16xi32> to vector<1x16xi32>
      tpu.vector_store %arg12[%swap3A_2263, %swap3A_2264], %swap3A_2267 {strides = array<i32>} : memref<8x128xi32, #tpu.memory_space<vmem>>, vector<1x16xi32>,
      %add3A_2268 = arith.addi %add3A_2246, %and3A_2231 : vector<16xi32>
      %swap3A_2269 = arith.constant 2 : i32
      %swap3A_2270 = arith.index_cast %swap3A_2269 : i32 to index
      %swap3A_2271 = arith.constant 48 : index
      %swap3A_2272 = tpu.vector_load %arg12[%swap3A_2270, %swap3A_2271] {strides = array<i32>} : memref<8x128xi32, #tpu.memory_space<vmem>>, vector<1x16xi32>,
      %swap3A_2273 = vector.shape_cast %swap3A_2272 : vector<1x16xi32> to vector<16xi32>
      %swap3A_2274 = vector.shape_cast %add3A_2268 : vector<16xi32> to vector<1x16xi32>
      tpu.vector_store %arg12[%swap3A_2270, %swap3A_2271], %swap3A_2274 {strides = array<i32>} : memref<8x128xi32, #tpu.memory_space<vmem>>, vector<1x16xi32>,
      %neg3A_2275 = arith.constant 0.000000e+00 : f32
      %neg3A_2276 = vector.broadcast %neg3A_2275 : f32 to vector<16xf32>
      %neg3A_2277 = arith.subf %neg3A_2276, %get3A_2216 : vector<16xf32>
      %swap3A_2278 = arith.constant 2 : i32
      %swap3A_2279 = arith.index_cast %swap3A_2278 : i32 to index
      %swap3A_2280 = arith.constant 0 : index
      %swap3A_2281 = tpu.vector_load %arg13[%swap3A_2279, %swap3A_2280] {strides = array<i32>} : memref<8x128xf32, #tpu.memory_space<vmem>>, vector<1x16xf32>,
      %swap3A_2282 = vector.shape_cast %swap3A_2281 : vector<1x16xf32> to vector<16xf32>
      %swap3A_2283 = vector.shape_cast %get3A_2216 : vector<16xf32> to vector<1x16xf32>
      tpu.vector_store %arg13[%swap3A_2279, %swap3A_2280], %swap3A_2283 {strides = array<i32>} : memref<8x128xf32, #tpu.memory_space<vmem>>, vector<1x16xf32>,
      %swap3A_2284 = arith.constant 2 : i32
      %swap3A_2285 = arith.index_cast %swap3A_2284 : i32 to index
      %swap3A_2286 = arith.constant 16 : index
      %swap3A_2287 = tpu.vector_load %arg13[%swap3A_2285, %swap3A_2286] {strides = array<i32>} : memref<8x128xf32, #tpu.memory_space<vmem>>, vector<1x16xf32>,
      %swap3A_2288 = vector.shape_cast %swap3A_2287 : vector<1x16xf32> to vector<16xf32>
      %swap3A_2289 = vector.shape_cast %neg3A_2277 : vector<16xf32> to vector<1x16xf32>
      tpu.vector_store %arg13[%swap3A_2285, %swap3A_2286], %swap3A_2289 {strides = array<i32>} : memref<8x128xf32, #tpu.memory_space<vmem>>, vector<1x16xf32>,
      %swap3A_2290 = arith.constant 2 : i32
      %swap3A_2291 = arith.index_cast %swap3A_2290 : i32 to index
      %swap3A_2292 = arith.constant 32 : index
      %swap3A_2293 = tpu.vector_load %arg13[%swap3A_2291, %swap3A_2292] {strides = array<i32>} : memref<8x128xf32, #tpu.memory_space<vmem>>, vector<1x16xf32>,
      %swap3A_2294 = vector.shape_cast %swap3A_2293 : vector<1x16xf32> to vector<16xf32>
      %swap3A_2295 = vector.shape_cast %neg3A_2277 : vector<16xf32> to vector<1x16xf32>
      tpu.vector_store %arg13[%swap3A_2291, %swap3A_2292], %swap3A_2295 {strides = array<i32>} : memref<8x128xf32, #tpu.memory_space<vmem>>, vector<1x16xf32>,
      %swap3A_2296 = arith.constant 2 : i32
      %swap3A_2297 = arith.index_cast %swap3A_2296 : i32 to index
      %swap3A_2298 = arith.constant 48 : index
      %swap3A_2299 = tpu.vector_load %arg13[%swap3A_2297, %swap3A_2298] {strides = array<i32>} : memref<8x128xf32, #tpu.memory_space<vmem>>, vector<1x16xf32>,
      %swap3A_2300 = vector.shape_cast %swap3A_2299 : vector<1x16xf32> to vector<16xf32>
      %swap3A_2301 = vector.shape_cast %get3A_2216 : vector<16xf32> to vector<1x16xf32>
      tpu.vector_store %arg13[%swap3A_2297, %swap3A_2298], %swap3A_2301 {strides = array<i32>} : memref<8x128xf32, #tpu.memory_space<vmem>>, vector<1x16xf32>,
      %get3A_2302 = arith.constant 80 : index
      %get3A_2303 = tpu.vector_load %arg8[%get3A_2302] {strides = array<i32>} : memref<256xf32, #tpu.memory_space<vmem>>, vector<16xf32>,
      %get3A_2304 = vector.shape_cast %get3A_2303 : vector<16xf32> to vector<16xf32>
      %get3A_2305 = arith.constant 80 : index
      %get3A_2306 = tpu.vector_load %arg9[%get3A_2305] {strides = array<i32>} : memref<256xi32, #tpu.memory_space<vmem>>, vector<16xi32>,
      %get3A_2307 = vector.shape_cast %get3A_2306 : vector<16xi32> to vector<16xi32>
      %and3A_2308 = vector.broadcast %scan3A_63 : i32 to vector<16xi32>
      %and3A_2309 = arith.andi %get3A_2307, %and3A_2308 : vector<16xi32>
      %shift_right_arithmetic3A_2310 = arith.constant 8 : i32
      %shift_right_arithmetic3A_2311 = vector.broadcast %shift_right_arithmetic3A_2310 : i32 to vector<16xi32>
      %shift_right_arithmetic3A_2312 = arith.shrsi %get3A_2307, %shift_right_arithmetic3A_2311 : vector<16xi32>
      %and3A_2313 = vector.broadcast %scan3A_63 : i32 to vector<16xi32>
      %and3A_2314 = arith.andi %shift_right_arithmetic3A_2312, %and3A_2313 : vector<16xi32>
      %shift_right_arithmetic3A_2315 = arith.constant 16 : i32
      %shift_right_arithmetic3A_2316 = vector.broadcast %shift_right_arithmetic3A_2315 : i32 to vector<16xi32>
      %shift_right_arithmetic3A_2317 = arith.shrsi %get3A_2307, %shift_right_arithmetic3A_2316 : vector<16xi32>
      %and3A_2318 = vector.broadcast %scan3A_63 : i32 to vector<16xi32>
      %and3A_2319 = arith.andi %shift_right_arithmetic3A_2317, %and3A_2318 : vector<16xi32>
      %shift_right_arithmetic3A_2320 = arith.constant 24 : i32
      %shift_right_arithmetic3A_2321 = vector.broadcast %shift_right_arithmetic3A_2320 : i32 to vector<16xi32>
      %shift_right_arithmetic3A_2322 = arith.shrsi %get3A_2307, %shift_right_arithmetic3A_2321 : vector<16xi32>
      %and3A_2323 = vector.broadcast %scan3A_63 : i32 to vector<16xi32>
      %and3A_2324 = arith.andi %shift_right_arithmetic3A_2322, %and3A_2323 : vector<16xi32>
      %mul3A_2325 = arith.constant 256 : i32
      %mul3A_2326 = vector.broadcast %mul3A_2325 : i32 to vector<16xi32>
      %mul3A_2327 = arith.muli %and3A_2314, %mul3A_2326 : vector<16xi32>
      %add3A_2328 = vector.broadcast %mul3A_0 : i32 to vector<16xi32>
      %add3A_2329 = arith.addi %add3A_2328, %mul3A_2327 : vector<16xi32>
      %mul3A_2330 = arith.constant 256 : i32
      %mul3A_2331 = vector.broadcast %mul3A_2330 : i32 to vector<16xi32>
      %mul3A_2332 = arith.muli %and3A_2324, %mul3A_2331 : vector<16xi32>
      %add3A_2333 = vector.broadcast %mul3A_0 : i32 to vector<16xi32>
      %add3A_2334 = arith.addi %add3A_2333, %mul3A_2332 : vector<16xi32>
      %add3A_2335 = arith.addi %add3A_2329, %and3A_2309 : vector<16xi32>
      %swap3A_2336 = arith.constant 2 : i32
      %swap3A_2337 = arith.index_cast %swap3A_2336 : i32 to index
      %swap3A_2338 = arith.constant 64 : index
      %swap3A_2339 = tpu.vector_load %arg12[%swap3A_2337, %swap3A_2338] {strides = array<i32>} : memref<8x128xi32, #tpu.memory_space<vmem>>, vector<1x16xi32>,
      %swap3A_2340 = vector.shape_cast %swap3A_2339 : vector<1x16xi32> to vector<16xi32>
      %swap3A_2341 = vector.shape_cast %add3A_2335 : vector<16xi32> to vector<1x16xi32>
      tpu.vector_store %arg12[%swap3A_2337, %swap3A_2338], %swap3A_2341 {strides = array<i32>} : memref<8x128xi32, #tpu.memory_space<vmem>>, vector<1x16xi32>,
      %add3A_2342 = arith.addi %add3A_2329, %and3A_2319 : vector<16xi32>
      %swap3A_2343 = arith.constant 2 : i32
      %swap3A_2344 = arith.index_cast %swap3A_2343 : i32 to index
      %swap3A_2345 = arith.constant 80 : index
      %swap3A_2346 = tpu.vector_load %arg12[%swap3A_2344, %swap3A_2345] {strides = array<i32>} : memref<8x128xi32, #tpu.memory_space<vmem>>, vector<1x16xi32>,
      %swap3A_2347 = vector.shape_cast %swap3A_2346 : vector<1x16xi32> to vector<16xi32>
      %swap3A_2348 = vector.shape_cast %add3A_2342 : vector<16xi32> to vector<1x16xi32>
      tpu.vector_store %arg12[%swap3A_2344, %swap3A_2345], %swap3A_2348 {strides = array<i32>} : memref<8x128xi32, #tpu.memory_space<vmem>>, vector<1x16xi32>,
      %add3A_2349 = arith.addi %add3A_2334, %and3A_2309 : vector<16xi32>
      %swap3A_2350 = arith.constant 2 : i32
      %swap3A_2351 = arith.index_cast %swap3A_2350 : i32 to index
      %swap3A_2352 = arith.constant 96 : index
      %swap3A_2353 = tpu.vector_load %arg12[%swap3A_2351, %swap3A_2352] {strides = array<i32>} : memref<8x128xi32, #tpu.memory_space<vmem>>, vector<1x16xi32>,
      %swap3A_2354 = vector.shape_cast %swap3A_2353 : vector<1x16xi32> to vector<16xi32>
      %swap3A_2355 = vector.shape_cast %add3A_2349 : vector<16xi32> to vector<1x16xi32>
      tpu.vector_store %arg12[%swap3A_2351, %swap3A_2352], %swap3A_2355 {strides = array<i32>} : memref<8x128xi32, #tpu.memory_space<vmem>>, vector<1x16xi32>,
      %add3A_2356 = arith.addi %add3A_2334, %and3A_2319 : vector<16xi32>
      %swap3A_2357 = arith.constant 2 : i32
      %swap3A_2358 = arith.index_cast %swap3A_2357 : i32 to index
      %swap3A_2359 = arith.constant 112 : index
      %swap3A_2360 = tpu.vector_load %arg12[%swap3A_2358, %swap3A_2359] {strides = array<i32>} : memref<8x128xi32, #tpu.memory_space<vmem>>, vector<1x16xi32>,
      %swap3A_2361 = vector.shape_cast %swap3A_2360 : vector<1x16xi32> to vector<16xi32>
      %swap3A_2362 = vector.shape_cast %add3A_2356 : vector<16xi32> to vector<1x16xi32>
      tpu.vector_store %arg12[%swap3A_2358, %swap3A_2359], %swap3A_2362 {strides = array<i32>} : memref<8x128xi32, #tpu.memory_space<vmem>>, vector<1x16xi32>,
      %neg3A_2363 = arith.constant 0.000000e+00 : f32
      %neg3A_2364 = vector.broadcast %neg3A_2363 : f32 to vector<16xf32>
      %neg3A_2365 = arith.subf %neg3A_2364, %get3A_2304 : vector<16xf32>
      %swap3A_2366 = arith.constant 2 : i32
      %swap3A_2367 = arith.index_cast %swap3A_2366 : i32 to index
      %swap3A_2368 = arith.constant 64 : index
      %swap3A_2369 = tpu.vector_load %arg13[%swap3A_2367, %swap3A_2368] {strides = array<i32>} : memref<8x128xf32, #tpu.memory_space<vmem>>, vector<1x16xf32>,
      %swap3A_2370 = vector.shape_cast %swap3A_2369 : vector<1x16xf32> to vector<16xf32>
      %swap3A_2371 = vector.shape_cast %get3A_2304 : vector<16xf32> to vector<1x16xf32>
      tpu.vector_store %arg13[%swap3A_2367, %swap3A_2368], %swap3A_2371 {strides = array<i32>} : memref<8x128xf32, #tpu.memory_space<vmem>>, vector<1x16xf32>,
      %swap3A_2372 = arith.constant 2 : i32
      %swap3A_2373 = arith.index_cast %swap3A_2372 : i32 to index
      %swap3A_2374 = arith.constant 80 : index
      %swap3A_2375 = tpu.vector_load %arg13[%swap3A_2373, %swap3A_2374] {strides = array<i32>} : memref<8x128xf32, #tpu.memory_space<vmem>>, vector<1x16xf32>,
      %swap3A_2376 = vector.shape_cast %swap3A_2375 : vector<1x16xf32> to vector<16xf32>
      %swap3A_2377 = vector.shape_cast %neg3A_2365 : vector<16xf32> to vector<1x16xf32>
      tpu.vector_store %arg13[%swap3A_2373, %swap3A_2374], %swap3A_2377 {strides = array<i32>} : memref<8x128xf32, #tpu.memory_space<vmem>>, vector<1x16xf32>,
      %swap3A_2378 = arith.constant 2 : i32
      %swap3A_2379 = arith.index_cast %swap3A_2378 : i32 to index
      %swap3A_2380 = arith.constant 96 : index
      %swap3A_2381 = tpu.vector_load %arg13[%swap3A_2379, %swap3A_2380] {strides = array<i32>} : memref<8x128xf32, #tpu.memory_space<vmem>>, vector<1x16xf32>,
      %swap3A_2382 = vector.shape_cast %swap3A_2381 : vector<1x16xf32> to vector<16xf32>
      %swap3A_2383 = vector.shape_cast %neg3A_2365 : vector<16xf32> to vector<1x16xf32>
      tpu.vector_store %arg13[%swap3A_2379, %swap3A_2380], %swap3A_2383 {strides = array<i32>} : memref<8x128xf32, #tpu.memory_space<vmem>>, vector<1x16xf32>,
      %swap3A_2384 = arith.constant 2 : i32
      %swap3A_2385 = arith.index_cast %swap3A_2384 : i32 to index
      %swap3A_2386 = arith.constant 112 : index
      %swap3A_2387 = tpu.vector_load %arg13[%swap3A_2385, %swap3A_2386] {strides = array<i32>} : memref<8x128xf32, #tpu.memory_space<vmem>>, vector<1x16xf32>,
      %swap3A_2388 = vector.shape_cast %swap3A_2387 : vector<1x16xf32> to vector<16xf32>
      %swap3A_2389 = vector.shape_cast %get3A_2304 : vector<16xf32> to vector<1x16xf32>
      tpu.vector_store %arg13[%swap3A_2385, %swap3A_2386], %swap3A_2389 {strides = array<i32>} : memref<8x128xf32, #tpu.memory_space<vmem>>, vector<1x16xf32>,
      %get3A_2390 = arith.constant 96 : index
      %get3A_2391 = tpu.vector_load %arg8[%get3A_2390] {strides = array<i32>} : memref<256xf32, #tpu.memory_space<vmem>>, vector<16xf32>,
      %get3A_2392 = vector.shape_cast %get3A_2391 : vector<16xf32> to vector<16xf32>
      %get3A_2393 = arith.constant 96 : index
      %get3A_2394 = tpu.vector_load %arg9[%get3A_2393] {strides = array<i32>} : memref<256xi32, #tpu.memory_space<vmem>>, vector<16xi32>,
      %get3A_2395 = vector.shape_cast %get3A_2394 : vector<16xi32> to vector<16xi32>
      %and3A_2396 = vector.broadcast %scan3A_63 : i32 to vector<16xi32>
      %and3A_2397 = arith.andi %get3A_2395, %and3A_2396 : vector<16xi32>
      %shift_right_arithmetic3A_2398 = arith.constant 8 : i32
      %shift_right_arithmetic3A_2399 = vector.broadcast %shift_right_arithmetic3A_2398 : i32 to vector<16xi32>
      %shift_right_arithmetic3A_2400 = arith.shrsi %get3A_2395, %shift_right_arithmetic3A_2399 : vector<16xi32>
      %and3A_2401 = vector.broadcast %scan3A_63 : i32 to vector<16xi32>
      %and3A_2402 = arith.andi %shift_right_arithmetic3A_2400, %and3A_2401 : vector<16xi32>
      %shift_right_arithmetic3A_2403 = arith.constant 16 : i32
      %shift_right_arithmetic3A_2404 = vector.broadcast %shift_right_arithmetic3A_2403 : i32 to vector<16xi32>
      %shift_right_arithmetic3A_2405 = arith.shrsi %get3A_2395, %shift_right_arithmetic3A_2404 : vector<16xi32>
      %and3A_2406 = vector.broadcast %scan3A_63 : i32 to vector<16xi32>
      %and3A_2407 = arith.andi %shift_right_arithmetic3A_2405, %and3A_2406 : vector<16xi32>
      %shift_right_arithmetic3A_2408 = arith.constant 24 : i32
      %shift_right_arithmetic3A_2409 = vector.broadcast %shift_right_arithmetic3A_2408 : i32 to vector<16xi32>
      %shift_right_arithmetic3A_2410 = arith.shrsi %get3A_2395, %shift_right_arithmetic3A_2409 : vector<16xi32>
      %and3A_2411 = vector.broadcast %scan3A_63 : i32 to vector<16xi32>
      %and3A_2412 = arith.andi %shift_right_arithmetic3A_2410, %and3A_2411 : vector<16xi32>
      %mul3A_2413 = arith.constant 256 : i32
      %mul3A_2414 = vector.broadcast %mul3A_2413 : i32 to vector<16xi32>
      %mul3A_2415 = arith.muli %and3A_2402, %mul3A_2414 : vector<16xi32>
      %add3A_2416 = vector.broadcast %mul3A_0 : i32 to vector<16xi32>
      %add3A_2417 = arith.addi %add3A_2416, %mul3A_2415 : vector<16xi32>
      %mul3A_2418 = arith.constant 256 : i32
      %mul3A_2419 = vector.broadcast %mul3A_2418 : i32 to vector<16xi32>
      %mul3A_2420 = arith.muli %and3A_2412, %mul3A_2419 : vector<16xi32>
      %add3A_2421 = vector.broadcast %mul3A_0 : i32 to vector<16xi32>
      %add3A_2422 = arith.addi %add3A_2421, %mul3A_2420 : vector<16xi32>
      %add3A_2423 = arith.addi %add3A_2417, %and3A_2397 : vector<16xi32>
      %swap3A_2424 = arith.constant 3 : i32
      %swap3A_2425 = arith.index_cast %swap3A_2424 : i32 to index
      %swap3A_2426 = arith.constant 0 : index
      %swap3A_2427 = tpu.vector_load %arg12[%swap3A_2425, %swap3A_2426] {strides = array<i32>} : memref<8x128xi32, #tpu.memory_space<vmem>>, vector<1x16xi32>,
      %swap3A_2428 = vector.shape_cast %swap3A_2427 : vector<1x16xi32> to vector<16xi32>
      %swap3A_2429 = vector.shape_cast %add3A_2423 : vector<16xi32> to vector<1x16xi32>
      tpu.vector_store %arg12[%swap3A_2425, %swap3A_2426], %swap3A_2429 {strides = array<i32>} : memref<8x128xi32, #tpu.memory_space<vmem>>, vector<1x16xi32>,
      %add3A_2430 = arith.addi %add3A_2417, %and3A_2407 : vector<16xi32>
      %swap3A_2431 = arith.constant 3 : i32
      %swap3A_2432 = arith.index_cast %swap3A_2431 : i32 to index
      %swap3A_2433 = arith.constant 16 : index
      %swap3A_2434 = tpu.vector_load %arg12[%swap3A_2432, %swap3A_2433] {strides = array<i32>} : memref<8x128xi32, #tpu.memory_space<vmem>>, vector<1x16xi32>,
      %swap3A_2435 = vector.shape_cast %swap3A_2434 : vector<1x16xi32> to vector<16xi32>
      %swap3A_2436 = vector.shape_cast %add3A_2430 : vector<16xi32> to vector<1x16xi32>
      tpu.vector_store %arg12[%swap3A_2432, %swap3A_2433], %swap3A_2436 {strides = array<i32>} : memref<8x128xi32, #tpu.memory_space<vmem>>, vector<1x16xi32>,
      %add3A_2437 = arith.addi %add3A_2422, %and3A_2397 : vector<16xi32>
      %swap3A_2438 = arith.constant 3 : i32
      %swap3A_2439 = arith.index_cast %swap3A_2438 : i32 to index
      %swap3A_2440 = arith.constant 32 : index
      %swap3A_2441 = tpu.vector_load %arg12[%swap3A_2439, %swap3A_2440] {strides = array<i32>} : memref<8x128xi32, #tpu.memory_space<vmem>>, vector<1x16xi32>,
      %swap3A_2442 = vector.shape_cast %swap3A_2441 : vector<1x16xi32> to vector<16xi32>
      %swap3A_2443 = vector.shape_cast %add3A_2437 : vector<16xi32> to vector<1x16xi32>
      tpu.vector_store %arg12[%swap3A_2439, %swap3A_2440], %swap3A_2443 {strides = array<i32>} : memref<8x128xi32, #tpu.memory_space<vmem>>, vector<1x16xi32>,
      %add3A_2444 = arith.addi %add3A_2422, %and3A_2407 : vector<16xi32>
      %swap3A_2445 = arith.constant 3 : i32
      %swap3A_2446 = arith.index_cast %swap3A_2445 : i32 to index
      %swap3A_2447 = arith.constant 48 : index
      %swap3A_2448 = tpu.vector_load %arg12[%swap3A_2446, %swap3A_2447] {strides = array<i32>} : memref<8x128xi32, #tpu.memory_space<vmem>>, vector<1x16xi32>,
      %swap3A_2449 = vector.shape_cast %swap3A_2448 : vector<1x16xi32> to vector<16xi32>
      %swap3A_2450 = vector.shape_cast %add3A_2444 : vector<16xi32> to vector<1x16xi32>
      tpu.vector_store %arg12[%swap3A_2446, %swap3A_2447], %swap3A_2450 {strides = array<i32>} : memref<8x128xi32, #tpu.memory_space<vmem>>, vector<1x16xi32>,
      %neg3A_2451 = arith.constant 0.000000e+00 : f32
      %neg3A_2452 = vector.broadcast %neg3A_2451 : f32 to vector<16xf32>
      %neg3A_2453 = arith.subf %neg3A_2452, %get3A_2392 : vector<16xf32>
      %swap3A_2454 = arith.constant 3 : i32
      %swap3A_2455 = arith.index_cast %swap3A_2454 : i32 to index
      %swap3A_2456 = arith.constant 0 : index
      %swap3A_2457 = tpu.vector_load %arg13[%swap3A_2455, %swap3A_2456] {strides = array<i32>} : memref<8x128xf32, #tpu.memory_space<vmem>>, vector<1x16xf32>,
      %swap3A_2458 = vector.shape_cast %swap3A_2457 : vector<1x16xf32> to vector<16xf32>
      %swap3A_2459 = vector.shape_cast %get3A_2392 : vector<16xf32> to vector<1x16xf32>
      tpu.vector_store %arg13[%swap3A_2455, %swap3A_2456], %swap3A_2459 {strides = array<i32>} : memref<8x128xf32, #tpu.memory_space<vmem>>, vector<1x16xf32>,
      %swap3A_2460 = arith.constant 3 : i32
      %swap3A_2461 = arith.index_cast %swap3A_2460 : i32 to index
      %swap3A_2462 = arith.constant 16 : index
      %swap3A_2463 = tpu.vector_load %arg13[%swap3A_2461, %swap3A_2462] {strides = array<i32>} : memref<8x128xf32, #tpu.memory_space<vmem>>, vector<1x16xf32>,
      %swap3A_2464 = vector.shape_cast %swap3A_2463 : vector<1x16xf32> to vector<16xf32>
      %swap3A_2465 = vector.shape_cast %neg3A_2453 : vector<16xf32> to vector<1x16xf32>
      tpu.vector_store %arg13[%swap3A_2461, %swap3A_2462], %swap3A_2465 {strides = array<i32>} : memref<8x128xf32, #tpu.memory_space<vmem>>, vector<1x16xf32>,
      %swap3A_2466 = arith.constant 3 : i32
      %swap3A_2467 = arith.index_cast %swap3A_2466 : i32 to index
      %swap3A_2468 = arith.constant 32 : index
      %swap3A_2469 = tpu.vector_load %arg13[%swap3A_2467, %swap3A_2468] {strides = array<i32>} : memref<8x128xf32, #tpu.memory_space<vmem>>, vector<1x16xf32>,
      %swap3A_2470 = vector.shape_cast %swap3A_2469 : vector<1x16xf32> to vector<16xf32>
      %swap3A_2471 = vector.shape_cast %neg3A_2453 : vector<16xf32> to vector<1x16xf32>
      tpu.vector_store %arg13[%swap3A_2467, %swap3A_2468], %swap3A_2471 {strides = array<i32>} : memref<8x128xf32, #tpu.memory_space<vmem>>, vector<1x16xf32>,
      %swap3A_2472 = arith.constant 3 : i32
      %swap3A_2473 = arith.index_cast %swap3A_2472 : i32 to index
      %swap3A_2474 = arith.constant 48 : index
      %swap3A_2475 = tpu.vector_load %arg13[%swap3A_2473, %swap3A_2474] {strides = array<i32>} : memref<8x128xf32, #tpu.memory_space<vmem>>, vector<1x16xf32>,
      %swap3A_2476 = vector.shape_cast %swap3A_2475 : vector<1x16xf32> to vector<16xf32>
      %swap3A_2477 = vector.shape_cast %get3A_2392 : vector<16xf32> to vector<1x16xf32>
      tpu.vector_store %arg13[%swap3A_2473, %swap3A_2474], %swap3A_2477 {strides = array<i32>} : memref<8x128xf32, #tpu.memory_space<vmem>>, vector<1x16xf32>,
      %get3A_2478 = arith.constant 112 : index
      %get3A_2479 = tpu.vector_load %arg8[%get3A_2478] {strides = array<i32>} : memref<256xf32, #tpu.memory_space<vmem>>, vector<16xf32>,
      %get3A_2480 = vector.shape_cast %get3A_2479 : vector<16xf32> to vector<16xf32>
      %get3A_2481 = arith.constant 112 : index
      %get3A_2482 = tpu.vector_load %arg9[%get3A_2481] {strides = array<i32>} : memref<256xi32, #tpu.memory_space<vmem>>, vector<16xi32>,
      %get3A_2483 = vector.shape_cast %get3A_2482 : vector<16xi32> to vector<16xi32>
      %and3A_2484 = vector.broadcast %scan3A_63 : i32 to vector<16xi32>
      %and3A_2485 = arith.andi %get3A_2483, %and3A_2484 : vector<16xi32>
      %shift_right_arithmetic3A_2486 = arith.constant 8 : i32
      %shift_right_arithmetic3A_2487 = vector.broadcast %shift_right_arithmetic3A_2486 : i32 to vector<16xi32>
      %shift_right_arithmetic3A_2488 = arith.shrsi %get3A_2483, %shift_right_arithmetic3A_2487 : vector<16xi32>
      %and3A_2489 = vector.broadcast %scan3A_63 : i32 to vector<16xi32>
      %and3A_2490 = arith.andi %shift_right_arithmetic3A_2488, %and3A_2489 : vector<16xi32>
      %shift_right_arithmetic3A_2491 = arith.constant 16 : i32
      %shift_right_arithmetic3A_2492 = vector.broadcast %shift_right_arithmetic3A_2491 : i32 to vector<16xi32>
      %shift_right_arithmetic3A_2493 = arith.shrsi %get3A_2483, %shift_right_arithmetic3A_2492 : vector<16xi32>
      %and3A_2494 = vector.broadcast %scan3A_63 : i32 to vector<16xi32>
      %and3A_2495 = arith.andi %shift_right_arithmetic3A_2493, %and3A_2494 : vector<16xi32>
      %shift_right_arithmetic3A_2496 = arith.constant 24 : i32
      %shift_right_arithmetic3A_2497 = vector.broadcast %shift_right_arithmetic3A_2496 : i32 to vector<16xi32>
      %shift_right_arithmetic3A_2498 = arith.shrsi %get3A_2483, %shift_right_arithmetic3A_2497 : vector<16xi32>
      %and3A_2499 = vector.broadcast %scan3A_63 : i32 to vector<16xi32>
      %and3A_2500 = arith.andi %shift_right_arithmetic3A_2498, %and3A_2499 : vector<16xi32>
      %mul3A_2501 = arith.constant 256 : i32
      %mul3A_2502 = vector.broadcast %mul3A_2501 : i32 to vector<16xi32>
      %mul3A_2503 = arith.muli %and3A_2490, %mul3A_2502 : vector<16xi32>
      %add3A_2504 = vector.broadcast %mul3A_0 : i32 to vector<16xi32>
      %add3A_2505 = arith.addi %add3A_2504, %mul3A_2503 : vector<16xi32>
      %mul3A_2506 = arith.constant 256 : i32
      %mul3A_2507 = vector.broadcast %mul3A_2506 : i32 to vector<16xi32>
      %mul3A_2508 = arith.muli %and3A_2500, %mul3A_2507 : vector<16xi32>
      %add3A_2509 = vector.broadcast %mul3A_0 : i32 to vector<16xi32>
      %add3A_2510 = arith.addi %add3A_2509, %mul3A_2508 : vector<16xi32>
      %add3A_2511 = arith.addi %add3A_2505, %and3A_2485 : vector<16xi32>
      %swap3A_2512 = arith.constant 3 : i32
      %swap3A_2513 = arith.index_cast %swap3A_2512 : i32 to index
      %swap3A_2514 = arith.constant 64 : index
      %swap3A_2515 = tpu.vector_load %arg12[%swap3A_2513, %swap3A_2514] {strides = array<i32>} : memref<8x128xi32, #tpu.memory_space<vmem>>, vector<1x16xi32>,
      %swap3A_2516 = vector.shape_cast %swap3A_2515 : vector<1x16xi32> to vector<16xi32>
      %swap3A_2517 = vector.shape_cast %add3A_2511 : vector<16xi32> to vector<1x16xi32>
      tpu.vector_store %arg12[%swap3A_2513, %swap3A_2514], %swap3A_2517 {strides = array<i32>} : memref<8x128xi32, #tpu.memory_space<vmem>>, vector<1x16xi32>,
      %add3A_2518 = arith.addi %add3A_2505, %and3A_2495 : vector<16xi32>
      %swap3A_2519 = arith.constant 3 : i32
      %swap3A_2520 = arith.index_cast %swap3A_2519 : i32 to index
      %swap3A_2521 = arith.constant 80 : index
      %swap3A_2522 = tpu.vector_load %arg12[%swap3A_2520, %swap3A_2521] {strides = array<i32>} : memref<8x128xi32, #tpu.memory_space<vmem>>, vector<1x16xi32>,
      %swap3A_2523 = vector.shape_cast %swap3A_2522 : vector<1x16xi32> to vector<16xi32>
      %swap3A_2524 = vector.shape_cast %add3A_2518 : vector<16xi32> to vector<1x16xi32>
      tpu.vector_store %arg12[%swap3A_2520, %swap3A_2521], %swap3A_2524 {strides = array<i32>} : memref<8x128xi32, #tpu.memory_space<vmem>>, vector<1x16xi32>,
      %add3A_2525 = arith.addi %add3A_2510, %and3A_2485 : vector<16xi32>
      %swap3A_2526 = arith.constant 3 : i32
      %swap3A_2527 = arith.index_cast %swap3A_2526 : i32 to index
      %swap3A_2528 = arith.constant 96 : index
      %swap3A_2529 = tpu.vector_load %arg12[%swap3A_2527, %swap3A_2528] {strides = array<i32>} : memref<8x128xi32, #tpu.memory_space<vmem>>, vector<1x16xi32>,
      %swap3A_2530 = vector.shape_cast %swap3A_2529 : vector<1x16xi32> to vector<16xi32>
      %swap3A_2531 = vector.shape_cast %add3A_2525 : vector<16xi32> to vector<1x16xi32>
      tpu.vector_store %arg12[%swap3A_2527, %swap3A_2528], %swap3A_2531 {strides = array<i32>} : memref<8x128xi32, #tpu.memory_space<vmem>>, vector<1x16xi32>,
      %add3A_2532 = arith.addi %add3A_2510, %and3A_2495 : vector<16xi32>
      %swap3A_2533 = arith.constant 3 : i32
      %swap3A_2534 = arith.index_cast %swap3A_2533 : i32 to index
      %swap3A_2535 = arith.constant 112 : index
      %swap3A_2536 = tpu.vector_load %arg12[%swap3A_2534, %swap3A_2535] {strides = array<i32>} : memref<8x128xi32, #tpu.memory_space<vmem>>, vector<1x16xi32>,
      %swap3A_2537 = vector.shape_cast %swap3A_2536 : vector<1x16xi32> to vector<16xi32>
      %swap3A_2538 = vector.shape_cast %add3A_2532 : vector<16xi32> to vector<1x16xi32>
      tpu.vector_store %arg12[%swap3A_2534, %swap3A_2535], %swap3A_2538 {strides = array<i32>} : memref<8x128xi32, #tpu.memory_space<vmem>>, vector<1x16xi32>,
      %neg3A_2539 = arith.constant 0.000000e+00 : f32
      %neg3A_2540 = vector.broadcast %neg3A_2539 : f32 to vector<16xf32>
      %neg3A_2541 = arith.subf %neg3A_2540, %get3A_2480 : vector<16xf32>
      %swap3A_2542 = arith.constant 3 : i32
      %swap3A_2543 = arith.index_cast %swap3A_2542 : i32 to index
      %swap3A_2544 = arith.constant 64 : index
      %swap3A_2545 = tpu.vector_load %arg13[%swap3A_2543, %swap3A_2544] {strides = array<i32>} : memref<8x128xf32, #tpu.memory_space<vmem>>, vector<1x16xf32>,
      %swap3A_2546 = vector.shape_cast %swap3A_2545 : vector<1x16xf32> to vector<16xf32>
      %swap3A_2547 = vector.shape_cast %get3A_2480 : vector<16xf32> to vector<1x16xf32>
      tpu.vector_store %arg13[%swap3A_2543, %swap3A_2544], %swap3A_2547 {strides = array<i32>} : memref<8x128xf32, #tpu.memory_space<vmem>>, vector<1x16xf32>,
      %swap3A_2548 = arith.constant 3 : i32
      %swap3A_2549 = arith.index_cast %swap3A_2548 : i32 to index
      %swap3A_2550 = arith.constant 80 : index
      %swap3A_2551 = tpu.vector_load %arg13[%swap3A_2549, %swap3A_2550] {strides = array<i32>} : memref<8x128xf32, #tpu.memory_space<vmem>>, vector<1x16xf32>,
      %swap3A_2552 = vector.shape_cast %swap3A_2551 : vector<1x16xf32> to vector<16xf32>
      %swap3A_2553 = vector.shape_cast %neg3A_2541 : vector<16xf32> to vector<1x16xf32>
      tpu.vector_store %arg13[%swap3A_2549, %swap3A_2550], %swap3A_2553 {strides = array<i32>} : memref<8x128xf32, #tpu.memory_space<vmem>>, vector<1x16xf32>,
      %swap3A_2554 = arith.constant 3 : i32
      %swap3A_2555 = arith.index_cast %swap3A_2554 : i32 to index
      %swap3A_2556 = arith.constant 96 : index
      %swap3A_2557 = tpu.vector_load %arg13[%swap3A_2555, %swap3A_2556] {strides = array<i32>} : memref<8x128xf32, #tpu.memory_space<vmem>>, vector<1x16xf32>,
      %swap3A_2558 = vector.shape_cast %swap3A_2557 : vector<1x16xf32> to vector<16xf32>
      %swap3A_2559 = vector.shape_cast %neg3A_2541 : vector<16xf32> to vector<1x16xf32>
      tpu.vector_store %arg13[%swap3A_2555, %swap3A_2556], %swap3A_2559 {strides = array<i32>} : memref<8x128xf32, #tpu.memory_space<vmem>>, vector<1x16xf32>,
      %swap3A_2560 = arith.constant 3 : i32
      %swap3A_2561 = arith.index_cast %swap3A_2560 : i32 to index
      %swap3A_2562 = arith.constant 112 : index
      %swap3A_2563 = tpu.vector_load %arg13[%swap3A_2561, %swap3A_2562] {strides = array<i32>} : memref<8x128xf32, #tpu.memory_space<vmem>>, vector<1x16xf32>,
      %swap3A_2564 = vector.shape_cast %swap3A_2563 : vector<1x16xf32> to vector<16xf32>
      %swap3A_2565 = vector.shape_cast %get3A_2480 : vector<16xf32> to vector<1x16xf32>
      tpu.vector_store %arg13[%swap3A_2561, %swap3A_2562], %swap3A_2565 {strides = array<i32>} : memref<8x128xf32, #tpu.memory_space<vmem>>, vector<1x16xf32>,
      %get3A_2566 = arith.constant 128 : index
      %get3A_2567 = tpu.vector_load %arg8[%get3A_2566] {strides = array<i32>} : memref<256xf32, #tpu.memory_space<vmem>>, vector<16xf32>,
      %get3A_2568 = vector.shape_cast %get3A_2567 : vector<16xf32> to vector<16xf32>
      %get3A_2569 = arith.constant 128 : index
      %get3A_2570 = tpu.vector_load %arg9[%get3A_2569] {strides = array<i32>} : memref<256xi32, #tpu.memory_space<vmem>>, vector<16xi32>,
      %get3A_2571 = vector.shape_cast %get3A_2570 : vector<16xi32> to vector<16xi32>
      %and3A_2572 = vector.broadcast %scan3A_63 : i32 to vector<16xi32>
      %and3A_2573 = arith.andi %get3A_2571, %and3A_2572 : vector<16xi32>
      %shift_right_arithmetic3A_2574 = arith.constant 8 : i32
      %shift_right_arithmetic3A_2575 = vector.broadcast %shift_right_arithmetic3A_2574 : i32 to vector<16xi32>
      %shift_right_arithmetic3A_2576 = arith.shrsi %get3A_2571, %shift_right_arithmetic3A_2575 : vector<16xi32>
      %and3A_2577 = vector.broadcast %scan3A_63 : i32 to vector<16xi32>
      %and3A_2578 = arith.andi %shift_right_arithmetic3A_2576, %and3A_2577 : vector<16xi32>
      %shift_right_arithmetic3A_2579 = arith.constant 16 : i32
      %shift_right_arithmetic3A_2580 = vector.broadcast %shift_right_arithmetic3A_2579 : i32 to vector<16xi32>
      %shift_right_arithmetic3A_2581 = arith.shrsi %get3A_2571, %shift_right_arithmetic3A_2580 : vector<16xi32>
      %and3A_2582 = vector.broadcast %scan3A_63 : i32 to vector<16xi32>
      %and3A_2583 = arith.andi %shift_right_arithmetic3A_2581, %and3A_2582 : vector<16xi32>
      %shift_right_arithmetic3A_2584 = arith.constant 24 : i32
      %shift_right_arithmetic3A_2585 = vector.broadcast %shift_right_arithmetic3A_2584 : i32 to vector<16xi32>
      %shift_right_arithmetic3A_2586 = arith.shrsi %get3A_2571, %shift_right_arithmetic3A_2585 : vector<16xi32>
      %and3A_2587 = vector.broadcast %scan3A_63 : i32 to vector<16xi32>
      %and3A_2588 = arith.andi %shift_right_arithmetic3A_2586, %and3A_2587 : vector<16xi32>
      %mul3A_2589 = arith.constant 256 : i32
      %mul3A_2590 = vector.broadcast %mul3A_2589 : i32 to vector<16xi32>
      %mul3A_2591 = arith.muli %and3A_2578, %mul3A_2590 : vector<16xi32>
      %add3A_2592 = vector.broadcast %mul3A_0 : i32 to vector<16xi32>
      %add3A_2593 = arith.addi %add3A_2592, %mul3A_2591 : vector<16xi32>
      %mul3A_2594 = arith.constant 256 : i32
      %mul3A_2595 = vector.broadcast %mul3A_2594 : i32 to vector<16xi32>
      %mul3A_2596 = arith.muli %and3A_2588, %mul3A_2595 : vector<16xi32>
      %add3A_2597 = vector.broadcast %mul3A_0 : i32 to vector<16xi32>
      %add3A_2598 = arith.addi %add3A_2597, %mul3A_2596 : vector<16xi32>
      %add3A_2599 = arith.addi %add3A_2593, %and3A_2573 : vector<16xi32>
      %swap3A_2600 = arith.constant 4 : i32
      %swap3A_2601 = arith.index_cast %swap3A_2600 : i32 to index
      %swap3A_2602 = arith.constant 0 : index
      %swap3A_2603 = tpu.vector_load %arg12[%swap3A_2601, %swap3A_2602] {strides = array<i32>} : memref<8x128xi32, #tpu.memory_space<vmem>>, vector<1x16xi32>,
      %swap3A_2604 = vector.shape_cast %swap3A_2603 : vector<1x16xi32> to vector<16xi32>
      %swap3A_2605 = vector.shape_cast %add3A_2599 : vector<16xi32> to vector<1x16xi32>
      tpu.vector_store %arg12[%swap3A_2601, %swap3A_2602], %swap3A_2605 {strides = array<i32>} : memref<8x128xi32, #tpu.memory_space<vmem>>, vector<1x16xi32>,
      %add3A_2606 = arith.addi %add3A_2593, %and3A_2583 : vector<16xi32>
      %swap3A_2607 = arith.constant 4 : i32
      %swap3A_2608 = arith.index_cast %swap3A_2607 : i32 to index
      %swap3A_2609 = arith.constant 16 : index
      %swap3A_2610 = tpu.vector_load %arg12[%swap3A_2608, %swap3A_2609] {strides = array<i32>} : memref<8x128xi32, #tpu.memory_space<vmem>>, vector<1x16xi32>,
      %swap3A_2611 = vector.shape_cast %swap3A_2610 : vector<1x16xi32> to vector<16xi32>
      %swap3A_2612 = vector.shape_cast %add3A_2606 : vector<16xi32> to vector<1x16xi32>
      tpu.vector_store %arg12[%swap3A_2608, %swap3A_2609], %swap3A_2612 {strides = array<i32>} : memref<8x128xi32, #tpu.memory_space<vmem>>, vector<1x16xi32>,
      %add3A_2613 = arith.addi %add3A_2598, %and3A_2573 : vector<16xi32>
      %swap3A_2614 = arith.constant 4 : i32
      %swap3A_2615 = arith.index_cast %swap3A_2614 : i32 to index
      %swap3A_2616 = arith.constant 32 : index
      %swap3A_2617 = tpu.vector_load %arg12[%swap3A_2615, %swap3A_2616] {strides = array<i32>} : memref<8x128xi32, #tpu.memory_space<vmem>>, vector<1x16xi32>,
      %swap3A_2618 = vector.shape_cast %swap3A_2617 : vector<1x16xi32> to vector<16xi32>
      %swap3A_2619 = vector.shape_cast %add3A_2613 : vector<16xi32> to vector<1x16xi32>
      tpu.vector_store %arg12[%swap3A_2615, %swap3A_2616], %swap3A_2619 {strides = array<i32>} : memref<8x128xi32, #tpu.memory_space<vmem>>, vector<1x16xi32>,
      %add3A_2620 = arith.addi %add3A_2598, %and3A_2583 : vector<16xi32>
      %swap3A_2621 = arith.constant 4 : i32
      %swap3A_2622 = arith.index_cast %swap3A_2621 : i32 to index
      %swap3A_2623 = arith.constant 48 : index
      %swap3A_2624 = tpu.vector_load %arg12[%swap3A_2622, %swap3A_2623] {strides = array<i32>} : memref<8x128xi32, #tpu.memory_space<vmem>>, vector<1x16xi32>,
      %swap3A_2625 = vector.shape_cast %swap3A_2624 : vector<1x16xi32> to vector<16xi32>
      %swap3A_2626 = vector.shape_cast %add3A_2620 : vector<16xi32> to vector<1x16xi32>
      tpu.vector_store %arg12[%swap3A_2622, %swap3A_2623], %swap3A_2626 {strides = array<i32>} : memref<8x128xi32, #tpu.memory_space<vmem>>, vector<1x16xi32>,
      %neg3A_2627 = arith.constant 0.000000e+00 : f32
      %neg3A_2628 = vector.broadcast %neg3A_2627 : f32 to vector<16xf32>
      %neg3A_2629 = arith.subf %neg3A_2628, %get3A_2568 : vector<16xf32>
      %swap3A_2630 = arith.constant 4 : i32
      %swap3A_2631 = arith.index_cast %swap3A_2630 : i32 to index
      %swap3A_2632 = arith.constant 0 : index
      %swap3A_2633 = tpu.vector_load %arg13[%swap3A_2631, %swap3A_2632] {strides = array<i32>} : memref<8x128xf32, #tpu.memory_space<vmem>>, vector<1x16xf32>,
      %swap3A_2634 = vector.shape_cast %swap3A_2633 : vector<1x16xf32> to vector<16xf32>
      %swap3A_2635 = vector.shape_cast %get3A_2568 : vector<16xf32> to vector<1x16xf32>
      tpu.vector_store %arg13[%swap3A_2631, %swap3A_2632], %swap3A_2635 {strides = array<i32>} : memref<8x128xf32, #tpu.memory_space<vmem>>, vector<1x16xf32>,
      %swap3A_2636 = arith.constant 4 : i32
      %swap3A_2637 = arith.index_cast %swap3A_2636 : i32 to index
      %swap3A_2638 = arith.constant 16 : index
      %swap3A_2639 = tpu.vector_load %arg13[%swap3A_2637, %swap3A_2638] {strides = array<i32>} : memref<8x128xf32, #tpu.memory_space<vmem>>, vector<1x16xf32>,
      %swap3A_2640 = vector.shape_cast %swap3A_2639 : vector<1x16xf32> to vector<16xf32>
      %swap3A_2641 = vector.shape_cast %neg3A_2629 : vector<16xf32> to vector<1x16xf32>
      tpu.vector_store %arg13[%swap3A_2637, %swap3A_2638], %swap3A_2641 {strides = array<i32>} : memref<8x128xf32, #tpu.memory_space<vmem>>, vector<1x16xf32>,
      %swap3A_2642 = arith.constant 4 : i32
      %swap3A_2643 = arith.index_cast %swap3A_2642 : i32 to index
      %swap3A_2644 = arith.constant 32 : index
      %swap3A_2645 = tpu.vector_load %arg13[%swap3A_2643, %swap3A_2644] {strides = array<i32>} : memref<8x128xf32, #tpu.memory_space<vmem>>, vector<1x16xf32>,
      %swap3A_2646 = vector.shape_cast %swap3A_2645 : vector<1x16xf32> to vector<16xf32>
      %swap3A_2647 = vector.shape_cast %neg3A_2629 : vector<16xf32> to vector<1x16xf32>
      tpu.vector_store %arg13[%swap3A_2643, %swap3A_2644], %swap3A_2647 {strides = array<i32>} : memref<8x128xf32, #tpu.memory_space<vmem>>, vector<1x16xf32>,
      %swap3A_2648 = arith.constant 4 : i32
      %swap3A_2649 = arith.index_cast %swap3A_2648 : i32 to index
      %swap3A_2650 = arith.constant 48 : index
      %swap3A_2651 = tpu.vector_load %arg13[%swap3A_2649, %swap3A_2650] {strides = array<i32>} : memref<8x128xf32, #tpu.memory_space<vmem>>, vector<1x16xf32>,
      %swap3A_2652 = vector.shape_cast %swap3A_2651 : vector<1x16xf32> to vector<16xf32>
      %swap3A_2653 = vector.shape_cast %get3A_2568 : vector<16xf32> to vector<1x16xf32>
      tpu.vector_store %arg13[%swap3A_2649, %swap3A_2650], %swap3A_2653 {strides = array<i32>} : memref<8x128xf32, #tpu.memory_space<vmem>>, vector<1x16xf32>,
      %get3A_2654 = arith.constant 144 : index
      %get3A_2655 = tpu.vector_load %arg8[%get3A_2654] {strides = array<i32>} : memref<256xf32, #tpu.memory_space<vmem>>, vector<16xf32>,
      %get3A_2656 = vector.shape_cast %get3A_2655 : vector<16xf32> to vector<16xf32>
      %get3A_2657 = arith.constant 144 : index
      %get3A_2658 = tpu.vector_load %arg9[%get3A_2657] {strides = array<i32>} : memref<256xi32, #tpu.memory_space<vmem>>, vector<16xi32>,
      %get3A_2659 = vector.shape_cast %get3A_2658 : vector<16xi32> to vector<16xi32>
      %and3A_2660 = vector.broadcast %scan3A_63 : i32 to vector<16xi32>
      %and3A_2661 = arith.andi %get3A_2659, %and3A_2660 : vector<16xi32>
      %shift_right_arithmetic3A_2662 = arith.constant 8 : i32
      %shift_right_arithmetic3A_2663 = vector.broadcast %shift_right_arithmetic3A_2662 : i32 to vector<16xi32>
      %shift_right_arithmetic3A_2664 = arith.shrsi %get3A_2659, %shift_right_arithmetic3A_2663 : vector<16xi32>
      %and3A_2665 = vector.broadcast %scan3A_63 : i32 to vector<16xi32>
      %and3A_2666 = arith.andi %shift_right_arithmetic3A_2664, %and3A_2665 : vector<16xi32>
      %shift_right_arithmetic3A_2667 = arith.constant 16 : i32
      %shift_right_arithmetic3A_2668 = vector.broadcast %shift_right_arithmetic3A_2667 : i32 to vector<16xi32>
      %shift_right_arithmetic3A_2669 = arith.shrsi %get3A_2659, %shift_right_arithmetic3A_2668 : vector<16xi32>
      %and3A_2670 = vector.broadcast %scan3A_63 : i32 to vector<16xi32>
      %and3A_2671 = arith.andi %shift_right_arithmetic3A_2669, %and3A_2670 : vector<16xi32>
      %shift_right_arithmetic3A_2672 = arith.constant 24 : i32
      %shift_right_arithmetic3A_2673 = vector.broadcast %shift_right_arithmetic3A_2672 : i32 to vector<16xi32>
      %shift_right_arithmetic3A_2674 = arith.shrsi %get3A_2659, %shift_right_arithmetic3A_2673 : vector<16xi32>
      %and3A_2675 = vector.broadcast %scan3A_63 : i32 to vector<16xi32>
      %and3A_2676 = arith.andi %shift_right_arithmetic3A_2674, %and3A_2675 : vector<16xi32>
      %mul3A_2677 = arith.constant 256 : i32
      %mul3A_2678 = vector.broadcast %mul3A_2677 : i32 to vector<16xi32>
      %mul3A_2679 = arith.muli %and3A_2666, %mul3A_2678 : vector<16xi32>
      %add3A_2680 = vector.broadcast %mul3A_0 : i32 to vector<16xi32>
      %add3A_2681 = arith.addi %add3A_2680, %mul3A_2679 : vector<16xi32>
      %mul3A_2682 = arith.constant 256 : i32
      %mul3A_2683 = vector.broadcast %mul3A_2682 : i32 to vector<16xi32>
      %mul3A_2684 = arith.muli %and3A_2676, %mul3A_2683 : vector<16xi32>
      %add3A_2685 = vector.broadcast %mul3A_0 : i32 to vector<16xi32>
      %add3A_2686 = arith.addi %add3A_2685, %mul3A_2684 : vector<16xi32>
      %add3A_2687 = arith.addi %add3A_2681, %and3A_2661 : vector<16xi32>
      %swap3A_2688 = arith.constant 4 : i32
      %swap3A_2689 = arith.index_cast %swap3A_2688 : i32 to index
      %swap3A_2690 = arith.constant 64 : index
      %swap3A_2691 = tpu.vector_load %arg12[%swap3A_2689, %swap3A_2690] {strides = array<i32>} : memref<8x128xi32, #tpu.memory_space<vmem>>, vector<1x16xi32>,
      %swap3A_2692 = vector.shape_cast %swap3A_2691 : vector<1x16xi32> to vector<16xi32>
      %swap3A_2693 = vector.shape_cast %add3A_2687 : vector<16xi32> to vector<1x16xi32>
      tpu.vector_store %arg12[%swap3A_2689, %swap3A_2690], %swap3A_2693 {strides = array<i32>} : memref<8x128xi32, #tpu.memory_space<vmem>>, vector<1x16xi32>,
      %add3A_2694 = arith.addi %add3A_2681, %and3A_2671 : vector<16xi32>
      %swap3A_2695 = arith.constant 4 : i32
      %swap3A_2696 = arith.index_cast %swap3A_2695 : i32 to index
      %swap3A_2697 = arith.constant 80 : index
      %swap3A_2698 = tpu.vector_load %arg12[%swap3A_2696, %swap3A_2697] {strides = array<i32>} : memref<8x128xi32, #tpu.memory_space<vmem>>, vector<1x16xi32>,
      %swap3A_2699 = vector.shape_cast %swap3A_2698 : vector<1x16xi32> to vector<16xi32>
      %swap3A_2700 = vector.shape_cast %add3A_2694 : vector<16xi32> to vector<1x16xi32>
      tpu.vector_store %arg12[%swap3A_2696, %swap3A_2697], %swap3A_2700 {strides = array<i32>} : memref<8x128xi32, #tpu.memory_space<vmem>>, vector<1x16xi32>,
      %add3A_2701 = arith.addi %add3A_2686, %and3A_2661 : vector<16xi32>
      %swap3A_2702 = arith.constant 4 : i32
      %swap3A_2703 = arith.index_cast %swap3A_2702 : i32 to index
      %swap3A_2704 = arith.constant 96 : index
      %swap3A_2705 = tpu.vector_load %arg12[%swap3A_2703, %swap3A_2704] {strides = array<i32>} : memref<8x128xi32, #tpu.memory_space<vmem>>, vector<1x16xi32>,
      %swap3A_2706 = vector.shape_cast %swap3A_2705 : vector<1x16xi32> to vector<16xi32>
      %swap3A_2707 = vector.shape_cast %add3A_2701 : vector<16xi32> to vector<1x16xi32>
      tpu.vector_store %arg12[%swap3A_2703, %swap3A_2704], %swap3A_2707 {strides = array<i32>} : memref<8x128xi32, #tpu.memory_space<vmem>>, vector<1x16xi32>,
      %add3A_2708 = arith.addi %add3A_2686, %and3A_2671 : vector<16xi32>
      %swap3A_2709 = arith.constant 4 : i32
      %swap3A_2710 = arith.index_cast %swap3A_2709 : i32 to index
      %swap3A_2711 = arith.constant 112 : index
      %swap3A_2712 = tpu.vector_load %arg12[%swap3A_2710, %swap3A_2711] {strides = array<i32>} : memref<8x128xi32, #tpu.memory_space<vmem>>, vector<1x16xi32>,
      %swap3A_2713 = vector.shape_cast %swap3A_2712 : vector<1x16xi32> to vector<16xi32>
      %swap3A_2714 = vector.shape_cast %add3A_2708 : vector<16xi32> to vector<1x16xi32>
      tpu.vector_store %arg12[%swap3A_2710, %swap3A_2711], %swap3A_2714 {strides = array<i32>} : memref<8x128xi32, #tpu.memory_space<vmem>>, vector<1x16xi32>,
      %neg3A_2715 = arith.constant 0.000000e+00 : f32
      %neg3A_2716 = vector.broadcast %neg3A_2715 : f32 to vector<16xf32>
      %neg3A_2717 = arith.subf %neg3A_2716, %get3A_2656 : vector<16xf32>
      %swap3A_2718 = arith.constant 4 : i32
      %swap3A_2719 = arith.index_cast %swap3A_2718 : i32 to index
      %swap3A_2720 = arith.constant 64 : index
      %swap3A_2721 = tpu.vector_load %arg13[%swap3A_2719, %swap3A_2720] {strides = array<i32>} : memref<8x128xf32, #tpu.memory_space<vmem>>, vector<1x16xf32>,
      %swap3A_2722 = vector.shape_cast %swap3A_2721 : vector<1x16xf32> to vector<16xf32>
      %swap3A_2723 = vector.shape_cast %get3A_2656 : vector<16xf32> to vector<1x16xf32>
      tpu.vector_store %arg13[%swap3A_2719, %swap3A_2720], %swap3A_2723 {strides = array<i32>} : memref<8x128xf32, #tpu.memory_space<vmem>>, vector<1x16xf32>,
      %swap3A_2724 = arith.constant 4 : i32
      %swap3A_2725 = arith.index_cast %swap3A_2724 : i32 to index
      %swap3A_2726 = arith.constant 80 : index
      %swap3A_2727 = tpu.vector_load %arg13[%swap3A_2725, %swap3A_2726] {strides = array<i32>} : memref<8x128xf32, #tpu.memory_space<vmem>>, vector<1x16xf32>,
      %swap3A_2728 = vector.shape_cast %swap3A_2727 : vector<1x16xf32> to vector<16xf32>
      %swap3A_2729 = vector.shape_cast %neg3A_2717 : vector<16xf32> to vector<1x16xf32>
      tpu.vector_store %arg13[%swap3A_2725, %swap3A_2726], %swap3A_2729 {strides = array<i32>} : memref<8x128xf32, #tpu.memory_space<vmem>>, vector<1x16xf32>,
      %swap3A_2730 = arith.constant 4 : i32
      %swap3A_2731 = arith.index_cast %swap3A_2730 : i32 to index
      %swap3A_2732 = arith.constant 96 : index
      %swap3A_2733 = tpu.vector_load %arg13[%swap3A_2731, %swap3A_2732] {strides = array<i32>} : memref<8x128xf32, #tpu.memory_space<vmem>>, vector<1x16xf32>,
      %swap3A_2734 = vector.shape_cast %swap3A_2733 : vector<1x16xf32> to vector<16xf32>
      %swap3A_2735 = vector.shape_cast %neg3A_2717 : vector<16xf32> to vector<1x16xf32>
      tpu.vector_store %arg13[%swap3A_2731, %swap3A_2732], %swap3A_2735 {strides = array<i32>} : memref<8x128xf32, #tpu.memory_space<vmem>>, vector<1x16xf32>,
      %swap3A_2736 = arith.constant 4 : i32
      %swap3A_2737 = arith.index_cast %swap3A_2736 : i32 to index
      %swap3A_2738 = arith.constant 112 : index
      %swap3A_2739 = tpu.vector_load %arg13[%swap3A_2737, %swap3A_2738] {strides = array<i32>} : memref<8x128xf32, #tpu.memory_space<vmem>>, vector<1x16xf32>,
      %swap3A_2740 = vector.shape_cast %swap3A_2739 : vector<1x16xf32> to vector<16xf32>
      %swap3A_2741 = vector.shape_cast %get3A_2656 : vector<16xf32> to vector<1x16xf32>
      tpu.vector_store %arg13[%swap3A_2737, %swap3A_2738], %swap3A_2741 {strides = array<i32>} : memref<8x128xf32, #tpu.memory_space<vmem>>, vector<1x16xf32>,
      %get3A_2742 = arith.constant 160 : index
      %get3A_2743 = tpu.vector_load %arg8[%get3A_2742] {strides = array<i32>} : memref<256xf32, #tpu.memory_space<vmem>>, vector<16xf32>,
      %get3A_2744 = vector.shape_cast %get3A_2743 : vector<16xf32> to vector<16xf32>
      %get3A_2745 = arith.constant 160 : index
      %get3A_2746 = tpu.vector_load %arg9[%get3A_2745] {strides = array<i32>} : memref<256xi32, #tpu.memory_space<vmem>>, vector<16xi32>,
      %get3A_2747 = vector.shape_cast %get3A_2746 : vector<16xi32> to vector<16xi32>
      %and3A_2748 = vector.broadcast %scan3A_63 : i32 to vector<16xi32>
      %and3A_2749 = arith.andi %get3A_2747, %and3A_2748 : vector<16xi32>
      %shift_right_arithmetic3A_2750 = arith.constant 8 : i32
      %shift_right_arithmetic3A_2751 = vector.broadcast %shift_right_arithmetic3A_2750 : i32 to vector<16xi32>
      %shift_right_arithmetic3A_2752 = arith.shrsi %get3A_2747, %shift_right_arithmetic3A_2751 : vector<16xi32>
      %and3A_2753 = vector.broadcast %scan3A_63 : i32 to vector<16xi32>
      %and3A_2754 = arith.andi %shift_right_arithmetic3A_2752, %and3A_2753 : vector<16xi32>
      %shift_right_arithmetic3A_2755 = arith.constant 16 : i32
      %shift_right_arithmetic3A_2756 = vector.broadcast %shift_right_arithmetic3A_2755 : i32 to vector<16xi32>
      %shift_right_arithmetic3A_2757 = arith.shrsi %get3A_2747, %shift_right_arithmetic3A_2756 : vector<16xi32>
      %and3A_2758 = vector.broadcast %scan3A_63 : i32 to vector<16xi32>
      %and3A_2759 = arith.andi %shift_right_arithmetic3A_2757, %and3A_2758 : vector<16xi32>
      %shift_right_arithmetic3A_2760 = arith.constant 24 : i32
      %shift_right_arithmetic3A_2761 = vector.broadcast %shift_right_arithmetic3A_2760 : i32 to vector<16xi32>
      %shift_right_arithmetic3A_2762 = arith.shrsi %get3A_2747, %shift_right_arithmetic3A_2761 : vector<16xi32>
      %and3A_2763 = vector.broadcast %scan3A_63 : i32 to vector<16xi32>
      %and3A_2764 = arith.andi %shift_right_arithmetic3A_2762, %and3A_2763 : vector<16xi32>
      %mul3A_2765 = arith.constant 256 : i32
      %mul3A_2766 = vector.broadcast %mul3A_2765 : i32 to vector<16xi32>
      %mul3A_2767 = arith.muli %and3A_2754, %mul3A_2766 : vector<16xi32>
      %add3A_2768 = vector.broadcast %mul3A_0 : i32 to vector<16xi32>
      %add3A_2769 = arith.addi %add3A_2768, %mul3A_2767 : vector<16xi32>
      %mul3A_2770 = arith.constant 256 : i32
      %mul3A_2771 = vector.broadcast %mul3A_2770 : i32 to vector<16xi32>
      %mul3A_2772 = arith.muli %and3A_2764, %mul3A_2771 : vector<16xi32>
      %add3A_2773 = vector.broadcast %mul3A_0 : i32 to vector<16xi32>
      %add3A_2774 = arith.addi %add3A_2773, %mul3A_2772 : vector<16xi32>
      %add3A_2775 = arith.addi %add3A_2769, %and3A_2749 : vector<16xi32>
      %swap3A_2776 = arith.constant 5 : i32
      %swap3A_2777 = arith.index_cast %swap3A_2776 : i32 to index
      %swap3A_2778 = arith.constant 0 : index
      %swap3A_2779 = tpu.vector_load %arg12[%swap3A_2777, %swap3A_2778] {strides = array<i32>} : memref<8x128xi32, #tpu.memory_space<vmem>>, vector<1x16xi32>,
      %swap3A_2780 = vector.shape_cast %swap3A_2779 : vector<1x16xi32> to vector<16xi32>
      %swap3A_2781 = vector.shape_cast %add3A_2775 : vector<16xi32> to vector<1x16xi32>
      tpu.vector_store %arg12[%swap3A_2777, %swap3A_2778], %swap3A_2781 {strides = array<i32>} : memref<8x128xi32, #tpu.memory_space<vmem>>, vector<1x16xi32>,
      %add3A_2782 = arith.addi %add3A_2769, %and3A_2759 : vector<16xi32>
      %swap3A_2783 = arith.constant 5 : i32
      %swap3A_2784 = arith.index_cast %swap3A_2783 : i32 to index
      %swap3A_2785 = arith.constant 16 : index
      %swap3A_2786 = tpu.vector_load %arg12[%swap3A_2784, %swap3A_2785] {strides = array<i32>} : memref<8x128xi32, #tpu.memory_space<vmem>>, vector<1x16xi32>,
      %swap3A_2787 = vector.shape_cast %swap3A_2786 : vector<1x16xi32> to vector<16xi32>
      %swap3A_2788 = vector.shape_cast %add3A_2782 : vector<16xi32> to vector<1x16xi32>
      tpu.vector_store %arg12[%swap3A_2784, %swap3A_2785], %swap3A_2788 {strides = array<i32>} : memref<8x128xi32, #tpu.memory_space<vmem>>, vector<1x16xi32>,
      %add3A_2789 = arith.addi %add3A_2774, %and3A_2749 : vector<16xi32>
      %swap3A_2790 = arith.constant 5 : i32
      %swap3A_2791 = arith.index_cast %swap3A_2790 : i32 to index
      %swap3A_2792 = arith.constant 32 : index
      %swap3A_2793 = tpu.vector_load %arg12[%swap3A_2791, %swap3A_2792] {strides = array<i32>} : memref<8x128xi32, #tpu.memory_space<vmem>>, vector<1x16xi32>,
      %swap3A_2794 = vector.shape_cast %swap3A_2793 : vector<1x16xi32> to vector<16xi32>
      %swap3A_2795 = vector.shape_cast %add3A_2789 : vector<16xi32> to vector<1x16xi32>
      tpu.vector_store %arg12[%swap3A_2791, %swap3A_2792], %swap3A_2795 {strides = array<i32>} : memref<8x128xi32, #tpu.memory_space<vmem>>, vector<1x16xi32>,
      %add3A_2796 = arith.addi %add3A_2774, %and3A_2759 : vector<16xi32>
      %swap3A_2797 = arith.constant 5 : i32
      %swap3A_2798 = arith.index_cast %swap3A_2797 : i32 to index
      %swap3A_2799 = arith.constant 48 : index
      %swap3A_2800 = tpu.vector_load %arg12[%swap3A_2798, %swap3A_2799] {strides = array<i32>} : memref<8x128xi32, #tpu.memory_space<vmem>>, vector<1x16xi32>,
      %swap3A_2801 = vector.shape_cast %swap3A_2800 : vector<1x16xi32> to vector<16xi32>
      %swap3A_2802 = vector.shape_cast %add3A_2796 : vector<16xi32> to vector<1x16xi32>
      tpu.vector_store %arg12[%swap3A_2798, %swap3A_2799], %swap3A_2802 {strides = array<i32>} : memref<8x128xi32, #tpu.memory_space<vmem>>, vector<1x16xi32>,
      %neg3A_2803 = arith.constant 0.000000e+00 : f32
      %neg3A_2804 = vector.broadcast %neg3A_2803 : f32 to vector<16xf32>
      %neg3A_2805 = arith.subf %neg3A_2804, %get3A_2744 : vector<16xf32>
      %swap3A_2806 = arith.constant 5 : i32
      %swap3A_2807 = arith.index_cast %swap3A_2806 : i32 to index
      %swap3A_2808 = arith.constant 0 : index
      %swap3A_2809 = tpu.vector_load %arg13[%swap3A_2807, %swap3A_2808] {strides = array<i32>} : memref<8x128xf32, #tpu.memory_space<vmem>>, vector<1x16xf32>,
      %swap3A_2810 = vector.shape_cast %swap3A_2809 : vector<1x16xf32> to vector<16xf32>
      %swap3A_2811 = vector.shape_cast %get3A_2744 : vector<16xf32> to vector<1x16xf32>
      tpu.vector_store %arg13[%swap3A_2807, %swap3A_2808], %swap3A_2811 {strides = array<i32>} : memref<8x128xf32, #tpu.memory_space<vmem>>, vector<1x16xf32>,
      %swap3A_2812 = arith.constant 5 : i32
      %swap3A_2813 = arith.index_cast %swap3A_2812 : i32 to index
      %swap3A_2814 = arith.constant 16 : index
      %swap3A_2815 = tpu.vector_load %arg13[%swap3A_2813, %swap3A_2814] {strides = array<i32>} : memref<8x128xf32, #tpu.memory_space<vmem>>, vector<1x16xf32>,
      %swap3A_2816 = vector.shape_cast %swap3A_2815 : vector<1x16xf32> to vector<16xf32>
      %swap3A_2817 = vector.shape_cast %neg3A_2805 : vector<16xf32> to vector<1x16xf32>
      tpu.vector_store %arg13[%swap3A_2813, %swap3A_2814], %swap3A_2817 {strides = array<i32>} : memref<8x128xf32, #tpu.memory_space<vmem>>, vector<1x16xf32>,
      %swap3A_2818 = arith.constant 5 : i32
      %swap3A_2819 = arith.index_cast %swap3A_2818 : i32 to index
      %swap3A_2820 = arith.constant 32 : index
      %swap3A_2821 = tpu.vector_load %arg13[%swap3A_2819, %swap3A_2820] {strides = array<i32>} : memref<8x128xf32, #tpu.memory_space<vmem>>, vector<1x16xf32>,
      %swap3A_2822 = vector.shape_cast %swap3A_2821 : vector<1x16xf32> to vector<16xf32>
      %swap3A_2823 = vector.shape_cast %neg3A_2805 : vector<16xf32> to vector<1x16xf32>
      tpu.vector_store %arg13[%swap3A_2819, %swap3A_2820], %swap3A_2823 {strides = array<i32>} : memref<8x128xf32, #tpu.memory_space<vmem>>, vector<1x16xf32>,
      %swap3A_2824 = arith.constant 5 : i32
      %swap3A_2825 = arith.index_cast %swap3A_2824 : i32 to index
      %swap3A_2826 = arith.constant 48 : index
      %swap3A_2827 = tpu.vector_load %arg13[%swap3A_2825, %swap3A_2826] {strides = array<i32>} : memref<8x128xf32, #tpu.memory_space<vmem>>, vector<1x16xf32>,
      %swap3A_2828 = vector.shape_cast %swap3A_2827 : vector<1x16xf32> to vector<16xf32>
      %swap3A_2829 = vector.shape_cast %get3A_2744 : vector<16xf32> to vector<1x16xf32>
      tpu.vector_store %arg13[%swap3A_2825, %swap3A_2826], %swap3A_2829 {strides = array<i32>} : memref<8x128xf32, #tpu.memory_space<vmem>>, vector<1x16xf32>,
      %get3A_2830 = arith.constant 176 : index
      %get3A_2831 = tpu.vector_load %arg8[%get3A_2830] {strides = array<i32>} : memref<256xf32, #tpu.memory_space<vmem>>, vector<16xf32>,
      %get3A_2832 = vector.shape_cast %get3A_2831 : vector<16xf32> to vector<16xf32>
      %get3A_2833 = arith.constant 176 : index
      %get3A_2834 = tpu.vector_load %arg9[%get3A_2833] {strides = array<i32>} : memref<256xi32, #tpu.memory_space<vmem>>, vector<16xi32>,
      %get3A_2835 = vector.shape_cast %get3A_2834 : vector<16xi32> to vector<16xi32>
      %and3A_2836 = vector.broadcast %scan3A_63 : i32 to vector<16xi32>
      %and3A_2837 = arith.andi %get3A_2835, %and3A_2836 : vector<16xi32>
      %shift_right_arithmetic3A_2838 = arith.constant 8 : i32
      %shift_right_arithmetic3A_2839 = vector.broadcast %shift_right_arithmetic3A_2838 : i32 to vector<16xi32>
      %shift_right_arithmetic3A_2840 = arith.shrsi %get3A_2835, %shift_right_arithmetic3A_2839 : vector<16xi32>
      %and3A_2841 = vector.broadcast %scan3A_63 : i32 to vector<16xi32>
      %and3A_2842 = arith.andi %shift_right_arithmetic3A_2840, %and3A_2841 : vector<16xi32>
      %shift_right_arithmetic3A_2843 = arith.constant 16 : i32
      %shift_right_arithmetic3A_2844 = vector.broadcast %shift_right_arithmetic3A_2843 : i32 to vector<16xi32>
      %shift_right_arithmetic3A_2845 = arith.shrsi %get3A_2835, %shift_right_arithmetic3A_2844 : vector<16xi32>
      %and3A_2846 = vector.broadcast %scan3A_63 : i32 to vector<16xi32>
      %and3A_2847 = arith.andi %shift_right_arithmetic3A_2845, %and3A_2846 : vector<16xi32>
      %shift_right_arithmetic3A_2848 = arith.constant 24 : i32
      %shift_right_arithmetic3A_2849 = vector.broadcast %shift_right_arithmetic3A_2848 : i32 to vector<16xi32>
      %shift_right_arithmetic3A_2850 = arith.shrsi %get3A_2835, %shift_right_arithmetic3A_2849 : vector<16xi32>
      %and3A_2851 = vector.broadcast %scan3A_63 : i32 to vector<16xi32>
      %and3A_2852 = arith.andi %shift_right_arithmetic3A_2850, %and3A_2851 : vector<16xi32>
      %mul3A_2853 = arith.constant 256 : i32
      %mul3A_2854 = vector.broadcast %mul3A_2853 : i32 to vector<16xi32>
      %mul3A_2855 = arith.muli %and3A_2842, %mul3A_2854 : vector<16xi32>
      %add3A_2856 = vector.broadcast %mul3A_0 : i32 to vector<16xi32>
      %add3A_2857 = arith.addi %add3A_2856, %mul3A_2855 : vector<16xi32>
      %mul3A_2858 = arith.constant 256 : i32
      %mul3A_2859 = vector.broadcast %mul3A_2858 : i32 to vector<16xi32>
      %mul3A_2860 = arith.muli %and3A_2852, %mul3A_2859 : vector<16xi32>
      %add3A_2861 = vector.broadcast %mul3A_0 : i32 to vector<16xi32>
      %add3A_2862 = arith.addi %add3A_2861, %mul3A_2860 : vector<16xi32>
      %add3A_2863 = arith.addi %add3A_2857, %and3A_2837 : vector<16xi32>
      %swap3A_2864 = arith.constant 5 : i32
      %swap3A_2865 = arith.index_cast %swap3A_2864 : i32 to index
      %swap3A_2866 = arith.constant 64 : index
      %swap3A_2867 = tpu.vector_load %arg12[%swap3A_2865, %swap3A_2866] {strides = array<i32>} : memref<8x128xi32, #tpu.memory_space<vmem>>, vector<1x16xi32>,
      %swap3A_2868 = vector.shape_cast %swap3A_2867 : vector<1x16xi32> to vector<16xi32>
      %swap3A_2869 = vector.shape_cast %add3A_2863 : vector<16xi32> to vector<1x16xi32>
      tpu.vector_store %arg12[%swap3A_2865, %swap3A_2866], %swap3A_2869 {strides = array<i32>} : memref<8x128xi32, #tpu.memory_space<vmem>>, vector<1x16xi32>,
      %add3A_2870 = arith.addi %add3A_2857, %and3A_2847 : vector<16xi32>
      %swap3A_2871 = arith.constant 5 : i32
      %swap3A_2872 = arith.index_cast %swap3A_2871 : i32 to index
      %swap3A_2873 = arith.constant 80 : index
      %swap3A_2874 = tpu.vector_load %arg12[%swap3A_2872, %swap3A_2873] {strides = array<i32>} : memref<8x128xi32, #tpu.memory_space<vmem>>, vector<1x16xi32>,
      %swap3A_2875 = vector.shape_cast %swap3A_2874 : vector<1x16xi32> to vector<16xi32>
      %swap3A_2876 = vector.shape_cast %add3A_2870 : vector<16xi32> to vector<1x16xi32>
      tpu.vector_store %arg12[%swap3A_2872, %swap3A_2873], %swap3A_2876 {strides = array<i32>} : memref<8x128xi32, #tpu.memory_space<vmem>>, vector<1x16xi32>,
      %add3A_2877 = arith.addi %add3A_2862, %and3A_2837 : vector<16xi32>
      %swap3A_2878 = arith.constant 5 : i32
      %swap3A_2879 = arith.index_cast %swap3A_2878 : i32 to index
      %swap3A_2880 = arith.constant 96 : index
      %swap3A_2881 = tpu.vector_load %arg12[%swap3A_2879, %swap3A_2880] {strides = array<i32>} : memref<8x128xi32, #tpu.memory_space<vmem>>, vector<1x16xi32>,
      %swap3A_2882 = vector.shape_cast %swap3A_2881 : vector<1x16xi32> to vector<16xi32>
      %swap3A_2883 = vector.shape_cast %add3A_2877 : vector<16xi32> to vector<1x16xi32>
      tpu.vector_store %arg12[%swap3A_2879, %swap3A_2880], %swap3A_2883 {strides = array<i32>} : memref<8x128xi32, #tpu.memory_space<vmem>>, vector<1x16xi32>,
      %add3A_2884 = arith.addi %add3A_2862, %and3A_2847 : vector<16xi32>
      %swap3A_2885 = arith.constant 5 : i32
      %swap3A_2886 = arith.index_cast %swap3A_2885 : i32 to index
      %swap3A_2887 = arith.constant 112 : index
      %swap3A_2888 = tpu.vector_load %arg12[%swap3A_2886, %swap3A_2887] {strides = array<i32>} : memref<8x128xi32, #tpu.memory_space<vmem>>, vector<1x16xi32>,
      %swap3A_2889 = vector.shape_cast %swap3A_2888 : vector<1x16xi32> to vector<16xi32>
      %swap3A_2890 = vector.shape_cast %add3A_2884 : vector<16xi32> to vector<1x16xi32>
      tpu.vector_store %arg12[%swap3A_2886, %swap3A_2887], %swap3A_2890 {strides = array<i32>} : memref<8x128xi32, #tpu.memory_space<vmem>>, vector<1x16xi32>,
      %neg3A_2891 = arith.constant 0.000000e+00 : f32
      %neg3A_2892 = vector.broadcast %neg3A_2891 : f32 to vector<16xf32>
      %neg3A_2893 = arith.subf %neg3A_2892, %get3A_2832 : vector<16xf32>
      %swap3A_2894 = arith.constant 5 : i32
      %swap3A_2895 = arith.index_cast %swap3A_2894 : i32 to index
      %swap3A_2896 = arith.constant 64 : index
      %swap3A_2897 = tpu.vector_load %arg13[%swap3A_2895, %swap3A_2896] {strides = array<i32>} : memref<8x128xf32, #tpu.memory_space<vmem>>, vector<1x16xf32>,
      %swap3A_2898 = vector.shape_cast %swap3A_2897 : vector<1x16xf32> to vector<16xf32>
      %swap3A_2899 = vector.shape_cast %get3A_2832 : vector<16xf32> to vector<1x16xf32>
      tpu.vector_store %arg13[%swap3A_2895, %swap3A_2896], %swap3A_2899 {strides = array<i32>} : memref<8x128xf32, #tpu.memory_space<vmem>>, vector<1x16xf32>,
      %swap3A_2900 = arith.constant 5 : i32
      %swap3A_2901 = arith.index_cast %swap3A_2900 : i32 to index
      %swap3A_2902 = arith.constant 80 : index
      %swap3A_2903 = tpu.vector_load %arg13[%swap3A_2901, %swap3A_2902] {strides = array<i32>} : memref<8x128xf32, #tpu.memory_space<vmem>>, vector<1x16xf32>,
      %swap3A_2904 = vector.shape_cast %swap3A_2903 : vector<1x16xf32> to vector<16xf32>
      %swap3A_2905 = vector.shape_cast %neg3A_2893 : vector<16xf32> to vector<1x16xf32>
      tpu.vector_store %arg13[%swap3A_2901, %swap3A_2902], %swap3A_2905 {strides = array<i32>} : memref<8x128xf32, #tpu.memory_space<vmem>>, vector<1x16xf32>,
      %swap3A_2906 = arith.constant 5 : i32
      %swap3A_2907 = arith.index_cast %swap3A_2906 : i32 to index
      %swap3A_2908 = arith.constant 96 : index
      %swap3A_2909 = tpu.vector_load %arg13[%swap3A_2907, %swap3A_2908] {strides = array<i32>} : memref<8x128xf32, #tpu.memory_space<vmem>>, vector<1x16xf32>,
      %swap3A_2910 = vector.shape_cast %swap3A_2909 : vector<1x16xf32> to vector<16xf32>
      %swap3A_2911 = vector.shape_cast %neg3A_2893 : vector<16xf32> to vector<1x16xf32>
      tpu.vector_store %arg13[%swap3A_2907, %swap3A_2908], %swap3A_2911 {strides = array<i32>} : memref<8x128xf32, #tpu.memory_space<vmem>>, vector<1x16xf32>,
      %swap3A_2912 = arith.constant 5 : i32
      %swap3A_2913 = arith.index_cast %swap3A_2912 : i32 to index
      %swap3A_2914 = arith.constant 112 : index
      %swap3A_2915 = tpu.vector_load %arg13[%swap3A_2913, %swap3A_2914] {strides = array<i32>} : memref<8x128xf32, #tpu.memory_space<vmem>>, vector<1x16xf32>,
      %swap3A_2916 = vector.shape_cast %swap3A_2915 : vector<1x16xf32> to vector<16xf32>
      %swap3A_2917 = vector.shape_cast %get3A_2832 : vector<16xf32> to vector<1x16xf32>
      tpu.vector_store %arg13[%swap3A_2913, %swap3A_2914], %swap3A_2917 {strides = array<i32>} : memref<8x128xf32, #tpu.memory_space<vmem>>, vector<1x16xf32>,
      %get3A_2918 = arith.constant 192 : index
      %get3A_2919 = tpu.vector_load %arg8[%get3A_2918] {strides = array<i32>} : memref<256xf32, #tpu.memory_space<vmem>>, vector<16xf32>,
      %get3A_2920 = vector.shape_cast %get3A_2919 : vector<16xf32> to vector<16xf32>
      %get3A_2921 = arith.constant 192 : index
      %get3A_2922 = tpu.vector_load %arg9[%get3A_2921] {strides = array<i32>} : memref<256xi32, #tpu.memory_space<vmem>>, vector<16xi32>,
      %get3A_2923 = vector.shape_cast %get3A_2922 : vector<16xi32> to vector<16xi32>
      %and3A_2924 = vector.broadcast %scan3A_63 : i32 to vector<16xi32>
      %and3A_2925 = arith.andi %get3A_2923, %and3A_2924 : vector<16xi32>
      %shift_right_arithmetic3A_2926 = arith.constant 8 : i32
      %shift_right_arithmetic3A_2927 = vector.broadcast %shift_right_arithmetic3A_2926 : i32 to vector<16xi32>
      %shift_right_arithmetic3A_2928 = arith.shrsi %get3A_2923, %shift_right_arithmetic3A_2927 : vector<16xi32>
      %and3A_2929 = vector.broadcast %scan3A_63 : i32 to vector<16xi32>
      %and3A_2930 = arith.andi %shift_right_arithmetic3A_2928, %and3A_2929 : vector<16xi32>
      %shift_right_arithmetic3A_2931 = arith.constant 16 : i32
      %shift_right_arithmetic3A_2932 = vector.broadcast %shift_right_arithmetic3A_2931 : i32 to vector<16xi32>
      %shift_right_arithmetic3A_2933 = arith.shrsi %get3A_2923, %shift_right_arithmetic3A_2932 : vector<16xi32>
      %and3A_2934 = vector.broadcast %scan3A_63 : i32 to vector<16xi32>
      %and3A_2935 = arith.andi %shift_right_arithmetic3A_2933, %and3A_2934 : vector<16xi32>
      %shift_right_arithmetic3A_2936 = arith.constant 24 : i32
      %shift_right_arithmetic3A_2937 = vector.broadcast %shift_right_arithmetic3A_2936 : i32 to vector<16xi32>
      %shift_right_arithmetic3A_2938 = arith.shrsi %get3A_2923, %shift_right_arithmetic3A_2937 : vector<16xi32>
      %and3A_2939 = vector.broadcast %scan3A_63 : i32 to vector<16xi32>
      %and3A_2940 = arith.andi %shift_right_arithmetic3A_2938, %and3A_2939 : vector<16xi32>
      %mul3A_2941 = arith.constant 256 : i32
      %mul3A_2942 = vector.broadcast %mul3A_2941 : i32 to vector<16xi32>
      %mul3A_2943 = arith.muli %and3A_2930, %mul3A_2942 : vector<16xi32>
      %add3A_2944 = vector.broadcast %mul3A_0 : i32 to vector<16xi32>
      %add3A_2945 = arith.addi %add3A_2944, %mul3A_2943 : vector<16xi32>
      %mul3A_2946 = arith.constant 256 : i32
      %mul3A_2947 = vector.broadcast %mul3A_2946 : i32 to vector<16xi32>
      %mul3A_2948 = arith.muli %and3A_2940, %mul3A_2947 : vector<16xi32>
      %add3A_2949 = vector.broadcast %mul3A_0 : i32 to vector<16xi32>
      %add3A_2950 = arith.addi %add3A_2949, %mul3A_2948 : vector<16xi32>
      %add3A_2951 = arith.addi %add3A_2945, %and3A_2925 : vector<16xi32>
      %swap3A_2952 = arith.constant 6 : i32
      %swap3A_2953 = arith.index_cast %swap3A_2952 : i32 to index
      %swap3A_2954 = arith.constant 0 : index
      %swap3A_2955 = tpu.vector_load %arg12[%swap3A_2953, %swap3A_2954] {strides = array<i32>} : memref<8x128xi32, #tpu.memory_space<vmem>>, vector<1x16xi32>,
      %swap3A_2956 = vector.shape_cast %swap3A_2955 : vector<1x16xi32> to vector<16xi32>
      %swap3A_2957 = vector.shape_cast %add3A_2951 : vector<16xi32> to vector<1x16xi32>
      tpu.vector_store %arg12[%swap3A_2953, %swap3A_2954], %swap3A_2957 {strides = array<i32>} : memref<8x128xi32, #tpu.memory_space<vmem>>, vector<1x16xi32>,
      %add3A_2958 = arith.addi %add3A_2945, %and3A_2935 : vector<16xi32>
      %swap3A_2959 = arith.constant 6 : i32
      %swap3A_2960 = arith.index_cast %swap3A_2959 : i32 to index
      %swap3A_2961 = arith.constant 16 : index
      %swap3A_2962 = tpu.vector_load %arg12[%swap3A_2960, %swap3A_2961] {strides = array<i32>} : memref<8x128xi32, #tpu.memory_space<vmem>>, vector<1x16xi32>,
      %swap3A_2963 = vector.shape_cast %swap3A_2962 : vector<1x16xi32> to vector<16xi32>
      %swap3A_2964 = vector.shape_cast %add3A_2958 : vector<16xi32> to vector<1x16xi32>
      tpu.vector_store %arg12[%swap3A_2960, %swap3A_2961], %swap3A_2964 {strides = array<i32>} : memref<8x128xi32, #tpu.memory_space<vmem>>, vector<1x16xi32>,
      %add3A_2965 = arith.addi %add3A_2950, %and3A_2925 : vector<16xi32>
      %swap3A_2966 = arith.constant 6 : i32
      %swap3A_2967 = arith.index_cast %swap3A_2966 : i32 to index
      %swap3A_2968 = arith.constant 32 : index
      %swap3A_2969 = tpu.vector_load %arg12[%swap3A_2967, %swap3A_2968] {strides = array<i32>} : memref<8x128xi32, #tpu.memory_space<vmem>>, vector<1x16xi32>,
      %swap3A_2970 = vector.shape_cast %swap3A_2969 : vector<1x16xi32> to vector<16xi32>
      %swap3A_2971 = vector.shape_cast %add3A_2965 : vector<16xi32> to vector<1x16xi32>
      tpu.vector_store %arg12[%swap3A_2967, %swap3A_2968], %swap3A_2971 {strides = array<i32>} : memref<8x128xi32, #tpu.memory_space<vmem>>, vector<1x16xi32>,
      %add3A_2972 = arith.addi %add3A_2950, %and3A_2935 : vector<16xi32>
      %swap3A_2973 = arith.constant 6 : i32
      %swap3A_2974 = arith.index_cast %swap3A_2973 : i32 to index
      %swap3A_2975 = arith.constant 48 : index
      %swap3A_2976 = tpu.vector_load %arg12[%swap3A_2974, %swap3A_2975] {strides = array<i32>} : memref<8x128xi32, #tpu.memory_space<vmem>>, vector<1x16xi32>,
      %swap3A_2977 = vector.shape_cast %swap3A_2976 : vector<1x16xi32> to vector<16xi32>
      %swap3A_2978 = vector.shape_cast %add3A_2972 : vector<16xi32> to vector<1x16xi32>
      tpu.vector_store %arg12[%swap3A_2974, %swap3A_2975], %swap3A_2978 {strides = array<i32>} : memref<8x128xi32, #tpu.memory_space<vmem>>, vector<1x16xi32>,
      %neg3A_2979 = arith.constant 0.000000e+00 : f32
      %neg3A_2980 = vector.broadcast %neg3A_2979 : f32 to vector<16xf32>
      %neg3A_2981 = arith.subf %neg3A_2980, %get3A_2920 : vector<16xf32>
      %swap3A_2982 = arith.constant 6 : i32
      %swap3A_2983 = arith.index_cast %swap3A_2982 : i32 to index
      %swap3A_2984 = arith.constant 0 : index
      %swap3A_2985 = tpu.vector_load %arg13[%swap3A_2983, %swap3A_2984] {strides = array<i32>} : memref<8x128xf32, #tpu.memory_space<vmem>>, vector<1x16xf32>,
      %swap3A_2986 = vector.shape_cast %swap3A_2985 : vector<1x16xf32> to vector<16xf32>
      %swap3A_2987 = vector.shape_cast %get3A_2920 : vector<16xf32> to vector<1x16xf32>
      tpu.vector_store %arg13[%swap3A_2983, %swap3A_2984], %swap3A_2987 {strides = array<i32>} : memref<8x128xf32, #tpu.memory_space<vmem>>, vector<1x16xf32>,
      %swap3A_2988 = arith.constant 6 : i32
      %swap3A_2989 = arith.index_cast %swap3A_2988 : i32 to index
      %swap3A_2990 = arith.constant 16 : index
      %swap3A_2991 = tpu.vector_load %arg13[%swap3A_2989, %swap3A_2990] {strides = array<i32>} : memref<8x128xf32, #tpu.memory_space<vmem>>, vector<1x16xf32>,
      %swap3A_2992 = vector.shape_cast %swap3A_2991 : vector<1x16xf32> to vector<16xf32>
      %swap3A_2993 = vector.shape_cast %neg3A_2981 : vector<16xf32> to vector<1x16xf32>
      tpu.vector_store %arg13[%swap3A_2989, %swap3A_2990], %swap3A_2993 {strides = array<i32>} : memref<8x128xf32, #tpu.memory_space<vmem>>, vector<1x16xf32>,
      %swap3A_2994 = arith.constant 6 : i32
      %swap3A_2995 = arith.index_cast %swap3A_2994 : i32 to index
      %swap3A_2996 = arith.constant 32 : index
      %swap3A_2997 = tpu.vector_load %arg13[%swap3A_2995, %swap3A_2996] {strides = array<i32>} : memref<8x128xf32, #tpu.memory_space<vmem>>, vector<1x16xf32>,
      %swap3A_2998 = vector.shape_cast %swap3A_2997 : vector<1x16xf32> to vector<16xf32>
      %swap3A_2999 = vector.shape_cast %neg3A_2981 : vector<16xf32> to vector<1x16xf32>
      tpu.vector_store %arg13[%swap3A_2995, %swap3A_2996], %swap3A_2999 {strides = array<i32>} : memref<8x128xf32, #tpu.memory_space<vmem>>, vector<1x16xf32>,
      %swap3A_3000 = arith.constant 6 : i32
      %swap3A_3001 = arith.index_cast %swap3A_3000 : i32 to index
      %swap3A_3002 = arith.constant 48 : index
      %swap3A_3003 = tpu.vector_load %arg13[%swap3A_3001, %swap3A_3002] {strides = array<i32>} : memref<8x128xf32, #tpu.memory_space<vmem>>, vector<1x16xf32>,
      %swap3A_3004 = vector.shape_cast %swap3A_3003 : vector<1x16xf32> to vector<16xf32>
      %swap3A_3005 = vector.shape_cast %get3A_2920 : vector<16xf32> to vector<1x16xf32>
      tpu.vector_store %arg13[%swap3A_3001, %swap3A_3002], %swap3A_3005 {strides = array<i32>} : memref<8x128xf32, #tpu.memory_space<vmem>>, vector<1x16xf32>,
      %get3A_3006 = arith.constant 208 : index
      %get3A_3007 = tpu.vector_load %arg8[%get3A_3006] {strides = array<i32>} : memref<256xf32, #tpu.memory_space<vmem>>, vector<16xf32>,
      %get3A_3008 = vector.shape_cast %get3A_3007 : vector<16xf32> to vector<16xf32>
      %get3A_3009 = arith.constant 208 : index
      %get3A_3010 = tpu.vector_load %arg9[%get3A_3009] {strides = array<i32>} : memref<256xi32, #tpu.memory_space<vmem>>, vector<16xi32>,
      %get3A_3011 = vector.shape_cast %get3A_3010 : vector<16xi32> to vector<16xi32>
      %and3A_3012 = vector.broadcast %scan3A_63 : i32 to vector<16xi32>
      %and3A_3013 = arith.andi %get3A_3011, %and3A_3012 : vector<16xi32>
      %shift_right_arithmetic3A_3014 = arith.constant 8 : i32
      %shift_right_arithmetic3A_3015 = vector.broadcast %shift_right_arithmetic3A_3014 : i32 to vector<16xi32>
      %shift_right_arithmetic3A_3016 = arith.shrsi %get3A_3011, %shift_right_arithmetic3A_3015 : vector<16xi32>
      %and3A_3017 = vector.broadcast %scan3A_63 : i32 to vector<16xi32>
      %and3A_3018 = arith.andi %shift_right_arithmetic3A_3016, %and3A_3017 : vector<16xi32>
      %shift_right_arithmetic3A_3019 = arith.constant 16 : i32
      %shift_right_arithmetic3A_3020 = vector.broadcast %shift_right_arithmetic3A_3019 : i32 to vector<16xi32>
      %shift_right_arithmetic3A_3021 = arith.shrsi %get3A_3011, %shift_right_arithmetic3A_3020 : vector<16xi32>
      %and3A_3022 = vector.broadcast %scan3A_63 : i32 to vector<16xi32>
      %and3A_3023 = arith.andi %shift_right_arithmetic3A_3021, %and3A_3022 : vector<16xi32>
      %shift_right_arithmetic3A_3024 = arith.constant 24 : i32
      %shift_right_arithmetic3A_3025 = vector.broadcast %shift_right_arithmetic3A_3024 : i32 to vector<16xi32>
      %shift_right_arithmetic3A_3026 = arith.shrsi %get3A_3011, %shift_right_arithmetic3A_3025 : vector<16xi32>
      %and3A_3027 = vector.broadcast %scan3A_63 : i32 to vector<16xi32>
      %and3A_3028 = arith.andi %shift_right_arithmetic3A_3026, %and3A_3027 : vector<16xi32>
      %mul3A_3029 = arith.constant 256 : i32
      %mul3A_3030 = vector.broadcast %mul3A_3029 : i32 to vector<16xi32>
      %mul3A_3031 = arith.muli %and3A_3018, %mul3A_3030 : vector<16xi32>
      %add3A_3032 = vector.broadcast %mul3A_0 : i32 to vector<16xi32>
      %add3A_3033 = arith.addi %add3A_3032, %mul3A_3031 : vector<16xi32>
      %mul3A_3034 = arith.constant 256 : i32
      %mul3A_3035 = vector.broadcast %mul3A_3034 : i32 to vector<16xi32>
      %mul3A_3036 = arith.muli %and3A_3028, %mul3A_3035 : vector<16xi32>
      %add3A_3037 = vector.broadcast %mul3A_0 : i32 to vector<16xi32>
      %add3A_3038 = arith.addi %add3A_3037, %mul3A_3036 : vector<16xi32>
      %add3A_3039 = arith.addi %add3A_3033, %and3A_3013 : vector<16xi32>
      %swap3A_3040 = arith.constant 6 : i32
      %swap3A_3041 = arith.index_cast %swap3A_3040 : i32 to index
      %swap3A_3042 = arith.constant 64 : index
      %swap3A_3043 = tpu.vector_load %arg12[%swap3A_3041, %swap3A_3042] {strides = array<i32>} : memref<8x128xi32, #tpu.memory_space<vmem>>, vector<1x16xi32>,
      %swap3A_3044 = vector.shape_cast %swap3A_3043 : vector<1x16xi32> to vector<16xi32>
      %swap3A_3045 = vector.shape_cast %add3A_3039 : vector<16xi32> to vector<1x16xi32>
      tpu.vector_store %arg12[%swap3A_3041, %swap3A_3042], %swap3A_3045 {strides = array<i32>} : memref<8x128xi32, #tpu.memory_space<vmem>>, vector<1x16xi32>,
      %add3A_3046 = arith.addi %add3A_3033, %and3A_3023 : vector<16xi32>
      %swap3A_3047 = arith.constant 6 : i32
      %swap3A_3048 = arith.index_cast %swap3A_3047 : i32 to index
      %swap3A_3049 = arith.constant 80 : index
      %swap3A_3050 = tpu.vector_load %arg12[%swap3A_3048, %swap3A_3049] {strides = array<i32>} : memref<8x128xi32, #tpu.memory_space<vmem>>, vector<1x16xi32>,
      %swap3A_3051 = vector.shape_cast %swap3A_3050 : vector<1x16xi32> to vector<16xi32>
      %swap3A_3052 = vector.shape_cast %add3A_3046 : vector<16xi32> to vector<1x16xi32>
      tpu.vector_store %arg12[%swap3A_3048, %swap3A_3049], %swap3A_3052 {strides = array<i32>} : memref<8x128xi32, #tpu.memory_space<vmem>>, vector<1x16xi32>,
      %add3A_3053 = arith.addi %add3A_3038, %and3A_3013 : vector<16xi32>
      %swap3A_3054 = arith.constant 6 : i32
      %swap3A_3055 = arith.index_cast %swap3A_3054 : i32 to index
      %swap3A_3056 = arith.constant 96 : index
      %swap3A_3057 = tpu.vector_load %arg12[%swap3A_3055, %swap3A_3056] {strides = array<i32>} : memref<8x128xi32, #tpu.memory_space<vmem>>, vector<1x16xi32>,
      %swap3A_3058 = vector.shape_cast %swap3A_3057 : vector<1x16xi32> to vector<16xi32>
      %swap3A_3059 = vector.shape_cast %add3A_3053 : vector<16xi32> to vector<1x16xi32>
      tpu.vector_store %arg12[%swap3A_3055, %swap3A_3056], %swap3A_3059 {strides = array<i32>} : memref<8x128xi32, #tpu.memory_space<vmem>>, vector<1x16xi32>,
      %add3A_3060 = arith.addi %add3A_3038, %and3A_3023 : vector<16xi32>
      %swap3A_3061 = arith.constant 6 : i32
      %swap3A_3062 = arith.index_cast %swap3A_3061 : i32 to index
      %swap3A_3063 = arith.constant 112 : index
      %swap3A_3064 = tpu.vector_load %arg12[%swap3A_3062, %swap3A_3063] {strides = array<i32>} : memref<8x128xi32, #tpu.memory_space<vmem>>, vector<1x16xi32>,
      %swap3A_3065 = vector.shape_cast %swap3A_3064 : vector<1x16xi32> to vector<16xi32>
      %swap3A_3066 = vector.shape_cast %add3A_3060 : vector<16xi32> to vector<1x16xi32>
      tpu.vector_store %arg12[%swap3A_3062, %swap3A_3063], %swap3A_3066 {strides = array<i32>} : memref<8x128xi32, #tpu.memory_space<vmem>>, vector<1x16xi32>,
      %neg3A_3067 = arith.constant 0.000000e+00 : f32
      %neg3A_3068 = vector.broadcast %neg3A_3067 : f32 to vector<16xf32>
      %neg3A_3069 = arith.subf %neg3A_3068, %get3A_3008 : vector<16xf32>
      %swap3A_3070 = arith.constant 6 : i32
      %swap3A_3071 = arith.index_cast %swap3A_3070 : i32 to index
      %swap3A_3072 = arith.constant 64 : index
      %swap3A_3073 = tpu.vector_load %arg13[%swap3A_3071, %swap3A_3072] {strides = array<i32>} : memref<8x128xf32, #tpu.memory_space<vmem>>, vector<1x16xf32>,
      %swap3A_3074 = vector.shape_cast %swap3A_3073 : vector<1x16xf32> to vector<16xf32>
      %swap3A_3075 = vector.shape_cast %get3A_3008 : vector<16xf32> to vector<1x16xf32>
      tpu.vector_store %arg13[%swap3A_3071, %swap3A_3072], %swap3A_3075 {strides = array<i32>} : memref<8x128xf32, #tpu.memory_space<vmem>>, vector<1x16xf32>,
      %swap3A_3076 = arith.constant 6 : i32
      %swap3A_3077 = arith.index_cast %swap3A_3076 : i32 to index
      %swap3A_3078 = arith.constant 80 : index
      %swap3A_3079 = tpu.vector_load %arg13[%swap3A_3077, %swap3A_3078] {strides = array<i32>} : memref<8x128xf32, #tpu.memory_space<vmem>>, vector<1x16xf32>,
      %swap3A_3080 = vector.shape_cast %swap3A_3079 : vector<1x16xf32> to vector<16xf32>
      %swap3A_3081 = vector.shape_cast %neg3A_3069 : vector<16xf32> to vector<1x16xf32>
      tpu.vector_store %arg13[%swap3A_3077, %swap3A_3078], %swap3A_3081 {strides = array<i32>} : memref<8x128xf32, #tpu.memory_space<vmem>>, vector<1x16xf32>,
      %swap3A_3082 = arith.constant 6 : i32
      %swap3A_3083 = arith.index_cast %swap3A_3082 : i32 to index
      %swap3A_3084 = arith.constant 96 : index
      %swap3A_3085 = tpu.vector_load %arg13[%swap3A_3083, %swap3A_3084] {strides = array<i32>} : memref<8x128xf32, #tpu.memory_space<vmem>>, vector<1x16xf32>,
      %swap3A_3086 = vector.shape_cast %swap3A_3085 : vector<1x16xf32> to vector<16xf32>
      %swap3A_3087 = vector.shape_cast %neg3A_3069 : vector<16xf32> to vector<1x16xf32>
      tpu.vector_store %arg13[%swap3A_3083, %swap3A_3084], %swap3A_3087 {strides = array<i32>} : memref<8x128xf32, #tpu.memory_space<vmem>>, vector<1x16xf32>,
      %swap3A_3088 = arith.constant 6 : i32
      %swap3A_3089 = arith.index_cast %swap3A_3088 : i32 to index
      %swap3A_3090 = arith.constant 112 : index
      %swap3A_3091 = tpu.vector_load %arg13[%swap3A_3089, %swap3A_3090] {strides = array<i32>} : memref<8x128xf32, #tpu.memory_space<vmem>>, vector<1x16xf32>,
      %swap3A_3092 = vector.shape_cast %swap3A_3091 : vector<1x16xf32> to vector<16xf32>
      %swap3A_3093 = vector.shape_cast %get3A_3008 : vector<16xf32> to vector<1x16xf32>
      tpu.vector_store %arg13[%swap3A_3089, %swap3A_3090], %swap3A_3093 {strides = array<i32>} : memref<8x128xf32, #tpu.memory_space<vmem>>, vector<1x16xf32>,
      %get3A_3094 = arith.constant 224 : index
      %get3A_3095 = tpu.vector_load %arg8[%get3A_3094] {strides = array<i32>} : memref<256xf32, #tpu.memory_space<vmem>>, vector<16xf32>,
      %get3A_3096 = vector.shape_cast %get3A_3095 : vector<16xf32> to vector<16xf32>
      %get3A_3097 = arith.constant 224 : index
      %get3A_3098 = tpu.vector_load %arg9[%get3A_3097] {strides = array<i32>} : memref<256xi32, #tpu.memory_space<vmem>>, vector<16xi32>,
      %get3A_3099 = vector.shape_cast %get3A_3098 : vector<16xi32> to vector<16xi32>
      %and3A_3100 = vector.broadcast %scan3A_63 : i32 to vector<16xi32>
      %and3A_3101 = arith.andi %get3A_3099, %and3A_3100 : vector<16xi32>
      %shift_right_arithmetic3A_3102 = arith.constant 8 : i32
      %shift_right_arithmetic3A_3103 = vector.broadcast %shift_right_arithmetic3A_3102 : i32 to vector<16xi32>
      %shift_right_arithmetic3A_3104 = arith.shrsi %get3A_3099, %shift_right_arithmetic3A_3103 : vector<16xi32>
      %and3A_3105 = vector.broadcast %scan3A_63 : i32 to vector<16xi32>
      %and3A_3106 = arith.andi %shift_right_arithmetic3A_3104, %and3A_3105 : vector<16xi32>
      %shift_right_arithmetic3A_3107 = arith.constant 16 : i32
      %shift_right_arithmetic3A_3108 = vector.broadcast %shift_right_arithmetic3A_3107 : i32 to vector<16xi32>
      %shift_right_arithmetic3A_3109 = arith.shrsi %get3A_3099, %shift_right_arithmetic3A_3108 : vector<16xi32>
      %and3A_3110 = vector.broadcast %scan3A_63 : i32 to vector<16xi32>
      %and3A_3111 = arith.andi %shift_right_arithmetic3A_3109, %and3A_3110 : vector<16xi32>
      %shift_right_arithmetic3A_3112 = arith.constant 24 : i32
      %shift_right_arithmetic3A_3113 = vector.broadcast %shift_right_arithmetic3A_3112 : i32 to vector<16xi32>
      %shift_right_arithmetic3A_3114 = arith.shrsi %get3A_3099, %shift_right_arithmetic3A_3113 : vector<16xi32>
      %and3A_3115 = vector.broadcast %scan3A_63 : i32 to vector<16xi32>
      %and3A_3116 = arith.andi %shift_right_arithmetic3A_3114, %and3A_3115 : vector<16xi32>
      %mul3A_3117 = arith.constant 256 : i32
      %mul3A_3118 = vector.broadcast %mul3A_3117 : i32 to vector<16xi32>
      %mul3A_3119 = arith.muli %and3A_3106, %mul3A_3118 : vector<16xi32>
      %add3A_3120 = vector.broadcast %mul3A_0 : i32 to vector<16xi32>
      %add3A_3121 = arith.addi %add3A_3120, %mul3A_3119 : vector<16xi32>
      %mul3A_3122 = arith.constant 256 : i32
      %mul3A_3123 = vector.broadcast %mul3A_3122 : i32 to vector<16xi32>
      %mul3A_3124 = arith.muli %and3A_3116, %mul3A_3123 : vector<16xi32>
      %add3A_3125 = vector.broadcast %mul3A_0 : i32 to vector<16xi32>
      %add3A_3126 = arith.addi %add3A_3125, %mul3A_3124 : vector<16xi32>
      %add3A_3127 = arith.addi %add3A_3121, %and3A_3101 : vector<16xi32>
      %swap3A_3128 = arith.constant 7 : i32
      %swap3A_3129 = arith.index_cast %swap3A_3128 : i32 to index
      %swap3A_3130 = arith.constant 0 : index
      %swap3A_3131 = tpu.vector_load %arg12[%swap3A_3129, %swap3A_3130] {strides = array<i32>} : memref<8x128xi32, #tpu.memory_space<vmem>>, vector<1x16xi32>,
      %swap3A_3132 = vector.shape_cast %swap3A_3131 : vector<1x16xi32> to vector<16xi32>
      %swap3A_3133 = vector.shape_cast %add3A_3127 : vector<16xi32> to vector<1x16xi32>
      tpu.vector_store %arg12[%swap3A_3129, %swap3A_3130], %swap3A_3133 {strides = array<i32>} : memref<8x128xi32, #tpu.memory_space<vmem>>, vector<1x16xi32>,
      %add3A_3134 = arith.addi %add3A_3121, %and3A_3111 : vector<16xi32>
      %swap3A_3135 = arith.constant 7 : i32
      %swap3A_3136 = arith.index_cast %swap3A_3135 : i32 to index
      %swap3A_3137 = arith.constant 16 : index
      %swap3A_3138 = tpu.vector_load %arg12[%swap3A_3136, %swap3A_3137] {strides = array<i32>} : memref<8x128xi32, #tpu.memory_space<vmem>>, vector<1x16xi32>,
      %swap3A_3139 = vector.shape_cast %swap3A_3138 : vector<1x16xi32> to vector<16xi32>
      %swap3A_3140 = vector.shape_cast %add3A_3134 : vector<16xi32> to vector<1x16xi32>
      tpu.vector_store %arg12[%swap3A_3136, %swap3A_3137], %swap3A_3140 {strides = array<i32>} : memref<8x128xi32, #tpu.memory_space<vmem>>, vector<1x16xi32>,
      %add3A_3141 = arith.addi %add3A_3126, %and3A_3101 : vector<16xi32>
      %swap3A_3142 = arith.constant 7 : i32
      %swap3A_3143 = arith.index_cast %swap3A_3142 : i32 to index
      %swap3A_3144 = arith.constant 32 : index
      %swap3A_3145 = tpu.vector_load %arg12[%swap3A_3143, %swap3A_3144] {strides = array<i32>} : memref<8x128xi32, #tpu.memory_space<vmem>>, vector<1x16xi32>,
      %swap3A_3146 = vector.shape_cast %swap3A_3145 : vector<1x16xi32> to vector<16xi32>
      %swap3A_3147 = vector.shape_cast %add3A_3141 : vector<16xi32> to vector<1x16xi32>
      tpu.vector_store %arg12[%swap3A_3143, %swap3A_3144], %swap3A_3147 {strides = array<i32>} : memref<8x128xi32, #tpu.memory_space<vmem>>, vector<1x16xi32>,
      %add3A_3148 = arith.addi %add3A_3126, %and3A_3111 : vector<16xi32>
      %swap3A_3149 = arith.constant 7 : i32
      %swap3A_3150 = arith.index_cast %swap3A_3149 : i32 to index
      %swap3A_3151 = arith.constant 48 : index
      %swap3A_3152 = tpu.vector_load %arg12[%swap3A_3150, %swap3A_3151] {strides = array<i32>} : memref<8x128xi32, #tpu.memory_space<vmem>>, vector<1x16xi32>,
      %swap3A_3153 = vector.shape_cast %swap3A_3152 : vector<1x16xi32> to vector<16xi32>
      %swap3A_3154 = vector.shape_cast %add3A_3148 : vector<16xi32> to vector<1x16xi32>
      tpu.vector_store %arg12[%swap3A_3150, %swap3A_3151], %swap3A_3154 {strides = array<i32>} : memref<8x128xi32, #tpu.memory_space<vmem>>, vector<1x16xi32>,
      %neg3A_3155 = arith.constant 0.000000e+00 : f32
      %neg3A_3156 = vector.broadcast %neg3A_3155 : f32 to vector<16xf32>
      %neg3A_3157 = arith.subf %neg3A_3156, %get3A_3096 : vector<16xf32>
      %swap3A_3158 = arith.constant 7 : i32
      %swap3A_3159 = arith.index_cast %swap3A_3158 : i32 to index
      %swap3A_3160 = arith.constant 0 : index
      %swap3A_3161 = tpu.vector_load %arg13[%swap3A_3159, %swap3A_3160] {strides = array<i32>} : memref<8x128xf32, #tpu.memory_space<vmem>>, vector<1x16xf32>,
      %swap3A_3162 = vector.shape_cast %swap3A_3161 : vector<1x16xf32> to vector<16xf32>
      %swap3A_3163 = vector.shape_cast %get3A_3096 : vector<16xf32> to vector<1x16xf32>
      tpu.vector_store %arg13[%swap3A_3159, %swap3A_3160], %swap3A_3163 {strides = array<i32>} : memref<8x128xf32, #tpu.memory_space<vmem>>, vector<1x16xf32>,
      %swap3A_3164 = arith.constant 7 : i32
      %swap3A_3165 = arith.index_cast %swap3A_3164 : i32 to index
      %swap3A_3166 = arith.constant 16 : index
      %swap3A_3167 = tpu.vector_load %arg13[%swap3A_3165, %swap3A_3166] {strides = array<i32>} : memref<8x128xf32, #tpu.memory_space<vmem>>, vector<1x16xf32>,
      %swap3A_3168 = vector.shape_cast %swap3A_3167 : vector<1x16xf32> to vector<16xf32>
      %swap3A_3169 = vector.shape_cast %neg3A_3157 : vector<16xf32> to vector<1x16xf32>
      tpu.vector_store %arg13[%swap3A_3165, %swap3A_3166], %swap3A_3169 {strides = array<i32>} : memref<8x128xf32, #tpu.memory_space<vmem>>, vector<1x16xf32>,
      %swap3A_3170 = arith.constant 7 : i32
      %swap3A_3171 = arith.index_cast %swap3A_3170 : i32 to index
      %swap3A_3172 = arith.constant 32 : index
      %swap3A_3173 = tpu.vector_load %arg13[%swap3A_3171, %swap3A_3172] {strides = array<i32>} : memref<8x128xf32, #tpu.memory_space<vmem>>, vector<1x16xf32>,
      %swap3A_3174 = vector.shape_cast %swap3A_3173 : vector<1x16xf32> to vector<16xf32>
      %swap3A_3175 = vector.shape_cast %neg3A_3157 : vector<16xf32> to vector<1x16xf32>
      tpu.vector_store %arg13[%swap3A_3171, %swap3A_3172], %swap3A_3175 {strides = array<i32>} : memref<8x128xf32, #tpu.memory_space<vmem>>, vector<1x16xf32>,
      %swap3A_3176 = arith.constant 7 : i32
      %swap3A_3177 = arith.index_cast %swap3A_3176 : i32 to index
      %swap3A_3178 = arith.constant 48 : index
      %swap3A_3179 = tpu.vector_load %arg13[%swap3A_3177, %swap3A_3178] {strides = array<i32>} : memref<8x128xf32, #tpu.memory_space<vmem>>, vector<1x16xf32>,
      %swap3A_3180 = vector.shape_cast %swap3A_3179 : vector<1x16xf32> to vector<16xf32>
      %swap3A_3181 = vector.shape_cast %get3A_3096 : vector<16xf32> to vector<1x16xf32>
      tpu.vector_store %arg13[%swap3A_3177, %swap3A_3178], %swap3A_3181 {strides = array<i32>} : memref<8x128xf32, #tpu.memory_space<vmem>>, vector<1x16xf32>,
      %get3A_3182 = arith.constant 240 : index
      %get3A_3183 = tpu.vector_load %arg8[%get3A_3182] {strides = array<i32>} : memref<256xf32, #tpu.memory_space<vmem>>, vector<16xf32>,
      %get3A_3184 = vector.shape_cast %get3A_3183 : vector<16xf32> to vector<16xf32>
      %get3A_3185 = arith.constant 240 : index
      %get3A_3186 = tpu.vector_load %arg9[%get3A_3185] {strides = array<i32>} : memref<256xi32, #tpu.memory_space<vmem>>, vector<16xi32>,
      %get3A_3187 = vector.shape_cast %get3A_3186 : vector<16xi32> to vector<16xi32>
      %and3A_3188 = vector.broadcast %scan3A_63 : i32 to vector<16xi32>
      %and3A_3189 = arith.andi %get3A_3187, %and3A_3188 : vector<16xi32>
      %shift_right_arithmetic3A_3190 = arith.constant 8 : i32
      %shift_right_arithmetic3A_3191 = vector.broadcast %shift_right_arithmetic3A_3190 : i32 to vector<16xi32>
      %shift_right_arithmetic3A_3192 = arith.shrsi %get3A_3187, %shift_right_arithmetic3A_3191 : vector<16xi32>
      %and3A_3193 = vector.broadcast %scan3A_63 : i32 to vector<16xi32>
      %and3A_3194 = arith.andi %shift_right_arithmetic3A_3192, %and3A_3193 : vector<16xi32>
      %shift_right_arithmetic3A_3195 = arith.constant 16 : i32
      %shift_right_arithmetic3A_3196 = vector.broadcast %shift_right_arithmetic3A_3195 : i32 to vector<16xi32>
      %shift_right_arithmetic3A_3197 = arith.shrsi %get3A_3187, %shift_right_arithmetic3A_3196 : vector<16xi32>
      %and3A_3198 = vector.broadcast %scan3A_63 : i32 to vector<16xi32>
      %and3A_3199 = arith.andi %shift_right_arithmetic3A_3197, %and3A_3198 : vector<16xi32>
      %shift_right_arithmetic3A_3200 = arith.constant 24 : i32
      %shift_right_arithmetic3A_3201 = vector.broadcast %shift_right_arithmetic3A_3200 : i32 to vector<16xi32>
      %shift_right_arithmetic3A_3202 = arith.shrsi %get3A_3187, %shift_right_arithmetic3A_3201 : vector<16xi32>
      %and3A_3203 = vector.broadcast %scan3A_63 : i32 to vector<16xi32>
      %and3A_3204 = arith.andi %shift_right_arithmetic3A_3202, %and3A_3203 : vector<16xi32>
      %mul3A_3205 = arith.constant 256 : i32
      %mul3A_3206 = vector.broadcast %mul3A_3205 : i32 to vector<16xi32>
      %mul3A_3207 = arith.muli %and3A_3194, %mul3A_3206 : vector<16xi32>
      %add3A_3208 = vector.broadcast %mul3A_0 : i32 to vector<16xi32>
      %add3A_3209 = arith.addi %add3A_3208, %mul3A_3207 : vector<16xi32>
      %mul3A_3210 = arith.constant 256 : i32
      %mul3A_3211 = vector.broadcast %mul3A_3210 : i32 to vector<16xi32>
      %mul3A_3212 = arith.muli %and3A_3204, %mul3A_3211 : vector<16xi32>
      %add3A_3213 = vector.broadcast %mul3A_0 : i32 to vector<16xi32>
      %add3A_3214 = arith.addi %add3A_3213, %mul3A_3212 : vector<16xi32>
      %add3A_3215 = arith.addi %add3A_3209, %and3A_3189 : vector<16xi32>
      %swap3A_3216 = arith.constant 7 : i32
      %swap3A_3217 = arith.index_cast %swap3A_3216 : i32 to index
      %swap3A_3218 = arith.constant 64 : index
      %swap3A_3219 = tpu.vector_load %arg12[%swap3A_3217, %swap3A_3218] {strides = array<i32>} : memref<8x128xi32, #tpu.memory_space<vmem>>, vector<1x16xi32>,
      %swap3A_3220 = vector.shape_cast %swap3A_3219 : vector<1x16xi32> to vector<16xi32>
      %swap3A_3221 = vector.shape_cast %add3A_3215 : vector<16xi32> to vector<1x16xi32>
      tpu.vector_store %arg12[%swap3A_3217, %swap3A_3218], %swap3A_3221 {strides = array<i32>} : memref<8x128xi32, #tpu.memory_space<vmem>>, vector<1x16xi32>,
      %add3A_3222 = arith.addi %add3A_3209, %and3A_3199 : vector<16xi32>
      %swap3A_3223 = arith.constant 7 : i32
      %swap3A_3224 = arith.index_cast %swap3A_3223 : i32 to index
      %swap3A_3225 = arith.constant 80 : index
      %swap3A_3226 = tpu.vector_load %arg12[%swap3A_3224, %swap3A_3225] {strides = array<i32>} : memref<8x128xi32, #tpu.memory_space<vmem>>, vector<1x16xi32>,
      %swap3A_3227 = vector.shape_cast %swap3A_3226 : vector<1x16xi32> to vector<16xi32>
      %swap3A_3228 = vector.shape_cast %add3A_3222 : vector<16xi32> to vector<1x16xi32>
      tpu.vector_store %arg12[%swap3A_3224, %swap3A_3225], %swap3A_3228 {strides = array<i32>} : memref<8x128xi32, #tpu.memory_space<vmem>>, vector<1x16xi32>,
      %add3A_3229 = arith.addi %add3A_3214, %and3A_3189 : vector<16xi32>
      %swap3A_3230 = arith.constant 7 : i32
      %swap3A_3231 = arith.index_cast %swap3A_3230 : i32 to index
      %swap3A_3232 = arith.constant 96 : index
      %swap3A_3233 = tpu.vector_load %arg12[%swap3A_3231, %swap3A_3232] {strides = array<i32>} : memref<8x128xi32, #tpu.memory_space<vmem>>, vector<1x16xi32>,
      %swap3A_3234 = vector.shape_cast %swap3A_3233 : vector<1x16xi32> to vector<16xi32>
      %swap3A_3235 = vector.shape_cast %add3A_3229 : vector<16xi32> to vector<1x16xi32>
      tpu.vector_store %arg12[%swap3A_3231, %swap3A_3232], %swap3A_3235 {strides = array<i32>} : memref<8x128xi32, #tpu.memory_space<vmem>>, vector<1x16xi32>,
      %add3A_3236 = arith.addi %add3A_3214, %and3A_3199 : vector<16xi32>
      %swap3A_3237 = arith.constant 7 : i32
      %swap3A_3238 = arith.index_cast %swap3A_3237 : i32 to index
      %swap3A_3239 = arith.constant 112 : index
      %swap3A_3240 = tpu.vector_load %arg12[%swap3A_3238, %swap3A_3239] {strides = array<i32>} : memref<8x128xi32, #tpu.memory_space<vmem>>, vector<1x16xi32>,
      %swap3A_3241 = vector.shape_cast %swap3A_3240 : vector<1x16xi32> to vector<16xi32>
      %swap3A_3242 = vector.shape_cast %add3A_3236 : vector<16xi32> to vector<1x16xi32>
      tpu.vector_store %arg12[%swap3A_3238, %swap3A_3239], %swap3A_3242 {strides = array<i32>} : memref<8x128xi32, #tpu.memory_space<vmem>>, vector<1x16xi32>,
      %neg3A_3243 = arith.constant 0.000000e+00 : f32
      %neg3A_3244 = vector.broadcast %neg3A_3243 : f32 to vector<16xf32>
      %neg3A_3245 = arith.subf %neg3A_3244, %get3A_3184 : vector<16xf32>
      %swap3A_3246 = arith.constant 7 : i32
      %swap3A_3247 = arith.index_cast %swap3A_3246 : i32 to index
      %swap3A_3248 = arith.constant 64 : index
      %swap3A_3249 = tpu.vector_load %arg13[%swap3A_3247, %swap3A_3248] {strides = array<i32>} : memref<8x128xf32, #tpu.memory_space<vmem>>, vector<1x16xf32>,
      %swap3A_3250 = vector.shape_cast %swap3A_3249 : vector<1x16xf32> to vector<16xf32>
      %swap3A_3251 = vector.shape_cast %get3A_3184 : vector<16xf32> to vector<1x16xf32>
      tpu.vector_store %arg13[%swap3A_3247, %swap3A_3248], %swap3A_3251 {strides = array<i32>} : memref<8x128xf32, #tpu.memory_space<vmem>>, vector<1x16xf32>,
      %swap3A_3252 = arith.constant 7 : i32
      %swap3A_3253 = arith.index_cast %swap3A_3252 : i32 to index
      %swap3A_3254 = arith.constant 80 : index
      %swap3A_3255 = tpu.vector_load %arg13[%swap3A_3253, %swap3A_3254] {strides = array<i32>} : memref<8x128xf32, #tpu.memory_space<vmem>>, vector<1x16xf32>,
      %swap3A_3256 = vector.shape_cast %swap3A_3255 : vector<1x16xf32> to vector<16xf32>
      %swap3A_3257 = vector.shape_cast %neg3A_3245 : vector<16xf32> to vector<1x16xf32>
      tpu.vector_store %arg13[%swap3A_3253, %swap3A_3254], %swap3A_3257 {strides = array<i32>} : memref<8x128xf32, #tpu.memory_space<vmem>>, vector<1x16xf32>,
      %swap3A_3258 = arith.constant 7 : i32
      %swap3A_3259 = arith.index_cast %swap3A_3258 : i32 to index
      %swap3A_3260 = arith.constant 96 : index
      %swap3A_3261 = tpu.vector_load %arg13[%swap3A_3259, %swap3A_3260] {strides = array<i32>} : memref<8x128xf32, #tpu.memory_space<vmem>>, vector<1x16xf32>,
      %swap3A_3262 = vector.shape_cast %swap3A_3261 : vector<1x16xf32> to vector<16xf32>
      %swap3A_3263 = vector.shape_cast %neg3A_3245 : vector<16xf32> to vector<1x16xf32>
      tpu.vector_store %arg13[%swap3A_3259, %swap3A_3260], %swap3A_3263 {strides = array<i32>} : memref<8x128xf32, #tpu.memory_space<vmem>>, vector<1x16xf32>,
      %swap3A_3264 = arith.constant 7 : i32
      %swap3A_3265 = arith.index_cast %swap3A_3264 : i32 to index
      %swap3A_3266 = arith.constant 112 : index
      %swap3A_3267 = tpu.vector_load %arg13[%swap3A_3265, %swap3A_3266] {strides = array<i32>} : memref<8x128xf32, #tpu.memory_space<vmem>>, vector<1x16xf32>,
      %swap3A_3268 = vector.shape_cast %swap3A_3267 : vector<1x16xf32> to vector<16xf32>
      %swap3A_3269 = vector.shape_cast %get3A_3184 : vector<16xf32> to vector<1x16xf32>
      tpu.vector_store %arg13[%swap3A_3265, %swap3A_3266], %swap3A_3269 {strides = array<i32>} : memref<8x128xf32, #tpu.memory_space<vmem>>, vector<1x16xf32>,
      %dma_start3A_3270 = arith.constant 0 : i32
      %dma_start3A_3271 = arith.constant 0 : i32
      %dma_start3A_3272 = arith.constant 0 : i32
      %dma_start3A_3273 = tpu.memref_slice %arg13[%dma_start3A_3270, %dma_start3A_3272] : memref<8x128xf32, #tpu.memory_space<vmem>> -> memref<1x128xf32, #tpu.memory_space<vmem>>
      %dma_start3A_3274 = tpu.memref_squeeze %dma_start3A_3273 : memref<1x128xf32, #tpu.memory_space<vmem>> -> memref<128xf32, #tpu.memory_space<vmem>>
      %dma_start3A_3275 = arith.constant 0 : i32
      %dma_start3A_3276 = tpu.memref_slice %arg12[%dma_start3A_3271, %dma_start3A_3275] : memref<8x128xi32, #tpu.memory_space<vmem>> -> memref<1x128xi32, #tpu.memory_space<vmem>>
      %dma_start3A_3277 = tpu.memref_squeeze %dma_start3A_3276 : memref<1x128xi32, #tpu.memory_space<vmem>> -> memref<128xi32, #tpu.memory_space<vmem>>
      %dma_start3A_3278 = arith.constant 0 : i32
      %dma_start3A_3279 = tpu.memref_slice %arg5[%dma_start3A_3278] : memref<950272xf32, #tpu.memory_space<vmem_shared>> -> memref<950272xf32, #tpu.memory_space<vmem_shared>>
      tpu.enqueue_indirect_dma source(%dma_start3A_3274 : memref<128xf32, #tpu.memory_space<vmem>>) target(%dma_start3A_3279 : memref<950272xf32, #tpu.memory_space<vmem_shared>>) offsets(%dma_start3A_3277 : memref<128xi32, #tpu.memory_space<vmem>>) semaphore(%arg19 : memref<!tpu.dma_semaphore, #tpu.memory_space<semaphore_mem>>) {add = true}
      %dma_start3A_3280 = arith.constant 1 : i32
      %dma_start3A_3281 = arith.constant 1 : i32
      %dma_start3A_3282 = arith.constant 0 : i32
      %dma_start3A_3283 = tpu.memref_slice %arg13[%dma_start3A_3280, %dma_start3A_3282] : memref<8x128xf32, #tpu.memory_space<vmem>> -> memref<1x128xf32, #tpu.memory_space<vmem>>
      %dma_start3A_3284 = tpu.memref_squeeze %dma_start3A_3283 : memref<1x128xf32, #tpu.memory_space<vmem>> -> memref<128xf32, #tpu.memory_space<vmem>>
      %dma_start3A_3285 = arith.constant 0 : i32
      %dma_start3A_3286 = tpu.memref_slice %arg12[%dma_start3A_3281, %dma_start3A_3285] : memref<8x128xi32, #tpu.memory_space<vmem>> -> memref<1x128xi32, #tpu.memory_space<vmem>>
      %dma_start3A_3287 = tpu.memref_squeeze %dma_start3A_3286 : memref<1x128xi32, #tpu.memory_space<vmem>> -> memref<128xi32, #tpu.memory_space<vmem>>
      %dma_start3A_3288 = arith.constant 0 : i32
      %dma_start3A_3289 = tpu.memref_slice %arg5[%dma_start3A_3288] : memref<950272xf32, #tpu.memory_space<vmem_shared>> -> memref<950272xf32, #tpu.memory_space<vmem_shared>>
      tpu.enqueue_indirect_dma source(%dma_start3A_3284 : memref<128xf32, #tpu.memory_space<vmem>>) target(%dma_start3A_3289 : memref<950272xf32, #tpu.memory_space<vmem_shared>>) offsets(%dma_start3A_3287 : memref<128xi32, #tpu.memory_space<vmem>>) semaphore(%arg19 : memref<!tpu.dma_semaphore, #tpu.memory_space<semaphore_mem>>) {add = true}
      %dma_start3A_3290 = arith.constant 2 : i32
      %dma_start3A_3291 = arith.constant 2 : i32
      %dma_start3A_3292 = arith.constant 0 : i32
      %dma_start3A_3293 = tpu.memref_slice %arg13[%dma_start3A_3290, %dma_start3A_3292] : memref<8x128xf32, #tpu.memory_space<vmem>> -> memref<1x128xf32, #tpu.memory_space<vmem>>
      %dma_start3A_3294 = tpu.memref_squeeze %dma_start3A_3293 : memref<1x128xf32, #tpu.memory_space<vmem>> -> memref<128xf32, #tpu.memory_space<vmem>>
      %dma_start3A_3295 = arith.constant 0 : i32
      %dma_start3A_3296 = tpu.memref_slice %arg12[%dma_start3A_3291, %dma_start3A_3295] : memref<8x128xi32, #tpu.memory_space<vmem>> -> memref<1x128xi32, #tpu.memory_space<vmem>>
      %dma_start3A_3297 = tpu.memref_squeeze %dma_start3A_3296 : memref<1x128xi32, #tpu.memory_space<vmem>> -> memref<128xi32, #tpu.memory_space<vmem>>
      %dma_start3A_3298 = arith.constant 0 : i32
      %dma_start3A_3299 = tpu.memref_slice %arg5[%dma_start3A_3298] : memref<950272xf32, #tpu.memory_space<vmem_shared>> -> memref<950272xf32, #tpu.memory_space<vmem_shared>>
      tpu.enqueue_indirect_dma source(%dma_start3A_3294 : memref<128xf32, #tpu.memory_space<vmem>>) target(%dma_start3A_3299 : memref<950272xf32, #tpu.memory_space<vmem_shared>>) offsets(%dma_start3A_3297 : memref<128xi32, #tpu.memory_space<vmem>>) semaphore(%arg19 : memref<!tpu.dma_semaphore, #tpu.memory_space<semaphore_mem>>) {add = true}
      %dma_start3A_3300 = arith.constant 3 : i32
      %dma_start3A_3301 = arith.constant 3 : i32
      %dma_start3A_3302 = arith.constant 0 : i32
      %dma_start3A_3303 = tpu.memref_slice %arg13[%dma_start3A_3300, %dma_start3A_3302] : memref<8x128xf32, #tpu.memory_space<vmem>> -> memref<1x128xf32, #tpu.memory_space<vmem>>
      %dma_start3A_3304 = tpu.memref_squeeze %dma_start3A_3303 : memref<1x128xf32, #tpu.memory_space<vmem>> -> memref<128xf32, #tpu.memory_space<vmem>>
      %dma_start3A_3305 = arith.constant 0 : i32
      %dma_start3A_3306 = tpu.memref_slice %arg12[%dma_start3A_3301, %dma_start3A_3305] : memref<8x128xi32, #tpu.memory_space<vmem>> -> memref<1x128xi32, #tpu.memory_space<vmem>>
      %dma_start3A_3307 = tpu.memref_squeeze %dma_start3A_3306 : memref<1x128xi32, #tpu.memory_space<vmem>> -> memref<128xi32, #tpu.memory_space<vmem>>
      %dma_start3A_3308 = arith.constant 0 : i32
      %dma_start3A_3309 = tpu.memref_slice %arg5[%dma_start3A_3308] : memref<950272xf32, #tpu.memory_space<vmem_shared>> -> memref<950272xf32, #tpu.memory_space<vmem_shared>>
      tpu.enqueue_indirect_dma source(%dma_start3A_3304 : memref<128xf32, #tpu.memory_space<vmem>>) target(%dma_start3A_3309 : memref<950272xf32, #tpu.memory_space<vmem_shared>>) offsets(%dma_start3A_3307 : memref<128xi32, #tpu.memory_space<vmem>>) semaphore(%arg19 : memref<!tpu.dma_semaphore, #tpu.memory_space<semaphore_mem>>) {add = true}
      %dma_start3A_3310 = arith.constant 4 : i32
      %dma_start3A_3311 = arith.constant 4 : i32
      %dma_start3A_3312 = arith.constant 0 : i32
      %dma_start3A_3313 = tpu.memref_slice %arg13[%dma_start3A_3310, %dma_start3A_3312] : memref<8x128xf32, #tpu.memory_space<vmem>> -> memref<1x128xf32, #tpu.memory_space<vmem>>
      %dma_start3A_3314 = tpu.memref_squeeze %dma_start3A_3313 : memref<1x128xf32, #tpu.memory_space<vmem>> -> memref<128xf32, #tpu.memory_space<vmem>>
      %dma_start3A_3315 = arith.constant 0 : i32
      %dma_start3A_3316 = tpu.memref_slice %arg12[%dma_start3A_3311, %dma_start3A_3315] : memref<8x128xi32, #tpu.memory_space<vmem>> -> memref<1x128xi32, #tpu.memory_space<vmem>>
      %dma_start3A_3317 = tpu.memref_squeeze %dma_start3A_3316 : memref<1x128xi32, #tpu.memory_space<vmem>> -> memref<128xi32, #tpu.memory_space<vmem>>
      %dma_start3A_3318 = arith.constant 0 : i32
      %dma_start3A_3319 = tpu.memref_slice %arg5[%dma_start3A_3318] : memref<950272xf32, #tpu.memory_space<vmem_shared>> -> memref<950272xf32, #tpu.memory_space<vmem_shared>>
      tpu.enqueue_indirect_dma source(%dma_start3A_3314 : memref<128xf32, #tpu.memory_space<vmem>>) target(%dma_start3A_3319 : memref<950272xf32, #tpu.memory_space<vmem_shared>>) offsets(%dma_start3A_3317 : memref<128xi32, #tpu.memory_space<vmem>>) semaphore(%arg19 : memref<!tpu.dma_semaphore, #tpu.memory_space<semaphore_mem>>) {add = true}
      %dma_start3A_3320 = arith.constant 5 : i32
      %dma_start3A_3321 = arith.constant 5 : i32
      %dma_start3A_3322 = arith.constant 0 : i32
      %dma_start3A_3323 = tpu.memref_slice %arg13[%dma_start3A_3320, %dma_start3A_3322] : memref<8x128xf32, #tpu.memory_space<vmem>> -> memref<1x128xf32, #tpu.memory_space<vmem>>
      %dma_start3A_3324 = tpu.memref_squeeze %dma_start3A_3323 : memref<1x128xf32, #tpu.memory_space<vmem>> -> memref<128xf32, #tpu.memory_space<vmem>>
      %dma_start3A_3325 = arith.constant 0 : i32
      %dma_start3A_3326 = tpu.memref_slice %arg12[%dma_start3A_3321, %dma_start3A_3325] : memref<8x128xi32, #tpu.memory_space<vmem>> -> memref<1x128xi32, #tpu.memory_space<vmem>>
      %dma_start3A_3327 = tpu.memref_squeeze %dma_start3A_3326 : memref<1x128xi32, #tpu.memory_space<vmem>> -> memref<128xi32, #tpu.memory_space<vmem>>
      %dma_start3A_3328 = arith.constant 0 : i32
      %dma_start3A_3329 = tpu.memref_slice %arg5[%dma_start3A_3328] : memref<950272xf32, #tpu.memory_space<vmem_shared>> -> memref<950272xf32, #tpu.memory_space<vmem_shared>>
      tpu.enqueue_indirect_dma source(%dma_start3A_3324 : memref<128xf32, #tpu.memory_space<vmem>>) target(%dma_start3A_3329 : memref<950272xf32, #tpu.memory_space<vmem_shared>>) offsets(%dma_start3A_3327 : memref<128xi32, #tpu.memory_space<vmem>>) semaphore(%arg19 : memref<!tpu.dma_semaphore, #tpu.memory_space<semaphore_mem>>) {add = true}
      %dma_start3A_3330 = arith.constant 6 : i32
      %dma_start3A_3331 = arith.constant 6 : i32
      %dma_start3A_3332 = arith.constant 0 : i32
      %dma_start3A_3333 = tpu.memref_slice %arg13[%dma_start3A_3330, %dma_start3A_3332] : memref<8x128xf32, #tpu.memory_space<vmem>> -> memref<1x128xf32, #tpu.memory_space<vmem>>
      %dma_start3A_3334 = tpu.memref_squeeze %dma_start3A_3333 : memref<1x128xf32, #tpu.memory_space<vmem>> -> memref<128xf32, #tpu.memory_space<vmem>>
      %dma_start3A_3335 = arith.constant 0 : i32
      %dma_start3A_3336 = tpu.memref_slice %arg12[%dma_start3A_3331, %dma_start3A_3335] : memref<8x128xi32, #tpu.memory_space<vmem>> -> memref<1x128xi32, #tpu.memory_space<vmem>>
      %dma_start3A_3337 = tpu.memref_squeeze %dma_start3A_3336 : memref<1x128xi32, #tpu.memory_space<vmem>> -> memref<128xi32, #tpu.memory_space<vmem>>
      %dma_start3A_3338 = arith.constant 0 : i32
      %dma_start3A_3339 = tpu.memref_slice %arg5[%dma_start3A_3338] : memref<950272xf32, #tpu.memory_space<vmem_shared>> -> memref<950272xf32, #tpu.memory_space<vmem_shared>>
      tpu.enqueue_indirect_dma source(%dma_start3A_3334 : memref<128xf32, #tpu.memory_space<vmem>>) target(%dma_start3A_3339 : memref<950272xf32, #tpu.memory_space<vmem_shared>>) offsets(%dma_start3A_3337 : memref<128xi32, #tpu.memory_space<vmem>>) semaphore(%arg19 : memref<!tpu.dma_semaphore, #tpu.memory_space<semaphore_mem>>) {add = true}
      %dma_start3A_3340 = arith.constant 7 : i32
      %dma_start3A_3341 = arith.constant 7 : i32
      %dma_start3A_3342 = arith.constant 0 : i32
      %dma_start3A_3343 = tpu.memref_slice %arg13[%dma_start3A_3340, %dma_start3A_3342] : memref<8x128xf32, #tpu.memory_space<vmem>> -> memref<1x128xf32, #tpu.memory_space<vmem>>
      %dma_start3A_3344 = tpu.memref_squeeze %dma_start3A_3343 : memref<1x128xf32, #tpu.memory_space<vmem>> -> memref<128xf32, #tpu.memory_space<vmem>>
      %dma_start3A_3345 = arith.constant 0 : i32
      %dma_start3A_3346 = tpu.memref_slice %arg12[%dma_start3A_3341, %dma_start3A_3345] : memref<8x128xi32, #tpu.memory_space<vmem>> -> memref<1x128xi32, #tpu.memory_space<vmem>>
      %dma_start3A_3347 = tpu.memref_squeeze %dma_start3A_3346 : memref<1x128xi32, #tpu.memory_space<vmem>> -> memref<128xi32, #tpu.memory_space<vmem>>
      %dma_start3A_3348 = arith.constant 0 : i32
      %dma_start3A_3349 = tpu.memref_slice %arg5[%dma_start3A_3348] : memref<950272xf32, #tpu.memory_space<vmem_shared>> -> memref<950272xf32, #tpu.memory_space<vmem_shared>>
      tpu.enqueue_indirect_dma source(%dma_start3A_3344 : memref<128xf32, #tpu.memory_space<vmem>>) target(%dma_start3A_3349 : memref<950272xf32, #tpu.memory_space<vmem_shared>>) offsets(%dma_start3A_3347 : memref<128xi32, #tpu.memory_space<vmem>>) semaphore(%arg19 : memref<!tpu.dma_semaphore, #tpu.memory_space<semaphore_mem>>) {add = true}
      %add3A_3350 = arith.constant 1 : i32
      %add3A_3351 = arith.addi %scan3A_344, %add3A_3350 : i32
      %lt3A = arith.constant 20 : i32
      %lt3A_3352 = arith.cmpi slt, %add3A_3351, %lt3A : i32
      %convert_element_type3A_3353 = arith.extui %lt3A_3352 : i1 to i32
      %cond3A_3354 = arith.constant 0 : i32
      %cond3A_3355 = arith.cmpi ne, %convert_element_type3A_3353, %cond3A_3354 : i32
      scf.if %cond3A_3355 {
        %mul3A_3356 = arith.constant 2 : i32
        %mul3A_3357 = arith.muli %mul3A_3356, %scan3A_344 : i32
        %add3A_3358 = arith.constant 2 : i32
        %add3A_3359 = arith.addi %mul3A_3357, %add3A_3358 : i32
        %mul3A_3360 = arith.constant 256 : i32
        %mul3A_3361 = arith.muli %add3A_3359, %mul3A_3360 : i32
        %add3A_3362 = arith.addi %add3A, %mul3A_3361 : i32
        %dma_start3A_3363 = tpu.memref_slice %arg2[%add3A_3362] : memref<327680xf32, #tpu.memory_space<hbm>> -> memref<256xf32, #tpu.memory_space<hbm>>
        %dma_start3A_3364 = tpu.memref_slice %arg2[%add3A_3362] : memref<327680xf32, #tpu.memory_space<hbm>> -> memref<256xf32, #tpu.memory_space<hbm>>
        tpu.enqueue_dma source(%dma_start3A_3364 : memref<256xf32, #tpu.memory_space<hbm>>) target(%arg6 : memref<256xf32, #tpu.memory_space<vmem>>) target_semaphore(%arg16 : memref<!tpu.dma_semaphore, #tpu.memory_space<semaphore_mem>>)
        %dma_start3A_3365 = tpu.memref_slice %arg3[%add3A_3362] : memref<327680xi32, #tpu.memory_space<hbm>> -> memref<256xi32, #tpu.memory_space<hbm>>
        %dma_start3A_3366 = tpu.memref_slice %arg3[%add3A_3362] : memref<327680xi32, #tpu.memory_space<hbm>> -> memref<256xi32, #tpu.memory_space<hbm>>
        tpu.enqueue_dma source(%dma_start3A_3366 : memref<256xi32, #tpu.memory_space<hbm>>) target(%arg7 : memref<256xi32, #tpu.memory_space<vmem>>) target_semaphore(%arg16 : memref<!tpu.dma_semaphore, #tpu.memory_space<semaphore_mem>>)
      } else {
      }
    }
    %scan3A_68 = arith.constant 20 : i32
    %dma_wait3A_69 = arith.constant 0 : i32
    %dma_wait3A_70 = arith.constant 0 : i32
    %dma_wait3A_71 = tpu.memref_slice %arg11[%dma_wait3A_69, %dma_wait3A_70] : memref<8x128xf32, #tpu.memory_space<vmem>> -> memref<1x128xf32, #tpu.memory_space<vmem>>
    %dma_wait3A_72 = tpu.memref_squeeze %dma_wait3A_71 : memref<1x128xf32, #tpu.memory_space<vmem>> -> memref<128xf32, #tpu.memory_space<vmem>>
    %dma_wait3A_73 = arith.constant 0 : i32
    %dma_wait3A_74 = tpu.memref_slice %arg5[%dma_wait3A_73] : memref<950272xf32, #tpu.memory_space<vmem_shared>> -> memref<128xf32, #tpu.memory_space<vmem_shared>>
    %dma_wait3A_75 = arith.constant 0 : i32
    %dma_wait3A_76 = tpu.memref_slice %arg5[%dma_wait3A_75] : memref<950272xf32, #tpu.memory_space<vmem_shared>> -> memref<128xf32, #tpu.memory_space<vmem_shared>>
    %dma_wait3A_77 = arith.constant 0 : i32
    %dma_wait3A_78 = tpu.memref_slice %arg11[%dma_wait3A_69, %dma_wait3A_77] : memref<8x128xf32, #tpu.memory_space<vmem>> -> memref<1x128xf32, #tpu.memory_space<vmem>>
    %dma_wait3A_79 = tpu.memref_squeeze %dma_wait3A_78 : memref<1x128xf32, #tpu.memory_space<vmem>> -> memref<128xf32, #tpu.memory_space<vmem>>
    tpu.wait_dma2 semaphore(%arg18 : memref<!tpu.dma_semaphore, #tpu.memory_space<semaphore_mem>>) src(%dma_wait3A_79 : memref<128xf32, #tpu.memory_space<vmem>>) dst(%dma_wait3A_76 : memref<128xf32, #tpu.memory_space<vmem_shared>>)
    %dma_wait3A_80 = arith.constant 1 : i32
    %dma_wait3A_81 = arith.constant 0 : i32
    %dma_wait3A_82 = tpu.memref_slice %arg11[%dma_wait3A_80, %dma_wait3A_81] : memref<8x128xf32, #tpu.memory_space<vmem>> -> memref<1x128xf32, #tpu.memory_space<vmem>>
    %dma_wait3A_83 = tpu.memref_squeeze %dma_wait3A_82 : memref<1x128xf32, #tpu.memory_space<vmem>> -> memref<128xf32, #tpu.memory_space<vmem>>
    %dma_wait3A_84 = arith.constant 0 : i32
    %dma_wait3A_85 = tpu.memref_slice %arg5[%dma_wait3A_84] : memref<950272xf32, #tpu.memory_space<vmem_shared>> -> memref<128xf32, #tpu.memory_space<vmem_shared>>
    %dma_wait3A_86 = arith.constant 0 : i32
    %dma_wait3A_87 = tpu.memref_slice %arg5[%dma_wait3A_86] : memref<950272xf32, #tpu.memory_space<vmem_shared>> -> memref<128xf32, #tpu.memory_space<vmem_shared>>
    %dma_wait3A_88 = arith.constant 0 : i32
    %dma_wait3A_89 = tpu.memref_slice %arg11[%dma_wait3A_80, %dma_wait3A_88] : memref<8x128xf32, #tpu.memory_space<vmem>> -> memref<1x128xf32, #tpu.memory_space<vmem>>
    %dma_wait3A_90 = tpu.memref_squeeze %dma_wait3A_89 : memref<1x128xf32, #tpu.memory_space<vmem>> -> memref<128xf32, #tpu.memory_space<vmem>>
    tpu.wait_dma2 semaphore(%arg18 : memref<!tpu.dma_semaphore, #tpu.memory_space<semaphore_mem>>) src(%dma_wait3A_90 : memref<128xf32, #tpu.memory_space<vmem>>) dst(%dma_wait3A_87 : memref<128xf32, #tpu.memory_space<vmem_shared>>)
    %dma_wait3A_91 = arith.constant 2 : i32
    %dma_wait3A_92 = arith.constant 0 : i32
    %dma_wait3A_93 = tpu.memref_slice %arg11[%dma_wait3A_91, %dma_wait3A_92] : memref<8x128xf32, #tpu.memory_space<vmem>> -> memref<1x128xf32, #tpu.memory_space<vmem>>
    %dma_wait3A_94 = tpu.memref_squeeze %dma_wait3A_93 : memref<1x128xf32, #tpu.memory_space<vmem>> -> memref<128xf32, #tpu.memory_space<vmem>>
    %dma_wait3A_95 = arith.constant 0 : i32
    %dma_wait3A_96 = tpu.memref_slice %arg5[%dma_wait3A_95] : memref<950272xf32, #tpu.memory_space<vmem_shared>> -> memref<128xf32, #tpu.memory_space<vmem_shared>>
    %dma_wait3A_97 = arith.constant 0 : i32
    %dma_wait3A_98 = tpu.memref_slice %arg5[%dma_wait3A_97] : memref<950272xf32, #tpu.memory_space<vmem_shared>> -> memref<128xf32, #tpu.memory_space<vmem_shared>>
    %dma_wait3A_99 = arith.constant 0 : i32
    %dma_wait3A_100 = tpu.memref_slice %arg11[%dma_wait3A_91, %dma_wait3A_99] : memref<8x128xf32, #tpu.memory_space<vmem>> -> memref<1x128xf32, #tpu.memory_space<vmem>>
    %dma_wait3A_101 = tpu.memref_squeeze %dma_wait3A_100 : memref<1x128xf32, #tpu.memory_space<vmem>> -> memref<128xf32, #tpu.memory_space<vmem>>
    tpu.wait_dma2 semaphore(%arg18 : memref<!tpu.dma_semaphore, #tpu.memory_space<semaphore_mem>>) src(%dma_wait3A_101 : memref<128xf32, #tpu.memory_space<vmem>>) dst(%dma_wait3A_98 : memref<128xf32, #tpu.memory_space<vmem_shared>>)
    %dma_wait3A_102 = arith.constant 3 : i32
    %dma_wait3A_103 = arith.constant 0 : i32
    %dma_wait3A_104 = tpu.memref_slice %arg11[%dma_wait3A_102, %dma_wait3A_103] : memref<8x128xf32, #tpu.memory_space<vmem>> -> memref<1x128xf32, #tpu.memory_space<vmem>>
    %dma_wait3A_105 = tpu.memref_squeeze %dma_wait3A_104 : memref<1x128xf32, #tpu.memory_space<vmem>> -> memref<128xf32, #tpu.memory_space<vmem>>
    %dma_wait3A_106 = arith.constant 0 : i32
    %dma_wait3A_107 = tpu.memref_slice %arg5[%dma_wait3A_106] : memref<950272xf32, #tpu.memory_space<vmem_shared>> -> memref<128xf32, #tpu.memory_space<vmem_shared>>
    %dma_wait3A_108 = arith.constant 0 : i32
    %dma_wait3A_109 = tpu.memref_slice %arg5[%dma_wait3A_108] : memref<950272xf32, #tpu.memory_space<vmem_shared>> -> memref<128xf32, #tpu.memory_space<vmem_shared>>
    %dma_wait3A_110 = arith.constant 0 : i32
    %dma_wait3A_111 = tpu.memref_slice %arg11[%dma_wait3A_102, %dma_wait3A_110] : memref<8x128xf32, #tpu.memory_space<vmem>> -> memref<1x128xf32, #tpu.memory_space<vmem>>
    %dma_wait3A_112 = tpu.memref_squeeze %dma_wait3A_111 : memref<1x128xf32, #tpu.memory_space<vmem>> -> memref<128xf32, #tpu.memory_space<vmem>>
    tpu.wait_dma2 semaphore(%arg18 : memref<!tpu.dma_semaphore, #tpu.memory_space<semaphore_mem>>) src(%dma_wait3A_112 : memref<128xf32, #tpu.memory_space<vmem>>) dst(%dma_wait3A_109 : memref<128xf32, #tpu.memory_space<vmem_shared>>)
    %dma_wait3A_113 = arith.constant 4 : i32
    %dma_wait3A_114 = arith.constant 0 : i32
    %dma_wait3A_115 = tpu.memref_slice %arg11[%dma_wait3A_113, %dma_wait3A_114] : memref<8x128xf32, #tpu.memory_space<vmem>> -> memref<1x128xf32, #tpu.memory_space<vmem>>
    %dma_wait3A_116 = tpu.memref_squeeze %dma_wait3A_115 : memref<1x128xf32, #tpu.memory_space<vmem>> -> memref<128xf32, #tpu.memory_space<vmem>>
    %dma_wait3A_117 = arith.constant 0 : i32
    %dma_wait3A_118 = tpu.memref_slice %arg5[%dma_wait3A_117] : memref<950272xf32, #tpu.memory_space<vmem_shared>> -> memref<128xf32, #tpu.memory_space<vmem_shared>>
    %dma_wait3A_119 = arith.constant 0 : i32
    %dma_wait3A_120 = tpu.memref_slice %arg5[%dma_wait3A_119] : memref<950272xf32, #tpu.memory_space<vmem_shared>> -> memref<128xf32, #tpu.memory_space<vmem_shared>>
    %dma_wait3A_121 = arith.constant 0 : i32
    %dma_wait3A_122 = tpu.memref_slice %arg11[%dma_wait3A_113, %dma_wait3A_121] : memref<8x128xf32, #tpu.memory_space<vmem>> -> memref<1x128xf32, #tpu.memory_space<vmem>>
    %dma_wait3A_123 = tpu.memref_squeeze %dma_wait3A_122 : memref<1x128xf32, #tpu.memory_space<vmem>> -> memref<128xf32, #tpu.memory_space<vmem>>
    tpu.wait_dma2 semaphore(%arg18 : memref<!tpu.dma_semaphore, #tpu.memory_space<semaphore_mem>>) src(%dma_wait3A_123 : memref<128xf32, #tpu.memory_space<vmem>>) dst(%dma_wait3A_120 : memref<128xf32, #tpu.memory_space<vmem_shared>>)
    %dma_wait3A_124 = arith.constant 5 : i32
    %dma_wait3A_125 = arith.constant 0 : i32
    %dma_wait3A_126 = tpu.memref_slice %arg11[%dma_wait3A_124, %dma_wait3A_125] : memref<8x128xf32, #tpu.memory_space<vmem>> -> memref<1x128xf32, #tpu.memory_space<vmem>>
    %dma_wait3A_127 = tpu.memref_squeeze %dma_wait3A_126 : memref<1x128xf32, #tpu.memory_space<vmem>> -> memref<128xf32, #tpu.memory_space<vmem>>
    %dma_wait3A_128 = arith.constant 0 : i32
    %dma_wait3A_129 = tpu.memref_slice %arg5[%dma_wait3A_128] : memref<950272xf32, #tpu.memory_space<vmem_shared>> -> memref<128xf32, #tpu.memory_space<vmem_shared>>
    %dma_wait3A_130 = arith.constant 0 : i32
    %dma_wait3A_131 = tpu.memref_slice %arg5[%dma_wait3A_130] : memref<950272xf32, #tpu.memory_space<vmem_shared>> -> memref<128xf32, #tpu.memory_space<vmem_shared>>
    %dma_wait3A_132 = arith.constant 0 : i32
    %dma_wait3A_133 = tpu.memref_slice %arg11[%dma_wait3A_124, %dma_wait3A_132] : memref<8x128xf32, #tpu.memory_space<vmem>> -> memref<1x128xf32, #tpu.memory_space<vmem>>
    %dma_wait3A_134 = tpu.memref_squeeze %dma_wait3A_133 : memref<1x128xf32, #tpu.memory_space<vmem>> -> memref<128xf32, #tpu.memory_space<vmem>>
    tpu.wait_dma2 semaphore(%arg18 : memref<!tpu.dma_semaphore, #tpu.memory_space<semaphore_mem>>) src(%dma_wait3A_134 : memref<128xf32, #tpu.memory_space<vmem>>) dst(%dma_wait3A_131 : memref<128xf32, #tpu.memory_space<vmem_shared>>)
    %dma_wait3A_135 = arith.constant 6 : i32
    %dma_wait3A_136 = arith.constant 0 : i32
    %dma_wait3A_137 = tpu.memref_slice %arg11[%dma_wait3A_135, %dma_wait3A_136] : memref<8x128xf32, #tpu.memory_space<vmem>> -> memref<1x128xf32, #tpu.memory_space<vmem>>
    %dma_wait3A_138 = tpu.memref_squeeze %dma_wait3A_137 : memref<1x128xf32, #tpu.memory_space<vmem>> -> memref<128xf32, #tpu.memory_space<vmem>>
    %dma_wait3A_139 = arith.constant 0 : i32
    %dma_wait3A_140 = tpu.memref_slice %arg5[%dma_wait3A_139] : memref<950272xf32, #tpu.memory_space<vmem_shared>> -> memref<128xf32, #tpu.memory_space<vmem_shared>>
    %dma_wait3A_141 = arith.constant 0 : i32
    %dma_wait3A_142 = tpu.memref_slice %arg5[%dma_wait3A_141] : memref<950272xf32, #tpu.memory_space<vmem_shared>> -> memref<128xf32, #tpu.memory_space<vmem_shared>>
    %dma_wait3A_143 = arith.constant 0 : i32
    %dma_wait3A_144 = tpu.memref_slice %arg11[%dma_wait3A_135, %dma_wait3A_143] : memref<8x128xf32, #tpu.memory_space<vmem>> -> memref<1x128xf32, #tpu.memory_space<vmem>>
    %dma_wait3A_145 = tpu.memref_squeeze %dma_wait3A_144 : memref<1x128xf32, #tpu.memory_space<vmem>> -> memref<128xf32, #tpu.memory_space<vmem>>
    tpu.wait_dma2 semaphore(%arg18 : memref<!tpu.dma_semaphore, #tpu.memory_space<semaphore_mem>>) src(%dma_wait3A_145 : memref<128xf32, #tpu.memory_space<vmem>>) dst(%dma_wait3A_142 : memref<128xf32, #tpu.memory_space<vmem_shared>>)
    %dma_wait3A_146 = arith.constant 7 : i32
    %dma_wait3A_147 = arith.constant 0 : i32
    %dma_wait3A_148 = tpu.memref_slice %arg11[%dma_wait3A_146, %dma_wait3A_147] : memref<8x128xf32, #tpu.memory_space<vmem>> -> memref<1x128xf32, #tpu.memory_space<vmem>>
    %dma_wait3A_149 = tpu.memref_squeeze %dma_wait3A_148 : memref<1x128xf32, #tpu.memory_space<vmem>> -> memref<128xf32, #tpu.memory_space<vmem>>
    %dma_wait3A_150 = arith.constant 0 : i32
    %dma_wait3A_151 = tpu.memref_slice %arg5[%dma_wait3A_150] : memref<950272xf32, #tpu.memory_space<vmem_shared>> -> memref<128xf32, #tpu.memory_space<vmem_shared>>
    %dma_wait3A_152 = arith.constant 0 : i32
    %dma_wait3A_153 = tpu.memref_slice %arg5[%dma_wait3A_152] : memref<950272xf32, #tpu.memory_space<vmem_shared>> -> memref<128xf32, #tpu.memory_space<vmem_shared>>
    %dma_wait3A_154 = arith.constant 0 : i32
    %dma_wait3A_155 = tpu.memref_slice %arg11[%dma_wait3A_146, %dma_wait3A_154] : memref<8x128xf32, #tpu.memory_space<vmem>> -> memref<1x128xf32, #tpu.memory_space<vmem>>
    %dma_wait3A_156 = tpu.memref_squeeze %dma_wait3A_155 : memref<1x128xf32, #tpu.memory_space<vmem>> -> memref<128xf32, #tpu.memory_space<vmem>>
    tpu.wait_dma2 semaphore(%arg18 : memref<!tpu.dma_semaphore, #tpu.memory_space<semaphore_mem>>) src(%dma_wait3A_156 : memref<128xf32, #tpu.memory_space<vmem>>) dst(%dma_wait3A_153 : memref<128xf32, #tpu.memory_space<vmem_shared>>)
    %dma_wait3A_157 = arith.constant 0 : i32
    %dma_wait3A_158 = arith.constant 0 : i32
    %dma_wait3A_159 = tpu.memref_slice %arg13[%dma_wait3A_157, %dma_wait3A_158] : memref<8x128xf32, #tpu.memory_space<vmem>> -> memref<1x128xf32, #tpu.memory_space<vmem>>
    %dma_wait3A_160 = tpu.memref_squeeze %dma_wait3A_159 : memref<1x128xf32, #tpu.memory_space<vmem>> -> memref<128xf32, #tpu.memory_space<vmem>>
    %dma_wait3A_161 = arith.constant 0 : i32
    %dma_wait3A_162 = tpu.memref_slice %arg5[%dma_wait3A_161] : memref<950272xf32, #tpu.memory_space<vmem_shared>> -> memref<128xf32, #tpu.memory_space<vmem_shared>>
    %dma_wait3A_163 = arith.constant 0 : i32
    %dma_wait3A_164 = tpu.memref_slice %arg5[%dma_wait3A_163] : memref<950272xf32, #tpu.memory_space<vmem_shared>> -> memref<128xf32, #tpu.memory_space<vmem_shared>>
    %dma_wait3A_165 = arith.constant 0 : i32
    %dma_wait3A_166 = tpu.memref_slice %arg13[%dma_wait3A_157, %dma_wait3A_165] : memref<8x128xf32, #tpu.memory_space<vmem>> -> memref<1x128xf32, #tpu.memory_space<vmem>>
    %dma_wait3A_167 = tpu.memref_squeeze %dma_wait3A_166 : memref<1x128xf32, #tpu.memory_space<vmem>> -> memref<128xf32, #tpu.memory_space<vmem>>
    tpu.wait_dma2 semaphore(%arg19 : memref<!tpu.dma_semaphore, #tpu.memory_space<semaphore_mem>>) src(%dma_wait3A_167 : memref<128xf32, #tpu.memory_space<vmem>>) dst(%dma_wait3A_164 : memref<128xf32, #tpu.memory_space<vmem_shared>>)
    %dma_wait3A_168 = arith.constant 1 : i32
    %dma_wait3A_169 = arith.constant 0 : i32
    %dma_wait3A_170 = tpu.memref_slice %arg13[%dma_wait3A_168, %dma_wait3A_169] : memref<8x128xf32, #tpu.memory_space<vmem>> -> memref<1x128xf32, #tpu.memory_space<vmem>>
    %dma_wait3A_171 = tpu.memref_squeeze %dma_wait3A_170 : memref<1x128xf32, #tpu.memory_space<vmem>> -> memref<128xf32, #tpu.memory_space<vmem>>
    %dma_wait3A_172 = arith.constant 0 : i32
    %dma_wait3A_173 = tpu.memref_slice %arg5[%dma_wait3A_172] : memref<950272xf32, #tpu.memory_space<vmem_shared>> -> memref<128xf32, #tpu.memory_space<vmem_shared>>
    %dma_wait3A_174 = arith.constant 0 : i32
    %dma_wait3A_175 = tpu.memref_slice %arg5[%dma_wait3A_174] : memref<950272xf32, #tpu.memory_space<vmem_shared>> -> memref<128xf32, #tpu.memory_space<vmem_shared>>
    %dma_wait3A_176 = arith.constant 0 : i32
    %dma_wait3A_177 = tpu.memref_slice %arg13[%dma_wait3A_168, %dma_wait3A_176] : memref<8x128xf32, #tpu.memory_space<vmem>> -> memref<1x128xf32, #tpu.memory_space<vmem>>
    %dma_wait3A_178 = tpu.memref_squeeze %dma_wait3A_177 : memref<1x128xf32, #tpu.memory_space<vmem>> -> memref<128xf32, #tpu.memory_space<vmem>>
    tpu.wait_dma2 semaphore(%arg19 : memref<!tpu.dma_semaphore, #tpu.memory_space<semaphore_mem>>) src(%dma_wait3A_178 : memref<128xf32, #tpu.memory_space<vmem>>) dst(%dma_wait3A_175 : memref<128xf32, #tpu.memory_space<vmem_shared>>)
    %dma_wait3A_179 = arith.constant 2 : i32
    %dma_wait3A_180 = arith.constant 0 : i32
    %dma_wait3A_181 = tpu.memref_slice %arg13[%dma_wait3A_179, %dma_wait3A_180] : memref<8x128xf32, #tpu.memory_space<vmem>> -> memref<1x128xf32, #tpu.memory_space<vmem>>
    %dma_wait3A_182 = tpu.memref_squeeze %dma_wait3A_181 : memref<1x128xf32, #tpu.memory_space<vmem>> -> memref<128xf32, #tpu.memory_space<vmem>>
    %dma_wait3A_183 = arith.constant 0 : i32
    %dma_wait3A_184 = tpu.memref_slice %arg5[%dma_wait3A_183] : memref<950272xf32, #tpu.memory_space<vmem_shared>> -> memref<128xf32, #tpu.memory_space<vmem_shared>>
    %dma_wait3A_185 = arith.constant 0 : i32
    %dma_wait3A_186 = tpu.memref_slice %arg5[%dma_wait3A_185] : memref<950272xf32, #tpu.memory_space<vmem_shared>> -> memref<128xf32, #tpu.memory_space<vmem_shared>>
    %dma_wait3A_187 = arith.constant 0 : i32
    %dma_wait3A_188 = tpu.memref_slice %arg13[%dma_wait3A_179, %dma_wait3A_187] : memref<8x128xf32, #tpu.memory_space<vmem>> -> memref<1x128xf32, #tpu.memory_space<vmem>>
    %dma_wait3A_189 = tpu.memref_squeeze %dma_wait3A_188 : memref<1x128xf32, #tpu.memory_space<vmem>> -> memref<128xf32, #tpu.memory_space<vmem>>
    tpu.wait_dma2 semaphore(%arg19 : memref<!tpu.dma_semaphore, #tpu.memory_space<semaphore_mem>>) src(%dma_wait3A_189 : memref<128xf32, #tpu.memory_space<vmem>>) dst(%dma_wait3A_186 : memref<128xf32, #tpu.memory_space<vmem_shared>>)
    %dma_wait3A_190 = arith.constant 3 : i32
    %dma_wait3A_191 = arith.constant 0 : i32
    %dma_wait3A_192 = tpu.memref_slice %arg13[%dma_wait3A_190, %dma_wait3A_191] : memref<8x128xf32, #tpu.memory_space<vmem>> -> memref<1x128xf32, #tpu.memory_space<vmem>>
    %dma_wait3A_193 = tpu.memref_squeeze %dma_wait3A_192 : memref<1x128xf32, #tpu.memory_space<vmem>> -> memref<128xf32, #tpu.memory_space<vmem>>
    %dma_wait3A_194 = arith.constant 0 : i32
    %dma_wait3A_195 = tpu.memref_slice %arg5[%dma_wait3A_194] : memref<950272xf32, #tpu.memory_space<vmem_shared>> -> memref<128xf32, #tpu.memory_space<vmem_shared>>
    %dma_wait3A_196 = arith.constant 0 : i32
    %dma_wait3A_197 = tpu.memref_slice %arg5[%dma_wait3A_196] : memref<950272xf32, #tpu.memory_space<vmem_shared>> -> memref<128xf32, #tpu.memory_space<vmem_shared>>
    %dma_wait3A_198 = arith.constant 0 : i32
    %dma_wait3A_199 = tpu.memref_slice %arg13[%dma_wait3A_190, %dma_wait3A_198] : memref<8x128xf32, #tpu.memory_space<vmem>> -> memref<1x128xf32, #tpu.memory_space<vmem>>
    %dma_wait3A_200 = tpu.memref_squeeze %dma_wait3A_199 : memref<1x128xf32, #tpu.memory_space<vmem>> -> memref<128xf32, #tpu.memory_space<vmem>>
    tpu.wait_dma2 semaphore(%arg19 : memref<!tpu.dma_semaphore, #tpu.memory_space<semaphore_mem>>) src(%dma_wait3A_200 : memref<128xf32, #tpu.memory_space<vmem>>) dst(%dma_wait3A_197 : memref<128xf32, #tpu.memory_space<vmem_shared>>)
    %dma_wait3A_201 = arith.constant 4 : i32
    %dma_wait3A_202 = arith.constant 0 : i32
    %dma_wait3A_203 = tpu.memref_slice %arg13[%dma_wait3A_201, %dma_wait3A_202] : memref<8x128xf32, #tpu.memory_space<vmem>> -> memref<1x128xf32, #tpu.memory_space<vmem>>
    %dma_wait3A_204 = tpu.memref_squeeze %dma_wait3A_203 : memref<1x128xf32, #tpu.memory_space<vmem>> -> memref<128xf32, #tpu.memory_space<vmem>>
    %dma_wait3A_205 = arith.constant 0 : i32
    %dma_wait3A_206 = tpu.memref_slice %arg5[%dma_wait3A_205] : memref<950272xf32, #tpu.memory_space<vmem_shared>> -> memref<128xf32, #tpu.memory_space<vmem_shared>>
    %dma_wait3A_207 = arith.constant 0 : i32
    %dma_wait3A_208 = tpu.memref_slice %arg5[%dma_wait3A_207] : memref<950272xf32, #tpu.memory_space<vmem_shared>> -> memref<128xf32, #tpu.memory_space<vmem_shared>>
    %dma_wait3A_209 = arith.constant 0 : i32
    %dma_wait3A_210 = tpu.memref_slice %arg13[%dma_wait3A_201, %dma_wait3A_209] : memref<8x128xf32, #tpu.memory_space<vmem>> -> memref<1x128xf32, #tpu.memory_space<vmem>>
    %dma_wait3A_211 = tpu.memref_squeeze %dma_wait3A_210 : memref<1x128xf32, #tpu.memory_space<vmem>> -> memref<128xf32, #tpu.memory_space<vmem>>
    tpu.wait_dma2 semaphore(%arg19 : memref<!tpu.dma_semaphore, #tpu.memory_space<semaphore_mem>>) src(%dma_wait3A_211 : memref<128xf32, #tpu.memory_space<vmem>>) dst(%dma_wait3A_208 : memref<128xf32, #tpu.memory_space<vmem_shared>>)
    %dma_wait3A_212 = arith.constant 5 : i32
    %dma_wait3A_213 = arith.constant 0 : i32
    %dma_wait3A_214 = tpu.memref_slice %arg13[%dma_wait3A_212, %dma_wait3A_213] : memref<8x128xf32, #tpu.memory_space<vmem>> -> memref<1x128xf32, #tpu.memory_space<vmem>>
    %dma_wait3A_215 = tpu.memref_squeeze %dma_wait3A_214 : memref<1x128xf32, #tpu.memory_space<vmem>> -> memref<128xf32, #tpu.memory_space<vmem>>
    %dma_wait3A_216 = arith.constant 0 : i32
    %dma_wait3A_217 = tpu.memref_slice %arg5[%dma_wait3A_216] : memref<950272xf32, #tpu.memory_space<vmem_shared>> -> memref<128xf32, #tpu.memory_space<vmem_shared>>
    %dma_wait3A_218 = arith.constant 0 : i32
    %dma_wait3A_219 = tpu.memref_slice %arg5[%dma_wait3A_218] : memref<950272xf32, #tpu.memory_space<vmem_shared>> -> memref<128xf32, #tpu.memory_space<vmem_shared>>
    %dma_wait3A_220 = arith.constant 0 : i32
    %dma_wait3A_221 = tpu.memref_slice %arg13[%dma_wait3A_212, %dma_wait3A_220] : memref<8x128xf32, #tpu.memory_space<vmem>> -> memref<1x128xf32, #tpu.memory_space<vmem>>
    %dma_wait3A_222 = tpu.memref_squeeze %dma_wait3A_221 : memref<1x128xf32, #tpu.memory_space<vmem>> -> memref<128xf32, #tpu.memory_space<vmem>>
    tpu.wait_dma2 semaphore(%arg19 : memref<!tpu.dma_semaphore, #tpu.memory_space<semaphore_mem>>) src(%dma_wait3A_222 : memref<128xf32, #tpu.memory_space<vmem>>) dst(%dma_wait3A_219 : memref<128xf32, #tpu.memory_space<vmem_shared>>)
    %dma_wait3A_223 = arith.constant 6 : i32
    %dma_wait3A_224 = arith.constant 0 : i32
    %dma_wait3A_225 = tpu.memref_slice %arg13[%dma_wait3A_223, %dma_wait3A_224] : memref<8x128xf32, #tpu.memory_space<vmem>> -> memref<1x128xf32, #tpu.memory_space<vmem>>
    %dma_wait3A_226 = tpu.memref_squeeze %dma_wait3A_225 : memref<1x128xf32, #tpu.memory_space<vmem>> -> memref<128xf32, #tpu.memory_space<vmem>>
    %dma_wait3A_227 = arith.constant 0 : i32
    %dma_wait3A_228 = tpu.memref_slice %arg5[%dma_wait3A_227] : memref<950272xf32, #tpu.memory_space<vmem_shared>> -> memref<128xf32, #tpu.memory_space<vmem_shared>>
    %dma_wait3A_229 = arith.constant 0 : i32
    %dma_wait3A_230 = tpu.memref_slice %arg5[%dma_wait3A_229] : memref<950272xf32, #tpu.memory_space<vmem_shared>> -> memref<128xf32, #tpu.memory_space<vmem_shared>>
    %dma_wait3A_231 = arith.constant 0 : i32
    %dma_wait3A_232 = tpu.memref_slice %arg13[%dma_wait3A_223, %dma_wait3A_231] : memref<8x128xf32, #tpu.memory_space<vmem>> -> memref<1x128xf32, #tpu.memory_space<vmem>>
    %dma_wait3A_233 = tpu.memref_squeeze %dma_wait3A_232 : memref<1x128xf32, #tpu.memory_space<vmem>> -> memref<128xf32, #tpu.memory_space<vmem>>
    tpu.wait_dma2 semaphore(%arg19 : memref<!tpu.dma_semaphore, #tpu.memory_space<semaphore_mem>>) src(%dma_wait3A_233 : memref<128xf32, #tpu.memory_space<vmem>>) dst(%dma_wait3A_230 : memref<128xf32, #tpu.memory_space<vmem_shared>>)
    %dma_wait3A_234 = arith.constant 7 : i32
    %dma_wait3A_235 = arith.constant 0 : i32
    %dma_wait3A_236 = tpu.memref_slice %arg13[%dma_wait3A_234, %dma_wait3A_235] : memref<8x128xf32, #tpu.memory_space<vmem>> -> memref<1x128xf32, #tpu.memory_space<vmem>>
    %dma_wait3A_237 = tpu.memref_squeeze %dma_wait3A_236 : memref<1x128xf32, #tpu.memory_space<vmem>> -> memref<128xf32, #tpu.memory_space<vmem>>
    %dma_wait3A_238 = arith.constant 0 : i32
    %dma_wait3A_239 = tpu.memref_slice %arg5[%dma_wait3A_238] : memref<950272xf32, #tpu.memory_space<vmem_shared>> -> memref<128xf32, #tpu.memory_space<vmem_shared>>
    %dma_wait3A_240 = arith.constant 0 : i32
    %dma_wait3A_241 = tpu.memref_slice %arg5[%dma_wait3A_240] : memref<950272xf32, #tpu.memory_space<vmem_shared>> -> memref<128xf32, #tpu.memory_space<vmem_shared>>
    %dma_wait3A_242 = arith.constant 0 : i32
    %dma_wait3A_243 = tpu.memref_slice %arg13[%dma_wait3A_234, %dma_wait3A_242] : memref<8x128xf32, #tpu.memory_space<vmem>> -> memref<1x128xf32, #tpu.memory_space<vmem>>
    %dma_wait3A_244 = tpu.memref_squeeze %dma_wait3A_243 : memref<1x128xf32, #tpu.memory_space<vmem>> -> memref<128xf32, #tpu.memory_space<vmem>>
    tpu.wait_dma2 semaphore(%arg19 : memref<!tpu.dma_semaphore, #tpu.memory_space<semaphore_mem>>) src(%dma_wait3A_244 : memref<128xf32, #tpu.memory_space<vmem>>) dst(%dma_wait3A_241 : memref<128xf32, #tpu.memory_space<vmem_shared>>)
    %mul3A_245 = arith.constant 16 : i32
    %mul3A_246 = arith.muli %arg0, %mul3A_245 : i32
    %add3A_247 = arith.addi %mul3A_246, %arg1 : i32
    %mul3A_248 = arith.constant 59392 : i32
    %mul3A_249 = arith.muli %add3A_247, %mul3A_248 : i32
    %dma_start3A_250 = tpu.memref_slice %arg5[%mul3A_0] : memref<950272xf32, #tpu.memory_space<vmem_shared>> -> memref<7424xf32, #tpu.memory_space<vmem_shared>>
    %dma_start3A_251 = tpu.memref_slice %arg5[%mul3A_0] : memref<950272xf32, #tpu.memory_space<vmem_shared>> -> memref<7424xf32, #tpu.memory_space<vmem_shared>>
    tpu.enqueue_dma source(%dma_start3A_251 : memref<7424xf32, #tpu.memory_space<vmem_shared>>) target(%arg14 : memref<7424xf32, #tpu.memory_space<vmem>>) target_semaphore(%arg20 : memref<!tpu.dma_semaphore, #tpu.memory_space<semaphore_mem>>)
    %dma_wait3A_252 = tpu.memref_slice %arg5[%mul3A_0] : memref<950272xf32, #tpu.memory_space<vmem_shared>> -> memref<7424xf32, #tpu.memory_space<vmem_shared>>
    %dma_wait3A_253 = tpu.memref_slice %arg5[%mul3A_0] : memref<950272xf32, #tpu.memory_space<vmem_shared>> -> memref<7424xf32, #tpu.memory_space<vmem_shared>>
    tpu.wait_dma2 semaphore(%arg20 : memref<!tpu.dma_semaphore, #tpu.memory_space<semaphore_mem>>) src(%dma_wait3A_253 : memref<7424xf32, #tpu.memory_space<vmem_shared>>) dst(%arg14 : memref<7424xf32, #tpu.memory_space<vmem>>)
    %add3A_254 = arith.constant 0 : i32
    %add3A_255 = arith.addi %mul3A_249, %add3A_254 : i32
    %dma_start3A_256 = tpu.memref_slice %arg4[%add3A_255] : memref<1900544xf32, #tpu.memory_space<hbm>> -> memref<7424xf32, #tpu.memory_space<hbm>>
    %dma_start3A_257 = tpu.memref_slice %arg4[%add3A_255] : memref<1900544xf32, #tpu.memory_space<hbm>> -> memref<7424xf32, #tpu.memory_space<hbm>>
    tpu.enqueue_dma source(%arg14 : memref<7424xf32, #tpu.memory_space<vmem>>) target(%dma_start3A_257 : memref<7424xf32, #tpu.memory_space<hbm>>) target_semaphore(%arg21 : memref<!tpu.dma_semaphore, #tpu.memory_space<semaphore_mem>>)
    %add3A_258 = arith.constant 7424 : i32
    %add3A_259 = arith.addi %mul3A_0, %add3A_258 : i32
    %dma_start3A_260 = tpu.memref_slice %arg5[%add3A_259] : memref<950272xf32, #tpu.memory_space<vmem_shared>> -> memref<7424xf32, #tpu.memory_space<vmem_shared>>
    %dma_start3A_261 = tpu.memref_slice %arg5[%add3A_259] : memref<950272xf32, #tpu.memory_space<vmem_shared>> -> memref<7424xf32, #tpu.memory_space<vmem_shared>>
    tpu.enqueue_dma source(%dma_start3A_261 : memref<7424xf32, #tpu.memory_space<vmem_shared>>) target(%arg15 : memref<7424xf32, #tpu.memory_space<vmem>>) target_semaphore(%arg20 : memref<!tpu.dma_semaphore, #tpu.memory_space<semaphore_mem>>)
    %dma_wait3A_262 = tpu.memref_slice %arg5[%add3A_259] : memref<950272xf32, #tpu.memory_space<vmem_shared>> -> memref<7424xf32, #tpu.memory_space<vmem_shared>>
    %dma_wait3A_263 = tpu.memref_slice %arg5[%add3A_259] : memref<950272xf32, #tpu.memory_space<vmem_shared>> -> memref<7424xf32, #tpu.memory_space<vmem_shared>>
    tpu.wait_dma2 semaphore(%arg20 : memref<!tpu.dma_semaphore, #tpu.memory_space<semaphore_mem>>) src(%dma_wait3A_263 : memref<7424xf32, #tpu.memory_space<vmem_shared>>) dst(%arg15 : memref<7424xf32, #tpu.memory_space<vmem>>)
    %add3A_264 = arith.constant 7424 : i32
    %add3A_265 = arith.addi %mul3A_249, %add3A_264 : i32
    %dma_start3A_266 = tpu.memref_slice %arg4[%add3A_265] : memref<1900544xf32, #tpu.memory_space<hbm>> -> memref<7424xf32, #tpu.memory_space<hbm>>
    %dma_start3A_267 = tpu.memref_slice %arg4[%add3A_265] : memref<1900544xf32, #tpu.memory_space<hbm>> -> memref<7424xf32, #tpu.memory_space<hbm>>
    tpu.enqueue_dma source(%arg15 : memref<7424xf32, #tpu.memory_space<vmem>>) target(%dma_start3A_267 : memref<7424xf32, #tpu.memory_space<hbm>>) target_semaphore(%arg21 : memref<!tpu.dma_semaphore, #tpu.memory_space<semaphore_mem>>)
    %dma_wait3A_268 = tpu.memref_slice %arg4[%add3A_255] : memref<1900544xf32, #tpu.memory_space<hbm>> -> memref<7424xf32, #tpu.memory_space<hbm>>
    %dma_wait3A_269 = tpu.memref_slice %arg4[%add3A_255] : memref<1900544xf32, #tpu.memory_space<hbm>> -> memref<7424xf32, #tpu.memory_space<hbm>>
    tpu.wait_dma2 semaphore(%arg21 : memref<!tpu.dma_semaphore, #tpu.memory_space<semaphore_mem>>) src(%arg14 : memref<7424xf32, #tpu.memory_space<vmem>>) dst(%dma_wait3A_269 : memref<7424xf32, #tpu.memory_space<hbm>>)
    %add3A_270 = arith.constant 14848 : i32
    %add3A_271 = arith.addi %mul3A_0, %add3A_270 : i32
    %dma_start3A_272 = tpu.memref_slice %arg5[%add3A_271] : memref<950272xf32, #tpu.memory_space<vmem_shared>> -> memref<7424xf32, #tpu.memory_space<vmem_shared>>
    %dma_start3A_273 = tpu.memref_slice %arg5[%add3A_271] : memref<950272xf32, #tpu.memory_space<vmem_shared>> -> memref<7424xf32, #tpu.memory_space<vmem_shared>>
    tpu.enqueue_dma source(%dma_start3A_273 : memref<7424xf32, #tpu.memory_space<vmem_shared>>) target(%arg14 : memref<7424xf32, #tpu.memory_space<vmem>>) target_semaphore(%arg20 : memref<!tpu.dma_semaphore, #tpu.memory_space<semaphore_mem>>)
    %dma_wait3A_274 = tpu.memref_slice %arg5[%add3A_271] : memref<950272xf32, #tpu.memory_space<vmem_shared>> -> memref<7424xf32, #tpu.memory_space<vmem_shared>>
    %dma_wait3A_275 = tpu.memref_slice %arg5[%add3A_271] : memref<950272xf32, #tpu.memory_space<vmem_shared>> -> memref<7424xf32, #tpu.memory_space<vmem_shared>>
    tpu.wait_dma2 semaphore(%arg20 : memref<!tpu.dma_semaphore, #tpu.memory_space<semaphore_mem>>) src(%dma_wait3A_275 : memref<7424xf32, #tpu.memory_space<vmem_shared>>) dst(%arg14 : memref<7424xf32, #tpu.memory_space<vmem>>)
    %add3A_276 = arith.constant 14848 : i32
    %add3A_277 = arith.addi %mul3A_249, %add3A_276 : i32
    %dma_start3A_278 = tpu.memref_slice %arg4[%add3A_277] : memref<1900544xf32, #tpu.memory_space<hbm>> -> memref<7424xf32, #tpu.memory_space<hbm>>
    %dma_start3A_279 = tpu.memref_slice %arg4[%add3A_277] : memref<1900544xf32, #tpu.memory_space<hbm>> -> memref<7424xf32, #tpu.memory_space<hbm>>
    tpu.enqueue_dma source(%arg14 : memref<7424xf32, #tpu.memory_space<vmem>>) target(%dma_start3A_279 : memref<7424xf32, #tpu.memory_space<hbm>>) target_semaphore(%arg21 : memref<!tpu.dma_semaphore, #tpu.memory_space<semaphore_mem>>)
    %dma_wait3A_280 = tpu.memref_slice %arg4[%add3A_265] : memref<1900544xf32, #tpu.memory_space<hbm>> -> memref<7424xf32, #tpu.memory_space<hbm>>
    %dma_wait3A_281 = tpu.memref_slice %arg4[%add3A_265] : memref<1900544xf32, #tpu.memory_space<hbm>> -> memref<7424xf32, #tpu.memory_space<hbm>>
    tpu.wait_dma2 semaphore(%arg21 : memref<!tpu.dma_semaphore, #tpu.memory_space<semaphore_mem>>) src(%arg15 : memref<7424xf32, #tpu.memory_space<vmem>>) dst(%dma_wait3A_281 : memref<7424xf32, #tpu.memory_space<hbm>>)
    %add3A_282 = arith.constant 22272 : i32
    %add3A_283 = arith.addi %mul3A_0, %add3A_282 : i32
    %dma_start3A_284 = tpu.memref_slice %arg5[%add3A_283] : memref<950272xf32, #tpu.memory_space<vmem_shared>> -> memref<7424xf32, #tpu.memory_space<vmem_shared>>
    %dma_start3A_285 = tpu.memref_slice %arg5[%add3A_283] : memref<950272xf32, #tpu.memory_space<vmem_shared>> -> memref<7424xf32, #tpu.memory_space<vmem_shared>>
    tpu.enqueue_dma source(%dma_start3A_285 : memref<7424xf32, #tpu.memory_space<vmem_shared>>) target(%arg15 : memref<7424xf32, #tpu.memory_space<vmem>>) target_semaphore(%arg20 : memref<!tpu.dma_semaphore, #tpu.memory_space<semaphore_mem>>)
    %dma_wait3A_286 = tpu.memref_slice %arg5[%add3A_283] : memref<950272xf32, #tpu.memory_space<vmem_shared>> -> memref<7424xf32, #tpu.memory_space<vmem_shared>>
    %dma_wait3A_287 = tpu.memref_slice %arg5[%add3A_283] : memref<950272xf32, #tpu.memory_space<vmem_shared>> -> memref<7424xf32, #tpu.memory_space<vmem_shared>>
    tpu.wait_dma2 semaphore(%arg20 : memref<!tpu.dma_semaphore, #tpu.memory_space<semaphore_mem>>) src(%dma_wait3A_287 : memref<7424xf32, #tpu.memory_space<vmem_shared>>) dst(%arg15 : memref<7424xf32, #tpu.memory_space<vmem>>)
    %add3A_288 = arith.constant 22272 : i32
    %add3A_289 = arith.addi %mul3A_249, %add3A_288 : i32
    %dma_start3A_290 = tpu.memref_slice %arg4[%add3A_289] : memref<1900544xf32, #tpu.memory_space<hbm>> -> memref<7424xf32, #tpu.memory_space<hbm>>
    %dma_start3A_291 = tpu.memref_slice %arg4[%add3A_289] : memref<1900544xf32, #tpu.memory_space<hbm>> -> memref<7424xf32, #tpu.memory_space<hbm>>
    tpu.enqueue_dma source(%arg15 : memref<7424xf32, #tpu.memory_space<vmem>>) target(%dma_start3A_291 : memref<7424xf32, #tpu.memory_space<hbm>>) target_semaphore(%arg21 : memref<!tpu.dma_semaphore, #tpu.memory_space<semaphore_mem>>)
    %dma_wait3A_292 = tpu.memref_slice %arg4[%add3A_277] : memref<1900544xf32, #tpu.memory_space<hbm>> -> memref<7424xf32, #tpu.memory_space<hbm>>
    %dma_wait3A_293 = tpu.memref_slice %arg4[%add3A_277] : memref<1900544xf32, #tpu.memory_space<hbm>> -> memref<7424xf32, #tpu.memory_space<hbm>>
    tpu.wait_dma2 semaphore(%arg21 : memref<!tpu.dma_semaphore, #tpu.memory_space<semaphore_mem>>) src(%arg14 : memref<7424xf32, #tpu.memory_space<vmem>>) dst(%dma_wait3A_293 : memref<7424xf32, #tpu.memory_space<hbm>>)
    %add3A_294 = arith.constant 29696 : i32
    %add3A_295 = arith.addi %mul3A_0, %add3A_294 : i32
    %dma_start3A_296 = tpu.memref_slice %arg5[%add3A_295] : memref<950272xf32, #tpu.memory_space<vmem_shared>> -> memref<7424xf32, #tpu.memory_space<vmem_shared>>
    %dma_start3A_297 = tpu.memref_slice %arg5[%add3A_295] : memref<950272xf32, #tpu.memory_space<vmem_shared>> -> memref<7424xf32, #tpu.memory_space<vmem_shared>>
    tpu.enqueue_dma source(%dma_start3A_297 : memref<7424xf32, #tpu.memory_space<vmem_shared>>) target(%arg14 : memref<7424xf32, #tpu.memory_space<vmem>>) target_semaphore(%arg20 : memref<!tpu.dma_semaphore, #tpu.memory_space<semaphore_mem>>)
    %dma_wait3A_298 = tpu.memref_slice %arg5[%add3A_295] : memref<950272xf32, #tpu.memory_space<vmem_shared>> -> memref<7424xf32, #tpu.memory_space<vmem_shared>>
    %dma_wait3A_299 = tpu.memref_slice %arg5[%add3A_295] : memref<950272xf32, #tpu.memory_space<vmem_shared>> -> memref<7424xf32, #tpu.memory_space<vmem_shared>>
    tpu.wait_dma2 semaphore(%arg20 : memref<!tpu.dma_semaphore, #tpu.memory_space<semaphore_mem>>) src(%dma_wait3A_299 : memref<7424xf32, #tpu.memory_space<vmem_shared>>) dst(%arg14 : memref<7424xf32, #tpu.memory_space<vmem>>)
    %add3A_300 = arith.constant 29696 : i32
    %add3A_301 = arith.addi %mul3A_249, %add3A_300 : i32
    %dma_start3A_302 = tpu.memref_slice %arg4[%add3A_301] : memref<1900544xf32, #tpu.memory_space<hbm>> -> memref<7424xf32, #tpu.memory_space<hbm>>
    %dma_start3A_303 = tpu.memref_slice %arg4[%add3A_301] : memref<1900544xf32, #tpu.memory_space<hbm>> -> memref<7424xf32, #tpu.memory_space<hbm>>
    tpu.enqueue_dma source(%arg14 : memref<7424xf32, #tpu.memory_space<vmem>>) target(%dma_start3A_303 : memref<7424xf32, #tpu.memory_space<hbm>>) target_semaphore(%arg21 : memref<!tpu.dma_semaphore, #tpu.memory_space<semaphore_mem>>)
    %dma_wait3A_304 = tpu.memref_slice %arg4[%add3A_289] : memref<1900544xf32, #tpu.memory_space<hbm>> -> memref<7424xf32, #tpu.memory_space<hbm>>
    %dma_wait3A_305 = tpu.memref_slice %arg4[%add3A_289] : memref<1900544xf32, #tpu.memory_space<hbm>> -> memref<7424xf32, #tpu.memory_space<hbm>>
    tpu.wait_dma2 semaphore(%arg21 : memref<!tpu.dma_semaphore, #tpu.memory_space<semaphore_mem>>) src(%arg15 : memref<7424xf32, #tpu.memory_space<vmem>>) dst(%dma_wait3A_305 : memref<7424xf32, #tpu.memory_space<hbm>>)
    %add3A_306 = arith.constant 37120 : i32
    %add3A_307 = arith.addi %mul3A_0, %add3A_306 : i32
    %dma_start3A_308 = tpu.memref_slice %arg5[%add3A_307] : memref<950272xf32, #tpu.memory_space<vmem_shared>> -> memref<7424xf32, #tpu.memory_space<vmem_shared>>
    %dma_start3A_309 = tpu.memref_slice %arg5[%add3A_307] : memref<950272xf32, #tpu.memory_space<vmem_shared>> -> memref<7424xf32, #tpu.memory_space<vmem_shared>>
    tpu.enqueue_dma source(%dma_start3A_309 : memref<7424xf32, #tpu.memory_space<vmem_shared>>) target(%arg15 : memref<7424xf32, #tpu.memory_space<vmem>>) target_semaphore(%arg20 : memref<!tpu.dma_semaphore, #tpu.memory_space<semaphore_mem>>)
    %dma_wait3A_310 = tpu.memref_slice %arg5[%add3A_307] : memref<950272xf32, #tpu.memory_space<vmem_shared>> -> memref<7424xf32, #tpu.memory_space<vmem_shared>>
    %dma_wait3A_311 = tpu.memref_slice %arg5[%add3A_307] : memref<950272xf32, #tpu.memory_space<vmem_shared>> -> memref<7424xf32, #tpu.memory_space<vmem_shared>>
    tpu.wait_dma2 semaphore(%arg20 : memref<!tpu.dma_semaphore, #tpu.memory_space<semaphore_mem>>) src(%dma_wait3A_311 : memref<7424xf32, #tpu.memory_space<vmem_shared>>) dst(%arg15 : memref<7424xf32, #tpu.memory_space<vmem>>)
    %add3A_312 = arith.constant 37120 : i32
    %add3A_313 = arith.addi %mul3A_249, %add3A_312 : i32
    %dma_start3A_314 = tpu.memref_slice %arg4[%add3A_313] : memref<1900544xf32, #tpu.memory_space<hbm>> -> memref<7424xf32, #tpu.memory_space<hbm>>
    %dma_start3A_315 = tpu.memref_slice %arg4[%add3A_313] : memref<1900544xf32, #tpu.memory_space<hbm>> -> memref<7424xf32, #tpu.memory_space<hbm>>
    tpu.enqueue_dma source(%arg15 : memref<7424xf32, #tpu.memory_space<vmem>>) target(%dma_start3A_315 : memref<7424xf32, #tpu.memory_space<hbm>>) target_semaphore(%arg21 : memref<!tpu.dma_semaphore, #tpu.memory_space<semaphore_mem>>)
    %dma_wait3A_316 = tpu.memref_slice %arg4[%add3A_301] : memref<1900544xf32, #tpu.memory_space<hbm>> -> memref<7424xf32, #tpu.memory_space<hbm>>
    %dma_wait3A_317 = tpu.memref_slice %arg4[%add3A_301] : memref<1900544xf32, #tpu.memory_space<hbm>> -> memref<7424xf32, #tpu.memory_space<hbm>>
    tpu.wait_dma2 semaphore(%arg21 : memref<!tpu.dma_semaphore, #tpu.memory_space<semaphore_mem>>) src(%arg14 : memref<7424xf32, #tpu.memory_space<vmem>>) dst(%dma_wait3A_317 : memref<7424xf32, #tpu.memory_space<hbm>>)
    %add3A_318 = arith.constant 44544 : i32
    %add3A_319 = arith.addi %mul3A_0, %add3A_318 : i32
    %dma_start3A_320 = tpu.memref_slice %arg5[%add3A_319] : memref<950272xf32, #tpu.memory_space<vmem_shared>> -> memref<7424xf32, #tpu.memory_space<vmem_shared>>
    %dma_start3A_321 = tpu.memref_slice %arg5[%add3A_319] : memref<950272xf32, #tpu.memory_space<vmem_shared>> -> memref<7424xf32, #tpu.memory_space<vmem_shared>>
    tpu.enqueue_dma source(%dma_start3A_321 : memref<7424xf32, #tpu.memory_space<vmem_shared>>) target(%arg14 : memref<7424xf32, #tpu.memory_space<vmem>>) target_semaphore(%arg20 : memref<!tpu.dma_semaphore, #tpu.memory_space<semaphore_mem>>)
    %dma_wait3A_322 = tpu.memref_slice %arg5[%add3A_319] : memref<950272xf32, #tpu.memory_space<vmem_shared>> -> memref<7424xf32, #tpu.memory_space<vmem_shared>>
    %dma_wait3A_323 = tpu.memref_slice %arg5[%add3A_319] : memref<950272xf32, #tpu.memory_space<vmem_shared>> -> memref<7424xf32, #tpu.memory_space<vmem_shared>>
    tpu.wait_dma2 semaphore(%arg20 : memref<!tpu.dma_semaphore, #tpu.memory_space<semaphore_mem>>) src(%dma_wait3A_323 : memref<7424xf32, #tpu.memory_space<vmem_shared>>) dst(%arg14 : memref<7424xf32, #tpu.memory_space<vmem>>)
    %add3A_324 = arith.constant 44544 : i32
    %add3A_325 = arith.addi %mul3A_249, %add3A_324 : i32
    %dma_start3A_326 = tpu.memref_slice %arg4[%add3A_325] : memref<1900544xf32, #tpu.memory_space<hbm>> -> memref<7424xf32, #tpu.memory_space<hbm>>
    %dma_start3A_327 = tpu.memref_slice %arg4[%add3A_325] : memref<1900544xf32, #tpu.memory_space<hbm>> -> memref<7424xf32, #tpu.memory_space<hbm>>
    tpu.enqueue_dma source(%arg14 : memref<7424xf32, #tpu.memory_space<vmem>>) target(%dma_start3A_327 : memref<7424xf32, #tpu.memory_space<hbm>>) target_semaphore(%arg21 : memref<!tpu.dma_semaphore, #tpu.memory_space<semaphore_mem>>)
    %dma_wait3A_328 = tpu.memref_slice %arg4[%add3A_313] : memref<1900544xf32, #tpu.memory_space<hbm>> -> memref<7424xf32, #tpu.memory_space<hbm>>
    %dma_wait3A_329 = tpu.memref_slice %arg4[%add3A_313] : memref<1900544xf32, #tpu.memory_space<hbm>> -> memref<7424xf32, #tpu.memory_space<hbm>>
    tpu.wait_dma2 semaphore(%arg21 : memref<!tpu.dma_semaphore, #tpu.memory_space<semaphore_mem>>) src(%arg15 : memref<7424xf32, #tpu.memory_space<vmem>>) dst(%dma_wait3A_329 : memref<7424xf32, #tpu.memory_space<hbm>>)
    %add3A_330 = arith.constant 51968 : i32
    %add3A_331 = arith.addi %mul3A_0, %add3A_330 : i32
    %dma_start3A_332 = tpu.memref_slice %arg5[%add3A_331] : memref<950272xf32, #tpu.memory_space<vmem_shared>> -> memref<7424xf32, #tpu.memory_space<vmem_shared>>
    %dma_start3A_333 = tpu.memref_slice %arg5[%add3A_331] : memref<950272xf32, #tpu.memory_space<vmem_shared>> -> memref<7424xf32, #tpu.memory_space<vmem_shared>>
    tpu.enqueue_dma source(%dma_start3A_333 : memref<7424xf32, #tpu.memory_space<vmem_shared>>) target(%arg15 : memref<7424xf32, #tpu.memory_space<vmem>>) target_semaphore(%arg20 : memref<!tpu.dma_semaphore, #tpu.memory_space<semaphore_mem>>)
    %dma_wait3A_334 = tpu.memref_slice %arg5[%add3A_331] : memref<950272xf32, #tpu.memory_space<vmem_shared>> -> memref<7424xf32, #tpu.memory_space<vmem_shared>>
    %dma_wait3A_335 = tpu.memref_slice %arg5[%add3A_331] : memref<950272xf32, #tpu.memory_space<vmem_shared>> -> memref<7424xf32, #tpu.memory_space<vmem_shared>>
    tpu.wait_dma2 semaphore(%arg20 : memref<!tpu.dma_semaphore, #tpu.memory_space<semaphore_mem>>) src(%dma_wait3A_335 : memref<7424xf32, #tpu.memory_space<vmem_shared>>) dst(%arg15 : memref<7424xf32, #tpu.memory_space<vmem>>)
    %add3A_336 = arith.constant 51968 : i32
    %add3A_337 = arith.addi %mul3A_249, %add3A_336 : i32
    %dma_start3A_338 = tpu.memref_slice %arg4[%add3A_337] : memref<1900544xf32, #tpu.memory_space<hbm>> -> memref<7424xf32, #tpu.memory_space<hbm>>
    %dma_start3A_339 = tpu.memref_slice %arg4[%add3A_337] : memref<1900544xf32, #tpu.memory_space<hbm>> -> memref<7424xf32, #tpu.memory_space<hbm>>
    tpu.enqueue_dma source(%arg15 : memref<7424xf32, #tpu.memory_space<vmem>>) target(%dma_start3A_339 : memref<7424xf32, #tpu.memory_space<hbm>>) target_semaphore(%arg21 : memref<!tpu.dma_semaphore, #tpu.memory_space<semaphore_mem>>)
    %dma_wait3A_340 = tpu.memref_slice %arg4[%add3A_325] : memref<1900544xf32, #tpu.memory_space<hbm>> -> memref<7424xf32, #tpu.memory_space<hbm>>
    %dma_wait3A_341 = tpu.memref_slice %arg4[%add3A_325] : memref<1900544xf32, #tpu.memory_space<hbm>> -> memref<7424xf32, #tpu.memory_space<hbm>>
    tpu.wait_dma2 semaphore(%arg21 : memref<!tpu.dma_semaphore, #tpu.memory_space<semaphore_mem>>) src(%arg14 : memref<7424xf32, #tpu.memory_space<vmem>>) dst(%dma_wait3A_341 : memref<7424xf32, #tpu.memory_space<hbm>>)
    %dma_wait3A_342 = tpu.memref_slice %arg4[%add3A_337] : memref<1900544xf32, #tpu.memory_space<hbm>> -> memref<7424xf32, #tpu.memory_space<hbm>>
    %dma_wait3A_343 = tpu.memref_slice %arg4[%add3A_337] : memref<1900544xf32, #tpu.memory_space<hbm>> -> memref<7424xf32, #tpu.memory_space<hbm>>
    tpu.wait_dma2 semaphore(%arg21 : memref<!tpu.dma_semaphore, #tpu.memory_space<semaphore_mem>>) src(%arg15 : memref<7424xf32, #tpu.memory_space<vmem>>) dst(%dma_wait3A_343 : memref<7424xf32, #tpu.memory_space<hbm>>)
    return
  }
}

module attributes {stable_mosaic.version = 14 : i64} {
  func.func @_tc_cumsum_body(%arg0: i32, %arg1: memref<59392xf32, #tpu.memory_space<vmem>>, %arg2: memref<59392xf32, #tpu.memory_space<vmem>>, %arg3: memref<1x224x224xf32, #tpu.memory_space<vmem>>) attributes {dimension_semantics = [#tpu.dimension_semantics<arbitrary>], iteration_bounds = array<i64: 16>, scalar_prefetch = 0 : i64, scratch_operands = 0 : i64, tpu.core_type = #tpu.core_type<tc>, window_params = [{transform_indices = @transform_0, window_bounds = array<i64: 59392>}, {transform_indices = @transform_1, window_bounds = array<i64: 59392>}, {transform_indices = @transform_2, window_bounds = array<i64: 1, 224, 224>}]} {
    %get3A = arith.constant 0 : index
    %get3A_0 = vector.load %arg1[%get3A] : memref<59392xf32, #tpu.memory_space<vmem>>, vector<59392xf32>
    %get3A_1 = arith.constant 0 : index
    %get3A_2 = vector.load %arg2[%get3A_1] : memref<59392xf32, #tpu.memory_space<vmem>>, vector<59392xf32>
    %add3A = arith.addf %get3A_0, %get3A_2 : vector<59392xf32>
    %reshape3A = vector.shape_cast %add3A : vector<59392xf32> to vector<232x256xf32>
    %iota3A = tpu.iota {dimensions = array<i32: 0>} : vector<224x232xi32>
    %iota3A_3 = tpu.iota {dimensions = array<i32: 1>} : vector<224x232xi32>
    %ge3A = arith.cmpi sge, %iota3A, %iota3A_3 : vector<224x232xi32>
    %convert_element_type3A = arith.extui %ge3A : vector<224x232xi1> to vector<224x232xi32>
    %convert_element_type3A_4 = arith.sitofp %convert_element_type3A : vector<224x232xi32> to vector<224x232xf32>
    %dot_general3A = arith.constant dense<0.000000e+00> : vector<224x256xf32>
    %dot_general3A_5 = tpu.matmul %convert_element_type3A_4, %reshape3A, %dot_general3A {dimension_numbers = #tpu.dot_dimension_numbers<[1], [0], [0], [1], [0, 0, 1, 1], [], []>, transpose_lhs_hint = false} : vector<224x232xf32>, vector<232x256xf32>, vector<224x256xf32> -> vector<224x256xf32>
    %iota3A_6 = tpu.iota {dimensions = array<i32: 0>} : vector<256x224xi32>
    %iota3A_7 = tpu.iota {dimensions = array<i32: 1>} : vector<256x224xi32>
    %le3A = arith.cmpi sle, %iota3A_6, %iota3A_7 : vector<256x224xi32>
    %convert_element_type3A_8 = arith.extui %le3A : vector<256x224xi1> to vector<256x224xi32>
    %convert_element_type3A_9 = arith.sitofp %convert_element_type3A_8 : vector<256x224xi32> to vector<256x224xf32>
    %dot_general3A_10 = arith.constant dense<0.000000e+00> : vector<224x224xf32>
    %dot_general3A_11 = tpu.matmul %dot_general3A_5, %convert_element_type3A_9, %dot_general3A_10 {dimension_numbers = #tpu.dot_dimension_numbers<[1], [0], [0], [1], [0, 0, 1, 1], [], []>, transpose_lhs_hint = false} : vector<224x256xf32>, vector<256x224xf32>, vector<224x224xf32> -> vector<224x224xf32>
    %neg3A = arith.constant 0.000000e+00 : f32
    %neg3A_12 = vector.broadcast %neg3A : f32 to vector<224x224xf32>
    %neg3A_13 = arith.subf %neg3A_12, %dot_general3A_11 : vector<224x224xf32>
    %exp3A = math.exp %neg3A_13 : vector<224x224xf32>
    %add3A_14 = arith.constant 1.000000e+00 : f32
    %add3A_15 = vector.broadcast %add3A_14 : f32 to vector<224x224xf32>
    %add3A_16 = arith.addf %add3A_15, %exp3A : vector<224x224xf32>
    %div3A = arith.constant 1.000000e+00 : f32
    %div3A_17 = vector.broadcast %div3A : f32 to vector<224x224xf32>
    %div3A_18 = arith.divf %div3A_17, %add3A_16 : vector<224x224xf32>
    %swap3A = arith.constant 0 : index
    %swap3A_19 = arith.constant 0 : index
    %swap3A_20 = arith.constant 0 : index
    %swap3A_21 = vector.load %arg3[%swap3A, %swap3A_19, %swap3A_20] : memref<1x224x224xf32, #tpu.memory_space<vmem>>, vector<1x224x224xf32>
    %swap3A_22 = vector.shape_cast %swap3A_21 : vector<1x224x224xf32> to vector<224x224xf32>
    %swap3A_23 = vector.shape_cast %div3A_18 : vector<224x224xf32> to vector<1x224x224xf32>
    tpu.vector_store %arg3[%swap3A, %swap3A_19, %swap3A_20], %swap3A_23 {strides = array<i32>} : memref<1x224x224xf32, #tpu.memory_space<vmem>>, vector<1x224x224xf32>,
    return
  }
  func.func @transform_0(%arg0: i32) -> i32 {
    %c0_i32 = arith.constant 0 : i32
    return %arg0 : i32
  }
  func.func @transform_1(%arg0: i32) -> i32 {
    %add3A = arith.constant 16 : i32
    %add3A_0 = arith.addi %add3A, %arg0 : i32
    %c0_i32 = arith.constant 0 : i32
    return %add3A_0 : i32
  }
  func.func @transform_2(%arg0: i32) -> (i32, i32, i32) {
    %c0_i32 = arith.constant 0 : i32
    %c0_i32_0 = arith.constant 0 : i32
    %c0_i32_1 = arith.constant 0 : i32
    return %arg0, %c0_i32, %c0_i32_0 : i32, i32, i32
  }
}

</mosaic_0001>

<sc_bundles>
// kernel: kernel.4.cloned.1.call-start
scs
__scs_entry_jumppad:
0x0: {  	(pc) =	sbr.rel $0x88, $3  }
0x1: {  	(tag) =	ssettag $0x0;
	lr =	simm.s32 $0x1  }
0x2: {  	[smem:$0x3FA0] =	sst lr;
	_ =	strace $0xD0000000  }
0x3: {  	_ = 	snop  }
0x4: {  	_ = 	snop  }
0x5: {  	_ = 	snop  }
0x6: {  	_ = 	snop  }
0x7: {  	_ = 	snop  }
__scs_overlays_trampoline_lowered:
0x8: {  	[smem:$0x3FAF] =	sst s0  }
0x9: {  	[smem:$0x3FB0] =	sst s1  }
0xa: {  	[smem:$0x3FB1] =	sst s2  }
0xb: {  	[smem:$0x3FB2] =	sst s3  }
0xc: {  	[smem:$0x3FB3] =	sst s4  }
0xd: {  	[smem:$0x3FB4] =	sst s5  }
0xe: {  	[smem:$0x3FB5] =	sst s6  }
0xf: {  	[smem:$0x3FB6] =	sst s7  }
0x10: {  	[smem:$0x3FB7] =	sst s8  }
0x11: {  	[smem:$0x3FB8] =	sst s9;
	s0 =	simm.s32 @!p0 $0x0  }
0x12: {  	s1 =	sld [smem:$0x3F9E];
	s0 =	simm.s32 @p0 $0x1  }
0x13: {  	[smem:$0x3FB9] =	sst s0;
	s0 =	simm.s32 @!p1 $0x0  }
0x14: {  	s2 =	sld [smem:$0x3F9D];
	s0 =	simm.s32 @p1 $0x1  }
0x15: {  	[smem:$0x3FBA] =	sst s0;
	s0 =	simm.s32 @!p2 $0x0  }
0x16: {  	s3 =	sld [smem:$0x3FDB];
	s0 =	simm.s32 @p2 $0x1  }
0x17: {  	s4 =	simm.s32 $0x1BF5;
	[smem:$0x3FBC] =	sst s0  }
0x18: {  	s0 =	sld [smem:$0x3F9F];
	_ =	swait.ge [sflag:s4], $0x0  }
0x19: {  	s7 =	sld [smem:$0x3FA0]  }
0x1a: {  	s8 =	sadd.s32 $0xFFFFE003, lr  }
0x1b: {  	s9 =	sadd.s32 $0xFFFFFEF7, lr;
	s5 =	simm.s32 $0xFFFFFFFF;
	p2 =	slt.u32 s8, $0xFFFFF086  }
0x1c: {  	p1 =	slt.u32 s9, $0xF7A;
	s5 =	simm.s32 @!p2 $0x0  }
0x1d: {  	s5 =	simm.s32 @p1 $0x1;
	p0 =	seq.s32 s7, s2  }
0x1e: {  	s7 =	smul.u32 @!p0 $0xF7A, s2;
	p2 =	seq.s32 @!p0 s5, $0x0  }
0x1f: {  	s9 =	smul.u32 $0xF7A, s1;
	s8 =	simm.s32 @!p0 $0x1BF5;
	p2 =	por !p2, p0  }
0x20: {  	[sflag:s8] =	ssyncset.s32 @!p0 $0xFFFFF086;
	s6 =	sadd.s32 @!p0 s3, s7;
	s7 =	simm.s32 @!p0 $0x108  }
0x21: {  	s3 =	sadd.s32 s3, s9;
	s6 =	sadd.s32 @!p0 $0x88, s6;
	s7 =	simm.s32 @p2 $0x1082  }
0x22: {  	[simem:s7], [sflag:s8] =	dma.local @!p0 [hbm:s6], $0xF7A  }
0x23: {  	s9 =	sor.u32 $0xD0000000, s2;
	s6 =	simm.s32 $0x108;
	_ =	swait.ge @!p0 [sflag:s8], $0x0  }
0x24: {  	s3 =	sadd.s32 $0x88, s3;
	s6 =	simm.s32 @!p1 $0x1082;
	[sflag:s4] =	ssyncset.s32 $0xFFFFF086  }
0x25: {  	[simem:s6], [sflag:s4] =	dma.local [hbm:s3], $0xF7A  }
0x26: {  	[smem:$0x3FA0] =	sst s1;
	(tag) =	ssettag s2;
	_ =	strace s9  }
0x27: {  	s1 =	sld [smem:$0x3FB0]  }
0x28: {  	s2 =	sld [smem:$0x3FB1]  }
0x29: {  	s4 =	sld [smem:$0x3FB3]  }
0x2a: {  	p0 =	seq.s32 s5, $0x0;
	s5 =	sld [smem:$0x3FB4]  }
0x2b: {  	s6 =	sld [smem:$0x3FB5]  }
0x2c: {  	s7 =	sld [smem:$0x3FB6]  }
0x2d: {  	s3 =	simm.s32 $0x108;
	s8 =	sld [smem:$0x3FB7]  }
0x2e: {  	s3 =	simm.s32 @!p0 $0x1082;
	s9 =	sld [smem:$0x3FB8]  }
0x2f: {  	lr =	sadd.s32 s0, s3;
	s0 =	sld [smem:$0x3FAF]  }
0x30: {  	s3 =	sld [smem:$0x3FB2]  }
0x31: {  	[smem:$0x3FBB] =	sst s10  }
0x32: {  	s10 =	sld [smem:$0x3FB9];
	_ =	sdelay $0x3  }
0x33: {  	p0 =	seq.s32 s10, $0x1;
	s10 =	sld [smem:$0x3FBB];
	_ =	sdelay $0x3  }
0x34: {  	[smem:$0x3FBB] =	sst s10  }
0x35: {  	s10 =	sld [smem:$0x3FBA];
	_ =	sdelay $0x3  }
0x36: {  	p1 =	seq.s32 s10, $0x1;
	s10 =	sld [smem:$0x3FBB];
	_ =	sdelay $0x3  }
0x37: {  	[smem:$0x3FBB] =	sst s10  }
0x38: {  	s10 =	sld [smem:$0x3FBC]  }
0x39: {  	_ = 	snop;
	(pc) =	sbr.ind lr, $3  }
0x3a: {  	_ = 	snop  }
0x3b: {  	_ = 	snop  }
0x3c: {  	p2 =	seq.s32 s10, $0x1;
	s10 =	sld [smem:$0x3FBB]  }
0x3d: {  	_ =	shalt  }
0x3e: {  	_ =	shalt  }
0x3f: {  	_ =	shalt  }
0x40: {  	_ =	shalt  }
0x41: {  	_ =	shalt  }
0x42: {  	_ =	shalt  }
0x43: {  	_ =	shalt  }
0x44: {  	_ =	shalt  }
0x45: {  	_ =	shalt  }
0x46: {  	_ =	shalt  }
0x47: {  	_ =	shalt  }
0x48: {  	_ =	shalt  }
0x49: {  	_ =	shalt  }
0x4a: {  	_ =	shalt  }
0x4b: {  	_ =	shalt  }
0x4c: {  	_ =	shalt  }
0x4d: {  	_ =	shalt  }
0x4e: {  	_ =	shalt  }
0x4f: {  	_ =	shalt  }
0x50: {  	_ =	shalt  }
0x51: {  	_ =	shalt  }
0x52: {  	_ =	shalt  }
0x53: {  	_ =	shalt  }
0x54: {  	_ =	shalt  }
0x55: {  	_ =	shalt  }
0x56: {  	_ =	shalt  }
0x57: {  	_ =	shalt  }
0x58: {  	_ =	shalt  }
0x59: {  	_ =	shalt  }
0x5a: {  	_ =	shalt  }
0x5b: {  	_ =	shalt  }
0x5c: {  	_ =	shalt  }
0x5d: {  	_ =	shalt  }
0x5e: {  	_ =	shalt  }
0x5f: {  	_ =	shalt  }
0x60: {  	_ =	shalt  }
0x61: {  	_ =	shalt  }
0x62: {  	_ =	shalt  }
0x63: {  	_ =	shalt  }
0x64: {  	_ =	shalt  }
0x65: {  	_ =	shalt  }
0x66: {  	_ =	shalt  }
0x67: {  	_ =	shalt  }
0x68: {  	_ =	shalt  }
0x69: {  	_ =	shalt  }
0x6a: {  	_ =	shalt  }
0x6b: {  	_ =	shalt  }
0x6c: {  	_ =	shalt  }
0x6d: {  	_ =	shalt  }
0x6e: {  	_ =	shalt  }
0x6f: {  	_ =	shalt  }
0x70: {  	_ =	shalt  }
0x71: {  	_ =	shalt  }
0x72: {  	_ =	shalt  }
0x73: {  	_ =	shalt  }
0x74: {  	_ =	shalt  }
0x75: {  	_ =	shalt  }
0x76: {  	_ =	shalt  }
0x77: {  	_ =	shalt  }
0x78: {  	_ =	shalt  }
0x79: {  	_ =	shalt  }
0x7a: {  	_ =	shalt  }
0x7b: {  	_ =	shalt  }
0x7c: {  	_ =	shalt  }
0x7d: {  	_ =	shalt  }
0x7e: {  	_ =	shalt  }
0x7f: {  	_ =	shalt  }
0x80: {  	_ =	shalt  }
0x81: {  	_ =	shalt  }
0x82: {  	_ =	shalt  }
0x83: {  	_ =	shalt  }
0x84: {  	_ =	shalt  }
0x85: {  	_ =	shalt  }
0x86: {  	_ =	shalt  }
0x87: {  	_ =	shalt  }
.Lfunc_end0:
.L_simem_size_0:
called_computation_lowered:
.L_overlay_start_0:
0x88: {  	s2 =	sld [smem:$0x3FD9]  }
0x89: {  	s3 =	sld [smem:$0x3FFE];
	_ =	sdelay $0x1  }
0x8a: {  	s1 =	srdreg.scid  }
0x8b: {  	s0 =	sand.u32 $0x1, s1  }
0x8c: {  	s17 =	sshll.u32 s0, $0xA;
	s2 =	sadd.s32 s3, s2  }
0x8d: {  	s2 =	sadd.s32 s2, s17  }
0x8e: {  	[smem:$0x3FC7] =	sst s2  }
0x8f: {  	_ = 	snop  }
0x90: {  	s2 =	sld [smem:$0x3FD0];
	(tm) =	ssettm $0x1  }
0x91: {  	s18 =	sld [smem:$0x3FFB];
	_ =	sdelay $0x3  }
0x92: {  	_ =	strace s18  }
0x93: {  	s3 =	sld [smem:$0x3FFC];
	_ =	sdelay $0x3  }
0x94: {  	_ =	strace s3  }
0x95: {  	s3 =	sld [smem:$0x3FFD];
	_ =	sdelay $0x3  }
0x96: {  	_ =	strace s3  }
0x97: {  	_ =	strace $0x8FFFFFFF  }
0x98: {  	s19 =	sld [smem:$0x3FDB];
	_ =	sdelay $0x1  }
0x99: {  	s4 =	simm.s32 $_scs_section_size  }
0x9a: {  	s5 =	simm.s32 $_size__tile_overlayer_lowered;
	s6 =	simm.s32 $_tile_overlayer_lowered  }
0x9b: {  	s22 =	simm.s32 $0x1BFF;
	s21 =	sshll.u32 s6, $0x1;
	s3 =	sadd.s32 s4, s19  }
0x9c: {  	s7 =	simm.s32 $0x0;
	s20 =	sshll.u32 s5, $0x1;
	s5 =	sadd.s32 s21, s3  }
0x9d: {  	[timem:s7], [sflag:s22] =	dma.local [hbm:s5], s20  }
0x9e: {  	_ =	swait.ge [sflag:s22], s20  }
0x9f: {  	s4 =	ssub.s32 $0x0, s20;
	[sflag:s22] =	ssyncset.done $0x0  }
0xa0: {  	[sflag:s22] =	ssyncadd.s32 s4;
	_ =	sdelay $0x1  }
0xa1: {  	s23 =	simm.s32 $0x1B8B  }
0xa2: {  	_ =	swait.ge [sflag:s23], $0x1  }
0xa3: {  	[sflag:s23] =	ssyncset.done $0x0  }
0xa4: {  	s25 =	simm.s32 $0x1B8E;
	s24 =	sld [smem:$0x3FFE];
	[sflag:s23] =	ssyncadd.s32 $0xFFFFFFFF  }
0xa5: {  	s26 =	simm.s32 $execute0_lowered;
	[smem:$0x3FD2] =	sst s25  }
0xa6: {  	s5 =	sshll.u32 s26, $0x1;
	_ =	strace $0x80000046;
	[dreg:$0x1] =	wrdreg $0xFFFFFFFF  }
0xa7: {  	s28 =	simm.s32 $_size_execute0_lowered;
	s3 =	sadd.s32 s3, s5;
	[dreg:$0x0] =	wrdreg $0x0  }
0xa8: {  	s5 =	sshll.u32 s28, $0x1;
	[dreg:$0x2] =	wrdreg s3  }
0xa9: {  	[dreg:$0x3] =	wrdreg s5  }
0xaa: {  	[dreg:$0x4] =	wrdreg $0xC0  }
0xab: {  	_ =	task [dreg:s7], $0x5FFFF  }
0xac: {  	[dreg:$0x1] =	wrdreg $0xFFFFFFFF  }
0xad: {  	[dreg:$0x0] =	wrdreg $0x60  }
0xae: {  	[dreg:$0x2] =	wrdreg s2  }
0xaf: {  	[dreg:$0x3] =	wrdreg s24  }
0xb0: {  	[dreg:$0x4] =	wrdreg $0x0  }
0xb1: {  	[dreg:$0x5] =	wrdreg $0x9  }
0xb2: {  	_ =	task.clear_ibuf [dreg:s7], $0x6FFFF;
	_ =	strace $0x90000046  }
0xb3: {  	s29 =	simm.s32 $0x9;
	_ =	strace $0x80000048  }
0xb4: {  	_ =	swait.ge [sflag:s29], $0x1  }
0xb5: {  	[sflag:s29] =	ssyncadd.s32 $0xFFFFFFFF  }
0xb6: {  	_ =	strace $0x90000048  }
0xb7: {  	_ =	sfence  }
0xb8: {  	s30 =	sld [smem:$0x0];
	_ =	sdelay $0x2  }
0xb9: {  	s31 =	sshll.u32 s1, $0xD;
	s1 =	sshrl.u32 s1, $0x2  }
0xba: {  	s3 =	sand.u32 $0x4000, s31;
	s1 =	sadd.s32 s1, s30  }
0xbb: {  	s0 =	sor.u32 s3, s0;
	s1 =	sshll.u32 s1, $0x11  }
0xbc: {  	s0 =	sor.u32 s1, s0  }
0xbd: {  	s0 =	sadd.s32 $0x8F2B, s0  }
0xbe: {  	[sflag:s0] =	ssyncadd.remote.s32 $0x1  }
0xbf: {  	_ =	sfence.sel $0xFFFF  }
0xc0: {  	[dreg:$0x0] =	wrdreg $0xFFFFFFFF;
	(pc) =	sbr.abs _section_cstart, $3  }
0xc1: {  	[dreg:$0x1] =	wrdreg $0xFFFFFFFF  }
0xc2: {  	_ =	task.clear_ibuf [dreg:s7], $0x2FFFF;
	_ =	strace $0x9FFFFFFF  }
0xc3: {  	(tm) =	ssettm $0x7FFFFFFF  }
tec
execute0_lowered:
.L_overlay_start_1:
0x0: {  	(tag) =	ssettag $0x1  }
0x1: {  	s1 =	rddreg [dreg:$0x0]  }
0x2: {  	s0 =	srdreg.scid;
	s4 =	rddreg [dreg:$0x1]  }
0x3: {  	s7 =	stileid.u32;
	s2 =	rddreg [dreg:$0x2]  }
0x4: {  	s31 =	simm.s32 $0x5;
	s28 =	simm.s32 $0x1;
	s29 =	simm.s32 $0x80  }
0x5: {  	s30 =	simm.s32 $0xF480;
	s0 =	sand.u32 $0x1, s0;
	s6 =	smul.u32 $0x5000, s7  }
0x6: {  	s8 =	sadd.s32 $0x600, s4;
	s3 =	sshll.u32 s0, $0x4;
	s9 =	smul.u32 $0x2800, s0  }
0x7: {  	s0 =	ssub.s32 $0x2, s0;
	s5 =	sor.u32 s7, s3;
	s7 =	smul.u32 $0xE800, s7  }
0x8: {  	s3 =	simm.s32 $0x0;
	s11 =	sshrl.u32 s0, $0x1;
	s5 =	smul.u32 $0xE800, s5  }
0x9: {  	[smem:$0x7FF] =	sst s3;
	s6 =	sadd.s32 s9, s6;
	s0 =	ssub.s32 s0, s11  }
0xa: {  	_ =	strace $0x80000047;
	s12 =	sshrl.u32 s6, $0x3;
	s0 =	smax.u32 s0, $0x1  }
0xb: {  	s9 =	sadd.s32 s7, s2;
	s21 =	sor.u32 $0x200, s6;
	[dreg:$0x14] =	wrdreg s0  }
0xc: {  	s6 =	sor.u32 $0x100, s6;
	s10 =	sadd.s32 s1, s12;
	[dreg:$0x4] =	wrdreg s9  }
0xd: {  	s5 =	sshrl.u32 s5, $0x3;
	s13 =	sadd.s32 $0x3A00, s9;
	[dreg:$0x5] =	wrdreg s10  }
0xe: {  	s14 =	sadd.s32 $0x5700, s9;
	s15 =	sadd.s32 $0x7400, s9;
	[dreg:$0x8] =	wrdreg s13  }
0xf: {  	s16 =	sadd.s32 $0x9100, s9;
	s6 =	sshrl.u32 s6, $0x3;
	[dreg:$0x9] =	wrdreg s14  }
0x10: {  	s25 =	sadd.s32 $0xAE00, s9;
	s26 =	sadd.s32 $0xCB00, s9;
	[dreg:$0xa] =	wrdreg s15  }
0x11: {  	s0 =	simm.s32 $0x0;
	s4 =	sadd.s32 s5, s4;
	[dreg:$0xb] =	wrdreg s16  }
0x12: {  	s5 =	sadd.s32 s8, s12;
	s10 =	sadd.s32 $0x1D00, s9;
	[dreg:$0x15] =	wrdreg s25  }
0x13: {  	[dreg:$0x16] =	wrdreg s26;
	s25 =	simm.s32 $0x2;
	s26 =	simm.s32 $0xF400  }
0x14: {  	s12 =	simm.s32 $0xF980;
	s13 =	simm.s32 $0xF600;
	[dreg:$0x6] =	wrdreg s5  }
0x15: {  	s14 =	simm.s32 $0xFA00;
	s17 =	sadd.s32 $0xA600, s4;
	[dreg:$0x7] =	wrdreg s10  }
0x16: {  	s15 =	simm.s32 $0xF680;
	s18 =	sadd.s32 $0xA9A0, s4;
	[dreg:$0xc] =	wrdreg s17  }
0x17: {  	s16 =	simm.s32 $0xFA80;
	s19 =	sadd.s32 $0xAD40, s4;
	[dreg:$0xd] =	wrdreg s18  }
0x18: {  	s20 =	sadd.s32 $0xB0E0, s4;
	s11 =	sadd.s32 $0xB480, s4;
	[dreg:$0xe] =	wrdreg s19  }
0x19: {  	s5 =	sshrl.u32 s21, $0x3;
	s22 =	sadd.s32 $0xB820, s4;
	[dreg:$0xf] =	wrdreg s20  }
0x1a: {  	s21 =	sadd.s32 s6, s1;
	s23 =	sadd.s32 $0xBBC0, s4;
	[dreg:$0x10] =	wrdreg s11  }
0x1b: {  	s24 =	sadd.s32 $0xBF60, s4;
	s4 =	simm.s32 $0xF800;
	[dreg:$0x11] =	wrdreg s22  }
0x1c: {  	s18 =	sadd.s32 s5, s8;
	s19 =	sadd.s32 s5, s1;
	[dreg:$0x12] =	wrdreg s23  }
0x1d: {  	s20 =	sadd.s32 s6, s8;
	[dreg:$0x13] =	wrdreg s24;
	s11 =	simm.s32 $0xF380  }
0x1e: {  	s5 =	simm.s32 $0xF900;
	s6 =	simm.s32 $0xF580;
	s17 =	simm.s32 $0xF700  }
0x1f: {  	v1 =	vimm.f32 $0.0e+00;
	v0 =	vmov s7;
	s22 =	simm.s32 $0xFB00;
	s23 =	simm.s32 $0xF780;
	s24 =	simm.s32 $0xFB80  }
.LBB2_1:
0x20: {  	[dreg:$0x17] =	wrdreg s0  }
0x21: {  	s7 =	rddreg [dreg:$0x5]  }
0x22: {  	s8 =	simm.s32 $0xE800;
	s0 =	rddreg [dreg:$0x6]  }
0x23: {  	[tilespmem:s8], [sflag:$0x1] =	stream.linear.gather [hbm4b:s7+s3], $0x100, $0x38;
	[tilespmem:$0x13600] =	vst v63  }
0x24: {  	s1 =	simm.s32 $0xE900;
	s7 =	simm.s32 $0x40;
	s8 =	simm.s32 $0x0  }
0x25: {  	[tilespmem:s1], [sflag:$0x1] =	stream.linear.gather [hbm4b:s0+s3], $0x100, $0x38;
	[tilespmem:$0x13600] =	vst v63  }
.LBB2_2:
0x26: {  	p0 =	sne.s32 s7, $0x73C0;
	[tilespmem:s8+$0xFC00] =	vst v1;
	s8 =	smov.u32 s7;
	s7 =	sadd.s32 $0x40, s7  }
.Ltmp0:
0x27: {  	(pc) =	sbr.rel @p0 .LBB2_2-.Ltmp0, $2  }
0x28: {  	_ =	sdelay $0x2  }
0x29: {  	s8 =	sshra.s32 s8, $0x2  }
0x2a: {  	[tilespmem:s8+$0xFC00] =	vst v1;
	s8 =	simm.s32 $0xFC00  }
0x2b: {  	[spmem:s9] =	stream.linear.scatter [tilespmem:s8], [sflag:$0x5], $0x1D00, $0x38;
	[tilespmem:$0x13600] =	vst v63  }
0x2c: {  	_ = 	snop  }
0x2d: {  	[spmem:s10] =	stream.linear.scatter [tilespmem:s8], [sflag:$0x5], $0x1D00, $0x38;
	[tilespmem:$0x13600] =	vst v63  }
0x2e: {  	s7 =	rddreg [dreg:$0x8]  }
0x2f: {  	[spmem:s7] =	stream.linear.scatter [tilespmem:s8], [sflag:$0x5], $0x1D00, $0x38;
	[tilespmem:$0x13600] =	vst v63  }
0x30: {  	s10 =	rddreg [dreg:$0x9]  }
0x31: {  	[spmem:s10] =	stream.linear.scatter [tilespmem:s8], [sflag:$0x5], $0x1D00, $0x38;
	[tilespmem:$0x13600] =	vst v63  }
0x32: {  	s0 =	rddreg [dreg:$0xa]  }
0x33: {  	[spmem:s0] =	stream.linear.scatter [tilespmem:s8], [sflag:$0x5], $0x1D00, $0x38;
	[tilespmem:$0x13600] =	vst v63  }
0x34: {  	s1 =	rddreg [dreg:$0xb]  }
0x35: {  	[spmem:s1] =	stream.linear.scatter [tilespmem:s8], [sflag:$0x5], $0x1D00, $0x38;
	[tilespmem:$0x13600] =	vst v63  }
0x36: {  	s9 =	rddreg [dreg:$0x15]  }
0x37: {  	[spmem:s9] =	stream.linear.scatter [tilespmem:s8], [sflag:$0x5], $0x1D00, $0x38;
	[tilespmem:$0x13600] =	vst v63  }
0x38: {  	s10 =	rddreg [dreg:$0x16]  }
0x39: {  	[spmem:s10] =	stream.linear.scatter [tilespmem:s8], [sflag:$0x5], $0x1D00, $0x38;
	[tilespmem:$0x13600] =	vst v63  }
0x3a: {  	_ =	swait.ge [sflag:s31], $0x1D00  }
0x3b: {  	[sflag:s31] =	ssyncset.done $0x0  }
0x3c: {  	[sflag:s31] =	ssyncadd.s32 $0xFFFFE300  }
0x3d: {  	_ =	swait.ge [sflag:s31], $0x1D00  }
0x3e: {  	[sflag:s31] =	ssyncset.done $0x0  }
0x3f: {  	[sflag:s31] =	ssyncadd.s32 $0xFFFFE300  }
0x40: {  	_ =	swait.ge [sflag:s31], $0x1D00  }
0x41: {  	[sflag:s31] =	ssyncset.done $0x0  }
0x42: {  	[sflag:s31] =	ssyncadd.s32 $0xFFFFE300  }
0x43: {  	_ =	swait.ge [sflag:s31], $0x1D00  }
0x44: {  	[sflag:s31] =	ssyncset.done $0x0  }
0x45: {  	[sflag:s31] =	ssyncadd.s32 $0xFFFFE300  }
0x46: {  	_ =	swait.ge [sflag:s31], $0x1D00  }
0x47: {  	[sflag:s31] =	ssyncset.done $0x0  }
0x48: {  	[sflag:s31] =	ssyncadd.s32 $0xFFFFE300  }
0x49: {  	_ =	swait.ge [sflag:s31], $0x1D00  }
0x4a: {  	[sflag:s31] =	ssyncset.done $0x0  }
0x4b: {  	[sflag:s31] =	ssyncadd.s32 $0xFFFFE300  }
0x4c: {  	_ =	swait.ge [sflag:s31], $0x1D00  }
0x4d: {  	[sflag:s31] =	ssyncset.done $0x0  }
0x4e: {  	[sflag:s31] =	ssyncadd.s32 $0xFFFFE300  }
0x4f: {  	_ =	swait.ge [sflag:s31], $0x1D00  }
0x50: {  	s7 =	simm.s32 $0x0;
	[sflag:s31] =	ssyncset.done $0x0  }
0x51: {  	s0 =	simm.s32 $0xF500;
	s1 =	simm.s32 $0xF880;
	[sflag:s31] =	ssyncadd.s32 $0xFFFFE300  }
.LBB2_4:
0x52: {  	s8 =	sadd.s32 s7, s21;
	s9 =	simm.s32 $0xEA00  }
0x53: {  	[tilespmem:s9], [sflag:$0x2] =	stream.linear.gather [hbm4b:s8+s3], $0x100, $0x38;
	[tilespmem:$0x13600] =	vst v63  }
0x54: {  	s10 =	simm.s32 $0xEB00;
	s9 =	sadd.s32 s7, s20  }
0x55: {  	[tilespmem:s10], [sflag:$0x2] =	stream.linear.gather [hbm4b:s9+s3], $0x100, $0x38;
	[tilespmem:$0x13600] =	vst v63  }
0x56: {  	_ =	swait.ge [sflag:s28], $0x100  }
0x57: {  	[sflag:s28] =	ssyncset.done $0x0  }
0x58: {  	[sflag:s28] =	ssyncadd.s32 $0xFFFFFF00  }
0x59: {  	_ =	swait.ge [sflag:s28], $0x100  }
0x5a: {  	p0 =	seq.s32 s7, $0x0;
	[sflag:s28] =	ssyncset.done $0x0  }
0x5b: {  	s8 =	simm.s32 @!p0 $0x3;
	[sflag:s28] =	ssyncadd.s32 $0xFFFFFF00  }
0x5c: {  	_ =	swait.ge @!p0 [sflag:s8], $0x80  }
0x5d: {  	[sflag:s8] =	ssyncset.done @!p0 $0x0  }
0x5e: {  	[sflag:s8] =	ssyncadd.s32 @!p0 $0xFFFFFF80  }
0x5f: {  	_ =	swait.ge @!p0 [sflag:s8], $0x80  }
0x60: {  	[sflag:s8] =	ssyncset.done @!p0 $0x0  }
0x61: {  	[sflag:s8] =	ssyncadd.s32 @!p0 $0xFFFFFF80  }
0x62: {  	_ =	swait.ge @!p0 [sflag:s8], $0x80  }
0x63: {  	[sflag:s8] =	ssyncset.done @!p0 $0x0  }
0x64: {  	[sflag:s8] =	ssyncadd.s32 @!p0 $0xFFFFFF80  }
0x65: {  	_ =	swait.ge @!p0 [sflag:s8], $0x80  }
0x66: {  	[sflag:s8] =	ssyncset.done @!p0 $0x0  }
0x67: {  	[sflag:s8] =	ssyncadd.s32 @!p0 $0xFFFFFF80  }
0x68: {  	_ =	swait.ge @!p0 [sflag:s8], $0x80  }
0x69: {  	[sflag:s8] =	ssyncset.done @!p0 $0x0  }
0x6a: {  	[sflag:s8] =	ssyncadd.s32 @!p0 $0xFFFFFF80  }
0x6b: {  	_ =	swait.ge @!p0 [sflag:s8], $0x80  }
0x6c: {  	[sflag:s8] =	ssyncset.done @!p0 $0x0  }
0x6d: {  	[sflag:s8] =	ssyncadd.s32 @!p0 $0xFFFFFF80  }
0x6e: {  	_ =	swait.ge @!p0 [sflag:s8], $0x80  }
0x6f: {  	[sflag:s8] =	ssyncset.done @!p0 $0x0  }
0x70: {  	[sflag:s8] =	ssyncadd.s32 @!p0 $0xFFFFFF80  }
0x71: {  	_ =	swait.ge @!p0 [sflag:s8], $0x80  }
0x72: {  	[sflag:s8] =	ssyncset.done @!p0 $0x0  }
0x73: {  	[sflag:s8] =	ssyncadd.s32 @!p0 $0xFFFFFF80  }
0x74: {  	v2 =	vld [tilespmem:$0xE900]  }
0x75: {  	v4 =	vld [tilespmem:$0xE800];
	_ =	sdelay $0x3  }
0x76: {  	v48 =	vld [tilespmem:$0xE910];
	v3 =	vand.u32 $0xFF00, v2  }
0x77: {  	v53 =	vld [tilespmem:$0xE920];
	v5 =	vand.u32 $0xFF, v2;
	v2 =	vshrl.u32 v2, $0x10;
	[tilespmem:$0xF000] =	vst v4;
	v3 =	vadd.s32 v0, v3  }
0x78: {  	[tilespmem:$0xF030] =	vst v4;
	v6 =	vand.u32 $0xFF, v2;
	v2 =	vand.u32 $0xFF00, v2;
	v7 =	vor.u32 v5, v3  }
0x79: {  	v2 =	vadd.s32 v0, v2;
	v3 =	vor.u32 v6, v3;
	[tilespmem:$0xEC00] =	vst v7  }
0x7a: {  	[tilespmem:$0xEC10] =	vst v3;
	v3 =	vor.u32 v5, v2;
	v2 =	vor.u32 v6, v2  }
0x7b: {  	[tilespmem:$0xEC30] =	vst v2;
	v2 =	vsub.f32 $0.0e+00, v4  }
0x7c: {  	v49 =	vand.u32 $0xFF, v48;
	v54 =	vand.u32 $0xFF00, v53;
	[tilespmem:$0xEC20] =	vst v3  }
0x7d: {  	v55 =	vand.u32 $0xFF, v53;
	v3 =	vand.u32 $0xFF00, v48;
	v4 =	vadd.s32 v0, v54;
	[tilespmem:$0xF010] =	vst v2  }
0x7e: {  	v50 =	vshrl.u32 v48, $0x10;
	v3 =	vadd.s32 v0, v3;
	v57 =	vor.u32 v55, v4;
	[tilespmem:$0xF020] =	vst v2;
	v2 =	vld [tilespmem:$0xE810]  }
0x7f: {  	v51 =	vand.u32 $0xFF, v50;
	v6 =	vand.u32 $0xFF00, v50;
	v52 =	vor.u32 v49, v3;
	[tilespmem:$0xEC80] =	vst v57  }
0x80: {  	v6 =	vadd.s32 v0, v6;
	v3 =	vor.u32 v51, v3;
	[tilespmem:$0xEC40] =	vst v52  }
0x81: {  	[tilespmem:$0xEC50] =	vst v3;
	v3 =	vor.u32 v49, v6  }
0x82: {  	[tilespmem:$0xEC60] =	vst v3;
	v3 =	vor.u32 v51, v6  }
0x83: {  	v58 =	vld [tilespmem:$0xE930];
	[tilespmem:$0xEC70] =	vst v3;
	v3 =	vsub.f32 $0.0e+00, v2  }
0x84: {  	v56 =	vshrl.u32 v53, $0x10;
	[tilespmem:$0xF040] =	vst v2  }
0x85: {  	v6 =	vand.u32 $0xFF00, v56;
	[tilespmem:$0xF050] =	vst v3  }
0x86: {  	v6 =	vadd.s32 v0, v6;
	[tilespmem:$0xF060] =	vst v3;
	v3 =	vld [tilespmem:$0xE820]  }
0x87: {  	v59 =	vor.u32 v55, v6;
	[tilespmem:$0xF070] =	vst v2;
	v2 =	vand.u32 $0xFF, v56  }
0x88: {  	v60 =	vand.u32 $0xFF00, v58;
	[tilespmem:$0xECA0] =	vst v59;
	v4 =	vor.u32 v2, v4  }
0x89: {  	v61 =	vand.u32 $0xFF, v58;
	v2 =	vor.u32 v2, v6;
	[tilespmem:$0xEC90] =	vst v4;
	v4 =	vadd.s32 v0, v60  }
0x8a: {  	[tilespmem:$0xECB0] =	vst v2;
	v63 =	vor.u32 v61, v4  }
0x8b: {  	v9 =	vld [tilespmem:$0xE940];
	[tilespmem:$0xECC0] =	vst v63;
	v2 =	vsub.f32 $0.0e+00, v3  }
0x8c: {  	v62 =	vshrl.u32 v58, $0x10;
	[tilespmem:$0xF080] =	vst v3  }
0x8d: {  	v6 =	vand.u32 $0xFF00, v62;
	[tilespmem:$0xF090] =	vst v2  }
0x8e: {  	v6 =	vadd.s32 v0, v6;
	[tilespmem:$0xF0A0] =	vst v2;
	v2 =	vld [tilespmem:$0xE830]  }
0x8f: {  	v10 =	vor.u32 v61, v6;
	[tilespmem:$0xF0B0] =	vst v3;
	v3 =	vand.u32 $0xFF, v62  }
0x90: {  	v11 =	vand.u32 $0xFF00, v9;
	[tilespmem:$0xECE0] =	vst v10;
	v4 =	vor.u32 v3, v4  }
0x91: {  	v12 =	vand.u32 $0xFF, v9;
	v3 =	vor.u32 v3, v6;
	[tilespmem:$0xECD0] =	vst v4;
	v4 =	vadd.s32 v0, v11  }
0x92: {  	[tilespmem:$0xECF0] =	vst v3;
	v14 =	vor.u32 v12, v4  }
0x93: {  	v15 =	vld [tilespmem:$0xE950];
	[tilespmem:$0xED00] =	vst v14;
	v3 =	vsub.f32 $0.0e+00, v2  }
0x94: {  	v13 =	vshrl.u32 v9, $0x10;
	[tilespmem:$0xF0C0] =	vst v2  }
0x95: {  	v6 =	vand.u32 $0xFF00, v13;
	[tilespmem:$0xF0D0] =	vst v3  }
0x96: {  	v6 =	vadd.s32 v0, v6;
	[tilespmem:$0xF0E0] =	vst v3;
	v3 =	vld [tilespmem:$0xE840]  }
0x97: {  	v16 =	vor.u32 v12, v6;
	[tilespmem:$0xF0F0] =	vst v2;
	v2 =	vand.u32 $0xFF, v13  }
0x98: {  	v17 =	vand.u32 $0xFF00, v15;
	[tilespmem:$0xED20] =	vst v16;
	v4 =	vor.u32 v2, v4  }
0x99: {  	v18 =	vand.u32 $0xFF, v15;
	v2 =	vor.u32 v2, v6;
	[tilespmem:$0xED10] =	vst v4;
	v4 =	vadd.s32 v0, v17  }
0x9a: {  	[tilespmem:$0xED30] =	vst v2;
	v20 =	vor.u32 v18, v4  }
0x9b: {  	v21 =	vld [tilespmem:$0xE960];
	[tilespmem:$0xED40] =	vst v20;
	v2 =	vsub.f32 $0.0e+00, v3  }
0x9c: {  	v19 =	vshrl.u32 v15, $0x10;
	[tilespmem:$0xF100] =	vst v3  }
0x9d: {  	v6 =	vand.u32 $0xFF00, v19;
	[tilespmem:$0xF110] =	vst v2  }
0x9e: {  	v6 =	vadd.s32 v0, v6;
	[tilespmem:$0xF120] =	vst v2;
	v2 =	vld [tilespmem:$0xE850]  }
0x9f: {  	v22 =	vor.u32 v18, v6;
	[tilespmem:$0xF130] =	vst v3;
	v3 =	vand.u32 $0xFF, v19  }
0xa0: {  	v23 =	vand.u32 $0xFF00, v21;
	[tilespmem:$0xED60] =	vst v22;
	v4 =	vor.u32 v3, v4  }
0xa1: {  	v24 =	vand.u32 $0xFF, v21;
	v3 =	vor.u32 v3, v6;
	[tilespmem:$0xED50] =	vst v4;
	v4 =	vadd.s32 v0, v23  }
0xa2: {  	[tilespmem:$0xED70] =	vst v3;
	v26 =	vor.u32 v24, v4  }
0xa3: {  	v27 =	vld [tilespmem:$0xE970];
	[tilespmem:$0xED80] =	vst v26;
	v3 =	vsub.f32 $0.0e+00, v2  }
0xa4: {  	v25 =	vshrl.u32 v21, $0x10;
	[tilespmem:$0xF140] =	vst v2  }
0xa5: {  	v6 =	vand.u32 $0xFF00, v25;
	[tilespmem:$0xF150] =	vst v3  }
0xa6: {  	v6 =	vadd.s32 v0, v6;
	[tilespmem:$0xF160] =	vst v3;
	v3 =	vld [tilespmem:$0xE860]  }
0xa7: {  	v28 =	vor.u32 v24, v6;
	[tilespmem:$0xF170] =	vst v2;
	v2 =	vand.u32 $0xFF, v25  }
0xa8: {  	v29 =	vand.u32 $0xFF00, v27;
	[tilespmem:$0xEDA0] =	vst v28;
	v4 =	vor.u32 v2, v4  }
0xa9: {  	v30 =	vand.u32 $0xFF, v27;
	v2 =	vor.u32 v2, v6;
	[tilespmem:$0xED90] =	vst v4;
	v4 =	vadd.s32 v0, v29  }
0xaa: {  	[tilespmem:$0xEDB0] =	vst v2;
	v32 =	vor.u32 v30, v4  }
0xab: {  	v33 =	vld [tilespmem:$0xE980];
	[tilespmem:$0xEDC0] =	vst v32;
	v2 =	vsub.f32 $0.0e+00, v3  }
0xac: {  	v31 =	vshrl.u32 v27, $0x10;
	[tilespmem:$0xF180] =	vst v3  }
0xad: {  	v6 =	vand.u32 $0xFF00, v31;
	[tilespmem:$0xF190] =	vst v2  }
0xae: {  	v6 =	vadd.s32 v0, v6;
	[tilespmem:$0xF1A0] =	vst v2;
	v2 =	vld [tilespmem:$0xE870]  }
0xaf: {  	v34 =	vor.u32 v30, v6;
	[tilespmem:$0xF1B0] =	vst v3;
	v3 =	vand.u32 $0xFF, v31  }
0xb0: {  	v35 =	vand.u32 $0xFF00, v33;
	[tilespmem:$0xEDE0] =	vst v34;
	v4 =	vor.u32 v3, v4  }
0xb1: {  	v36 =	vand.u32 $0xFF, v33;
	v3 =	vor.u32 v3, v6;
	[tilespmem:$0xEDD0] =	vst v4;
	v4 =	vadd.s32 v0, v35  }
0xb2: {  	[tilespmem:$0xEDF0] =	vst v3;
	v38 =	vor.u32 v36, v4  }
0xb3: {  	v39 =	vld [tilespmem:$0xE990];
	[tilespmem:$0xEE00] =	vst v38;
	v3 =	vsub.f32 $0.0e+00, v2  }
0xb4: {  	v37 =	vshrl.u32 v33, $0x10;
	[tilespmem:$0xF1C0] =	vst v2  }
0xb5: {  	v6 =	vand.u32 $0xFF00, v37;
	[tilespmem:$0xF1D0] =	vst v3  }
0xb6: {  	v6 =	vadd.s32 v0, v6;
	[tilespmem:$0xF1E0] =	vst v3;
	v3 =	vld [tilespmem:$0xE880]  }
0xb7: {  	v40 =	vor.u32 v36, v6;
	[tilespmem:$0xF1F0] =	vst v2;
	v2 =	vand.u32 $0xFF, v37  }
0xb8: {  	v41 =	vand.u32 $0xFF00, v39;
	[tilespmem:$0xEE20] =	vst v40;
	v4 =	vor.u32 v2, v4  }
0xb9: {  	v42 =	vand.u32 $0xFF, v39;
	v2 =	vor.u32 v2, v6;
	[tilespmem:$0xEE10] =	vst v4;
	v4 =	vadd.s32 v0, v41  }
0xba: {  	[tilespmem:$0xEE30] =	vst v2;
	v44 =	vor.u32 v42, v4  }
0xbb: {  	v45 =	vld [tilespmem:$0xE9A0];
	[tilespmem:$0xEE40] =	vst v44;
	v2 =	vsub.f32 $0.0e+00, v3  }
0xbc: {  	v43 =	vshrl.u32 v39, $0x10;
	[tilespmem:$0xF200] =	vst v3  }
0xbd: {  	v6 =	vand.u32 $0xFF00, v43;
	[tilespmem:$0xF210] =	vst v2  }
0xbe: {  	v6 =	vadd.s32 v0, v6;
	[tilespmem:$0xF220] =	vst v2;
	v2 =	vld [tilespmem:$0xE890]  }
0xbf: {  	v46 =	vor.u32 v42, v6;
	[tilespmem:$0xF230] =	vst v3;
	v3 =	vand.u32 $0xFF, v43  }
0xc0: {  	v47 =	vand.u32 $0xFF00, v45;
	[tilespmem:$0xEE60] =	vst v46;
	v4 =	vor.u32 v3, v4  }
0xc1: {  	v48 =	vand.u32 $0xFF, v45;
	v3 =	vor.u32 v3, v6;
	[tilespmem:$0xEE50] =	vst v4;
	v4 =	vadd.s32 v0, v47  }
0xc2: {  	[tilespmem:$0xEE70] =	vst v3;
	v50 =	vor.u32 v48, v4  }
0xc3: {  	v51 =	vld [tilespmem:$0xE9B0];
	[tilespmem:$0xEE80] =	vst v50;
	v3 =	vsub.f32 $0.0e+00, v2  }
0xc4: {  	v49 =	vshrl.u32 v45, $0x10;
	[tilespmem:$0xF240] =	vst v2  }
0xc5: {  	v6 =	vand.u32 $0xFF00, v49;
	[tilespmem:$0xF250] =	vst v3  }
0xc6: {  	v6 =	vadd.s32 v0, v6;
	[tilespmem:$0xF260] =	vst v3;
	v3 =	vld [tilespmem:$0xE8A0]  }
0xc7: {  	v52 =	vor.u32 v48, v6;
	[tilespmem:$0xF270] =	vst v2;
	v2 =	vand.u32 $0xFF, v49  }
0xc8: {  	v53 =	vand.u32 $0xFF00, v51;
	[tilespmem:$0xEEA0] =	vst v52;
	v4 =	vor.u32 v2, v4  }
0xc9: {  	v54 =	vand.u32 $0xFF, v51;
	v2 =	vor.u32 v2, v6;
	[tilespmem:$0xEE90] =	vst v4;
	v4 =	vadd.s32 v0, v53  }
0xca: {  	[tilespmem:$0xEEB0] =	vst v2;
	v56 =	vor.u32 v54, v4  }
0xcb: {  	v57 =	vld [tilespmem:$0xE9C0];
	[tilespmem:$0xEEC0] =	vst v56;
	v2 =	vsub.f32 $0.0e+00, v3  }
0xcc: {  	v55 =	vshrl.u32 v51, $0x10;
	[tilespmem:$0xF280] =	vst v3  }
0xcd: {  	v6 =	vand.u32 $0xFF00, v55;
	[tilespmem:$0xF290] =	vst v2  }
0xce: {  	v6 =	vadd.s32 v0, v6;
	[tilespmem:$0xF2A0] =	vst v2;
	v2 =	vld [tilespmem:$0xE8B0]  }
0xcf: {  	v58 =	vor.u32 v54, v6;
	[tilespmem:$0xF2B0] =	vst v3;
	v3 =	vand.u32 $0xFF, v55  }
0xd0: {  	v59 =	vand.u32 $0xFF00, v57;
	[tilespmem:$0xEEE0] =	vst v58;
	v4 =	vor.u32 v3, v4  }
0xd1: {  	v60 =	vand.u32 $0xFF, v57;
	v3 =	vor.u32 v3, v6;
	[tilespmem:$0xEED0] =	vst v4;
	v4 =	vadd.s32 v0, v59  }
0xd2: {  	[tilespmem:$0xEEF0] =	vst v3;
	v62 =	vor.u32 v60, v4  }
0xd3: {  	v63 =	vld [tilespmem:$0xE9D0];
	[tilespmem:$0xEF00] =	vst v62;
	v3 =	vsub.f32 $0.0e+00, v2  }
0xd4: {  	v61 =	vshrl.u32 v57, $0x10;
	[tilespmem:$0xF2C0] =	vst v2  }
0xd5: {  	v6 =	vand.u32 $0xFF00, v61;
	[tilespmem:$0xF2D0] =	vst v3  }
0xd6: {  	v6 =	vadd.s32 v0, v6;
	[tilespmem:$0xF2E0] =	vst v3;
	v3 =	vld [tilespmem:$0xE8C0]  }
0xd7: {  	v8 =	vor.u32 v60, v6;
	[tilespmem:$0xF2F0] =	vst v2;
	v2 =	vand.u32 $0xFF, v61  }
0xd8: {  	v9 =	vand.u32 $0xFF00, v63;
	[tilespmem:$0xEF20] =	vst v8;
	v4 =	vor.u32 v2, v4  }
0xd9: {  	v10 =	vand.u32 $0xFF, v63;
	v2 =	vor.u32 v2, v6;
	[tilespmem:$0xEF10] =	vst v4;
	v4 =	vadd.s32 v0, v9  }
0xda: {  	[tilespmem:$0xEF30] =	vst v2;
	v12 =	vor.u32 v10, v4  }
0xdb: {  	v13 =	vld [tilespmem:$0xE9E0];
	[tilespmem:$0xEF40] =	vst v12;
	v2 =	vsub.f32 $0.0e+00, v3  }
0xdc: {  	v11 =	vshrl.u32 v63, $0x10;
	[tilespmem:$0xF300] =	vst v3  }
0xdd: {  	v6 =	vand.u32 $0xFF00, v11;
	[tilespmem:$0xF310] =	vst v2  }
0xde: {  	v6 =	vadd.s32 v0, v6;
	[tilespmem:$0xF320] =	vst v2;
	v2 =	vld [tilespmem:$0xE8D0]  }
0xdf: {  	v14 =	vor.u32 v10, v6;
	[tilespmem:$0xF330] =	vst v3;
	v3 =	vand.u32 $0xFF, v11  }
0xe0: {  	v15 =	vand.u32 $0xFF00, v13;
	[tilespmem:$0xEF60] =	vst v14;
	v4 =	vor.u32 v3, v4  }
0xe1: {  	v16 =	vand.u32 $0xFF, v13;
	v3 =	vor.u32 v3, v6;
	[tilespmem:$0xEF50] =	vst v4;
	v4 =	vadd.s32 v0, v15  }
0xe2: {  	[tilespmem:$0xEF70] =	vst v3;
	v18 =	vor.u32 v16, v4  }
0xe3: {  	v19 =	vld [tilespmem:$0xE9F0];
	[tilespmem:$0xEF80] =	vst v18;
	v3 =	vsub.f32 $0.0e+00, v2  }
0xe4: {  	v17 =	vshrl.u32 v13, $0x10;
	[tilespmem:$0xF340] =	vst v2  }
0xe5: {  	v6 =	vand.u32 $0xFF00, v17;
	[tilespmem:$0xF350] =	vst v3  }
0xe6: {  	v6 =	vadd.s32 v0, v6;
	[tilespmem:$0xF360] =	vst v3;
	v3 =	vld [tilespmem:$0xE8E0]  }
0xe7: {  	v20 =	vor.u32 v16, v6;
	[tilespmem:$0xF370] =	vst v2;
	v2 =	vand.u32 $0xFF, v17  }
0xe8: {  	v21 =	vand.u32 $0xFF00, v19;
	[tilespmem:$0xEFA0] =	vst v20;
	v4 =	vor.u32 v2, v4  }
0xe9: {  	v22 =	vand.u32 $0xFF, v19;
	v2 =	vor.u32 v2, v6;
	[tilespmem:$0xEF90] =	vst v4;
	v4 =	vadd.s32 v0, v21  }
0xea: {  	[tilespmem:$0xEFB0] =	vst v2;
	v24 =	vor.u32 v22, v4  }
0xeb: {  	[tilespmem:$0xEFC0] =	vst v24;
	v2 =	vsub.f32 $0.0e+00, v3  }
0xec: {  	v23 =	vshrl.u32 v19, $0x10;
	[tilespmem:$0xF380] =	vst v3  }
0xed: {  	v6 =	vand.u32 $0xFF00, v23;
	[tilespmem:$0xF390] =	vst v2  }
0xee: {  	v6 =	vadd.s32 v0, v6;
	[tilespmem:$0xF3A0] =	vst v2;
	v2 =	vld [tilespmem:$0xE8F0]  }
0xef: {  	v25 =	vor.u32 v22, v6;
	[tilespmem:$0xF3B0] =	vst v3;
	v3 =	vand.u32 $0xFF, v23  }
0xf0: {  	[tilespmem:$0xEFE0] =	vst v25;
	v4 =	vor.u32 v3, v4  }
0xf1: {  	v3 =	vor.u32 v3, v6;
	[tilespmem:$0xEFD0] =	vst v4  }
0xf2: {  	[tilespmem:$0xEFF0] =	vst v3  }
0xf3: {  	v3 =	vsub.f32 $0.0e+00, v2;
	[tilespmem:$0xF3C0] =	vst v2  }
0xf4: {  	[tilespmem:$0xF3F0] =	vst v2  }
0xf5: {  	[tilespmem:$0xF3D0] =	vst v3  }
0xf6: {  	s9 =	simm.s32 $0xEC00;
	s10 =	simm.s32 $0xF000;
	[tilespmem:$0xF3E0] =	vst v3  }
0xf7: {  	[spmem:s2] =	stream.indirect.scatter.add.f32 [tilespmem:s10], [sflag:$0x3], $0x1, s9, s29, $0xb8;
	[tilespmem:$0x13600] =	vst v63  }
0xf8: {  	s9 =	simm.s32 $0xEC80;
	s10 =	simm.s32 $0xF080  }
0xf9: {  	[spmem:s2] =	stream.indirect.scatter.add.f32 [tilespmem:s10], [sflag:$0x3], $0x1, s9, s29, $0xb8;
	[tilespmem:$0x13600] =	vst v63  }
0xfa: {  	s9 =	simm.s32 $0xED00;
	s10 =	simm.s32 $0xF100  }
0xfb: {  	[spmem:s2] =	stream.indirect.scatter.add.f32 [tilespmem:s10], [sflag:$0x3], $0x1, s9, s29, $0xb8;
	[tilespmem:$0x13600] =	vst v63  }
0xfc: {  	s9 =	simm.s32 $0xED80;
	s10 =	simm.s32 $0xF180  }
0xfd: {  	[spmem:s2] =	stream.indirect.scatter.add.f32 [tilespmem:s10], [sflag:$0x3], $0x1, s9, s29, $0xb8;
	[tilespmem:$0x13600] =	vst v63  }
0xfe: {  	s9 =	simm.s32 $0xEE00;
	s10 =	simm.s32 $0xF200  }
0xff: {  	[spmem:s2] =	stream.indirect.scatter.add.f32 [tilespmem:s10], [sflag:$0x3], $0x1, s9, s29, $0xb8;
	[tilespmem:$0x13600] =	vst v63  }
0x100: {  	s9 =	simm.s32 $0xEE80;
	s10 =	simm.s32 $0xF280  }
0x101: {  	[spmem:s2] =	stream.indirect.scatter.add.f32 [tilespmem:s10], [sflag:$0x3], $0x1, s9, s29, $0xb8;
	[tilespmem:$0x13600] =	vst v63  }
0x102: {  	s9 =	simm.s32 $0xEF00;
	s10 =	simm.s32 $0xF300  }
0x103: {  	[spmem:s2] =	stream.indirect.scatter.add.f32 [tilespmem:s10], [sflag:$0x3], $0x1, s9, s29, $0xb8;
	[tilespmem:$0x13600] =	vst v63  }
0x104: {  	s10 =	simm.s32 $0xEF80  }
0x105: {  	[spmem:s2] =	stream.indirect.scatter.add.f32 [tilespmem:s11], [sflag:$0x3], $0x1, s10, s29, $0xb8;
	[tilespmem:$0x13600] =	vst v63  }
0x106: {  	_ =	swait.ge [sflag:s25], $0x100  }
0x107: {  	[sflag:s25] =	ssyncset.done $0x0  }
0x108: {  	[sflag:s25] =	ssyncadd.s32 $0xFFFFFF00  }
0x109: {  	_ =	swait.ge [sflag:s25], $0x100  }
0x10a: {  	[sflag:s25] =	ssyncset.done $0x0  }
0x10b: {  	s8 =	simm.s32 @!p0 $0x4;
	[sflag:s25] =	ssyncadd.s32 $0xFFFFFF00  }
0x10c: {  	_ =	swait.ge @!p0 [sflag:s8], $0x80  }
0x10d: {  	[sflag:s8] =	ssyncset.done @!p0 $0x0  }
0x10e: {  	[sflag:s8] =	ssyncadd.s32 @!p0 $0xFFFFFF80  }
0x10f: {  	_ =	swait.ge @!p0 [sflag:s8], $0x80  }
0x110: {  	[sflag:s8] =	ssyncset.done @!p0 $0x0  }
0x111: {  	[sflag:s8] =	ssyncadd.s32 @!p0 $0xFFFFFF80  }
0x112: {  	_ =	swait.ge @!p0 [sflag:s8], $0x80  }
0x113: {  	[sflag:s8] =	ssyncset.done @!p0 $0x0  }
0x114: {  	[sflag:s8] =	ssyncadd.s32 @!p0 $0xFFFFFF80  }
0x115: {  	_ =	swait.ge @!p0 [sflag:s8], $0x80  }
0x116: {  	[sflag:s8] =	ssyncset.done @!p0 $0x0  }
0x117: {  	[sflag:s8] =	ssyncadd.s32 @!p0 $0xFFFFFF80  }
0x118: {  	_ =	swait.ge @!p0 [sflag:s8], $0x80  }
0x119: {  	[sflag:s8] =	ssyncset.done @!p0 $0x0  }
0x11a: {  	[sflag:s8] =	ssyncadd.s32 @!p0 $0xFFFFFF80  }
0x11b: {  	_ =	swait.ge @!p0 [sflag:s8], $0x80  }
0x11c: {  	[sflag:s8] =	ssyncset.done @!p0 $0x0  }
0x11d: {  	[sflag:s8] =	ssyncadd.s32 @!p0 $0xFFFFFF80  }
0x11e: {  	_ =	swait.ge @!p0 [sflag:s8], $0x80  }
0x11f: {  	[sflag:s8] =	ssyncset.done @!p0 $0x0  }
0x120: {  	[sflag:s8] =	ssyncadd.s32 @!p0 $0xFFFFFF80  }
0x121: {  	_ =	swait.ge @!p0 [sflag:s8], $0x80  }
0x122: {  	[sflag:s8] =	ssyncset.done @!p0 $0x0  }
0x123: {  	[sflag:s8] =	ssyncadd.s32 @!p0 $0xFFFFFF80  }
0x124: {  	v2 =	vld [tilespmem:$0xEB00]  }
0x125: {  	v26 =	vld [tilespmem:$0xEA00];
	_ =	sdelay $0x3  }
0x126: {  	v30 =	vld [tilespmem:$0xEB10];
	v3 =	vand.u32 $0xFF00, v2  }
0x127: {  	v35 =	vld [tilespmem:$0xEB20];
	v27 =	vand.u32 $0xFF, v2;
	v2 =	vshrl.u32 v2, $0x10;
	[tilespmem:$0xF800] =	vst v26;
	v3 =	vadd.s32 v0, v3  }
0x128: {  	[tilespmem:$0xF830] =	vst v26;
	v28 =	vand.u32 $0xFF, v2;
	v2 =	vand.u32 $0xFF00, v2;
	v29 =	vor.u32 v27, v3  }
0x129: {  	v2 =	vadd.s32 v0, v2;
	v3 =	vor.u32 v28, v3;
	[tilespmem:$0xF400] =	vst v29  }
0x12a: {  	[tilespmem:$0xF410] =	vst v3;
	v3 =	vor.u32 v27, v2;
	v2 =	vor.u32 v28, v2  }
0x12b: {  	[tilespmem:$0xF430] =	vst v2;
	v2 =	vsub.f32 $0.0e+00, v26  }
0x12c: {  	v31 =	vand.u32 $0xFF, v30;
	v36 =	vand.u32 $0xFF00, v35;
	[tilespmem:$0xF420] =	vst v3  }
0x12d: {  	v37 =	vand.u32 $0xFF, v35;
	v4 =	vadd.s32 v0, v36;
	v3 =	vand.u32 $0xFF00, v30;
	[tilespmem:$0xF810] =	vst v2  }
0x12e: {  	v32 =	vshrl.u32 v30, $0x10;
	v39 =	vor.u32 v37, v4;
	v3 =	vadd.s32 v0, v3;
	[tilespmem:$0xF820] =	vst v2;
	v2 =	vld [tilespmem:$0xEA10]  }
0x12f: {  	v33 =	vand.u32 $0xFF, v32;
	v6 =	vand.u32 $0xFF00, v32;
	[tilespmem:$0xF480] =	vst v39;
	v34 =	vor.u32 v31, v3  }
0x130: {  	v6 =	vadd.s32 v0, v6;
	v3 =	vor.u32 v33, v3;
	[tilespmem:$0xF440] =	vst v34  }
0x131: {  	[tilespmem:$0xF450] =	vst v3;
	v3 =	vor.u32 v31, v6  }
0x132: {  	[tilespmem:$0xF460] =	vst v3;
	v3 =	vor.u32 v33, v6  }
0x133: {  	v40 =	vld [tilespmem:$0xEB30];
	[tilespmem:$0xF470] =	vst v3;
	v3 =	vsub.f32 $0.0e+00, v2  }
0x134: {  	v38 =	vshrl.u32 v35, $0x10;
	[tilespmem:$0xF840] =	vst v2  }
0x135: {  	v6 =	vand.u32 $0xFF00, v38;
	[tilespmem:$0xF850] =	vst v3  }
0x136: {  	v6 =	vadd.s32 v0, v6;
	[tilespmem:$0xF860] =	vst v3;
	v3 =	vld [tilespmem:$0xEA20]  }
0x137: {  	v41 =	vor.u32 v37, v6;
	[tilespmem:$0xF870] =	vst v2;
	v2 =	vand.u32 $0xFF, v38  }
0x138: {  	v42 =	vand.u32 $0xFF00, v40;
	[tilespmem:$0xF4A0] =	vst v41;
	v4 =	vor.u32 v2, v4  }
0x139: {  	v43 =	vand.u32 $0xFF, v40;
	v2 =	vor.u32 v2, v6;
	[tilespmem:$0xF490] =	vst v4;
	v4 =	vadd.s32 v0, v42  }
0x13a: {  	[tilespmem:$0xF4B0] =	vst v2;
	v45 =	vor.u32 v43, v4  }
0x13b: {  	v46 =	vld [tilespmem:$0xEB40];
	[tilespmem:$0xF4C0] =	vst v45;
	v2 =	vsub.f32 $0.0e+00, v3  }
0x13c: {  	v44 =	vshrl.u32 v40, $0x10;
	[tilespmem:$0xF880] =	vst v3  }
0x13d: {  	v6 =	vand.u32 $0xFF00, v44;
	[tilespmem:$0xF890] =	vst v2  }
0x13e: {  	v6 =	vadd.s32 v0, v6;
	[tilespmem:$0xF8A0] =	vst v2;
	v2 =	vld [tilespmem:$0xEA30]  }
0x13f: {  	v47 =	vor.u32 v43, v6;
	[tilespmem:$0xF8B0] =	vst v3;
	v3 =	vand.u32 $0xFF, v44  }
0x140: {  	v48 =	vand.u32 $0xFF00, v46;
	[tilespmem:$0xF4E0] =	vst v47;
	v4 =	vor.u32 v3, v4  }
0x141: {  	v49 =	vand.u32 $0xFF, v46;
	v3 =	vor.u32 v3, v6;
	[tilespmem:$0xF4D0] =	vst v4;
	v4 =	vadd.s32 v0, v48  }
0x142: {  	[tilespmem:$0xF4F0] =	vst v3;
	v51 =	vor.u32 v49, v4  }
0x143: {  	v52 =	vld [tilespmem:$0xEB50];
	[tilespmem:$0xF500] =	vst v51;
	v3 =	vsub.f32 $0.0e+00, v2  }
0x144: {  	v50 =	vshrl.u32 v46, $0x10;
	[tilespmem:$0xF8C0] =	vst v2  }
0x145: {  	v6 =	vand.u32 $0xFF00, v50;
	[tilespmem:$0xF8D0] =	vst v3  }
0x146: {  	v6 =	vadd.s32 v0, v6;
	[tilespmem:$0xF8E0] =	vst v3;
	v3 =	vld [tilespmem:$0xEA40]  }
0x147: {  	v53 =	vor.u32 v49, v6;
	[tilespmem:$0xF8F0] =	vst v2;
	v2 =	vand.u32 $0xFF, v50  }
0x148: {  	v54 =	vand.u32 $0xFF00, v52;
	[tilespmem:$0xF520] =	vst v53;
	v4 =	vor.u32 v2, v4  }
0x149: {  	v55 =	vand.u32 $0xFF, v52;
	v2 =	vor.u32 v2, v6;
	[tilespmem:$0xF510] =	vst v4;
	v4 =	vadd.s32 v0, v54  }
0x14a: {  	[tilespmem:$0xF530] =	vst v2;
	v57 =	vor.u32 v55, v4  }
0x14b: {  	v58 =	vld [tilespmem:$0xEB60];
	[tilespmem:$0xF540] =	vst v57;
	v2 =	vsub.f32 $0.0e+00, v3  }
0x14c: {  	v56 =	vshrl.u32 v52, $0x10;
	[tilespmem:$0xF900] =	vst v3  }
0x14d: {  	v6 =	vand.u32 $0xFF00, v56;
	[tilespmem:$0xF910] =	vst v2  }
0x14e: {  	v6 =	vadd.s32 v0, v6;
	[tilespmem:$0xF920] =	vst v2;
	v2 =	vld [tilespmem:$0xEA50]  }
0x14f: {  	v59 =	vor.u32 v55, v6;
	[tilespmem:$0xF930] =	vst v3;
	v3 =	vand.u32 $0xFF, v56  }
0x150: {  	v60 =	vand.u32 $0xFF00, v58;
	[tilespmem:$0xF560] =	vst v59;
	v4 =	vor.u32 v3, v4  }
0x151: {  	v61 =	vand.u32 $0xFF, v58;
	v3 =	vor.u32 v3, v6;
	[tilespmem:$0xF550] =	vst v4;
	v4 =	vadd.s32 v0, v60  }
0x152: {  	[tilespmem:$0xF570] =	vst v3;
	v63 =	vor.u32 v61, v4  }
0x153: {  	v9 =	vld [tilespmem:$0xEB70];
	[tilespmem:$0xF580] =	vst v63;
	v3 =	vsub.f32 $0.0e+00, v2  }
0x154: {  	v62 =	vshrl.u32 v58, $0x10;
	[tilespmem:$0xF940] =	vst v2  }
0x155: {  	v6 =	vand.u32 $0xFF00, v62;
	[tilespmem:$0xF950] =	vst v3  }
0x156: {  	v6 =	vadd.s32 v0, v6;
	[tilespmem:$0xF960] =	vst v3;
	v3 =	vld [tilespmem:$0xEA60]  }
0x157: {  	v10 =	vor.u32 v61, v6;
	[tilespmem:$0xF970] =	vst v2;
	v2 =	vand.u32 $0xFF, v62  }
0x158: {  	v11 =	vand.u32 $0xFF00, v9;
	[tilespmem:$0xF5A0] =	vst v10;
	v4 =	vor.u32 v2, v4  }
0x159: {  	v12 =	vand.u32 $0xFF, v9;
	v2 =	vor.u32 v2, v6;
	[tilespmem:$0xF590] =	vst v4;
	v4 =	vadd.s32 v0, v11  }
0x15a: {  	[tilespmem:$0xF5B0] =	vst v2;
	v14 =	vor.u32 v12, v4  }
0x15b: {  	v15 =	vld [tilespmem:$0xEB80];
	[tilespmem:$0xF5C0] =	vst v14;
	v2 =	vsub.f32 $0.0e+00, v3  }
0x15c: {  	v13 =	vshrl.u32 v9, $0x10;
	[tilespmem:$0xF980] =	vst v3  }
0x15d: {  	v6 =	vand.u32 $0xFF00, v13;
	[tilespmem:$0xF990] =	vst v2  }
0x15e: {  	v6 =	vadd.s32 v0, v6;
	[tilespmem:$0xF9A0] =	vst v2;
	v2 =	vld [tilespmem:$0xEA70]  }
0x15f: {  	v16 =	vor.u32 v12, v6;
	[tilespmem:$0xF9B0] =	vst v3;
	v3 =	vand.u32 $0xFF, v13  }
0x160: {  	v17 =	vand.u32 $0xFF00, v15;
	[tilespmem:$0xF5E0] =	vst v16;
	v4 =	vor.u32 v3, v4  }
0x161: {  	v18 =	vand.u32 $0xFF, v15;
	v3 =	vor.u32 v3, v6;
	[tilespmem:$0xF5D0] =	vst v4;
	v4 =	vadd.s32 v0, v17  }
0x162: {  	[tilespmem:$0xF5F0] =	vst v3;
	v20 =	vor.u32 v18, v4  }
0x163: {  	v21 =	vld [tilespmem:$0xEB90];
	[tilespmem:$0xF600] =	vst v20;
	v3 =	vsub.f32 $0.0e+00, v2  }
0x164: {  	v19 =	vshrl.u32 v15, $0x10;
	[tilespmem:$0xF9C0] =	vst v2  }
0x165: {  	v6 =	vand.u32 $0xFF00, v19;
	[tilespmem:$0xF9D0] =	vst v3  }
0x166: {  	v6 =	vadd.s32 v0, v6;
	[tilespmem:$0xF9E0] =	vst v3;
	v3 =	vld [tilespmem:$0xEA80]  }
0x167: {  	v22 =	vor.u32 v18, v6;
	[tilespmem:$0xF9F0] =	vst v2;
	v2 =	vand.u32 $0xFF, v19  }
0x168: {  	v23 =	vand.u32 $0xFF00, v21;
	[tilespmem:$0xF620] =	vst v22;
	v4 =	vor.u32 v2, v4  }
0x169: {  	v24 =	vand.u32 $0xFF, v21;
	v2 =	vor.u32 v2, v6;
	[tilespmem:$0xF610] =	vst v4;
	v4 =	vadd.s32 v0, v23  }
0x16a: {  	[tilespmem:$0xF630] =	vst v2;
	v26 =	vor.u32 v24, v4  }
0x16b: {  	v27 =	vld [tilespmem:$0xEBA0];
	[tilespmem:$0xF640] =	vst v26;
	v2 =	vsub.f32 $0.0e+00, v3  }
0x16c: {  	v25 =	vshrl.u32 v21, $0x10;
	[tilespmem:$0xFA00] =	vst v3  }
0x16d: {  	v6 =	vand.u32 $0xFF00, v25;
	[tilespmem:$0xFA10] =	vst v2  }
0x16e: {  	v6 =	vadd.s32 v0, v6;
	[tilespmem:$0xFA20] =	vst v2;
	v2 =	vld [tilespmem:$0xEA90]  }
0x16f: {  	v28 =	vor.u32 v24, v6;
	[tilespmem:$0xFA30] =	vst v3;
	v3 =	vand.u32 $0xFF, v25  }
0x170: {  	v29 =	vand.u32 $0xFF00, v27;
	[tilespmem:$0xF660] =	vst v28;
	v4 =	vor.u32 v3, v4  }
0x171: {  	v30 =	vand.u32 $0xFF, v27;
	v3 =	vor.u32 v3, v6;
	[tilespmem:$0xF650] =	vst v4;
	v4 =	vadd.s32 v0, v29  }
0x172: {  	[tilespmem:$0xF670] =	vst v3;
	v32 =	vor.u32 v30, v4  }
0x173: {  	v33 =	vld [tilespmem:$0xEBB0];
	[tilespmem:$0xF680] =	vst v32;
	v3 =	vsub.f32 $0.0e+00, v2  }
0x174: {  	v31 =	vshrl.u32 v27, $0x10;
	[tilespmem:$0xFA40] =	vst v2  }
0x175: {  	v6 =	vand.u32 $0xFF00, v31;
	[tilespmem:$0xFA50] =	vst v3  }
0x176: {  	v6 =	vadd.s32 v0, v6;
	[tilespmem:$0xFA60] =	vst v3;
	v3 =	vld [tilespmem:$0xEAA0]  }
0x177: {  	v34 =	vor.u32 v30, v6;
	[tilespmem:$0xFA70] =	vst v2;
	v2 =	vand.u32 $0xFF, v31  }
0x178: {  	v35 =	vand.u32 $0xFF00, v33;
	[tilespmem:$0xF6A0] =	vst v34;
	v4 =	vor.u32 v2, v4  }
0x179: {  	v36 =	vand.u32 $0xFF, v33;
	v2 =	vor.u32 v2, v6;
	[tilespmem:$0xF690] =	vst v4;
	v4 =	vadd.s32 v0, v35  }
0x17a: {  	[tilespmem:$0xF6B0] =	vst v2;
	v38 =	vor.u32 v36, v4  }
0x17b: {  	v39 =	vld [tilespmem:$0xEBC0];
	[tilespmem:$0xF6C0] =	vst v38;
	v2 =	vsub.f32 $0.0e+00, v3  }
0x17c: {  	v37 =	vshrl.u32 v33, $0x10;
	[tilespmem:$0xFA80] =	vst v3  }
0x17d: {  	v6 =	vand.u32 $0xFF00, v37;
	[tilespmem:$0xFA90] =	vst v2  }
0x17e: {  	v6 =	vadd.s32 v0, v6;
	[tilespmem:$0xFAA0] =	vst v2;
	v2 =	vld [tilespmem:$0xEAB0]  }
0x17f: {  	v40 =	vor.u32 v36, v6;
	[tilespmem:$0xFAB0] =	vst v3;
	v3 =	vand.u32 $0xFF, v37  }
0x180: {  	v41 =	vand.u32 $0xFF00, v39;
	[tilespmem:$0xF6E0] =	vst v40;
	v4 =	vor.u32 v3, v4  }
0x181: {  	v42 =	vand.u32 $0xFF, v39;
	v3 =	vor.u32 v3, v6;
	[tilespmem:$0xF6D0] =	vst v4;
	v4 =	vadd.s32 v0, v41  }
0x182: {  	[tilespmem:$0xF6F0] =	vst v3;
	v44 =	vor.u32 v42, v4  }
0x183: {  	v45 =	vld [tilespmem:$0xEBD0];
	[tilespmem:$0xF700] =	vst v44;
	v3 =	vsub.f32 $0.0e+00, v2  }
0x184: {  	v43 =	vshrl.u32 v39, $0x10;
	[tilespmem:$0xFAC0] =	vst v2  }
0x185: {  	v6 =	vand.u32 $0xFF00, v43;
	[tilespmem:$0xFAD0] =	vst v3  }
0x186: {  	v6 =	vadd.s32 v0, v6;
	[tilespmem:$0xFAE0] =	vst v3;
	v3 =	vld [tilespmem:$0xEAC0]  }
0x187: {  	v46 =	vor.u32 v42, v6;
	[tilespmem:$0xFAF0] =	vst v2;
	v2 =	vand.u32 $0xFF, v43  }
0x188: {  	v47 =	vand.u32 $0xFF00, v45;
	[tilespmem:$0xF720] =	vst v46;
	v4 =	vor.u32 v2, v4  }
0x189: {  	v48 =	vand.u32 $0xFF, v45;
	v2 =	vor.u32 v2, v6;
	[tilespmem:$0xF710] =	vst v4;
	v4 =	vadd.s32 v0, v47  }
0x18a: {  	[tilespmem:$0xF730] =	vst v2;
	v50 =	vor.u32 v48, v4  }
0x18b: {  	v51 =	vld [tilespmem:$0xEBE0];
	[tilespmem:$0xF740] =	vst v50;
	v2 =	vsub.f32 $0.0e+00, v3  }
0x18c: {  	v49 =	vshrl.u32 v45, $0x10;
	[tilespmem:$0xFB00] =	vst v3  }
0x18d: {  	v6 =	vand.u32 $0xFF00, v49;
	[tilespmem:$0xFB10] =	vst v2  }
0x18e: {  	v6 =	vadd.s32 v0, v6;
	[tilespmem:$0xFB20] =	vst v2;
	v2 =	vld [tilespmem:$0xEAD0]  }
0x18f: {  	v52 =	vor.u32 v48, v6;
	[tilespmem:$0xFB30] =	vst v3;
	v3 =	vand.u32 $0xFF, v49  }
0x190: {  	v53 =	vand.u32 $0xFF00, v51;
	[tilespmem:$0xF760] =	vst v52;
	v4 =	vor.u32 v3, v4  }
0x191: {  	v54 =	vand.u32 $0xFF, v51;
	v3 =	vor.u32 v3, v6;
	[tilespmem:$0xF750] =	vst v4;
	v4 =	vadd.s32 v0, v53  }
0x192: {  	[tilespmem:$0xF770] =	vst v3;
	v56 =	vor.u32 v54, v4  }
0x193: {  	v57 =	vld [tilespmem:$0xEBF0];
	[tilespmem:$0xF780] =	vst v56;
	v3 =	vsub.f32 $0.0e+00, v2  }
0x194: {  	v55 =	vshrl.u32 v51, $0x10;
	[tilespmem:$0xFB40] =	vst v2  }
0x195: {  	v6 =	vand.u32 $0xFF00, v55;
	[tilespmem:$0xFB50] =	vst v3  }
0x196: {  	v6 =	vadd.s32 v0, v6;
	[tilespmem:$0xFB60] =	vst v3;
	v3 =	vld [tilespmem:$0xEAE0]  }
0x197: {  	v58 =	vor.u32 v54, v6;
	[tilespmem:$0xFB70] =	vst v2;
	v2 =	vand.u32 $0xFF, v55  }
0x198: {  	v59 =	vand.u32 $0xFF00, v57;
	[tilespmem:$0xF7A0] =	vst v58;
	v4 =	vor.u32 v2, v4  }
0x199: {  	v60 =	vand.u32 $0xFF, v57;
	v2 =	vor.u32 v2, v6;
	[tilespmem:$0xF790] =	vst v4;
	v4 =	vadd.s32 v0, v59  }
0x19a: {  	[tilespmem:$0xF7B0] =	vst v2;
	v62 =	vor.u32 v60, v4  }
0x19b: {  	[tilespmem:$0xF7C0] =	vst v62;
	v2 =	vsub.f32 $0.0e+00, v3  }
0x19c: {  	v61 =	vshrl.u32 v57, $0x10;
	[tilespmem:$0xFB80] =	vst v3  }
0x19d: {  	v6 =	vand.u32 $0xFF00, v61;
	[tilespmem:$0xFB90] =	vst v2  }
0x19e: {  	v6 =	vadd.s32 v0, v6;
	[tilespmem:$0xFBA0] =	vst v2;
	v2 =	vld [tilespmem:$0xEAF0]  }
0x19f: {  	v63 =	vor.u32 v60, v6;
	[tilespmem:$0xFBB0] =	vst v3;
	v3 =	vand.u32 $0xFF, v61  }
0x1a0: {  	[tilespmem:$0xF7E0] =	vst v63;
	v4 =	vor.u32 v3, v4  }
0x1a1: {  	v3 =	vor.u32 v3, v6;
	[tilespmem:$0xF7D0] =	vst v4  }
0x1a2: {  	[tilespmem:$0xF7F0] =	vst v3  }
0x1a3: {  	v3 =	vsub.f32 $0.0e+00, v2;
	[tilespmem:$0xFBC0] =	vst v2  }
0x1a4: {  	[tilespmem:$0xFBF0] =	vst v2  }
0x1a5: {  	[tilespmem:$0xFBD0] =	vst v3  }
0x1a6: {  	[tilespmem:$0xFBE0] =	vst v3  }
0x1a7: {  	[spmem:s2] =	stream.indirect.scatter.add.f32 [tilespmem:s4], [sflag:$0x4], $0x1, s26, s29, $0xb8;
	[tilespmem:$0x13600] =	vst v63  }
0x1a8: {  	_ = 	snop  }
0x1a9: {  	[spmem:s2] =	stream.indirect.scatter.add.f32 [tilespmem:s1], [sflag:$0x4], $0x1, s30, s29, $0xb8;
	[tilespmem:$0x13600] =	vst v63  }
0x1aa: {  	_ = 	snop  }
0x1ab: {  	[spmem:s2] =	stream.indirect.scatter.add.f32 [tilespmem:s5], [sflag:$0x4], $0x1, s0, s29, $0xb8;
	[tilespmem:$0x13600] =	vst v63  }
0x1ac: {  	_ = 	snop  }
0x1ad: {  	[spmem:s2] =	stream.indirect.scatter.add.f32 [tilespmem:s12], [sflag:$0x4], $0x1, s6, s29, $0xb8;
	[tilespmem:$0x13600] =	vst v63  }
0x1ae: {  	_ = 	snop  }
0x1af: {  	[spmem:s2] =	stream.indirect.scatter.add.f32 [tilespmem:s14], [sflag:$0x4], $0x1, s13, s29, $0xb8;
	[tilespmem:$0x13600] =	vst v63  }
0x1b0: {  	_ = 	snop  }
0x1b1: {  	[spmem:s2] =	stream.indirect.scatter.add.f32 [tilespmem:s16], [sflag:$0x4], $0x1, s15, s29, $0xb8;
	[tilespmem:$0x13600] =	vst v63  }
0x1b2: {  	_ = 	snop  }
0x1b3: {  	[spmem:s2] =	stream.indirect.scatter.add.f32 [tilespmem:s22], [sflag:$0x4], $0x1, s17, s29, $0xb8;
	[tilespmem:$0x13600] =	vst v63  }
0x1b4: {  	p0 =	seq.s32 s7, $0x4C0  }
0x1b5: {  	[spmem:s2] =	stream.indirect.scatter.add.f32 [tilespmem:s24], [sflag:$0x4], $0x1, s23, s29, $0xb8;
	[tilespmem:$0x13600] =	vst v63  }
0x1b6: {  	s8 =	sadd.s32 @!p0 s7, s19;
	s9 =	simm.s32 @!p0 $0x0;
	s10 =	simm.s32 @!p0 $0xE800  }
0x1b7: {  	[tilespmem:s10], [sflag:$0x1] =	stream.linear.gather @!p0 [hbm4b:s8+s9], $0x100, $0x38;
	[tilespmem:$0x13600] =	vst v63  }
0x1b8: {  	s8 =	sadd.s32 @!p0 s7, s18;
	s7 =	sadd.s32 @!p0 $0x40, s7  }
0x1b9: {  	s10 =	simm.s32 @!p0 $0xE900;
	p1 =	sne.s32 @!p0 s7, $0x500  }
0x1ba: {  	[tilespmem:s10], [sflag:$0x1] =	stream.linear.gather @!p0 [hbm4b:s8+s9], $0x100, $0x38;
	[tilespmem:$0x13600] =	vst v63  }
0x1bb: {  	p0 =	por p0, !p1  }
.Ltmp1:
0x1bc: {  	_ = 	snop;
	(pc) =	sbr.rel @!p0 .LBB2_4-.Ltmp1, $1  }
0x1bd: {  	_ =	sdelay $0x3  }
0x1be: {  	s0 =	simm.s32 $0x3  }
0x1bf: {  	_ =	swait.ge [sflag:s0], $0x80  }
0x1c0: {  	[sflag:s0] =	ssyncset.done $0x0  }
0x1c1: {  	[sflag:s0] =	ssyncadd.s32 $0xFFFFFF80  }
0x1c2: {  	_ =	swait.ge [sflag:s0], $0x80  }
0x1c3: {  	[sflag:s0] =	ssyncset.done $0x0  }
0x1c4: {  	[sflag:s0] =	ssyncadd.s32 $0xFFFFFF80  }
0x1c5: {  	_ =	swait.ge [sflag:s0], $0x80  }
0x1c6: {  	[sflag:s0] =	ssyncset.done $0x0  }
0x1c7: {  	[sflag:s0] =	ssyncadd.s32 $0xFFFFFF80  }
0x1c8: {  	_ =	swait.ge [sflag:s0], $0x80  }
0x1c9: {  	[sflag:s0] =	ssyncset.done $0x0  }
0x1ca: {  	[sflag:s0] =	ssyncadd.s32 $0xFFFFFF80  }
0x1cb: {  	_ =	swait.ge [sflag:s0], $0x80  }
0x1cc: {  	[sflag:s0] =	ssyncset.done $0x0  }
0x1cd: {  	[sflag:s0] =	ssyncadd.s32 $0xFFFFFF80  }
0x1ce: {  	_ =	swait.ge [sflag:s0], $0x80  }
0x1cf: {  	[sflag:s0] =	ssyncset.done $0x0  }
0x1d0: {  	[sflag:s0] =	ssyncadd.s32 $0xFFFFFF80  }
0x1d1: {  	_ =	swait.ge [sflag:s0], $0x80  }
0x1d2: {  	[sflag:s0] =	ssyncset.done $0x0  }
0x1d3: {  	[sflag:s0] =	ssyncadd.s32 $0xFFFFFF80  }
0x1d4: {  	_ =	swait.ge [sflag:s0], $0x80  }
0x1d5: {  	[sflag:s0] =	ssyncset.done $0x0  }
0x1d6: {  	s10 =	simm.s32 $0x4;
	[sflag:s0] =	ssyncadd.s32 $0xFFFFFF80  }
0x1d7: {  	_ =	swait.ge [sflag:s10], $0x80  }
0x1d8: {  	[sflag:s10] =	ssyncset.done $0x0  }
0x1d9: {  	[sflag:s10] =	ssyncadd.s32 $0xFFFFFF80  }
0x1da: {  	_ =	swait.ge [sflag:s10], $0x80  }
0x1db: {  	[sflag:s10] =	ssyncset.done $0x0  }
0x1dc: {  	[sflag:s10] =	ssyncadd.s32 $0xFFFFFF80  }
0x1dd: {  	_ =	swait.ge [sflag:s10], $0x80  }
0x1de: {  	[sflag:s10] =	ssyncset.done $0x0  }
0x1df: {  	[sflag:s10] =	ssyncadd.s32 $0xFFFFFF80  }
0x1e0: {  	_ =	swait.ge [sflag:s10], $0x80  }
0x1e1: {  	[sflag:s10] =	ssyncset.done $0x0  }
0x1e2: {  	[sflag:s10] =	ssyncadd.s32 $0xFFFFFF80  }
0x1e3: {  	_ =	swait.ge [sflag:s10], $0x80  }
0x1e4: {  	[sflag:s10] =	ssyncset.done $0x0  }
0x1e5: {  	[sflag:s10] =	ssyncadd.s32 $0xFFFFFF80  }
0x1e6: {  	_ =	swait.ge [sflag:s10], $0x80  }
0x1e7: {  	[sflag:s10] =	ssyncset.done $0x0  }
0x1e8: {  	[sflag:s10] =	ssyncadd.s32 $0xFFFFFF80  }
0x1e9: {  	_ =	swait.ge [sflag:s10], $0x80  }
0x1ea: {  	[sflag:s10] =	ssyncset.done $0x0  }
0x1eb: {  	[sflag:s10] =	ssyncadd.s32 $0xFFFFFF80  }
0x1ec: {  	_ =	swait.ge [sflag:s10], $0x80  }
0x1ed: {  	[sflag:s10] =	ssyncset.done $0x0  }
0x1ee: {  	s8 =	simm.s32 $0xFC00;
	s9 =	rddreg [dreg:$0x4];
	[sflag:s10] =	ssyncadd.s32 $0xFFFFFF80  }
0x1ef: {  	[tilespmem:s8], [sflag:$0x5] =	stream.linear.gather [spmem:s9], $0x1D00, $0x38;
	[tilespmem:$0x13600] =	vst v63  }
0x1f0: {  	_ =	swait.ge [sflag:s31], $0x1D00  }
0x1f1: {  	[sflag:s31] =	ssyncset.done $0x0  }
0x1f2: {  	s7 =	rddreg [dreg:$0xc];
	[sflag:s31] =	ssyncadd.s32 $0xFFFFE300  }
0x1f3: {  	[hbm4b:s7+s3] =	stream.linear.scatter [tilespmem:s8], [sflag:$0x6], $0x1D00, $0x38;
	[tilespmem:$0x13600] =	vst v63  }
0x1f4: {  	s0 =	simm.s32 $0x11900;
	s10 =	rddreg [dreg:$0x7]  }
0x1f5: {  	[tilespmem:s0], [sflag:$0x5] =	stream.linear.gather [spmem:s10], $0x1D00, $0x38;
	[tilespmem:$0x13600] =	vst v63  }
0x1f6: {  	_ =	swait.ge [sflag:s31], $0x1D00  }
0x1f7: {  	[sflag:s31] =	ssyncset.done $0x0  }
0x1f8: {  	s1 =	rddreg [dreg:$0xd];
	[sflag:s31] =	ssyncadd.s32 $0xFFFFE300  }
0x1f9: {  	[hbm4b:s1+s3] =	stream.linear.scatter [tilespmem:s0], [sflag:$0x6], $0x1D00, $0x38;
	[tilespmem:$0x13600] =	vst v63  }
0x1fa: {  	s1 =	simm.s32 $0x6  }
0x1fb: {  	_ =	swait.ge [sflag:s1], $0x1D00  }
0x1fc: {  	[sflag:s1] =	ssyncset.done $0x0  }
0x1fd: {  	s7 =	rddreg [dreg:$0x8];
	[sflag:s1] =	ssyncadd.s32 $0xFFFFE300  }
0x1fe: {  	[tilespmem:s8], [sflag:$0x5] =	stream.linear.gather [spmem:s7], $0x1D00, $0x38;
	[tilespmem:$0x13600] =	vst v63  }
0x1ff: {  	_ =	swait.ge [sflag:s31], $0x1D00  }
0x200: {  	[sflag:s31] =	ssyncset.done $0x0  }
0x201: {  	s7 =	rddreg [dreg:$0xe];
	[sflag:s31] =	ssyncadd.s32 $0xFFFFE300  }
0x202: {  	[hbm4b:s7+s3] =	stream.linear.scatter [tilespmem:s8], [sflag:$0x6], $0x1D00, $0x38;
	[tilespmem:$0x13600] =	vst v63  }
0x203: {  	_ =	swait.ge [sflag:s1], $0x1D00  }
0x204: {  	[sflag:s1] =	ssyncset.done $0x0  }
0x205: {  	s7 =	rddreg [dreg:$0x9];
	[sflag:s1] =	ssyncadd.s32 $0xFFFFE300  }
0x206: {  	[tilespmem:s0], [sflag:$0x5] =	stream.linear.gather [spmem:s7], $0x1D00, $0x38;
	[tilespmem:$0x13600] =	vst v63  }
0x207: {  	_ =	swait.ge [sflag:s31], $0x1D00  }
0x208: {  	[sflag:s31] =	ssyncset.done $0x0  }
0x209: {  	s7 =	rddreg [dreg:$0xf];
	[sflag:s31] =	ssyncadd.s32 $0xFFFFE300  }
0x20a: {  	[hbm4b:s7+s3] =	stream.linear.scatter [tilespmem:s0], [sflag:$0x6], $0x1D00, $0x38;
	[tilespmem:$0x13600] =	vst v63  }
0x20b: {  	_ =	swait.ge [sflag:s1], $0x1D00  }
0x20c: {  	[sflag:s1] =	ssyncset.done $0x0  }
0x20d: {  	s7 =	rddreg [dreg:$0xa];
	[sflag:s1] =	ssyncadd.s32 $0xFFFFE300  }
0x20e: {  	[tilespmem:s8], [sflag:$0x5] =	stream.linear.gather [spmem:s7], $0x1D00, $0x38;
	[tilespmem:$0x13600] =	vst v63  }
0x20f: {  	_ =	swait.ge [sflag:s31], $0x1D00  }
0x210: {  	[sflag:s31] =	ssyncset.done $0x0  }
0x211: {  	s7 =	rddreg [dreg:$0x10];
	[sflag:s31] =	ssyncadd.s32 $0xFFFFE300  }
0x212: {  	[hbm4b:s7+s3] =	stream.linear.scatter [tilespmem:s8], [sflag:$0x6], $0x1D00, $0x38;
	[tilespmem:$0x13600] =	vst v63  }
0x213: {  	_ =	swait.ge [sflag:s1], $0x1D00  }
0x214: {  	[sflag:s1] =	ssyncset.done $0x0  }
0x215: {  	s7 =	rddreg [dreg:$0xb];
	[sflag:s1] =	ssyncadd.s32 $0xFFFFE300  }
0x216: {  	[tilespmem:s0], [sflag:$0x5] =	stream.linear.gather [spmem:s7], $0x1D00, $0x38;
	[tilespmem:$0x13600] =	vst v63  }
0x217: {  	_ =	swait.ge [sflag:s31], $0x1D00  }
0x218: {  	[sflag:s31] =	ssyncset.done $0x0  }
0x219: {  	s7 =	rddreg [dreg:$0x11];
	[sflag:s31] =	ssyncadd.s32 $0xFFFFE300  }
0x21a: {  	[hbm4b:s7+s3] =	stream.linear.scatter [tilespmem:s0], [sflag:$0x6], $0x1D00, $0x38;
	[tilespmem:$0x13600] =	vst v63  }
0x21b: {  	_ =	swait.ge [sflag:s1], $0x1D00  }
0x21c: {  	[sflag:s1] =	ssyncset.done $0x0  }
0x21d: {  	s7 =	rddreg [dreg:$0x15];
	[sflag:s1] =	ssyncadd.s32 $0xFFFFE300  }
0x21e: {  	[tilespmem:s8], [sflag:$0x5] =	stream.linear.gather [spmem:s7], $0x1D00, $0x38;
	[tilespmem:$0x13600] =	vst v63  }
0x21f: {  	_ =	swait.ge [sflag:s31], $0x1D00  }
0x220: {  	[sflag:s31] =	ssyncset.done $0x0  }
0x221: {  	s7 =	rddreg [dreg:$0x12];
	[sflag:s31] =	ssyncadd.s32 $0xFFFFE300  }
0x222: {  	[hbm4b:s7+s3] =	stream.linear.scatter [tilespmem:s8], [sflag:$0x6], $0x1D00, $0x38;
	[tilespmem:$0x13600] =	vst v63  }
0x223: {  	_ =	swait.ge [sflag:s1], $0x1D00  }
0x224: {  	[sflag:s1] =	ssyncset.done $0x0  }
0x225: {  	s8 =	rddreg [dreg:$0x16];
	[sflag:s1] =	ssyncadd.s32 $0xFFFFE300  }
0x226: {  	[tilespmem:s0], [sflag:$0x5] =	stream.linear.gather [spmem:s8], $0x1D00, $0x38;
	[tilespmem:$0x13600] =	vst v63  }
0x227: {  	_ =	swait.ge [sflag:s31], $0x1D00  }
0x228: {  	[sflag:s31] =	ssyncset.done $0x0  }
0x229: {  	s8 =	rddreg [dreg:$0x13];
	[sflag:s31] =	ssyncadd.s32 $0xFFFFE300  }
0x22a: {  	[hbm4b:s8+s3] =	stream.linear.scatter [tilespmem:s0], [sflag:$0x6], $0x1D00, $0x38;
	[tilespmem:$0x13600] =	vst v63  }
0x22b: {  	_ =	swait.ge [sflag:s1], $0x1D00  }
0x22c: {  	[sflag:s1] =	ssyncset.done $0x0  }
0x22d: {  	[sflag:s1] =	ssyncadd.s32 $0xFFFFE300  }
0x22e: {  	_ =	swait.ge [sflag:s1], $0x1D00  }
0x22f: {  	s7 =	rddreg [dreg:$0x17]  }
0x230: {  	s8 =	rddreg [dreg:$0x14];
	s0 =	sadd.s32 $0x1, s7  }
0x231: {  	p0 =	sne.s32 s0, s8  }
.Ltmp2:
0x232: {  	_ = 	snop;
	(pc) =	sbr.rel @p0 .LBB2_1-.Ltmp2, $3  }
0x233: {  	_ =	sdelay $0x1  }
0x234: {  	[sflag:s1] =	ssyncset.done $0x0  }
0x235: {  	[sflag:s1] =	ssyncadd.s32 $0xFFFFE300  }
0x236: {  	_ =	sfence.sel $0x180000  }
0x237: {  	[bflag:$0x0] =	sbarrier.arrive $0xFFFF  }
0x238: {  	_ =	strace $0x90000047  }
0x239: {  	s0 =	stileid.u32;
	[bflag:$0x2] =	sbarrier.arrive $0xFFFF  }
0x23a: {  	p0 =	sne.s32 s0, $0x0;
	s0 =	rddreg [dreg:$0x3]  }
0x23b: {  	s0 =	sadd.s32 @!p0 $0x100000, s0  }
0x23c: {  	[sflag:s0] =	ssyncadd.tile.s32 @!p0 $0x1;
	_ =	shalt  }
.Lfunc_end2:
_tile_overlayer_lowered:
.L_overlay_start_2:
0x23d: {  	(tag) =	ssettag $0x2  }
0x23e: {  	s0 =	rddreg [dreg:$0x0];
	s2 =	stileid.u32  }
0x23f: {  	s1 =	rddreg [dreg:$0x1];
	p0 =	sne.s32 s2, $0x0  }
0x240: {  	s3 =	rddreg [dreg:$0x2];
	[bflag:$0x3] =	sbarrier.arrive $0xFFFF;
	s2 =	simm.s32 @!p0 $0x1C07  }
0x241: {  	[timem:s3], [sflag:s2] =	dma.local @!p0 [hbm:s0], s1  }
0x242: {  	s0 =	simm.s32 @!p0 $0x7  }
0x243: {  	_ =	swait.ge @!p0 [sflag:s0], s1  }
0x244: {  	s1 =	ssub.s32 @!p0 $0x0, s1;
	[sflag:s0] =	ssyncset.done @!p0 $0x0  }
0x245: {  	[sflag:s0] =	ssyncadd.s32 @!p0 s1  }
0x246: {  	[bflag:$0x3] =	sbarrier.arrive $0xFFFF  }
0x247: {  	_ =	shalt  }

</sc_bundles>
